<compile_context>
chip_gen: v7x
topology: tpu7x:2x2x1
jax: 0.10.2.dev20260603
libtpu: 0.0.44.dev20260713+nightly
codegen_flags: <defaults>
</compile_context>

<pallas_src>
import functools

import jax
import jax.numpy as jnp
from jax import lax
from jax.experimental import pallas as pl
from jax.experimental.pallas import tpu as pltpu
from jax.experimental.pallas import tpu_sc as plsc

NC = 2
NS = 16
CH = 128
BW = 32
NB = 4


def _pad_count(n, m):
    return ((n + m - 1) // m) * m



def _make_deg(e_pad, n_pad):
    ept = e_pad // NS
    nch = ept // CH
    sl = n_pad // NS
    mesh = plsc.VectorSubcoreMesh(core_axis_name="c", subcore_axis_name="s")

    @functools.partial(
        pl.kernel,
        out_type=[jax.ShapeDtypeStruct((n_pad,), jnp.float32)] * 2,
        mesh=mesh,
        scratch_types=[
            pltpu.VMEM((nch, 1, CH), jnp.int32),
            pltpu.VMEM((CH,), jnp.float32),
            pltpu.VMEM((sl,), jnp.float32),
            pltpu.VMEM_SHARED((n_pad,), jnp.float32),
            pltpu.SemaphoreType.DMA,
        ],
        compiler_params=pltpu.CompilerParams(use_tc_tiling_on_sc=False),
    )
    def deg(src_hbm, dst_hbm, zero_hbm, dout_hbm, din_hbm,
            idx_all, ones_b, stage_b, deg_sh, sem):
        c = lax.axis_index("c")
        s = lax.axis_index("s")
        for j in range(CH // 16):
            ones_b[pl.ds(j * 16, 16)] = jnp.ones((16,), jnp.float32)
        @pl.when(c == 0)
        def _():
            pltpu.sync_copy(src_hbm.at[pl.ds(s * nch, nch)], idx_all)

        @pl.when(c == 1)
        def _():
            pltpu.sync_copy(dst_hbm.at[pl.ds(s * nch, nch)], idx_all)

        pltpu.sync_copy(zero_hbm.at[pl.ds(s * sl, sl)], stage_b)
        pltpu.sync_copy(stage_b, deg_sh.at[pl.ds(s * sl, sl)])
        plsc.subcore_barrier()

        def fire(i, carry):
            pltpu.async_copy(ones_b, deg_sh.at[idx_all.at[i, 0]], sem, add=True)
            return carry
        lax.fori_loop(0, nch, fire, 0)

        def drain(i, carry):
            pltpu.make_async_copy(zero_hbm.at[pl.ds(0, CH)], ones_b, sem).wait()
            return carry
        lax.fori_loop(0, nch, drain, 0)

        plsc.subcore_barrier()
        pltpu.sync_copy(deg_sh.at[pl.ds(s * sl, sl)], stage_b)

        @pl.when(c == 0)
        def _():
            pltpu.sync_copy(stage_b, dout_hbm.at[pl.ds(s * sl, sl)])

        @pl.when(c == 1)
        def _():
            pltpu.sync_copy(stage_b, din_hbm.at[pl.ds(s * sl, sl)])

    return deg


def _make_agg(e_pad, n_pad, nblk):
    ept = e_pad // NS
    nch = ept // CH
    rs = n_pad // NS
    bpc = nblk // 2
    mesh = plsc.VectorSubcoreMesh(core_axis_name="c", subcore_axis_name="s")

    @functools.partial(
        pl.kernel,
        out_type=jax.ShapeDtypeStruct((n_pad, nblk * BW), jnp.float32),
        mesh=mesh,
        scratch_types=[
            pltpu.VMEM((nch, 1, CH), jnp.int32),
            pltpu.VMEM((nch, 1, CH), jnp.int32),
            [pltpu.VMEM((CH, BW), jnp.float32)] * NB,
            pltpu.VMEM((rs, BW), jnp.float32),
            pltpu.VMEM_SHARED((n_pad, BW), jnp.float32),
            [pltpu.SemaphoreType.DMA] * NB,
            [pltpu.SemaphoreType.DMA] * NB,
        ],
        compiler_params=pltpu.CompilerParams(use_tc_tiling_on_sc=False),
    )
    def agg(*args):
        h_refs = args[:nblk]
        src_hbm, dst_hbm, zero_hbm, out_hbm = args[nblk:nblk + 4]
        sidx, didx, rbufs, stage, agg_sh, sg, ss = args[nblk + 4:]
        c = lax.axis_index("c")
        s = lax.axis_index("s")
        pltpu.sync_copy(src_hbm.at[pl.ds(s * nch, nch)], sidx)
        pltpu.sync_copy(dst_hbm.at[pl.ds(s * nch, nch)], didx)

        def run_block(h_hbm, col0):
            pltpu.sync_copy(zero_hbm.at[pl.ds(s * rs, rs)], stage)
            pltpu.sync_copy(stage, agg_sh.at[pl.ds(s * rs, rs)])
            plsc.subcore_barrier()

            for j in range(NB):
                pltpu.async_copy(h_hbm.at[sidx.at[j, 0]], rbufs[j], sg[j])

            def step(g, carry):
                i0 = g * NB
                for j in range(NB):
                    pltpu.make_async_copy(
                        h_hbm.at[pl.ds(0, CH)], rbufs[j], sg[j]).wait()
                    pltpu.async_copy(
                        rbufs[j], agg_sh.at[didx.at[i0 + j, 0]], ss[j],
                        add=True)
                for j in range(NB):
                    @pl.when(i0 + NB + j < nch)
                    def _(j=j):
                        pltpu.make_async_copy(
                            h_hbm.at[pl.ds(0, CH)], rbufs[j], ss[j]).wait()
                        pltpu.async_copy(
                            h_hbm.at[sidx.at[i0 + NB + j, 0]], rbufs[j], sg[j])
                return carry

            lax.fori_loop(0, nch // NB, step, 0)
            for j in range(NB):
                pltpu.make_async_copy(
                    h_hbm.at[pl.ds(0, CH)], rbufs[j], ss[j]).wait()

            plsc.subcore_barrier()
            pltpu.sync_copy(agg_sh.at[pl.ds(s * rs, rs)], stage)
            pltpu.sync_copy(
                stage, out_hbm.at[pl.ds(s * rs, rs), pl.ds(col0, BW)])
            plsc.subcore_barrier()

        for q in range(bpc):
            @pl.when(c == 0)
            def _(q=q):
                run_block(h_refs[q], q * BW)

            @pl.when(c == 1)
            def _(q=q):
                run_block(h_refs[bpc + q], (bpc + q) * BW)

    return agg


def _make_agg_split(e_pad, n_pad, dw):
    ept = e_pad // (NC * NS)
    nch = ept // CH
    rs = n_pad // NS
    mesh = plsc.VectorSubcoreMesh(core_axis_name="c", subcore_axis_name="s")

    @functools.partial(
        pl.kernel,
        out_type=[jax.ShapeDtypeStruct((n_pad, dw), jnp.float32)] * 2,
        mesh=mesh,
        scratch_types=[
            pltpu.VMEM((nch, 1, CH), jnp.int32),
            pltpu.VMEM((nch, 1, CH), jnp.int32),
            [pltpu.VMEM((CH, dw), jnp.float32)] * NB,
            pltpu.VMEM((rs, dw), jnp.float32),
            pltpu.VMEM_SHARED((n_pad, dw), jnp.float32),
            [pltpu.SemaphoreType.DMA] * NB,
            [pltpu.SemaphoreType.DMA] * NB,
        ],
        compiler_params=pltpu.CompilerParams(use_tc_tiling_on_sc=False),
    )
    def agg(h_hbm, src_hbm, dst_hbm, zero_hbm, pa_hbm, pb_hbm,
            sidx, didx, rbufs, stage, agg_sh, sg, ss):
        c = lax.axis_index("c")
        s = lax.axis_index("s")
        wid = c * NS + s
        pltpu.sync_copy(src_hbm.at[pl.ds(wid * nch, nch)], sidx)
        pltpu.sync_copy(dst_hbm.at[pl.ds(wid * nch, nch)], didx)
        pltpu.sync_copy(zero_hbm.at[pl.ds(s * rs, rs)], stage)
        pltpu.sync_copy(stage, agg_sh.at[pl.ds(s * rs, rs)])
        plsc.subcore_barrier()

        for j in range(NB):
            pltpu.async_copy(h_hbm.at[sidx.at[j, 0]], rbufs[j], sg[j])

        def step(g, carry):
            i0 = g * NB
            for j in range(NB):
                pltpu.make_async_copy(
                    zero_hbm.at[pl.ds(0, CH)], rbufs[j], sg[j]).wait()
                pltpu.async_copy(
                    rbufs[j], agg_sh.at[didx.at[i0 + j, 0]], ss[j], add=True)
            for j in range(NB):
                @pl.when(i0 + NB + j < nch)
                def _(j=j):
                    pltpu.make_async_copy(
                        zero_hbm.at[pl.ds(0, CH)], rbufs[j], ss[j]).wait()
                    pltpu.async_copy(
                        h_hbm.at[sidx.at[i0 + NB + j, 0]], rbufs[j], sg[j])
            return carry

        lax.fori_loop(0, nch // NB, step, 0)
        for j in range(NB):
            pltpu.make_async_copy(
                zero_hbm.at[pl.ds(0, CH)], rbufs[j], ss[j]).wait()

        plsc.subcore_barrier()
        pltpu.sync_copy(agg_sh.at[pl.ds(s * rs, rs)], stage)

        @pl.when(c == 0)
        def _():
            pltpu.sync_copy(stage, pa_hbm.at[pl.ds(s * rs, rs)])

        @pl.when(c == 1)
        def _():
            pltpu.sync_copy(stage, pb_hbm.at[pl.ds(s * rs, rs)])

    return agg



def _mm0a_body(feat_ref, w0_ref, y_ref):
    y_ref[...] = jnp.dot(feat_ref[...], w0_ref[...],
                         preferred_element_type=jnp.float32,
                         precision=lax.Precision.HIGHEST)


def _mm0b_body(y_ref, do_ref, di_ref,
               h0_ref, h1_ref, h2_ref, h3_ref, ns_ref, nd_ref):
    ns = lax.rsqrt(jnp.maximum(do_ref[...], 1.0))
    nd = lax.rsqrt(jnp.maximum(di_ref[...], 1.0))
    ns_ref[...] = ns
    nd_ref[...] = nd
    h = y_ref[...] * ns
    for q, href in enumerate([h0_ref, h1_ref, h2_ref, h3_ref]):
        href[...] = h[:, q * BW:(q + 1) * BW]


def _mm1_body(p_ref, nd_ref, ns_ref, b0_ref, w1_ref, h_ref):
    t = jnp.maximum(p_ref[...] * nd_ref[...] + b0_ref[...], 0.0) * ns_ref[...]
    h_ref[...] = jnp.dot(t, w1_ref[...], preferred_element_type=jnp.float32,
                         precision=lax.Precision.HIGHEST)


def _make_fin_body(ncls):
    def _fin_body(qa_ref, qb_ref, nd_ref, b1_ref, o_ref):
        q = qa_ref[...] + qb_ref[...]
        o_ref[...] = q[:, :ncls] * nd_ref[...] + b1_ref[...]
    return _fin_body



def kernel(feat, edge_index, W0, b0, W1, b1):
    n, d_in = feat.shape
    d_hid = W0.shape[1]
    n_cls = W1.shape[1]
    e = edge_index.shape[1]
    dw1 = _pad_count(n_cls, 16)

    n_pad = _pad_count(n + 1, NS * 8)
    e_pad = _pad_count(e, NS * CH * 8)
    rb = n_pad // NS
    grid = (n_pad // rb,)

    src = edge_index[0].astype(jnp.int32)
    dst = edge_index[1].astype(jnp.int32)
    ipad = n + (jnp.arange(e_pad - e, dtype=jnp.int32) % (n_pad - n))
    src_p = jnp.concatenate([src, ipad]).reshape(-1, 1, CH)
    dst_p = jnp.concatenate([dst, ipad]).reshape(-1, 1, CH)
    feat_p = jnp.concatenate(
        [feat, jnp.zeros((n_pad - n, d_in), jnp.float32)])

    zero1 = jnp.zeros((n_pad,), jnp.float32)
    zero_b = jnp.zeros((n_pad, BW), jnp.float32)
    zero_w = jnp.zeros((n_pad, dw1), jnp.float32)
    W1p = jnp.zeros((d_hid, dw1), jnp.float32).at[:, :n_cls].set(W1)

    deg_out, deg_in = _make_deg(e_pad, n_pad)(src_p, dst_p, zero1)
    do2 = deg_out.reshape(n_pad, 1)
    di2 = deg_in.reshape(n_pad, 1)

    y0 = pl.pallas_call(
        _mm0a_body,
        grid=grid,
        in_specs=[
            pl.BlockSpec((rb, d_in), lambda i: (i, 0)),
            pl.BlockSpec((d_in, d_hid), lambda i: (0, 0)),
        ],
        out_specs=pl.BlockSpec((rb, d_hid), lambda i: (i, 0)),
        out_shape=jax.ShapeDtypeStruct((n_pad, d_hid), jnp.float32),
    )(feat_p, W0)

    h00, h01, h02, h03, nsrc, ndst = pl.pallas_call(
        _mm0b_body,
        grid=grid,
        in_specs=[
            pl.BlockSpec((rb, d_hid), lambda i: (i, 0)),
            pl.BlockSpec((rb, 1), lambda i: (i, 0)),
            pl.BlockSpec((rb, 1), lambda i: (i, 0)),
        ],
        out_specs=[pl.BlockSpec((rb, BW), lambda i: (i, 0))] * 4
        + [pl.BlockSpec((rb, 1), lambda i: (i, 0))] * 2,
        out_shape=[jax.ShapeDtypeStruct((n_pad, BW), jnp.float32)] * 4
        + [jax.ShapeDtypeStruct((n_pad, 1), jnp.float32)] * 2,
    )(y0, do2, di2)

    p = _make_agg(e_pad, n_pad, 4)(h00, h01, h02, h03, src_p, dst_p, zero_b)

    h1 = pl.pallas_call(
        _mm1_body,
        grid=grid,
        in_specs=[
            pl.BlockSpec((rb, d_hid), lambda i: (i, 0)),
            pl.BlockSpec((rb, 1), lambda i: (i, 0)),
            pl.BlockSpec((rb, 1), lambda i: (i, 0)),
            pl.BlockSpec((1, d_hid), lambda i: (0, 0)),
            pl.BlockSpec((d_hid, dw1), lambda i: (0, 0)),
        ],
        out_specs=pl.BlockSpec((rb, dw1), lambda i: (i, 0)),
        out_shape=jax.ShapeDtypeStruct((n_pad, dw1), jnp.float32),
    )(p, ndst, nsrc, b0.reshape(1, d_hid), W1p)

    qa, qb = _make_agg_split(e_pad, n_pad, dw1)(h1, src_p, dst_p, zero_w)

    out = pl.pallas_call(
        _make_fin_body(n_cls),
        grid=grid,
        in_specs=[
            pl.BlockSpec((rb, dw1), lambda i: (i, 0)),
            pl.BlockSpec((rb, dw1), lambda i: (i, 0)),
            pl.BlockSpec((rb, 1), lambda i: (i, 0)),
            pl.BlockSpec((1, n_cls), lambda i: (0, 0)),
        ],
        out_specs=pl.BlockSpec((rb, n_cls), lambda i: (i, 0)),
        out_shape=jax.ShapeDtypeStruct((n, n_cls), jnp.float32),
    )(qa, qb, ndst, b1.reshape(1, n_cls))

    return out

# --- scband reference (transcript-rebuilt; emitter-appended) ---
"""Pipeline reference for scband-gcn-36850819400501 (READ-ONLY COPY).

The authoritative reference and input builder live on the scoring server;
editing this copy changes nothing except your own understanding.
"""

import jax, jax.numpy as jnp
import numpy as np

N = 10000
E = 320000
D_IN = 128
D_HID = 128
N_CLASSES = 40


def setup_inputs(seed: int = 0) -> dict:
    key = jax.random.key(seed)
    k1, k2, k3, k4 = jax.random.split(key, 4)
    feat = jax.random.normal(k1, (N, D_IN), dtype=jnp.float32)
    edge_index = jax.random.randint(k2, (2, E), 0, N)
    W0 = jax.random.normal(k3, (D_IN, D_HID), dtype=jnp.float32) * (1.0 / np.sqrt(D_IN))
    b0 = jnp.zeros((D_HID,), dtype=jnp.float32)
    W1 = jax.random.normal(k4, (D_HID, N_CLASSES), dtype=jnp.float32) * (1.0 / np.sqrt(D_HID))
    b1 = jnp.zeros((N_CLASSES,), dtype=jnp.float32)
    return {"feat": feat, "edge_index": edge_index, "W0": W0, "b0": b0, "W1": W1, "b1": b1}


def _graph_conv(h, src, dst, norm_src, norm_dst, W, b, n_nodes):
    # DGL GraphConv with norm='both': D_out^{-1/2} scaling on src feats,
    # sum aggregation over edges, D_in^{-1/2} scaling on dst, linear + bias.
    # (linear matmul commutes with the per-node scaling + scatter-add, so
    # matmul-first vs aggregate-first order is mathematically identical)
    h = h * norm_src[:, None]
    h = h @ W
    msgs = jnp.take(h, src, axis=0)
    agg = jax.ops.segment_sum(msgs, dst, num_segments=n_nodes)
    agg = agg * norm_dst[:, None]
    return agg + b


def reference(feat, edge_index, W0, b0, W1, b1):
    src = edge_index[0]
    dst = edge_index[1]
    n_nodes = feat.shape[0]
    ones = jnp.ones((src.shape[0],), dtype=jnp.float32)
    deg_out = jnp.clip(jax.ops.segment_sum(ones, src, num_segments=n_nodes), 1.0)
    deg_in = jnp.clip(jax.ops.segment_sum(ones, dst, num_segments=n_nodes), 1.0)
    norm_src = deg_out ** -0.5
    norm_dst = deg_in ** -0.5
    # layer 0 (in -> hidden), activation relu, dropout p=0 is identity
    h = _graph_conv(feat, src, dst, norm_src, norm_dst, W0, b0, n_nodes)
    h = jax.nn.relu(h)
    # layer 1 (hidden -> classes), no activation on last layer
    h = _graph_conv(h, src, dst, norm_src, norm_dst, W1, b1, n_nodes)
    return h

if __name__ == "__main__":
    import jax
    _d = setup_inputs()
    print(jax.jit(kernel)(*tuple(_d.values())))

</pallas_src>

<mosaic_0001>
#map = affine_map<(d0, d1) -> (0, 0, 0)>
#map1 = affine_map<(d0, d1) -> (0)>
module attributes {stable_mosaic.version = 14 : i64} {
  func.func @deg(%arg0: i32, %arg1: i32, %arg2: memref<2560x1x128xi32, #tpu.memory_space<hbm>>, %arg3: memref<2560x1x128xi32, #tpu.memory_space<hbm>>, %arg4: memref<10112xf32, #tpu.memory_space<hbm>>, %arg5: memref<10112xf32, #tpu.memory_space<hbm>>, %arg6: memref<10112xf32, #tpu.memory_space<hbm>>, %arg7: memref<160x1x128xi32, #tpu.memory_space<vmem>>, %arg8: memref<128xf32, #tpu.memory_space<vmem>>, %arg9: memref<632xf32, #tpu.memory_space<vmem>>, %arg10: memref<10112xf32, #tpu.memory_space<vmem_shared>>, %arg11: memref<!tpu.dma_semaphore, #tpu.memory_space<semaphore_mem>>) attributes {dimension_semantics = [#tpu.dimension_semantics<core_parallel>, #tpu.dimension_semantics<subcore_parallel>], iteration_bounds = array<i64: 2, 16>, scalar_prefetch = 0 : i64, scratch_operands = 5 : i64, tpu.core_type = #tpu.core_type<sc_vector_subcore>, window_params = [{transform_indices = #map}, {transform_indices = #map}, {transform_indices = #map1}, {transform_indices = #map1}, {transform_indices = #map1}]} {
    %broadcast_in_dim3A = arith.constant 1.000000e+00 : f32
    %broadcast_in_dim3A_0 = vector.broadcast %broadcast_in_dim3A : f32 to vector<16xf32>
    %swap3A = arith.constant 0 : index
    %swap3A_1 = tpu.vector_load %arg8[%swap3A] {strides = array<i32>} : memref<128xf32, #tpu.memory_space<vmem>>, vector<16xf32>,
    %swap3A_2 = vector.shape_cast %swap3A_1 : vector<16xf32> to vector<16xf32>
    %swap3A_3 = vector.shape_cast %broadcast_in_dim3A_0 : vector<16xf32> to vector<16xf32>
    tpu.vector_store %arg8[%swap3A], %swap3A_3 {strides = array<i32>} : memref<128xf32, #tpu.memory_space<vmem>>, vector<16xf32>,
    %broadcast_in_dim3A_4 = arith.constant 1.000000e+00 : f32
    %broadcast_in_dim3A_5 = vector.broadcast %broadcast_in_dim3A_4 : f32 to vector<16xf32>
    %swap3A_6 = arith.constant 16 : index
    %swap3A_7 = tpu.vector_load %arg8[%swap3A_6] {strides = array<i32>} : memref<128xf32, #tpu.memory_space<vmem>>, vector<16xf32>,
    %swap3A_8 = vector.shape_cast %swap3A_7 : vector<16xf32> to vector<16xf32>
    %swap3A_9 = vector.shape_cast %broadcast_in_dim3A_5 : vector<16xf32> to vector<16xf32>
    tpu.vector_store %arg8[%swap3A_6], %swap3A_9 {strides = array<i32>} : memref<128xf32, #tpu.memory_space<vmem>>, vector<16xf32>,
    %broadcast_in_dim3A_10 = arith.constant 1.000000e+00 : f32
    %broadcast_in_dim3A_11 = vector.broadcast %broadcast_in_dim3A_10 : f32 to vector<16xf32>
    %swap3A_12 = arith.constant 32 : index
    %swap3A_13 = tpu.vector_load %arg8[%swap3A_12] {strides = array<i32>} : memref<128xf32, #tpu.memory_space<vmem>>, vector<16xf32>,
    %swap3A_14 = vector.shape_cast %swap3A_13 : vector<16xf32> to vector<16xf32>
    %swap3A_15 = vector.shape_cast %broadcast_in_dim3A_11 : vector<16xf32> to vector<16xf32>
    tpu.vector_store %arg8[%swap3A_12], %swap3A_15 {strides = array<i32>} : memref<128xf32, #tpu.memory_space<vmem>>, vector<16xf32>,
    %broadcast_in_dim3A_16 = arith.constant 1.000000e+00 : f32
    %broadcast_in_dim3A_17 = vector.broadcast %broadcast_in_dim3A_16 : f32 to vector<16xf32>
    %swap3A_18 = arith.constant 48 : index
    %swap3A_19 = tpu.vector_load %arg8[%swap3A_18] {strides = array<i32>} : memref<128xf32, #tpu.memory_space<vmem>>, vector<16xf32>,
    %swap3A_20 = vector.shape_cast %swap3A_19 : vector<16xf32> to vector<16xf32>
    %swap3A_21 = vector.shape_cast %broadcast_in_dim3A_17 : vector<16xf32> to vector<16xf32>
    tpu.vector_store %arg8[%swap3A_18], %swap3A_21 {strides = array<i32>} : memref<128xf32, #tpu.memory_space<vmem>>, vector<16xf32>,
    %broadcast_in_dim3A_22 = arith.constant 1.000000e+00 : f32
    %broadcast_in_dim3A_23 = vector.broadcast %broadcast_in_dim3A_22 : f32 to vector<16xf32>
    %swap3A_24 = arith.constant 64 : index
    %swap3A_25 = tpu.vector_load %arg8[%swap3A_24] {strides = array<i32>} : memref<128xf32, #tpu.memory_space<vmem>>, vector<16xf32>,
    %swap3A_26 = vector.shape_cast %swap3A_25 : vector<16xf32> to vector<16xf32>
    %swap3A_27 = vector.shape_cast %broadcast_in_dim3A_23 : vector<16xf32> to vector<16xf32>
    tpu.vector_store %arg8[%swap3A_24], %swap3A_27 {strides = array<i32>} : memref<128xf32, #tpu.memory_space<vmem>>, vector<16xf32>,
    %broadcast_in_dim3A_28 = arith.constant 1.000000e+00 : f32
    %broadcast_in_dim3A_29 = vector.broadcast %broadcast_in_dim3A_28 : f32 to vector<16xf32>
    %swap3A_30 = arith.constant 80 : index
    %swap3A_31 = tpu.vector_load %arg8[%swap3A_30] {strides = array<i32>} : memref<128xf32, #tpu.memory_space<vmem>>, vector<16xf32>,
    %swap3A_32 = vector.shape_cast %swap3A_31 : vector<16xf32> to vector<16xf32>
    %swap3A_33 = vector.shape_cast %broadcast_in_dim3A_29 : vector<16xf32> to vector<16xf32>
    tpu.vector_store %arg8[%swap3A_30], %swap3A_33 {strides = array<i32>} : memref<128xf32, #tpu.memory_space<vmem>>, vector<16xf32>,
    %broadcast_in_dim3A_34 = arith.constant 1.000000e+00 : f32
    %broadcast_in_dim3A_35 = vector.broadcast %broadcast_in_dim3A_34 : f32 to vector<16xf32>
    %swap3A_36 = arith.constant 96 : index
    %swap3A_37 = tpu.vector_load %arg8[%swap3A_36] {strides = array<i32>} : memref<128xf32, #tpu.memory_space<vmem>>, vector<16xf32>,
    %swap3A_38 = vector.shape_cast %swap3A_37 : vector<16xf32> to vector<16xf32>
    %swap3A_39 = vector.shape_cast %broadcast_in_dim3A_35 : vector<16xf32> to vector<16xf32>
    tpu.vector_store %arg8[%swap3A_36], %swap3A_39 {strides = array<i32>} : memref<128xf32, #tpu.memory_space<vmem>>, vector<16xf32>,
    %broadcast_in_dim3A_40 = arith.constant 1.000000e+00 : f32
    %broadcast_in_dim3A_41 = vector.broadcast %broadcast_in_dim3A_40 : f32 to vector<16xf32>
    %swap3A_42 = arith.constant 112 : index
    %swap3A_43 = tpu.vector_load %arg8[%swap3A_42] {strides = array<i32>} : memref<128xf32, #tpu.memory_space<vmem>>, vector<16xf32>,
    %swap3A_44 = vector.shape_cast %swap3A_43 : vector<16xf32> to vector<16xf32>
    %swap3A_45 = vector.shape_cast %broadcast_in_dim3A_41 : vector<16xf32> to vector<16xf32>
    tpu.vector_store %arg8[%swap3A_42], %swap3A_45 {strides = array<i32>} : memref<128xf32, #tpu.memory_space<vmem>>, vector<16xf32>,
    %eq3A = arith.constant 0 : i32
    %eq3A_46 = arith.cmpi eq, %arg0, %eq3A : i32
    %convert_element_type3A = arith.extui %eq3A_46 : i1 to i32
    %cond3A = arith.constant 0 : i32
    %cond3A_47 = arith.cmpi ne, %convert_element_type3A, %cond3A : i32
    scf.if %cond3A_47 {
      %mul3A_80 = arith.constant 160 : i32
      %mul3A_81 = arith.muli %arg1, %mul3A_80 : i32
      "tpu.region"() ({
        %run_scoped3A = tpu.sem_alloc : memref<!tpu.dma_semaphore, #tpu.memory_space<semaphore_mem>>
        %dma_start3A = arith.constant 0 : i32
        %dma_start3A_82 = arith.constant 0 : i32
        %dma_start3A_83 = tpu.memref_slice %arg2[%mul3A_81, %dma_start3A, %dma_start3A_82] : memref<2560x1x128xi32, #tpu.memory_space<hbm>> -> memref<160x1x128xi32, #tpu.memory_space<hbm>>
        %dma_start3A_84 = arith.constant 0 : i32
        %dma_start3A_85 = arith.constant 0 : i32
        %dma_start3A_86 = tpu.memref_slice %arg2[%mul3A_81, %dma_start3A_84, %dma_start3A_85] : memref<2560x1x128xi32, #tpu.memory_space<hbm>> -> memref<160x1x128xi32, #tpu.memory_space<hbm>>
        tpu.enqueue_dma source(%dma_start3A_86 : memref<160x1x128xi32, #tpu.memory_space<hbm>>) target(%arg7 : memref<160x1x128xi32, #tpu.memory_space<vmem>>) target_semaphore(%run_scoped3A : memref<!tpu.dma_semaphore, #tpu.memory_space<semaphore_mem>>)
        %dma_wait3A = arith.constant 0 : i32
        %dma_wait3A_87 = arith.constant 0 : i32
        %dma_wait3A_88 = tpu.memref_slice %arg2[%mul3A_81, %dma_wait3A, %dma_wait3A_87] : memref<2560x1x128xi32, #tpu.memory_space<hbm>> -> memref<160x1x128xi32, #tpu.memory_space<hbm>>
        %dma_wait3A_89 = arith.constant 0 : i32
        %dma_wait3A_90 = arith.constant 0 : i32
        %dma_wait3A_91 = tpu.memref_slice %arg2[%mul3A_81, %dma_wait3A_89, %dma_wait3A_90] : memref<2560x1x128xi32, #tpu.memory_space<hbm>> -> memref<160x1x128xi32, #tpu.memory_space<hbm>>
        tpu.wait_dma2 semaphore(%run_scoped3A : memref<!tpu.dma_semaphore, #tpu.memory_space<semaphore_mem>>) src(%dma_wait3A_91 : memref<160x1x128xi32, #tpu.memory_space<hbm>>) dst(%arg7 : memref<160x1x128xi32, #tpu.memory_space<vmem>>)
        tpu.yield
      }) : () -> ()
    } else {
    }
    %eq3A_48 = arith.constant 1 : i32
    %eq3A_49 = arith.cmpi eq, %arg0, %eq3A_48 : i32
    %convert_element_type3A_50 = arith.extui %eq3A_49 : i1 to i32
    %cond3A_51 = arith.constant 0 : i32
    %cond3A_52 = arith.cmpi ne, %convert_element_type3A_50, %cond3A_51 : i32
    scf.if %cond3A_52 {
      %mul3A_80 = arith.constant 160 : i32
      %mul3A_81 = arith.muli %arg1, %mul3A_80 : i32
      "tpu.region"() ({
        %run_scoped3A = tpu.sem_alloc : memref<!tpu.dma_semaphore, #tpu.memory_space<semaphore_mem>>
        %dma_start3A = arith.constant 0 : i32
        %dma_start3A_82 = arith.constant 0 : i32
        %dma_start3A_83 = tpu.memref_slice %arg3[%mul3A_81, %dma_start3A, %dma_start3A_82] : memref<2560x1x128xi32, #tpu.memory_space<hbm>> -> memref<160x1x128xi32, #tpu.memory_space<hbm>>
        %dma_start3A_84 = arith.constant 0 : i32
        %dma_start3A_85 = arith.constant 0 : i32
        %dma_start3A_86 = tpu.memref_slice %arg3[%mul3A_81, %dma_start3A_84, %dma_start3A_85] : memref<2560x1x128xi32, #tpu.memory_space<hbm>> -> memref<160x1x128xi32, #tpu.memory_space<hbm>>
        tpu.enqueue_dma source(%dma_start3A_86 : memref<160x1x128xi32, #tpu.memory_space<hbm>>) target(%arg7 : memref<160x1x128xi32, #tpu.memory_space<vmem>>) target_semaphore(%run_scoped3A : memref<!tpu.dma_semaphore, #tpu.memory_space<semaphore_mem>>)
        %dma_wait3A = arith.constant 0 : i32
        %dma_wait3A_87 = arith.constant 0 : i32
        %dma_wait3A_88 = tpu.memref_slice %arg3[%mul3A_81, %dma_wait3A, %dma_wait3A_87] : memref<2560x1x128xi32, #tpu.memory_space<hbm>> -> memref<160x1x128xi32, #tpu.memory_space<hbm>>
        %dma_wait3A_89 = arith.constant 0 : i32
        %dma_wait3A_90 = arith.constant 0 : i32
        %dma_wait3A_91 = tpu.memref_slice %arg3[%mul3A_81, %dma_wait3A_89, %dma_wait3A_90] : memref<2560x1x128xi32, #tpu.memory_space<hbm>> -> memref<160x1x128xi32, #tpu.memory_space<hbm>>
        tpu.wait_dma2 semaphore(%run_scoped3A : memref<!tpu.dma_semaphore, #tpu.memory_space<semaphore_mem>>) src(%dma_wait3A_91 : memref<160x1x128xi32, #tpu.memory_space<hbm>>) dst(%arg7 : memref<160x1x128xi32, #tpu.memory_space<vmem>>)
        tpu.yield
      }) : () -> ()
    } else {
    }
    %mul3A = arith.constant 632 : i32
    %mul3A_53 = arith.muli %arg1, %mul3A : i32
    "tpu.region"() ({
      %run_scoped3A = tpu.sem_alloc : memref<!tpu.dma_semaphore, #tpu.memory_space<semaphore_mem>>
      %dma_start3A = tpu.memref_slice %arg4[%mul3A_53] : memref<10112xf32, #tpu.memory_space<hbm>> -> memref<632xf32, #tpu.memory_space<hbm>>
      %dma_start3A_80 = tpu.memref_slice %arg4[%mul3A_53] : memref<10112xf32, #tpu.memory_space<hbm>> -> memref<632xf32, #tpu.memory_space<hbm>>
      tpu.enqueue_dma source(%dma_start3A_80 : memref<632xf32, #tpu.memory_space<hbm>>) target(%arg9 : memref<632xf32, #tpu.memory_space<vmem>>) target_semaphore(%run_scoped3A : memref<!tpu.dma_semaphore, #tpu.memory_space<semaphore_mem>>)
      %dma_wait3A = tpu.memref_slice %arg4[%mul3A_53] : memref<10112xf32, #tpu.memory_space<hbm>> -> memref<632xf32, #tpu.memory_space<hbm>>
      %dma_wait3A_81 = tpu.memref_slice %arg4[%mul3A_53] : memref<10112xf32, #tpu.memory_space<hbm>> -> memref<632xf32, #tpu.memory_space<hbm>>
      tpu.wait_dma2 semaphore(%run_scoped3A : memref<!tpu.dma_semaphore, #tpu.memory_space<semaphore_mem>>) src(%dma_wait3A_81 : memref<632xf32, #tpu.memory_space<hbm>>) dst(%arg9 : memref<632xf32, #tpu.memory_space<vmem>>)
      tpu.yield
    }) : () -> ()
    %mul3A_54 = arith.constant 632 : i32
    %mul3A_55 = arith.muli %arg1, %mul3A_54 : i32
    "tpu.region"() ({
      %run_scoped3A = tpu.sem_alloc : memref<!tpu.dma_semaphore, #tpu.memory_space<semaphore_mem>>
      %dma_start3A = tpu.memref_slice %arg10[%mul3A_55] : memref<10112xf32, #tpu.memory_space<vmem_shared>> -> memref<632xf32, #tpu.memory_space<vmem_shared>>
      %dma_start3A_80 = tpu.memref_slice %arg10[%mul3A_55] : memref<10112xf32, #tpu.memory_space<vmem_shared>> -> memref<632xf32, #tpu.memory_space<vmem_shared>>
      tpu.enqueue_dma source(%arg9 : memref<632xf32, #tpu.memory_space<vmem>>) target(%dma_start3A_80 : memref<632xf32, #tpu.memory_space<vmem_shared>>) target_semaphore(%run_scoped3A : memref<!tpu.dma_semaphore, #tpu.memory_space<semaphore_mem>>)
      %dma_wait3A = tpu.memref_slice %arg10[%mul3A_55] : memref<10112xf32, #tpu.memory_space<vmem_shared>> -> memref<632xf32, #tpu.memory_space<vmem_shared>>
      %dma_wait3A_81 = tpu.memref_slice %arg10[%mul3A_55] : memref<10112xf32, #tpu.memory_space<vmem_shared>> -> memref<632xf32, #tpu.memory_space<vmem_shared>>
      tpu.wait_dma2 semaphore(%run_scoped3A : memref<!tpu.dma_semaphore, #tpu.memory_space<semaphore_mem>>) src(%arg9 : memref<632xf32, #tpu.memory_space<vmem>>) dst(%dma_wait3A_81 : memref<632xf32, #tpu.memory_space<vmem_shared>>)
      tpu.yield
    }) : () -> ()
    %barrier3A = arith.constant 0 : index
    tpu.barrier barrier_id(%barrier3A)
    %scan3A = arith.constant 0 : i32
    %scan3A_56 = arith.constant 0 : i32
    %scan3A_57 = arith.constant 160 : i32
    %scan3A_58 = arith.addi %scan3A_56, %scan3A_57 : i32
    %scan3A_59 = arith.constant 1 : i32
    scf.for %scan3A_80 = %scan3A_56 to %scan3A_58 step %scan3A_59  : i32 {
      %dma_start3A = arith.constant 0 : i32
      %dma_start3A_81 = arith.constant 0 : i32
      %dma_start3A_82 = tpu.memref_slice %arg7[%scan3A_80, %dma_start3A, %dma_start3A_81] : memref<160x1x128xi32, #tpu.memory_space<vmem>> -> memref<1x1x128xi32, #tpu.memory_space<vmem>>
      %dma_start3A_83 = tpu.memref_squeeze %dma_start3A_82 : memref<1x1x128xi32, #tpu.memory_space<vmem>> -> memref<128xi32, #tpu.memory_space<vmem>>
      %dma_start3A_84 = arith.constant 0 : i32
      %dma_start3A_85 = tpu.memref_slice %arg10[%dma_start3A_84] : memref<10112xf32, #tpu.memory_space<vmem_shared>> -> memref<10112xf32, #tpu.memory_space<vmem_shared>>
      tpu.enqueue_indirect_dma source(%arg8 : memref<128xf32, #tpu.memory_space<vmem>>) target(%dma_start3A_85 : memref<10112xf32, #tpu.memory_space<vmem_shared>>) offsets(%dma_start3A_83 : memref<128xi32, #tpu.memory_space<vmem>>) semaphore(%arg11 : memref<!tpu.dma_semaphore, #tpu.memory_space<semaphore_mem>>) {add = true}
    }
    %scan3A_60 = arith.constant 160 : i32
    %scan3A_61 = arith.constant 0 : i32
    %scan3A_62 = arith.constant 0 : i32
    %scan3A_63 = arith.constant 160 : i32
    %scan3A_64 = arith.addi %scan3A_62, %scan3A_63 : i32
    %scan3A_65 = arith.constant 1 : i32
    scf.for %scan3A_80 = %scan3A_62 to %scan3A_64 step %scan3A_65  : i32 {
      %dma_wait3A = arith.constant 0 : i32
      %dma_wait3A_81 = tpu.memref_slice %arg4[%dma_wait3A] : memref<10112xf32, #tpu.memory_space<hbm>> -> memref<128xf32, #tpu.memory_space<hbm>>
      %dma_wait3A_82 = arith.constant 0 : i32
      %dma_wait3A_83 = tpu.memref_slice %arg4[%dma_wait3A_82] : memref<10112xf32, #tpu.memory_space<hbm>> -> memref<128xf32, #tpu.memory_space<hbm>>
      tpu.wait_dma2 semaphore(%arg11 : memref<!tpu.dma_semaphore, #tpu.memory_space<semaphore_mem>>) src(%dma_wait3A_83 : memref<128xf32, #tpu.memory_space<hbm>>) dst(%arg8 : memref<128xf32, #tpu.memory_space<vmem>>)
    }
    %scan3A_66 = arith.constant 160 : i32
    %barrier3A_67 = arith.constant 0 : index
    tpu.barrier barrier_id(%barrier3A_67)
    %mul3A_68 = arith.constant 632 : i32
    %mul3A_69 = arith.muli %arg1, %mul3A_68 : i32
    "tpu.region"() ({
      %run_scoped3A = tpu.sem_alloc : memref<!tpu.dma_semaphore, #tpu.memory_space<semaphore_mem>>
      %dma_start3A = tpu.memref_slice %arg10[%mul3A_69] : memref<10112xf32, #tpu.memory_space<vmem_shared>> -> memref<632xf32, #tpu.memory_space<vmem_shared>>
      %dma_start3A_80 = tpu.memref_slice %arg10[%mul3A_69] : memref<10112xf32, #tpu.memory_space<vmem_shared>> -> memref<632xf32, #tpu.memory_space<vmem_shared>>
      tpu.enqueue_dma source(%dma_start3A_80 : memref<632xf32, #tpu.memory_space<vmem_shared>>) target(%arg9 : memref<632xf32, #tpu.memory_space<vmem>>) target_semaphore(%run_scoped3A : memref<!tpu.dma_semaphore, #tpu.memory_space<semaphore_mem>>)
      %dma_wait3A = tpu.memref_slice %arg10[%mul3A_69] : memref<10112xf32, #tpu.memory_space<vmem_shared>> -> memref<632xf32, #tpu.memory_space<vmem_shared>>
      %dma_wait3A_81 = tpu.memref_slice %arg10[%mul3A_69] : memref<10112xf32, #tpu.memory_space<vmem_shared>> -> memref<632xf32, #tpu.memory_space<vmem_shared>>
      tpu.wait_dma2 semaphore(%run_scoped3A : memref<!tpu.dma_semaphore, #tpu.memory_space<semaphore_mem>>) src(%dma_wait3A_81 : memref<632xf32, #tpu.memory_space<vmem_shared>>) dst(%arg9 : memref<632xf32, #tpu.memory_space<vmem>>)
      tpu.yield
    }) : () -> ()
    %eq3A_70 = arith.constant 0 : i32
    %eq3A_71 = arith.cmpi eq, %arg0, %eq3A_70 : i32
    %convert_element_type3A_72 = arith.extui %eq3A_71 : i1 to i32
    %cond3A_73 = arith.constant 0 : i32
    %cond3A_74 = arith.cmpi ne, %convert_element_type3A_72, %cond3A_73 : i32
    scf.if %cond3A_74 {
      %mul3A_80 = arith.constant 632 : i32
      %mul3A_81 = arith.muli %arg1, %mul3A_80 : i32
      "tpu.region"() ({
        %run_scoped3A = tpu.sem_alloc : memref<!tpu.dma_semaphore, #tpu.memory_space<semaphore_mem>>
        %dma_start3A = tpu.memref_slice %arg5[%mul3A_81] : memref<10112xf32, #tpu.memory_space<hbm>> -> memref<632xf32, #tpu.memory_space<hbm>>
        %dma_start3A_82 = tpu.memref_slice %arg5[%mul3A_81] : memref<10112xf32, #tpu.memory_space<hbm>> -> memref<632xf32, #tpu.memory_space<hbm>>
        tpu.enqueue_dma source(%arg9 : memref<632xf32, #tpu.memory_space<vmem>>) target(%dma_start3A_82 : memref<632xf32, #tpu.memory_space<hbm>>) target_semaphore(%run_scoped3A : memref<!tpu.dma_semaphore, #tpu.memory_space<semaphore_mem>>)
        %dma_wait3A = tpu.memref_slice %arg5[%mul3A_81] : memref<10112xf32, #tpu.memory_space<hbm>> -> memref<632xf32, #tpu.memory_space<hbm>>
        %dma_wait3A_83 = tpu.memref_slice %arg5[%mul3A_81] : memref<10112xf32, #tpu.memory_space<hbm>> -> memref<632xf32, #tpu.memory_space<hbm>>
        tpu.wait_dma2 semaphore(%run_scoped3A : memref<!tpu.dma_semaphore, #tpu.memory_space<semaphore_mem>>) src(%arg9 : memref<632xf32, #tpu.memory_space<vmem>>) dst(%dma_wait3A_83 : memref<632xf32, #tpu.memory_space<hbm>>)
        tpu.yield
      }) : () -> ()
    } else {
    }
    %eq3A_75 = arith.constant 1 : i32
    %eq3A_76 = arith.cmpi eq, %arg0, %eq3A_75 : i32
    %convert_element_type3A_77 = arith.extui %eq3A_76 : i1 to i32
    %cond3A_78 = arith.constant 0 : i32
    %cond3A_79 = arith.cmpi ne, %convert_element_type3A_77, %cond3A_78 : i32
    scf.if %cond3A_79 {
      %mul3A_80 = arith.constant 632 : i32
      %mul3A_81 = arith.muli %arg1, %mul3A_80 : i32
      "tpu.region"() ({
        %run_scoped3A = tpu.sem_alloc : memref<!tpu.dma_semaphore, #tpu.memory_space<semaphore_mem>>
        %dma_start3A = tpu.memref_slice %arg6[%mul3A_81] : memref<10112xf32, #tpu.memory_space<hbm>> -> memref<632xf32, #tpu.memory_space<hbm>>
        %dma_start3A_82 = tpu.memref_slice %arg6[%mul3A_81] : memref<10112xf32, #tpu.memory_space<hbm>> -> memref<632xf32, #tpu.memory_space<hbm>>
        tpu.enqueue_dma source(%arg9 : memref<632xf32, #tpu.memory_space<vmem>>) target(%dma_start3A_82 : memref<632xf32, #tpu.memory_space<hbm>>) target_semaphore(%run_scoped3A : memref<!tpu.dma_semaphore, #tpu.memory_space<semaphore_mem>>)
        %dma_wait3A = tpu.memref_slice %arg6[%mul3A_81] : memref<10112xf32, #tpu.memory_space<hbm>> -> memref<632xf32, #tpu.memory_space<hbm>>
        %dma_wait3A_83 = tpu.memref_slice %arg6[%mul3A_81] : memref<10112xf32, #tpu.memory_space<hbm>> -> memref<632xf32, #tpu.memory_space<hbm>>
        tpu.wait_dma2 semaphore(%run_scoped3A : memref<!tpu.dma_semaphore, #tpu.memory_space<semaphore_mem>>) src(%arg9 : memref<632xf32, #tpu.memory_space<vmem>>) dst(%dma_wait3A_83 : memref<632xf32, #tpu.memory_space<hbm>>)
        tpu.yield
      }) : () -> ()
    } else {
    }
    return
  }
}

#map = affine_map<(d0, d1) -> (0, 0)>
#map1 = affine_map<(d0, d1) -> (0, 0, 0)>
module attributes {stable_mosaic.version = 14 : i64} {
  func.func @agg(%arg0: i32, %arg1: i32, %arg2: memref<10112x48xf32, #tpu.memory_space<hbm>>, %arg3: memref<2560x1x128xi32, #tpu.memory_space<hbm>>, %arg4: memref<2560x1x128xi32, #tpu.memory_space<hbm>>, %arg5: memref<10112x48xf32, #tpu.memory_space<hbm>>, %arg6: memref<10112x48xf32, #tpu.memory_space<hbm>>, %arg7: memref<10112x48xf32, #tpu.memory_space<hbm>>, %arg8: memref<80x1x128xi32, #tpu.memory_space<vmem>>, %arg9: memref<80x1x128xi32, #tpu.memory_space<vmem>>, %arg10: memref<128x48xf32, #tpu.memory_space<vmem>>, %arg11: memref<128x48xf32, #tpu.memory_space<vmem>>, %arg12: memref<128x48xf32, #tpu.memory_space<vmem>>, %arg13: memref<128x48xf32, #tpu.memory_space<vmem>>, %arg14: memref<632x48xf32, #tpu.memory_space<vmem>>, %arg15: memref<10112x48xf32, #tpu.memory_space<vmem_shared>>, %arg16: memref<!tpu.dma_semaphore, #tpu.memory_space<semaphore_mem>>, %arg17: memref<!tpu.dma_semaphore, #tpu.memory_space<semaphore_mem>>, %arg18: memref<!tpu.dma_semaphore, #tpu.memory_space<semaphore_mem>>, %arg19: memref<!tpu.dma_semaphore, #tpu.memory_space<semaphore_mem>>, %arg20: memref<!tpu.dma_semaphore, #tpu.memory_space<semaphore_mem>>, %arg21: memref<!tpu.dma_semaphore, #tpu.memory_space<semaphore_mem>>, %arg22: memref<!tpu.dma_semaphore, #tpu.memory_space<semaphore_mem>>, %arg23: memref<!tpu.dma_semaphore, #tpu.memory_space<semaphore_mem>>) attributes {dimension_semantics = [#tpu.dimension_semantics<core_parallel>, #tpu.dimension_semantics<subcore_parallel>], iteration_bounds = array<i64: 2, 16>, scalar_prefetch = 0 : i64, scratch_operands = 16 : i64, tpu.core_type = #tpu.core_type<sc_vector_subcore>, window_params = [{transform_indices = #map}, {transform_indices = #map1}, {transform_indices = #map1}, {transform_indices = #map}, {transform_indices = #map}, {transform_indices = #map}]} {
    %mul3A = arith.constant 16 : i32
    %mul3A_0 = arith.muli %arg0, %mul3A : i32
    %add3A = arith.addi %mul3A_0, %arg1 : i32
    %mul3A_1 = arith.constant 80 : i32
    %mul3A_2 = arith.muli %add3A, %mul3A_1 : i32
    "tpu.region"() ({
      %run_scoped3A = tpu.sem_alloc : memref<!tpu.dma_semaphore, #tpu.memory_space<semaphore_mem>>
      %dma_start3A_78 = arith.constant 0 : i32
      %dma_start3A_79 = arith.constant 0 : i32
      %dma_start3A_80 = tpu.memref_slice %arg3[%mul3A_2, %dma_start3A_78, %dma_start3A_79] : memref<2560x1x128xi32, #tpu.memory_space<hbm>> -> memref<80x1x128xi32, #tpu.memory_space<hbm>>
      %dma_start3A_81 = arith.constant 0 : i32
      %dma_start3A_82 = arith.constant 0 : i32
      %dma_start3A_83 = tpu.memref_slice %arg3[%mul3A_2, %dma_start3A_81, %dma_start3A_82] : memref<2560x1x128xi32, #tpu.memory_space<hbm>> -> memref<80x1x128xi32, #tpu.memory_space<hbm>>
      tpu.enqueue_dma source(%dma_start3A_83 : memref<80x1x128xi32, #tpu.memory_space<hbm>>) target(%arg8 : memref<80x1x128xi32, #tpu.memory_space<vmem>>) target_semaphore(%run_scoped3A : memref<!tpu.dma_semaphore, #tpu.memory_space<semaphore_mem>>)
      %dma_wait3A_84 = arith.constant 0 : i32
      %dma_wait3A_85 = arith.constant 0 : i32
      %dma_wait3A_86 = tpu.memref_slice %arg3[%mul3A_2, %dma_wait3A_84, %dma_wait3A_85] : memref<2560x1x128xi32, #tpu.memory_space<hbm>> -> memref<80x1x128xi32, #tpu.memory_space<hbm>>
      %dma_wait3A_87 = arith.constant 0 : i32
      %dma_wait3A_88 = arith.constant 0 : i32
      %dma_wait3A_89 = tpu.memref_slice %arg3[%mul3A_2, %dma_wait3A_87, %dma_wait3A_88] : memref<2560x1x128xi32, #tpu.memory_space<hbm>> -> memref<80x1x128xi32, #tpu.memory_space<hbm>>
      tpu.wait_dma2 semaphore(%run_scoped3A : memref<!tpu.dma_semaphore, #tpu.memory_space<semaphore_mem>>) src(%dma_wait3A_89 : memref<80x1x128xi32, #tpu.memory_space<hbm>>) dst(%arg8 : memref<80x1x128xi32, #tpu.memory_space<vmem>>)
      tpu.yield
    }) : () -> ()
    %mul3A_3 = arith.constant 80 : i32
    %mul3A_4 = arith.muli %add3A, %mul3A_3 : i32
    "tpu.region"() ({
      %run_scoped3A = tpu.sem_alloc : memref<!tpu.dma_semaphore, #tpu.memory_space<semaphore_mem>>
      %dma_start3A_78 = arith.constant 0 : i32
      %dma_start3A_79 = arith.constant 0 : i32
      %dma_start3A_80 = tpu.memref_slice %arg4[%mul3A_4, %dma_start3A_78, %dma_start3A_79] : memref<2560x1x128xi32, #tpu.memory_space<hbm>> -> memref<80x1x128xi32, #tpu.memory_space<hbm>>
      %dma_start3A_81 = arith.constant 0 : i32
      %dma_start3A_82 = arith.constant 0 : i32
      %dma_start3A_83 = tpu.memref_slice %arg4[%mul3A_4, %dma_start3A_81, %dma_start3A_82] : memref<2560x1x128xi32, #tpu.memory_space<hbm>> -> memref<80x1x128xi32, #tpu.memory_space<hbm>>
      tpu.enqueue_dma source(%dma_start3A_83 : memref<80x1x128xi32, #tpu.memory_space<hbm>>) target(%arg9 : memref<80x1x128xi32, #tpu.memory_space<vmem>>) target_semaphore(%run_scoped3A : memref<!tpu.dma_semaphore, #tpu.memory_space<semaphore_mem>>)
      %dma_wait3A_84 = arith.constant 0 : i32
      %dma_wait3A_85 = arith.constant 0 : i32
      %dma_wait3A_86 = tpu.memref_slice %arg4[%mul3A_4, %dma_wait3A_84, %dma_wait3A_85] : memref<2560x1x128xi32, #tpu.memory_space<hbm>> -> memref<80x1x128xi32, #tpu.memory_space<hbm>>
      %dma_wait3A_87 = arith.constant 0 : i32
      %dma_wait3A_88 = arith.constant 0 : i32
      %dma_wait3A_89 = tpu.memref_slice %arg4[%mul3A_4, %dma_wait3A_87, %dma_wait3A_88] : memref<2560x1x128xi32, #tpu.memory_space<hbm>> -> memref<80x1x128xi32, #tpu.memory_space<hbm>>
      tpu.wait_dma2 semaphore(%run_scoped3A : memref<!tpu.dma_semaphore, #tpu.memory_space<semaphore_mem>>) src(%dma_wait3A_89 : memref<80x1x128xi32, #tpu.memory_space<hbm>>) dst(%arg9 : memref<80x1x128xi32, #tpu.memory_space<vmem>>)
      tpu.yield
    }) : () -> ()
    %mul3A_5 = arith.constant 632 : i32
    %mul3A_6 = arith.muli %arg1, %mul3A_5 : i32
    "tpu.region"() ({
      %run_scoped3A = tpu.sem_alloc : memref<!tpu.dma_semaphore, #tpu.memory_space<semaphore_mem>>
      %dma_start3A_78 = arith.constant 0 : i32
      %dma_start3A_79 = tpu.memref_slice %arg5[%mul3A_6, %dma_start3A_78] : memref<10112x48xf32, #tpu.memory_space<hbm>> -> memref<632x48xf32, #tpu.memory_space<hbm>>
      %dma_start3A_80 = arith.constant 0 : i32
      %dma_start3A_81 = tpu.memref_slice %arg5[%mul3A_6, %dma_start3A_80] : memref<10112x48xf32, #tpu.memory_space<hbm>> -> memref<632x48xf32, #tpu.memory_space<hbm>>
      tpu.enqueue_dma source(%dma_start3A_81 : memref<632x48xf32, #tpu.memory_space<hbm>>) target(%arg14 : memref<632x48xf32, #tpu.memory_space<vmem>>) target_semaphore(%run_scoped3A : memref<!tpu.dma_semaphore, #tpu.memory_space<semaphore_mem>>)
      %dma_wait3A_82 = arith.constant 0 : i32
      %dma_wait3A_83 = tpu.memref_slice %arg5[%mul3A_6, %dma_wait3A_82] : memref<10112x48xf32, #tpu.memory_space<hbm>> -> memref<632x48xf32, #tpu.memory_space<hbm>>
      %dma_wait3A_84 = arith.constant 0 : i32
      %dma_wait3A_85 = tpu.memref_slice %arg5[%mul3A_6, %dma_wait3A_84] : memref<10112x48xf32, #tpu.memory_space<hbm>> -> memref<632x48xf32, #tpu.memory_space<hbm>>
      tpu.wait_dma2 semaphore(%run_scoped3A : memref<!tpu.dma_semaphore, #tpu.memory_space<semaphore_mem>>) src(%dma_wait3A_85 : memref<632x48xf32, #tpu.memory_space<hbm>>) dst(%arg14 : memref<632x48xf32, #tpu.memory_space<vmem>>)
      tpu.yield
    }) : () -> ()
    %mul3A_7 = arith.constant 632 : i32
    %mul3A_8 = arith.muli %arg1, %mul3A_7 : i32
    "tpu.region"() ({
      %run_scoped3A = tpu.sem_alloc : memref<!tpu.dma_semaphore, #tpu.memory_space<semaphore_mem>>
      %dma_start3A_78 = arith.constant 0 : i32
      %dma_start3A_79 = tpu.memref_slice %arg15[%mul3A_8, %dma_start3A_78] : memref<10112x48xf32, #tpu.memory_space<vmem_shared>> -> memref<632x48xf32, #tpu.memory_space<vmem_shared>>
      %dma_start3A_80 = arith.constant 0 : i32
      %dma_start3A_81 = tpu.memref_slice %arg15[%mul3A_8, %dma_start3A_80] : memref<10112x48xf32, #tpu.memory_space<vmem_shared>> -> memref<632x48xf32, #tpu.memory_space<vmem_shared>>
      tpu.enqueue_dma source(%arg14 : memref<632x48xf32, #tpu.memory_space<vmem>>) target(%dma_start3A_81 : memref<632x48xf32, #tpu.memory_space<vmem_shared>>) target_semaphore(%run_scoped3A : memref<!tpu.dma_semaphore, #tpu.memory_space<semaphore_mem>>)
      %dma_wait3A_82 = arith.constant 0 : i32
      %dma_wait3A_83 = tpu.memref_slice %arg15[%mul3A_8, %dma_wait3A_82] : memref<10112x48xf32, #tpu.memory_space<vmem_shared>> -> memref<632x48xf32, #tpu.memory_space<vmem_shared>>
      %dma_wait3A_84 = arith.constant 0 : i32
      %dma_wait3A_85 = tpu.memref_slice %arg15[%mul3A_8, %dma_wait3A_84] : memref<10112x48xf32, #tpu.memory_space<vmem_shared>> -> memref<632x48xf32, #tpu.memory_space<vmem_shared>>
      tpu.wait_dma2 semaphore(%run_scoped3A : memref<!tpu.dma_semaphore, #tpu.memory_space<semaphore_mem>>) src(%arg14 : memref<632x48xf32, #tpu.memory_space<vmem>>) dst(%dma_wait3A_85 : memref<632x48xf32, #tpu.memory_space<vmem_shared>>)
      tpu.yield
    }) : () -> ()
    %barrier3A = arith.constant 0 : index
    tpu.barrier barrier_id(%barrier3A)
    %dma_start3A = arith.constant 0 : i32
    %dma_start3A_9 = arith.constant 0 : i32
    %dma_start3A_10 = arith.constant 0 : i32
    %dma_start3A_11 = tpu.memref_slice %arg8[%dma_start3A, %dma_start3A_9, %dma_start3A_10] : memref<80x1x128xi32, #tpu.memory_space<vmem>> -> memref<1x1x128xi32, #tpu.memory_space<vmem>>
    %dma_start3A_12 = tpu.memref_squeeze %dma_start3A_11 : memref<1x1x128xi32, #tpu.memory_space<vmem>> -> memref<128xi32, #tpu.memory_space<vmem>>
    %dma_start3A_13 = arith.constant 0 : i32
    %dma_start3A_14 = arith.constant 0 : i32
    %dma_start3A_15 = tpu.memref_slice %arg2[%dma_start3A_13, %dma_start3A_14] : memref<10112x48xf32, #tpu.memory_space<hbm>> -> memref<10112x48xf32, #tpu.memory_space<hbm>>
    tpu.enqueue_indirect_dma source(%dma_start3A_15 : memref<10112x48xf32, #tpu.memory_space<hbm>>) target(%arg10 : memref<128x48xf32, #tpu.memory_space<vmem>>) offsets(%dma_start3A_12 : memref<128xi32, #tpu.memory_space<vmem>>) semaphore(%arg16 : memref<!tpu.dma_semaphore, #tpu.memory_space<semaphore_mem>>)
    %dma_start3A_16 = arith.constant 1 : i32
    %dma_start3A_17 = arith.constant 0 : i32
    %dma_start3A_18 = arith.constant 0 : i32
    %dma_start3A_19 = tpu.memref_slice %arg8[%dma_start3A_16, %dma_start3A_17, %dma_start3A_18] : memref<80x1x128xi32, #tpu.memory_space<vmem>> -> memref<1x1x128xi32, #tpu.memory_space<vmem>>
    %dma_start3A_20 = tpu.memref_squeeze %dma_start3A_19 : memref<1x1x128xi32, #tpu.memory_space<vmem>> -> memref<128xi32, #tpu.memory_space<vmem>>
    %dma_start3A_21 = arith.constant 0 : i32
    %dma_start3A_22 = arith.constant 0 : i32
    %dma_start3A_23 = tpu.memref_slice %arg2[%dma_start3A_21, %dma_start3A_22] : memref<10112x48xf32, #tpu.memory_space<hbm>> -> memref<10112x48xf32, #tpu.memory_space<hbm>>
    tpu.enqueue_indirect_dma source(%dma_start3A_23 : memref<10112x48xf32, #tpu.memory_space<hbm>>) target(%arg11 : memref<128x48xf32, #tpu.memory_space<vmem>>) offsets(%dma_start3A_20 : memref<128xi32, #tpu.memory_space<vmem>>) semaphore(%arg17 : memref<!tpu.dma_semaphore, #tpu.memory_space<semaphore_mem>>)
    %dma_start3A_24 = arith.constant 2 : i32
    %dma_start3A_25 = arith.constant 0 : i32
    %dma_start3A_26 = arith.constant 0 : i32
    %dma_start3A_27 = tpu.memref_slice %arg8[%dma_start3A_24, %dma_start3A_25, %dma_start3A_26] : memref<80x1x128xi32, #tpu.memory_space<vmem>> -> memref<1x1x128xi32, #tpu.memory_space<vmem>>
    %dma_start3A_28 = tpu.memref_squeeze %dma_start3A_27 : memref<1x1x128xi32, #tpu.memory_space<vmem>> -> memref<128xi32, #tpu.memory_space<vmem>>
    %dma_start3A_29 = arith.constant 0 : i32
    %dma_start3A_30 = arith.constant 0 : i32
    %dma_start3A_31 = tpu.memref_slice %arg2[%dma_start3A_29, %dma_start3A_30] : memref<10112x48xf32, #tpu.memory_space<hbm>> -> memref<10112x48xf32, #tpu.memory_space<hbm>>
    tpu.enqueue_indirect_dma source(%dma_start3A_31 : memref<10112x48xf32, #tpu.memory_space<hbm>>) target(%arg12 : memref<128x48xf32, #tpu.memory_space<vmem>>) offsets(%dma_start3A_28 : memref<128xi32, #tpu.memory_space<vmem>>) semaphore(%arg18 : memref<!tpu.dma_semaphore, #tpu.memory_space<semaphore_mem>>)
    %dma_start3A_32 = arith.constant 3 : i32
    %dma_start3A_33 = arith.constant 0 : i32
    %dma_start3A_34 = arith.constant 0 : i32
    %dma_start3A_35 = tpu.memref_slice %arg8[%dma_start3A_32, %dma_start3A_33, %dma_start3A_34] : memref<80x1x128xi32, #tpu.memory_space<vmem>> -> memref<1x1x128xi32, #tpu.memory_space<vmem>>
    %dma_start3A_36 = tpu.memref_squeeze %dma_start3A_35 : memref<1x1x128xi32, #tpu.memory_space<vmem>> -> memref<128xi32, #tpu.memory_space<vmem>>
    %dma_start3A_37 = arith.constant 0 : i32
    %dma_start3A_38 = arith.constant 0 : i32
    %dma_start3A_39 = tpu.memref_slice %arg2[%dma_start3A_37, %dma_start3A_38] : memref<10112x48xf32, #tpu.memory_space<hbm>> -> memref<10112x48xf32, #tpu.memory_space<hbm>>
    tpu.enqueue_indirect_dma source(%dma_start3A_39 : memref<10112x48xf32, #tpu.memory_space<hbm>>) target(%arg13 : memref<128x48xf32, #tpu.memory_space<vmem>>) offsets(%dma_start3A_36 : memref<128xi32, #tpu.memory_space<vmem>>) semaphore(%arg19 : memref<!tpu.dma_semaphore, #tpu.memory_space<semaphore_mem>>)
    %scan3A = arith.constant 0 : i32
    %scan3A_40 = arith.constant 0 : i32
    %scan3A_41 = arith.constant 20 : i32
    %scan3A_42 = arith.addi %scan3A_40, %scan3A_41 : i32
    %scan3A_43 = arith.constant 1 : i32
    scf.for %scan3A_78 = %scan3A_40 to %scan3A_42 step %scan3A_43  : i32 {
      %mul3A_79 = arith.constant 4 : i32
      %mul3A_80 = arith.muli %scan3A_78, %mul3A_79 : i32
      %dma_wait3A_81 = arith.constant 0 : i32
      %dma_wait3A_82 = arith.constant 0 : i32
      %dma_wait3A_83 = tpu.memref_slice %arg5[%dma_wait3A_81, %dma_wait3A_82] : memref<10112x48xf32, #tpu.memory_space<hbm>> -> memref<128x48xf32, #tpu.memory_space<hbm>>
      %dma_wait3A_84 = arith.constant 0 : i32
      %dma_wait3A_85 = arith.constant 0 : i32
      %dma_wait3A_86 = tpu.memref_slice %arg5[%dma_wait3A_84, %dma_wait3A_85] : memref<10112x48xf32, #tpu.memory_space<hbm>> -> memref<128x48xf32, #tpu.memory_space<hbm>>
      tpu.wait_dma2 semaphore(%arg16 : memref<!tpu.dma_semaphore, #tpu.memory_space<semaphore_mem>>) src(%dma_wait3A_86 : memref<128x48xf32, #tpu.memory_space<hbm>>) dst(%arg10 : memref<128x48xf32, #tpu.memory_space<vmem>>)
      %add3A_87 = arith.constant 0 : i32
      %add3A_88 = arith.addi %mul3A_80, %add3A_87 : i32
      %dma_start3A_89 = arith.constant 0 : i32
      %dma_start3A_90 = arith.constant 0 : i32
      %dma_start3A_91 = tpu.memref_slice %arg9[%add3A_88, %dma_start3A_89, %dma_start3A_90] : memref<80x1x128xi32, #tpu.memory_space<vmem>> -> memref<1x1x128xi32, #tpu.memory_space<vmem>>
      %dma_start3A_92 = tpu.memref_squeeze %dma_start3A_91 : memref<1x1x128xi32, #tpu.memory_space<vmem>> -> memref<128xi32, #tpu.memory_space<vmem>>
      %dma_start3A_93 = arith.constant 0 : i32
      %dma_start3A_94 = arith.constant 0 : i32
      %dma_start3A_95 = tpu.memref_slice %arg15[%dma_start3A_93, %dma_start3A_94] : memref<10112x48xf32, #tpu.memory_space<vmem_shared>> -> memref<10112x48xf32, #tpu.memory_space<vmem_shared>>
      tpu.enqueue_indirect_dma source(%arg10 : memref<128x48xf32, #tpu.memory_space<vmem>>) target(%dma_start3A_95 : memref<10112x48xf32, #tpu.memory_space<vmem_shared>>) offsets(%dma_start3A_92 : memref<128xi32, #tpu.memory_space<vmem>>) semaphore(%arg20 : memref<!tpu.dma_semaphore, #tpu.memory_space<semaphore_mem>>) {add = true}
      %dma_wait3A_96 = arith.constant 0 : i32
      %dma_wait3A_97 = arith.constant 0 : i32
      %dma_wait3A_98 = tpu.memref_slice %arg5[%dma_wait3A_96, %dma_wait3A_97] : memref<10112x48xf32, #tpu.memory_space<hbm>> -> memref<128x48xf32, #tpu.memory_space<hbm>>
      %dma_wait3A_99 = arith.constant 0 : i32
      %dma_wait3A_100 = arith.constant 0 : i32
      %dma_wait3A_101 = tpu.memref_slice %arg5[%dma_wait3A_99, %dma_wait3A_100] : memref<10112x48xf32, #tpu.memory_space<hbm>> -> memref<128x48xf32, #tpu.memory_space<hbm>>
      tpu.wait_dma2 semaphore(%arg17 : memref<!tpu.dma_semaphore, #tpu.memory_space<semaphore_mem>>) src(%dma_wait3A_101 : memref<128x48xf32, #tpu.memory_space<hbm>>) dst(%arg11 : memref<128x48xf32, #tpu.memory_space<vmem>>)
      %add3A_102 = arith.constant 1 : i32
      %add3A_103 = arith.addi %mul3A_80, %add3A_102 : i32
      %dma_start3A_104 = arith.constant 0 : i32
      %dma_start3A_105 = arith.constant 0 : i32
      %dma_start3A_106 = tpu.memref_slice %arg9[%add3A_103, %dma_start3A_104, %dma_start3A_105] : memref<80x1x128xi32, #tpu.memory_space<vmem>> -> memref<1x1x128xi32, #tpu.memory_space<vmem>>
      %dma_start3A_107 = tpu.memref_squeeze %dma_start3A_106 : memref<1x1x128xi32, #tpu.memory_space<vmem>> -> memref<128xi32, #tpu.memory_space<vmem>>
      %dma_start3A_108 = arith.constant 0 : i32
      %dma_start3A_109 = arith.constant 0 : i32
      %dma_start3A_110 = tpu.memref_slice %arg15[%dma_start3A_108, %dma_start3A_109] : memref<10112x48xf32, #tpu.memory_space<vmem_shared>> -> memref<10112x48xf32, #tpu.memory_space<vmem_shared>>
      tpu.enqueue_indirect_dma source(%arg11 : memref<128x48xf32, #tpu.memory_space<vmem>>) target(%dma_start3A_110 : memref<10112x48xf32, #tpu.memory_space<vmem_shared>>) offsets(%dma_start3A_107 : memref<128xi32, #tpu.memory_space<vmem>>) semaphore(%arg21 : memref<!tpu.dma_semaphore, #tpu.memory_space<semaphore_mem>>) {add = true}
      %dma_wait3A_111 = arith.constant 0 : i32
      %dma_wait3A_112 = arith.constant 0 : i32
      %dma_wait3A_113 = tpu.memref_slice %arg5[%dma_wait3A_111, %dma_wait3A_112] : memref<10112x48xf32, #tpu.memory_space<hbm>> -> memref<128x48xf32, #tpu.memory_space<hbm>>
      %dma_wait3A_114 = arith.constant 0 : i32
      %dma_wait3A_115 = arith.constant 0 : i32
      %dma_wait3A_116 = tpu.memref_slice %arg5[%dma_wait3A_114, %dma_wait3A_115] : memref<10112x48xf32, #tpu.memory_space<hbm>> -> memref<128x48xf32, #tpu.memory_space<hbm>>
      tpu.wait_dma2 semaphore(%arg18 : memref<!tpu.dma_semaphore, #tpu.memory_space<semaphore_mem>>) src(%dma_wait3A_116 : memref<128x48xf32, #tpu.memory_space<hbm>>) dst(%arg12 : memref<128x48xf32, #tpu.memory_space<vmem>>)
      %add3A_117 = arith.constant 2 : i32
      %add3A_118 = arith.addi %mul3A_80, %add3A_117 : i32
      %dma_start3A_119 = arith.constant 0 : i32
      %dma_start3A_120 = arith.constant 0 : i32
      %dma_start3A_121 = tpu.memref_slice %arg9[%add3A_118, %dma_start3A_119, %dma_start3A_120] : memref<80x1x128xi32, #tpu.memory_space<vmem>> -> memref<1x1x128xi32, #tpu.memory_space<vmem>>
      %dma_start3A_122 = tpu.memref_squeeze %dma_start3A_121 : memref<1x1x128xi32, #tpu.memory_space<vmem>> -> memref<128xi32, #tpu.memory_space<vmem>>
      %dma_start3A_123 = arith.constant 0 : i32
      %dma_start3A_124 = arith.constant 0 : i32
      %dma_start3A_125 = tpu.memref_slice %arg15[%dma_start3A_123, %dma_start3A_124] : memref<10112x48xf32, #tpu.memory_space<vmem_shared>> -> memref<10112x48xf32, #tpu.memory_space<vmem_shared>>
      tpu.enqueue_indirect_dma source(%arg12 : memref<128x48xf32, #tpu.memory_space<vmem>>) target(%dma_start3A_125 : memref<10112x48xf32, #tpu.memory_space<vmem_shared>>) offsets(%dma_start3A_122 : memref<128xi32, #tpu.memory_space<vmem>>) semaphore(%arg22 : memref<!tpu.dma_semaphore, #tpu.memory_space<semaphore_mem>>) {add = true}
      %dma_wait3A_126 = arith.constant 0 : i32
      %dma_wait3A_127 = arith.constant 0 : i32
      %dma_wait3A_128 = tpu.memref_slice %arg5[%dma_wait3A_126, %dma_wait3A_127] : memref<10112x48xf32, #tpu.memory_space<hbm>> -> memref<128x48xf32, #tpu.memory_space<hbm>>
      %dma_wait3A_129 = arith.constant 0 : i32
      %dma_wait3A_130 = arith.constant 0 : i32
      %dma_wait3A_131 = tpu.memref_slice %arg5[%dma_wait3A_129, %dma_wait3A_130] : memref<10112x48xf32, #tpu.memory_space<hbm>> -> memref<128x48xf32, #tpu.memory_space<hbm>>
      tpu.wait_dma2 semaphore(%arg19 : memref<!tpu.dma_semaphore, #tpu.memory_space<semaphore_mem>>) src(%dma_wait3A_131 : memref<128x48xf32, #tpu.memory_space<hbm>>) dst(%arg13 : memref<128x48xf32, #tpu.memory_space<vmem>>)
      %add3A_132 = arith.constant 3 : i32
      %add3A_133 = arith.addi %mul3A_80, %add3A_132 : i32
      %dma_start3A_134 = arith.constant 0 : i32
      %dma_start3A_135 = arith.constant 0 : i32
      %dma_start3A_136 = tpu.memref_slice %arg9[%add3A_133, %dma_start3A_134, %dma_start3A_135] : memref<80x1x128xi32, #tpu.memory_space<vmem>> -> memref<1x1x128xi32, #tpu.memory_space<vmem>>
      %dma_start3A_137 = tpu.memref_squeeze %dma_start3A_136 : memref<1x1x128xi32, #tpu.memory_space<vmem>> -> memref<128xi32, #tpu.memory_space<vmem>>
      %dma_start3A_138 = arith.constant 0 : i32
      %dma_start3A_139 = arith.constant 0 : i32
      %dma_start3A_140 = tpu.memref_slice %arg15[%dma_start3A_138, %dma_start3A_139] : memref<10112x48xf32, #tpu.memory_space<vmem_shared>> -> memref<10112x48xf32, #tpu.memory_space<vmem_shared>>
      tpu.enqueue_indirect_dma source(%arg13 : memref<128x48xf32, #tpu.memory_space<vmem>>) target(%dma_start3A_140 : memref<10112x48xf32, #tpu.memory_space<vmem_shared>>) offsets(%dma_start3A_137 : memref<128xi32, #tpu.memory_space<vmem>>) semaphore(%arg23 : memref<!tpu.dma_semaphore, #tpu.memory_space<semaphore_mem>>) {add = true}
      %add3A_141 = arith.constant 4 : i32
      %add3A_142 = arith.addi %mul3A_80, %add3A_141 : i32
      %add3A_143 = arith.constant 0 : i32
      %add3A_144 = arith.addi %add3A_142, %add3A_143 : i32
      %lt3A = arith.constant 80 : i32
      %lt3A_145 = arith.cmpi slt, %add3A_144, %lt3A : i32
      %convert_element_type3A_146 = arith.extui %lt3A_145 : i1 to i32
      %cond3A_147 = arith.constant 0 : i32
      %cond3A_148 = arith.cmpi ne, %convert_element_type3A_146, %cond3A_147 : i32
      scf.if %cond3A_148 {
        %dma_wait3A_176 = arith.constant 0 : i32
        %dma_wait3A_177 = arith.constant 0 : i32
        %dma_wait3A_178 = tpu.memref_slice %arg5[%dma_wait3A_176, %dma_wait3A_177] : memref<10112x48xf32, #tpu.memory_space<hbm>> -> memref<128x48xf32, #tpu.memory_space<hbm>>
        %dma_wait3A_179 = arith.constant 0 : i32
        %dma_wait3A_180 = arith.constant 0 : i32
        %dma_wait3A_181 = tpu.memref_slice %arg5[%dma_wait3A_179, %dma_wait3A_180] : memref<10112x48xf32, #tpu.memory_space<hbm>> -> memref<128x48xf32, #tpu.memory_space<hbm>>
        tpu.wait_dma2 semaphore(%arg20 : memref<!tpu.dma_semaphore, #tpu.memory_space<semaphore_mem>>) src(%dma_wait3A_181 : memref<128x48xf32, #tpu.memory_space<hbm>>) dst(%arg10 : memref<128x48xf32, #tpu.memory_space<vmem>>)
        %add3A_182 = arith.constant 4 : i32
        %add3A_183 = arith.addi %mul3A_80, %add3A_182 : i32
        %add3A_184 = arith.constant 0 : i32
        %add3A_185 = arith.addi %add3A_183, %add3A_184 : i32
        %dma_start3A_186 = arith.constant 0 : i32
        %dma_start3A_187 = arith.constant 0 : i32
        %dma_start3A_188 = tpu.memref_slice %arg8[%add3A_185, %dma_start3A_186, %dma_start3A_187] : memref<80x1x128xi32, #tpu.memory_space<vmem>> -> memref<1x1x128xi32, #tpu.memory_space<vmem>>
        %dma_start3A_189 = tpu.memref_squeeze %dma_start3A_188 : memref<1x1x128xi32, #tpu.memory_space<vmem>> -> memref<128xi32, #tpu.memory_space<vmem>>
        %dma_start3A_190 = arith.constant 0 : i32
        %dma_start3A_191 = arith.constant 0 : i32
        %dma_start3A_192 = tpu.memref_slice %arg2[%dma_start3A_190, %dma_start3A_191] : memref<10112x48xf32, #tpu.memory_space<hbm>> -> memref<10112x48xf32, #tpu.memory_space<hbm>>
        tpu.enqueue_indirect_dma source(%dma_start3A_192 : memref<10112x48xf32, #tpu.memory_space<hbm>>) target(%arg10 : memref<128x48xf32, #tpu.memory_space<vmem>>) offsets(%dma_start3A_189 : memref<128xi32, #tpu.memory_space<vmem>>) semaphore(%arg16 : memref<!tpu.dma_semaphore, #tpu.memory_space<semaphore_mem>>)
      } else {
      }
      %add3A_149 = arith.constant 4 : i32
      %add3A_150 = arith.addi %mul3A_80, %add3A_149 : i32
      %add3A_151 = arith.constant 1 : i32
      %add3A_152 = arith.addi %add3A_150, %add3A_151 : i32
      %lt3A_153 = arith.constant 80 : i32
      %lt3A_154 = arith.cmpi slt, %add3A_152, %lt3A_153 : i32
      %convert_element_type3A_155 = arith.extui %lt3A_154 : i1 to i32
      %cond3A_156 = arith.constant 0 : i32
      %cond3A_157 = arith.cmpi ne, %convert_element_type3A_155, %cond3A_156 : i32
      scf.if %cond3A_157 {
        %dma_wait3A_176 = arith.constant 0 : i32
        %dma_wait3A_177 = arith.constant 0 : i32
        %dma_wait3A_178 = tpu.memref_slice %arg5[%dma_wait3A_176, %dma_wait3A_177] : memref<10112x48xf32, #tpu.memory_space<hbm>> -> memref<128x48xf32, #tpu.memory_space<hbm>>
        %dma_wait3A_179 = arith.constant 0 : i32
        %dma_wait3A_180 = arith.constant 0 : i32
        %dma_wait3A_181 = tpu.memref_slice %arg5[%dma_wait3A_179, %dma_wait3A_180] : memref<10112x48xf32, #tpu.memory_space<hbm>> -> memref<128x48xf32, #tpu.memory_space<hbm>>
        tpu.wait_dma2 semaphore(%arg21 : memref<!tpu.dma_semaphore, #tpu.memory_space<semaphore_mem>>) src(%dma_wait3A_181 : memref<128x48xf32, #tpu.memory_space<hbm>>) dst(%arg11 : memref<128x48xf32, #tpu.memory_space<vmem>>)
        %add3A_182 = arith.constant 4 : i32
        %add3A_183 = arith.addi %mul3A_80, %add3A_182 : i32
        %add3A_184 = arith.constant 1 : i32
        %add3A_185 = arith.addi %add3A_183, %add3A_184 : i32
        %dma_start3A_186 = arith.constant 0 : i32
        %dma_start3A_187 = arith.constant 0 : i32
        %dma_start3A_188 = tpu.memref_slice %arg8[%add3A_185, %dma_start3A_186, %dma_start3A_187] : memref<80x1x128xi32, #tpu.memory_space<vmem>> -> memref<1x1x128xi32, #tpu.memory_space<vmem>>
        %dma_start3A_189 = tpu.memref_squeeze %dma_start3A_188 : memref<1x1x128xi32, #tpu.memory_space<vmem>> -> memref<128xi32, #tpu.memory_space<vmem>>
        %dma_start3A_190 = arith.constant 0 : i32
        %dma_start3A_191 = arith.constant 0 : i32
        %dma_start3A_192 = tpu.memref_slice %arg2[%dma_start3A_190, %dma_start3A_191] : memref<10112x48xf32, #tpu.memory_space<hbm>> -> memref<10112x48xf32, #tpu.memory_space<hbm>>
        tpu.enqueue_indirect_dma source(%dma_start3A_192 : memref<10112x48xf32, #tpu.memory_space<hbm>>) target(%arg11 : memref<128x48xf32, #tpu.memory_space<vmem>>) offsets(%dma_start3A_189 : memref<128xi32, #tpu.memory_space<vmem>>) semaphore(%arg17 : memref<!tpu.dma_semaphore, #tpu.memory_space<semaphore_mem>>)
      } else {
      }
      %add3A_158 = arith.constant 4 : i32
      %add3A_159 = arith.addi %mul3A_80, %add3A_158 : i32
      %add3A_160 = arith.constant 2 : i32
      %add3A_161 = arith.addi %add3A_159, %add3A_160 : i32
      %lt3A_162 = arith.constant 80 : i32
      %lt3A_163 = arith.cmpi slt, %add3A_161, %lt3A_162 : i32
      %convert_element_type3A_164 = arith.extui %lt3A_163 : i1 to i32
      %cond3A_165 = arith.constant 0 : i32
      %cond3A_166 = arith.cmpi ne, %convert_element_type3A_164, %cond3A_165 : i32
      scf.if %cond3A_166 {
        %dma_wait3A_176 = arith.constant 0 : i32
        %dma_wait3A_177 = arith.constant 0 : i32
        %dma_wait3A_178 = tpu.memref_slice %arg5[%dma_wait3A_176, %dma_wait3A_177] : memref<10112x48xf32, #tpu.memory_space<hbm>> -> memref<128x48xf32, #tpu.memory_space<hbm>>
        %dma_wait3A_179 = arith.constant 0 : i32
        %dma_wait3A_180 = arith.constant 0 : i32
        %dma_wait3A_181 = tpu.memref_slice %arg5[%dma_wait3A_179, %dma_wait3A_180] : memref<10112x48xf32, #tpu.memory_space<hbm>> -> memref<128x48xf32, #tpu.memory_space<hbm>>
        tpu.wait_dma2 semaphore(%arg22 : memref<!tpu.dma_semaphore, #tpu.memory_space<semaphore_mem>>) src(%dma_wait3A_181 : memref<128x48xf32, #tpu.memory_space<hbm>>) dst(%arg12 : memref<128x48xf32, #tpu.memory_space<vmem>>)
        %add3A_182 = arith.constant 4 : i32
        %add3A_183 = arith.addi %mul3A_80, %add3A_182 : i32
        %add3A_184 = arith.constant 2 : i32
        %add3A_185 = arith.addi %add3A_183, %add3A_184 : i32
        %dma_start3A_186 = arith.constant 0 : i32
        %dma_start3A_187 = arith.constant 0 : i32
        %dma_start3A_188 = tpu.memref_slice %arg8[%add3A_185, %dma_start3A_186, %dma_start3A_187] : memref<80x1x128xi32, #tpu.memory_space<vmem>> -> memref<1x1x128xi32, #tpu.memory_space<vmem>>
        %dma_start3A_189 = tpu.memref_squeeze %dma_start3A_188 : memref<1x1x128xi32, #tpu.memory_space<vmem>> -> memref<128xi32, #tpu.memory_space<vmem>>
        %dma_start3A_190 = arith.constant 0 : i32
        %dma_start3A_191 = arith.constant 0 : i32
        %dma_start3A_192 = tpu.memref_slice %arg2[%dma_start3A_190, %dma_start3A_191] : memref<10112x48xf32, #tpu.memory_space<hbm>> -> memref<10112x48xf32, #tpu.memory_space<hbm>>
        tpu.enqueue_indirect_dma source(%dma_start3A_192 : memref<10112x48xf32, #tpu.memory_space<hbm>>) target(%arg12 : memref<128x48xf32, #tpu.memory_space<vmem>>) offsets(%dma_start3A_189 : memref<128xi32, #tpu.memory_space<vmem>>) semaphore(%arg18 : memref<!tpu.dma_semaphore, #tpu.memory_space<semaphore_mem>>)
      } else {
      }
      %add3A_167 = arith.constant 4 : i32
      %add3A_168 = arith.addi %mul3A_80, %add3A_167 : i32
      %add3A_169 = arith.constant 3 : i32
      %add3A_170 = arith.addi %add3A_168, %add3A_169 : i32
      %lt3A_171 = arith.constant 80 : i32
      %lt3A_172 = arith.cmpi slt, %add3A_170, %lt3A_171 : i32
      %convert_element_type3A_173 = arith.extui %lt3A_172 : i1 to i32
      %cond3A_174 = arith.constant 0 : i32
      %cond3A_175 = arith.cmpi ne, %convert_element_type3A_173, %cond3A_174 : i32
      scf.if %cond3A_175 {
        %dma_wait3A_176 = arith.constant 0 : i32
        %dma_wait3A_177 = arith.constant 0 : i32
        %dma_wait3A_178 = tpu.memref_slice %arg5[%dma_wait3A_176, %dma_wait3A_177] : memref<10112x48xf32, #tpu.memory_space<hbm>> -> memref<128x48xf32, #tpu.memory_space<hbm>>
        %dma_wait3A_179 = arith.constant 0 : i32
        %dma_wait3A_180 = arith.constant 0 : i32
        %dma_wait3A_181 = tpu.memref_slice %arg5[%dma_wait3A_179, %dma_wait3A_180] : memref<10112x48xf32, #tpu.memory_space<hbm>> -> memref<128x48xf32, #tpu.memory_space<hbm>>
        tpu.wait_dma2 semaphore(%arg23 : memref<!tpu.dma_semaphore, #tpu.memory_space<semaphore_mem>>) src(%dma_wait3A_181 : memref<128x48xf32, #tpu.memory_space<hbm>>) dst(%arg13 : memref<128x48xf32, #tpu.memory_space<vmem>>)
        %add3A_182 = arith.constant 4 : i32
        %add3A_183 = arith.addi %mul3A_80, %add3A_182 : i32
        %add3A_184 = arith.constant 3 : i32
        %add3A_185 = arith.addi %add3A_183, %add3A_184 : i32
        %dma_start3A_186 = arith.constant 0 : i32
        %dma_start3A_187 = arith.constant 0 : i32
        %dma_start3A_188 = tpu.memref_slice %arg8[%add3A_185, %dma_start3A_186, %dma_start3A_187] : memref<80x1x128xi32, #tpu.memory_space<vmem>> -> memref<1x1x128xi32, #tpu.memory_space<vmem>>
        %dma_start3A_189 = tpu.memref_squeeze %dma_start3A_188 : memref<1x1x128xi32, #tpu.memory_space<vmem>> -> memref<128xi32, #tpu.memory_space<vmem>>
        %dma_start3A_190 = arith.constant 0 : i32
        %dma_start3A_191 = arith.constant 0 : i32
        %dma_start3A_192 = tpu.memref_slice %arg2[%dma_start3A_190, %dma_start3A_191] : memref<10112x48xf32, #tpu.memory_space<hbm>> -> memref<10112x48xf32, #tpu.memory_space<hbm>>
        tpu.enqueue_indirect_dma source(%dma_start3A_192 : memref<10112x48xf32, #tpu.memory_space<hbm>>) target(%arg13 : memref<128x48xf32, #tpu.memory_space<vmem>>) offsets(%dma_start3A_189 : memref<128xi32, #tpu.memory_space<vmem>>) semaphore(%arg19 : memref<!tpu.dma_semaphore, #tpu.memory_space<semaphore_mem>>)
      } else {
      }
    }
    %scan3A_44 = arith.constant 20 : i32
    %dma_wait3A = arith.constant 0 : i32
    %dma_wait3A_45 = arith.constant 0 : i32
    %dma_wait3A_46 = tpu.memref_slice %arg5[%dma_wait3A, %dma_wait3A_45] : memref<10112x48xf32, #tpu.memory_space<hbm>> -> memref<128x48xf32, #tpu.memory_space<hbm>>
    %dma_wait3A_47 = arith.constant 0 : i32
    %dma_wait3A_48 = arith.constant 0 : i32
    %dma_wait3A_49 = tpu.memref_slice %arg5[%dma_wait3A_47, %dma_wait3A_48] : memref<10112x48xf32, #tpu.memory_space<hbm>> -> memref<128x48xf32, #tpu.memory_space<hbm>>
    tpu.wait_dma2 semaphore(%arg20 : memref<!tpu.dma_semaphore, #tpu.memory_space<semaphore_mem>>) src(%dma_wait3A_49 : memref<128x48xf32, #tpu.memory_space<hbm>>) dst(%arg10 : memref<128x48xf32, #tpu.memory_space<vmem>>)
    %dma_wait3A_50 = arith.constant 0 : i32
    %dma_wait3A_51 = arith.constant 0 : i32
    %dma_wait3A_52 = tpu.memref_slice %arg5[%dma_wait3A_50, %dma_wait3A_51] : memref<10112x48xf32, #tpu.memory_space<hbm>> -> memref<128x48xf32, #tpu.memory_space<hbm>>
    %dma_wait3A_53 = arith.constant 0 : i32
    %dma_wait3A_54 = arith.constant 0 : i32
    %dma_wait3A_55 = tpu.memref_slice %arg5[%dma_wait3A_53, %dma_wait3A_54] : memref<10112x48xf32, #tpu.memory_space<hbm>> -> memref<128x48xf32, #tpu.memory_space<hbm>>
    tpu.wait_dma2 semaphore(%arg21 : memref<!tpu.dma_semaphore, #tpu.memory_space<semaphore_mem>>) src(%dma_wait3A_55 : memref<128x48xf32, #tpu.memory_space<hbm>>) dst(%arg11 : memref<128x48xf32, #tpu.memory_space<vmem>>)
    %dma_wait3A_56 = arith.constant 0 : i32
    %dma_wait3A_57 = arith.constant 0 : i32
    %dma_wait3A_58 = tpu.memref_slice %arg5[%dma_wait3A_56, %dma_wait3A_57] : memref<10112x48xf32, #tpu.memory_space<hbm>> -> memref<128x48xf32, #tpu.memory_space<hbm>>
    %dma_wait3A_59 = arith.constant 0 : i32
    %dma_wait3A_60 = arith.constant 0 : i32
    %dma_wait3A_61 = tpu.memref_slice %arg5[%dma_wait3A_59, %dma_wait3A_60] : memref<10112x48xf32, #tpu.memory_space<hbm>> -> memref<128x48xf32, #tpu.memory_space<hbm>>
    tpu.wait_dma2 semaphore(%arg22 : memref<!tpu.dma_semaphore, #tpu.memory_space<semaphore_mem>>) src(%dma_wait3A_61 : memref<128x48xf32, #tpu.memory_space<hbm>>) dst(%arg12 : memref<128x48xf32, #tpu.memory_space<vmem>>)
    %dma_wait3A_62 = arith.constant 0 : i32
    %dma_wait3A_63 = arith.constant 0 : i32
    %dma_wait3A_64 = tpu.memref_slice %arg5[%dma_wait3A_62, %dma_wait3A_63] : memref<10112x48xf32, #tpu.memory_space<hbm>> -> memref<128x48xf32, #tpu.memory_space<hbm>>
    %dma_wait3A_65 = arith.constant 0 : i32
    %dma_wait3A_66 = arith.constant 0 : i32
    %dma_wait3A_67 = tpu.memref_slice %arg5[%dma_wait3A_65, %dma_wait3A_66] : memref<10112x48xf32, #tpu.memory_space<hbm>> -> memref<128x48xf32, #tpu.memory_space<hbm>>
    tpu.wait_dma2 semaphore(%arg23 : memref<!tpu.dma_semaphore, #tpu.memory_space<semaphore_mem>>) src(%dma_wait3A_67 : memref<128x48xf32, #tpu.memory_space<hbm>>) dst(%arg13 : memref<128x48xf32, #tpu.memory_space<vmem>>)
    %barrier3A_68 = arith.constant 0 : index
    tpu.barrier barrier_id(%barrier3A_68)
    %mul3A_69 = arith.constant 632 : i32
    %mul3A_70 = arith.muli %arg1, %mul3A_69 : i32
    "tpu.region"() ({
      %run_scoped3A = tpu.sem_alloc : memref<!tpu.dma_semaphore, #tpu.memory_space<semaphore_mem>>
      %dma_start3A_78 = arith.constant 0 : i32
      %dma_start3A_79 = tpu.memref_slice %arg15[%mul3A_70, %dma_start3A_78] : memref<10112x48xf32, #tpu.memory_space<vmem_shared>> -> memref<632x48xf32, #tpu.memory_space<vmem_shared>>
      %dma_start3A_80 = arith.constant 0 : i32
      %dma_start3A_81 = tpu.memref_slice %arg15[%mul3A_70, %dma_start3A_80] : memref<10112x48xf32, #tpu.memory_space<vmem_shared>> -> memref<632x48xf32, #tpu.memory_space<vmem_shared>>
      tpu.enqueue_dma source(%dma_start3A_81 : memref<632x48xf32, #tpu.memory_space<vmem_shared>>) target(%arg14 : memref<632x48xf32, #tpu.memory_space<vmem>>) target_semaphore(%run_scoped3A : memref<!tpu.dma_semaphore, #tpu.memory_space<semaphore_mem>>)
      %dma_wait3A_82 = arith.constant 0 : i32
      %dma_wait3A_83 = tpu.memref_slice %arg15[%mul3A_70, %dma_wait3A_82] : memref<10112x48xf32, #tpu.memory_space<vmem_shared>> -> memref<632x48xf32, #tpu.memory_space<vmem_shared>>
      %dma_wait3A_84 = arith.constant 0 : i32
      %dma_wait3A_85 = tpu.memref_slice %arg15[%mul3A_70, %dma_wait3A_84] : memref<10112x48xf32, #tpu.memory_space<vmem_shared>> -> memref<632x48xf32, #tpu.memory_space<vmem_shared>>
      tpu.wait_dma2 semaphore(%run_scoped3A : memref<!tpu.dma_semaphore, #tpu.memory_space<semaphore_mem>>) src(%dma_wait3A_85 : memref<632x48xf32, #tpu.memory_space<vmem_shared>>) dst(%arg14 : memref<632x48xf32, #tpu.memory_space<vmem>>)
      tpu.yield
    }) : () -> ()
    %eq3A = arith.constant 0 : i32
    %eq3A_71 = arith.cmpi eq, %arg0, %eq3A : i32
    %convert_element_type3A = arith.extui %eq3A_71 : i1 to i32
    %cond3A = arith.constant 0 : i32
    %cond3A_72 = arith.cmpi ne, %convert_element_type3A, %cond3A : i32
    scf.if %cond3A_72 {
      %mul3A_78 = arith.constant 632 : i32
      %mul3A_79 = arith.muli %arg1, %mul3A_78 : i32
      "tpu.region"() ({
        %run_scoped3A = tpu.sem_alloc : memref<!tpu.dma_semaphore, #tpu.memory_space<semaphore_mem>>
        %dma_start3A_80 = arith.constant 0 : i32
        %dma_start3A_81 = tpu.memref_slice %arg6[%mul3A_79, %dma_start3A_80] : memref<10112x48xf32, #tpu.memory_space<hbm>> -> memref<632x48xf32, #tpu.memory_space<hbm>>
        %dma_start3A_82 = arith.constant 0 : i32
        %dma_start3A_83 = tpu.memref_slice %arg6[%mul3A_79, %dma_start3A_82] : memref<10112x48xf32, #tpu.memory_space<hbm>> -> memref<632x48xf32, #tpu.memory_space<hbm>>
        tpu.enqueue_dma source(%arg14 : memref<632x48xf32, #tpu.memory_space<vmem>>) target(%dma_start3A_83 : memref<632x48xf32, #tpu.memory_space<hbm>>) target_semaphore(%run_scoped3A : memref<!tpu.dma_semaphore, #tpu.memory_space<semaphore_mem>>)
        %dma_wait3A_84 = arith.constant 0 : i32
        %dma_wait3A_85 = tpu.memref_slice %arg6[%mul3A_79, %dma_wait3A_84] : memref<10112x48xf32, #tpu.memory_space<hbm>> -> memref<632x48xf32, #tpu.memory_space<hbm>>
        %dma_wait3A_86 = arith.constant 0 : i32
        %dma_wait3A_87 = tpu.memref_slice %arg6[%mul3A_79, %dma_wait3A_86] : memref<10112x48xf32, #tpu.memory_space<hbm>> -> memref<632x48xf32, #tpu.memory_space<hbm>>
        tpu.wait_dma2 semaphore(%run_scoped3A : memref<!tpu.dma_semaphore, #tpu.memory_space<semaphore_mem>>) src(%arg14 : memref<632x48xf32, #tpu.memory_space<vmem>>) dst(%dma_wait3A_87 : memref<632x48xf32, #tpu.memory_space<hbm>>)
        tpu.yield
      }) : () -> ()
    } else {
    }
    %eq3A_73 = arith.constant 1 : i32
    %eq3A_74 = arith.cmpi eq, %arg0, %eq3A_73 : i32
    %convert_element_type3A_75 = arith.extui %eq3A_74 : i1 to i32
    %cond3A_76 = arith.constant 0 : i32
    %cond3A_77 = arith.cmpi ne, %convert_element_type3A_75, %cond3A_76 : i32
    scf.if %cond3A_77 {
      %mul3A_78 = arith.constant 632 : i32
      %mul3A_79 = arith.muli %arg1, %mul3A_78 : i32
      "tpu.region"() ({
        %run_scoped3A = tpu.sem_alloc : memref<!tpu.dma_semaphore, #tpu.memory_space<semaphore_mem>>
        %dma_start3A_80 = arith.constant 0 : i32
        %dma_start3A_81 = tpu.memref_slice %arg7[%mul3A_79, %dma_start3A_80] : memref<10112x48xf32, #tpu.memory_space<hbm>> -> memref<632x48xf32, #tpu.memory_space<hbm>>
        %dma_start3A_82 = arith.constant 0 : i32
        %dma_start3A_83 = tpu.memref_slice %arg7[%mul3A_79, %dma_start3A_82] : memref<10112x48xf32, #tpu.memory_space<hbm>> -> memref<632x48xf32, #tpu.memory_space<hbm>>
        tpu.enqueue_dma source(%arg14 : memref<632x48xf32, #tpu.memory_space<vmem>>) target(%dma_start3A_83 : memref<632x48xf32, #tpu.memory_space<hbm>>) target_semaphore(%run_scoped3A : memref<!tpu.dma_semaphore, #tpu.memory_space<semaphore_mem>>)
        %dma_wait3A_84 = arith.constant 0 : i32
        %dma_wait3A_85 = tpu.memref_slice %arg7[%mul3A_79, %dma_wait3A_84] : memref<10112x48xf32, #tpu.memory_space<hbm>> -> memref<632x48xf32, #tpu.memory_space<hbm>>
        %dma_wait3A_86 = arith.constant 0 : i32
        %dma_wait3A_87 = tpu.memref_slice %arg7[%mul3A_79, %dma_wait3A_86] : memref<10112x48xf32, #tpu.memory_space<hbm>> -> memref<632x48xf32, #tpu.memory_space<hbm>>
        tpu.wait_dma2 semaphore(%run_scoped3A : memref<!tpu.dma_semaphore, #tpu.memory_space<semaphore_mem>>) src(%arg14 : memref<632x48xf32, #tpu.memory_space<vmem>>) dst(%dma_wait3A_87 : memref<632x48xf32, #tpu.memory_space<hbm>>)
        tpu.yield
      }) : () -> ()
    } else {
    }
    return
  }
}

#map = affine_map<(d0, d1) -> (0, 0)>
#map1 = affine_map<(d0, d1) -> (0, 0, 0)>
module attributes {stable_mosaic.version = 14 : i64} {
  func.func @agg(%arg0: i32, %arg1: i32, %arg2: memref<10112x32xf32, #tpu.memory_space<hbm>>, %arg3: memref<10112x32xf32, #tpu.memory_space<hbm>>, %arg4: memref<10112x32xf32, #tpu.memory_space<hbm>>, %arg5: memref<10112x32xf32, #tpu.memory_space<hbm>>, %arg6: memref<2560x1x128xi32, #tpu.memory_space<hbm>>, %arg7: memref<2560x1x128xi32, #tpu.memory_space<hbm>>, %arg8: memref<10112x32xf32, #tpu.memory_space<hbm>>, %arg9: memref<10112x128xf32, #tpu.memory_space<hbm>>, %arg10: memref<160x1x128xi32, #tpu.memory_space<vmem>>, %arg11: memref<160x1x128xi32, #tpu.memory_space<vmem>>, %arg12: memref<128x32xf32, #tpu.memory_space<vmem>>, %arg13: memref<128x32xf32, #tpu.memory_space<vmem>>, %arg14: memref<128x32xf32, #tpu.memory_space<vmem>>, %arg15: memref<128x32xf32, #tpu.memory_space<vmem>>, %arg16: memref<632x32xf32, #tpu.memory_space<vmem>>, %arg17: memref<10112x32xf32, #tpu.memory_space<vmem_shared>>, %arg18: memref<!tpu.dma_semaphore, #tpu.memory_space<semaphore_mem>>, %arg19: memref<!tpu.dma_semaphore, #tpu.memory_space<semaphore_mem>>, %arg20: memref<!tpu.dma_semaphore, #tpu.memory_space<semaphore_mem>>, %arg21: memref<!tpu.dma_semaphore, #tpu.memory_space<semaphore_mem>>, %arg22: memref<!tpu.dma_semaphore, #tpu.memory_space<semaphore_mem>>, %arg23: memref<!tpu.dma_semaphore, #tpu.memory_space<semaphore_mem>>, %arg24: memref<!tpu.dma_semaphore, #tpu.memory_space<semaphore_mem>>, %arg25: memref<!tpu.dma_semaphore, #tpu.memory_space<semaphore_mem>>) attributes {dimension_semantics = [#tpu.dimension_semantics<core_parallel>, #tpu.dimension_semantics<subcore_parallel>], iteration_bounds = array<i64: 2, 16>, scalar_prefetch = 0 : i64, scratch_operands = 16 : i64, tpu.core_type = #tpu.core_type<sc_vector_subcore>, window_params = [{transform_indices = #map}, {transform_indices = #map}, {transform_indices = #map}, {transform_indices = #map}, {transform_indices = #map1}, {transform_indices = #map1}, {transform_indices = #map}, {transform_indices = #map}]} {
    %mul3A = arith.constant 160 : i32
    %mul3A_0 = arith.muli %arg1, %mul3A : i32
    "tpu.region"() ({
      %run_scoped3A = tpu.sem_alloc : memref<!tpu.dma_semaphore, #tpu.memory_space<semaphore_mem>>
      %dma_start3A = arith.constant 0 : i32
      %dma_start3A_20 = arith.constant 0 : i32
      %dma_start3A_21 = tpu.memref_slice %arg6[%mul3A_0, %dma_start3A, %dma_start3A_20] : memref<2560x1x128xi32, #tpu.memory_space<hbm>> -> memref<160x1x128xi32, #tpu.memory_space<hbm>>
      %dma_start3A_22 = arith.constant 0 : i32
      %dma_start3A_23 = arith.constant 0 : i32
      %dma_start3A_24 = tpu.memref_slice %arg6[%mul3A_0, %dma_start3A_22, %dma_start3A_23] : memref<2560x1x128xi32, #tpu.memory_space<hbm>> -> memref<160x1x128xi32, #tpu.memory_space<hbm>>
      tpu.enqueue_dma source(%dma_start3A_24 : memref<160x1x128xi32, #tpu.memory_space<hbm>>) target(%arg10 : memref<160x1x128xi32, #tpu.memory_space<vmem>>) target_semaphore(%run_scoped3A : memref<!tpu.dma_semaphore, #tpu.memory_space<semaphore_mem>>)
      %dma_wait3A = arith.constant 0 : i32
      %dma_wait3A_25 = arith.constant 0 : i32
      %dma_wait3A_26 = tpu.memref_slice %arg6[%mul3A_0, %dma_wait3A, %dma_wait3A_25] : memref<2560x1x128xi32, #tpu.memory_space<hbm>> -> memref<160x1x128xi32, #tpu.memory_space<hbm>>
      %dma_wait3A_27 = arith.constant 0 : i32
      %dma_wait3A_28 = arith.constant 0 : i32
      %dma_wait3A_29 = tpu.memref_slice %arg6[%mul3A_0, %dma_wait3A_27, %dma_wait3A_28] : memref<2560x1x128xi32, #tpu.memory_space<hbm>> -> memref<160x1x128xi32, #tpu.memory_space<hbm>>
      tpu.wait_dma2 semaphore(%run_scoped3A : memref<!tpu.dma_semaphore, #tpu.memory_space<semaphore_mem>>) src(%dma_wait3A_29 : memref<160x1x128xi32, #tpu.memory_space<hbm>>) dst(%arg10 : memref<160x1x128xi32, #tpu.memory_space<vmem>>)
      tpu.yield
    }) : () -> ()
    %mul3A_1 = arith.constant 160 : i32
    %mul3A_2 = arith.muli %arg1, %mul3A_1 : i32
    "tpu.region"() ({
      %run_scoped3A = tpu.sem_alloc : memref<!tpu.dma_semaphore, #tpu.memory_space<semaphore_mem>>
      %dma_start3A = arith.constant 0 : i32
      %dma_start3A_20 = arith.constant 0 : i32
      %dma_start3A_21 = tpu.memref_slice %arg7[%mul3A_2, %dma_start3A, %dma_start3A_20] : memref<2560x1x128xi32, #tpu.memory_space<hbm>> -> memref<160x1x128xi32, #tpu.memory_space<hbm>>
      %dma_start3A_22 = arith.constant 0 : i32
      %dma_start3A_23 = arith.constant 0 : i32
      %dma_start3A_24 = tpu.memref_slice %arg7[%mul3A_2, %dma_start3A_22, %dma_start3A_23] : memref<2560x1x128xi32, #tpu.memory_space<hbm>> -> memref<160x1x128xi32, #tpu.memory_space<hbm>>
      tpu.enqueue_dma source(%dma_start3A_24 : memref<160x1x128xi32, #tpu.memory_space<hbm>>) target(%arg11 : memref<160x1x128xi32, #tpu.memory_space<vmem>>) target_semaphore(%run_scoped3A : memref<!tpu.dma_semaphore, #tpu.memory_space<semaphore_mem>>)
      %dma_wait3A = arith.constant 0 : i32
      %dma_wait3A_25 = arith.constant 0 : i32
      %dma_wait3A_26 = tpu.memref_slice %arg7[%mul3A_2, %dma_wait3A, %dma_wait3A_25] : memref<2560x1x128xi32, #tpu.memory_space<hbm>> -> memref<160x1x128xi32, #tpu.memory_space<hbm>>
      %dma_wait3A_27 = arith.constant 0 : i32
      %dma_wait3A_28 = arith.constant 0 : i32
      %dma_wait3A_29 = tpu.memref_slice %arg7[%mul3A_2, %dma_wait3A_27, %dma_wait3A_28] : memref<2560x1x128xi32, #tpu.memory_space<hbm>> -> memref<160x1x128xi32, #tpu.memory_space<hbm>>
      tpu.wait_dma2 semaphore(%run_scoped3A : memref<!tpu.dma_semaphore, #tpu.memory_space<semaphore_mem>>) src(%dma_wait3A_29 : memref<160x1x128xi32, #tpu.memory_space<hbm>>) dst(%arg11 : memref<160x1x128xi32, #tpu.memory_space<vmem>>)
      tpu.yield
    }) : () -> ()
    %eq3A = arith.constant 0 : i32
    %eq3A_3 = arith.cmpi eq, %arg0, %eq3A : i32
    %convert_element_type3A = arith.extui %eq3A_3 : i1 to i32
    %cond3A = arith.constant 0 : i32
    %cond3A_4 = arith.cmpi ne, %convert_element_type3A, %cond3A : i32
    scf.if %cond3A_4 {
      %mul3A_20 = arith.constant 632 : i32
      %mul3A_21 = arith.muli %arg1, %mul3A_20 : i32
      "tpu.region"() ({
        %run_scoped3A = tpu.sem_alloc : memref<!tpu.dma_semaphore, #tpu.memory_space<semaphore_mem>>
        %dma_start3A_89 = arith.constant 0 : i32
        %dma_start3A_90 = tpu.memref_slice %arg8[%mul3A_21, %dma_start3A_89] : memref<10112x32xf32, #tpu.memory_space<hbm>> -> memref<632x32xf32, #tpu.memory_space<hbm>>
        %dma_start3A_91 = arith.constant 0 : i32
        %dma_start3A_92 = tpu.memref_slice %arg8[%mul3A_21, %dma_start3A_91] : memref<10112x32xf32, #tpu.memory_space<hbm>> -> memref<632x32xf32, #tpu.memory_space<hbm>>
        tpu.enqueue_dma source(%dma_start3A_92 : memref<632x32xf32, #tpu.memory_space<hbm>>) target(%arg16 : memref<632x32xf32, #tpu.memory_space<vmem>>) target_semaphore(%run_scoped3A : memref<!tpu.dma_semaphore, #tpu.memory_space<semaphore_mem>>)
        %dma_wait3A_93 = arith.constant 0 : i32
        %dma_wait3A_94 = tpu.memref_slice %arg8[%mul3A_21, %dma_wait3A_93] : memref<10112x32xf32, #tpu.memory_space<hbm>> -> memref<632x32xf32, #tpu.memory_space<hbm>>
        %dma_wait3A_95 = arith.constant 0 : i32
        %dma_wait3A_96 = tpu.memref_slice %arg8[%mul3A_21, %dma_wait3A_95] : memref<10112x32xf32, #tpu.memory_space<hbm>> -> memref<632x32xf32, #tpu.memory_space<hbm>>
        tpu.wait_dma2 semaphore(%run_scoped3A : memref<!tpu.dma_semaphore, #tpu.memory_space<semaphore_mem>>) src(%dma_wait3A_96 : memref<632x32xf32, #tpu.memory_space<hbm>>) dst(%arg16 : memref<632x32xf32, #tpu.memory_space<vmem>>)
        tpu.yield
      }) : () -> ()
      %mul3A_22 = arith.constant 632 : i32
      %mul3A_23 = arith.muli %arg1, %mul3A_22 : i32
      "tpu.region"() ({
        %run_scoped3A = tpu.sem_alloc : memref<!tpu.dma_semaphore, #tpu.memory_space<semaphore_mem>>
        %dma_start3A_89 = arith.constant 0 : i32
        %dma_start3A_90 = tpu.memref_slice %arg17[%mul3A_23, %dma_start3A_89] : memref<10112x32xf32, #tpu.memory_space<vmem_shared>> -> memref<632x32xf32, #tpu.memory_space<vmem_shared>>
        %dma_start3A_91 = arith.constant 0 : i32
        %dma_start3A_92 = tpu.memref_slice %arg17[%mul3A_23, %dma_start3A_91] : memref<10112x32xf32, #tpu.memory_space<vmem_shared>> -> memref<632x32xf32, #tpu.memory_space<vmem_shared>>
        tpu.enqueue_dma source(%arg16 : memref<632x32xf32, #tpu.memory_space<vmem>>) target(%dma_start3A_92 : memref<632x32xf32, #tpu.memory_space<vmem_shared>>) target_semaphore(%run_scoped3A : memref<!tpu.dma_semaphore, #tpu.memory_space<semaphore_mem>>)
        %dma_wait3A_93 = arith.constant 0 : i32
        %dma_wait3A_94 = tpu.memref_slice %arg17[%mul3A_23, %dma_wait3A_93] : memref<10112x32xf32, #tpu.memory_space<vmem_shared>> -> memref<632x32xf32, #tpu.memory_space<vmem_shared>>
        %dma_wait3A_95 = arith.constant 0 : i32
        %dma_wait3A_96 = tpu.memref_slice %arg17[%mul3A_23, %dma_wait3A_95] : memref<10112x32xf32, #tpu.memory_space<vmem_shared>> -> memref<632x32xf32, #tpu.memory_space<vmem_shared>>
        tpu.wait_dma2 semaphore(%run_scoped3A : memref<!tpu.dma_semaphore, #tpu.memory_space<semaphore_mem>>) src(%arg16 : memref<632x32xf32, #tpu.memory_space<vmem>>) dst(%dma_wait3A_96 : memref<632x32xf32, #tpu.memory_space<vmem_shared>>)
        tpu.yield
      }) : () -> ()
      %barrier3A = arith.constant 0 : index
      tpu.barrier barrier_id(%barrier3A)
      %dma_start3A = arith.constant 0 : i32
      %dma_start3A_24 = arith.constant 0 : i32
      %dma_start3A_25 = arith.constant 0 : i32
      %dma_start3A_26 = tpu.memref_slice %arg10[%dma_start3A, %dma_start3A_24, %dma_start3A_25] : memref<160x1x128xi32, #tpu.memory_space<vmem>> -> memref<1x1x128xi32, #tpu.memory_space<vmem>>
      %dma_start3A_27 = tpu.memref_squeeze %dma_start3A_26 : memref<1x1x128xi32, #tpu.memory_space<vmem>> -> memref<128xi32, #tpu.memory_space<vmem>>
      %dma_start3A_28 = arith.constant 0 : i32
      %dma_start3A_29 = arith.constant 0 : i32
      %dma_start3A_30 = tpu.memref_slice %arg2[%dma_start3A_28, %dma_start3A_29] : memref<10112x32xf32, #tpu.memory_space<hbm>> -> memref<10112x32xf32, #tpu.memory_space<hbm>>
      tpu.enqueue_indirect_dma source(%dma_start3A_30 : memref<10112x32xf32, #tpu.memory_space<hbm>>) target(%arg12 : memref<128x32xf32, #tpu.memory_space<vmem>>) offsets(%dma_start3A_27 : memref<128xi32, #tpu.memory_space<vmem>>) semaphore(%arg18 : memref<!tpu.dma_semaphore, #tpu.memory_space<semaphore_mem>>)
      %dma_start3A_31 = arith.constant 1 : i32
      %dma_start3A_32 = arith.constant 0 : i32
      %dma_start3A_33 = arith.constant 0 : i32
      %dma_start3A_34 = tpu.memref_slice %arg10[%dma_start3A_31, %dma_start3A_32, %dma_start3A_33] : memref<160x1x128xi32, #tpu.memory_space<vmem>> -> memref<1x1x128xi32, #tpu.memory_space<vmem>>
      %dma_start3A_35 = tpu.memref_squeeze %dma_start3A_34 : memref<1x1x128xi32, #tpu.memory_space<vmem>> -> memref<128xi32, #tpu.memory_space<vmem>>
      %dma_start3A_36 = arith.constant 0 : i32
      %dma_start3A_37 = arith.constant 0 : i32
      %dma_start3A_38 = tpu.memref_slice %arg2[%dma_start3A_36, %dma_start3A_37] : memref<10112x32xf32, #tpu.memory_space<hbm>> -> memref<10112x32xf32, #tpu.memory_space<hbm>>
      tpu.enqueue_indirect_dma source(%dma_start3A_38 : memref<10112x32xf32, #tpu.memory_space<hbm>>) target(%arg13 : memref<128x32xf32, #tpu.memory_space<vmem>>) offsets(%dma_start3A_35 : memref<128xi32, #tpu.memory_space<vmem>>) semaphore(%arg19 : memref<!tpu.dma_semaphore, #tpu.memory_space<semaphore_mem>>)
      %dma_start3A_39 = arith.constant 2 : i32
      %dma_start3A_40 = arith.constant 0 : i32
      %dma_start3A_41 = arith.constant 0 : i32
      %dma_start3A_42 = tpu.memref_slice %arg10[%dma_start3A_39, %dma_start3A_40, %dma_start3A_41] : memref<160x1x128xi32, #tpu.memory_space<vmem>> -> memref<1x1x128xi32, #tpu.memory_space<vmem>>
      %dma_start3A_43 = tpu.memref_squeeze %dma_start3A_42 : memref<1x1x128xi32, #tpu.memory_space<vmem>> -> memref<128xi32, #tpu.memory_space<vmem>>
      %dma_start3A_44 = arith.constant 0 : i32
      %dma_start3A_45 = arith.constant 0 : i32
      %dma_start3A_46 = tpu.memref_slice %arg2[%dma_start3A_44, %dma_start3A_45] : memref<10112x32xf32, #tpu.memory_space<hbm>> -> memref<10112x32xf32, #tpu.memory_space<hbm>>
      tpu.enqueue_indirect_dma source(%dma_start3A_46 : memref<10112x32xf32, #tpu.memory_space<hbm>>) target(%arg14 : memref<128x32xf32, #tpu.memory_space<vmem>>) offsets(%dma_start3A_43 : memref<128xi32, #tpu.memory_space<vmem>>) semaphore(%arg20 : memref<!tpu.dma_semaphore, #tpu.memory_space<semaphore_mem>>)
      %dma_start3A_47 = arith.constant 3 : i32
      %dma_start3A_48 = arith.constant 0 : i32
      %dma_start3A_49 = arith.constant 0 : i32
      %dma_start3A_50 = tpu.memref_slice %arg10[%dma_start3A_47, %dma_start3A_48, %dma_start3A_49] : memref<160x1x128xi32, #tpu.memory_space<vmem>> -> memref<1x1x128xi32, #tpu.memory_space<vmem>>
      %dma_start3A_51 = tpu.memref_squeeze %dma_start3A_50 : memref<1x1x128xi32, #tpu.memory_space<vmem>> -> memref<128xi32, #tpu.memory_space<vmem>>
      %dma_start3A_52 = arith.constant 0 : i32
      %dma_start3A_53 = arith.constant 0 : i32
      %dma_start3A_54 = tpu.memref_slice %arg2[%dma_start3A_52, %dma_start3A_53] : memref<10112x32xf32, #tpu.memory_space<hbm>> -> memref<10112x32xf32, #tpu.memory_space<hbm>>
      tpu.enqueue_indirect_dma source(%dma_start3A_54 : memref<10112x32xf32, #tpu.memory_space<hbm>>) target(%arg15 : memref<128x32xf32, #tpu.memory_space<vmem>>) offsets(%dma_start3A_51 : memref<128xi32, #tpu.memory_space<vmem>>) semaphore(%arg21 : memref<!tpu.dma_semaphore, #tpu.memory_space<semaphore_mem>>)
      %scan3A = arith.constant 0 : i32
      %scan3A_55 = arith.constant 0 : i32
      %scan3A_56 = arith.constant 40 : i32
      %scan3A_57 = arith.addi %scan3A_55, %scan3A_56 : i32
      %scan3A_58 = arith.constant 1 : i32
      scf.for %scan3A_89 = %scan3A_55 to %scan3A_57 step %scan3A_58  : i32 {
        %mul3A_90 = arith.constant 4 : i32
        %mul3A_91 = arith.muli %scan3A_89, %mul3A_90 : i32
        %dma_wait3A_92 = arith.constant 0 : i32
        %dma_wait3A_93 = arith.constant 0 : i32
        %dma_wait3A_94 = tpu.memref_slice %arg2[%dma_wait3A_92, %dma_wait3A_93] : memref<10112x32xf32, #tpu.memory_space<hbm>> -> memref<128x32xf32, #tpu.memory_space<hbm>>
        %dma_wait3A_95 = arith.constant 0 : i32
        %dma_wait3A_96 = arith.constant 0 : i32
        %dma_wait3A_97 = tpu.memref_slice %arg2[%dma_wait3A_95, %dma_wait3A_96] : memref<10112x32xf32, #tpu.memory_space<hbm>> -> memref<128x32xf32, #tpu.memory_space<hbm>>
        tpu.wait_dma2 semaphore(%arg18 : memref<!tpu.dma_semaphore, #tpu.memory_space<semaphore_mem>>) src(%dma_wait3A_97 : memref<128x32xf32, #tpu.memory_space<hbm>>) dst(%arg12 : memref<128x32xf32, #tpu.memory_space<vmem>>)
        %add3A = arith.constant 0 : i32
        %add3A_98 = arith.addi %mul3A_91, %add3A : i32
        %dma_start3A_99 = arith.constant 0 : i32
        %dma_start3A_100 = arith.constant 0 : i32
        %dma_start3A_101 = tpu.memref_slice %arg11[%add3A_98, %dma_start3A_99, %dma_start3A_100] : memref<160x1x128xi32, #tpu.memory_space<vmem>> -> memref<1x1x128xi32, #tpu.memory_space<vmem>>
        %dma_start3A_102 = tpu.memref_squeeze %dma_start3A_101 : memref<1x1x128xi32, #tpu.memory_space<vmem>> -> memref<128xi32, #tpu.memory_space<vmem>>
        %dma_start3A_103 = arith.constant 0 : i32
        %dma_start3A_104 = arith.constant 0 : i32
        %dma_start3A_105 = tpu.memref_slice %arg17[%dma_start3A_103, %dma_start3A_104] : memref<10112x32xf32, #tpu.memory_space<vmem_shared>> -> memref<10112x32xf32, #tpu.memory_space<vmem_shared>>
        tpu.enqueue_indirect_dma source(%arg12 : memref<128x32xf32, #tpu.memory_space<vmem>>) target(%dma_start3A_105 : memref<10112x32xf32, #tpu.memory_space<vmem_shared>>) offsets(%dma_start3A_102 : memref<128xi32, #tpu.memory_space<vmem>>) semaphore(%arg22 : memref<!tpu.dma_semaphore, #tpu.memory_space<semaphore_mem>>) {add = true}
        %dma_wait3A_106 = arith.constant 0 : i32
        %dma_wait3A_107 = arith.constant 0 : i32
        %dma_wait3A_108 = tpu.memref_slice %arg2[%dma_wait3A_106, %dma_wait3A_107] : memref<10112x32xf32, #tpu.memory_space<hbm>> -> memref<128x32xf32, #tpu.memory_space<hbm>>
        %dma_wait3A_109 = arith.constant 0 : i32
        %dma_wait3A_110 = arith.constant 0 : i32
        %dma_wait3A_111 = tpu.memref_slice %arg2[%dma_wait3A_109, %dma_wait3A_110] : memref<10112x32xf32, #tpu.memory_space<hbm>> -> memref<128x32xf32, #tpu.memory_space<hbm>>
        tpu.wait_dma2 semaphore(%arg19 : memref<!tpu.dma_semaphore, #tpu.memory_space<semaphore_mem>>) src(%dma_wait3A_111 : memref<128x32xf32, #tpu.memory_space<hbm>>) dst(%arg13 : memref<128x32xf32, #tpu.memory_space<vmem>>)
        %add3A_112 = arith.constant 1 : i32
        %add3A_113 = arith.addi %mul3A_91, %add3A_112 : i32
        %dma_start3A_114 = arith.constant 0 : i32
        %dma_start3A_115 = arith.constant 0 : i32
        %dma_start3A_116 = tpu.memref_slice %arg11[%add3A_113, %dma_start3A_114, %dma_start3A_115] : memref<160x1x128xi32, #tpu.memory_space<vmem>> -> memref<1x1x128xi32, #tpu.memory_space<vmem>>
        %dma_start3A_117 = tpu.memref_squeeze %dma_start3A_116 : memref<1x1x128xi32, #tpu.memory_space<vmem>> -> memref<128xi32, #tpu.memory_space<vmem>>
        %dma_start3A_118 = arith.constant 0 : i32
        %dma_start3A_119 = arith.constant 0 : i32
        %dma_start3A_120 = tpu.memref_slice %arg17[%dma_start3A_118, %dma_start3A_119] : memref<10112x32xf32, #tpu.memory_space<vmem_shared>> -> memref<10112x32xf32, #tpu.memory_space<vmem_shared>>
        tpu.enqueue_indirect_dma source(%arg13 : memref<128x32xf32, #tpu.memory_space<vmem>>) target(%dma_start3A_120 : memref<10112x32xf32, #tpu.memory_space<vmem_shared>>) offsets(%dma_start3A_117 : memref<128xi32, #tpu.memory_space<vmem>>) semaphore(%arg23 : memref<!tpu.dma_semaphore, #tpu.memory_space<semaphore_mem>>) {add = true}
        %dma_wait3A_121 = arith.constant 0 : i32
        %dma_wait3A_122 = arith.constant 0 : i32
        %dma_wait3A_123 = tpu.memref_slice %arg2[%dma_wait3A_121, %dma_wait3A_122] : memref<10112x32xf32, #tpu.memory_space<hbm>> -> memref<128x32xf32, #tpu.memory_space<hbm>>
        %dma_wait3A_124 = arith.constant 0 : i32
        %dma_wait3A_125 = arith.constant 0 : i32
        %dma_wait3A_126 = tpu.memref_slice %arg2[%dma_wait3A_124, %dma_wait3A_125] : memref<10112x32xf32, #tpu.memory_space<hbm>> -> memref<128x32xf32, #tpu.memory_space<hbm>>
        tpu.wait_dma2 semaphore(%arg20 : memref<!tpu.dma_semaphore, #tpu.memory_space<semaphore_mem>>) src(%dma_wait3A_126 : memref<128x32xf32, #tpu.memory_space<hbm>>) dst(%arg14 : memref<128x32xf32, #tpu.memory_space<vmem>>)
        %add3A_127 = arith.constant 2 : i32
        %add3A_128 = arith.addi %mul3A_91, %add3A_127 : i32
        %dma_start3A_129 = arith.constant 0 : i32
        %dma_start3A_130 = arith.constant 0 : i32
        %dma_start3A_131 = tpu.memref_slice %arg11[%add3A_128, %dma_start3A_129, %dma_start3A_130] : memref<160x1x128xi32, #tpu.memory_space<vmem>> -> memref<1x1x128xi32, #tpu.memory_space<vmem>>
        %dma_start3A_132 = tpu.memref_squeeze %dma_start3A_131 : memref<1x1x128xi32, #tpu.memory_space<vmem>> -> memref<128xi32, #tpu.memory_space<vmem>>
        %dma_start3A_133 = arith.constant 0 : i32
        %dma_start3A_134 = arith.constant 0 : i32
        %dma_start3A_135 = tpu.memref_slice %arg17[%dma_start3A_133, %dma_start3A_134] : memref<10112x32xf32, #tpu.memory_space<vmem_shared>> -> memref<10112x32xf32, #tpu.memory_space<vmem_shared>>
        tpu.enqueue_indirect_dma source(%arg14 : memref<128x32xf32, #tpu.memory_space<vmem>>) target(%dma_start3A_135 : memref<10112x32xf32, #tpu.memory_space<vmem_shared>>) offsets(%dma_start3A_132 : memref<128xi32, #tpu.memory_space<vmem>>) semaphore(%arg24 : memref<!tpu.dma_semaphore, #tpu.memory_space<semaphore_mem>>) {add = true}
        %dma_wait3A_136 = arith.constant 0 : i32
        %dma_wait3A_137 = arith.constant 0 : i32
        %dma_wait3A_138 = tpu.memref_slice %arg2[%dma_wait3A_136, %dma_wait3A_137] : memref<10112x32xf32, #tpu.memory_space<hbm>> -> memref<128x32xf32, #tpu.memory_space<hbm>>
        %dma_wait3A_139 = arith.constant 0 : i32
        %dma_wait3A_140 = arith.constant 0 : i32
        %dma_wait3A_141 = tpu.memref_slice %arg2[%dma_wait3A_139, %dma_wait3A_140] : memref<10112x32xf32, #tpu.memory_space<hbm>> -> memref<128x32xf32, #tpu.memory_space<hbm>>
        tpu.wait_dma2 semaphore(%arg21 : memref<!tpu.dma_semaphore, #tpu.memory_space<semaphore_mem>>) src(%dma_wait3A_141 : memref<128x32xf32, #tpu.memory_space<hbm>>) dst(%arg15 : memref<128x32xf32, #tpu.memory_space<vmem>>)
        %add3A_142 = arith.constant 3 : i32
        %add3A_143 = arith.addi %mul3A_91, %add3A_142 : i32
        %dma_start3A_144 = arith.constant 0 : i32
        %dma_start3A_145 = arith.constant 0 : i32
        %dma_start3A_146 = tpu.memref_slice %arg11[%add3A_143, %dma_start3A_144, %dma_start3A_145] : memref<160x1x128xi32, #tpu.memory_space<vmem>> -> memref<1x1x128xi32, #tpu.memory_space<vmem>>
        %dma_start3A_147 = tpu.memref_squeeze %dma_start3A_146 : memref<1x1x128xi32, #tpu.memory_space<vmem>> -> memref<128xi32, #tpu.memory_space<vmem>>
        %dma_start3A_148 = arith.constant 0 : i32
        %dma_start3A_149 = arith.constant 0 : i32
        %dma_start3A_150 = tpu.memref_slice %arg17[%dma_start3A_148, %dma_start3A_149] : memref<10112x32xf32, #tpu.memory_space<vmem_shared>> -> memref<10112x32xf32, #tpu.memory_space<vmem_shared>>
        tpu.enqueue_indirect_dma source(%arg15 : memref<128x32xf32, #tpu.memory_space<vmem>>) target(%dma_start3A_150 : memref<10112x32xf32, #tpu.memory_space<vmem_shared>>) offsets(%dma_start3A_147 : memref<128xi32, #tpu.memory_space<vmem>>) semaphore(%arg25 : memref<!tpu.dma_semaphore, #tpu.memory_space<semaphore_mem>>) {add = true}
        %add3A_151 = arith.constant 4 : i32
        %add3A_152 = arith.addi %mul3A_91, %add3A_151 : i32
        %add3A_153 = arith.constant 0 : i32
        %add3A_154 = arith.addi %add3A_152, %add3A_153 : i32
        %lt3A = arith.constant 160 : i32
        %lt3A_155 = arith.cmpi slt, %add3A_154, %lt3A : i32
        %convert_element_type3A_156 = arith.extui %lt3A_155 : i1 to i32
        %cond3A_157 = arith.constant 0 : i32
        %cond3A_158 = arith.cmpi ne, %convert_element_type3A_156, %cond3A_157 : i32
        scf.if %cond3A_158 {
          %dma_wait3A_186 = arith.constant 0 : i32
          %dma_wait3A_187 = arith.constant 0 : i32
          %dma_wait3A_188 = tpu.memref_slice %arg2[%dma_wait3A_186, %dma_wait3A_187] : memref<10112x32xf32, #tpu.memory_space<hbm>> -> memref<128x32xf32, #tpu.memory_space<hbm>>
          %dma_wait3A_189 = arith.constant 0 : i32
          %dma_wait3A_190 = arith.constant 0 : i32
          %dma_wait3A_191 = tpu.memref_slice %arg2[%dma_wait3A_189, %dma_wait3A_190] : memref<10112x32xf32, #tpu.memory_space<hbm>> -> memref<128x32xf32, #tpu.memory_space<hbm>>
          tpu.wait_dma2 semaphore(%arg22 : memref<!tpu.dma_semaphore, #tpu.memory_space<semaphore_mem>>) src(%dma_wait3A_191 : memref<128x32xf32, #tpu.memory_space<hbm>>) dst(%arg12 : memref<128x32xf32, #tpu.memory_space<vmem>>)
          %add3A_192 = arith.constant 4 : i32
          %add3A_193 = arith.addi %mul3A_91, %add3A_192 : i32
          %add3A_194 = arith.constant 0 : i32
          %add3A_195 = arith.addi %add3A_193, %add3A_194 : i32
          %dma_start3A_196 = arith.constant 0 : i32
          %dma_start3A_197 = arith.constant 0 : i32
          %dma_start3A_198 = tpu.memref_slice %arg10[%add3A_195, %dma_start3A_196, %dma_start3A_197] : memref<160x1x128xi32, #tpu.memory_space<vmem>> -> memref<1x1x128xi32, #tpu.memory_space<vmem>>
          %dma_start3A_199 = tpu.memref_squeeze %dma_start3A_198 : memref<1x1x128xi32, #tpu.memory_space<vmem>> -> memref<128xi32, #tpu.memory_space<vmem>>
          %dma_start3A_200 = arith.constant 0 : i32
          %dma_start3A_201 = arith.constant 0 : i32
          %dma_start3A_202 = tpu.memref_slice %arg2[%dma_start3A_200, %dma_start3A_201] : memref<10112x32xf32, #tpu.memory_space<hbm>> -> memref<10112x32xf32, #tpu.memory_space<hbm>>
          tpu.enqueue_indirect_dma source(%dma_start3A_202 : memref<10112x32xf32, #tpu.memory_space<hbm>>) target(%arg12 : memref<128x32xf32, #tpu.memory_space<vmem>>) offsets(%dma_start3A_199 : memref<128xi32, #tpu.memory_space<vmem>>) semaphore(%arg18 : memref<!tpu.dma_semaphore, #tpu.memory_space<semaphore_mem>>)
        } else {
        }
        %add3A_159 = arith.constant 4 : i32
        %add3A_160 = arith.addi %mul3A_91, %add3A_159 : i32
        %add3A_161 = arith.constant 1 : i32
        %add3A_162 = arith.addi %add3A_160, %add3A_161 : i32
        %lt3A_163 = arith.constant 160 : i32
        %lt3A_164 = arith.cmpi slt, %add3A_162, %lt3A_163 : i32
        %convert_element_type3A_165 = arith.extui %lt3A_164 : i1 to i32
        %cond3A_166 = arith.constant 0 : i32
        %cond3A_167 = arith.cmpi ne, %convert_element_type3A_165, %cond3A_166 : i32
        scf.if %cond3A_167 {
          %dma_wait3A_186 = arith.constant 0 : i32
          %dma_wait3A_187 = arith.constant 0 : i32
          %dma_wait3A_188 = tpu.memref_slice %arg2[%dma_wait3A_186, %dma_wait3A_187] : memref<10112x32xf32, #tpu.memory_space<hbm>> -> memref<128x32xf32, #tpu.memory_space<hbm>>
          %dma_wait3A_189 = arith.constant 0 : i32
          %dma_wait3A_190 = arith.constant 0 : i32
          %dma_wait3A_191 = tpu.memref_slice %arg2[%dma_wait3A_189, %dma_wait3A_190] : memref<10112x32xf32, #tpu.memory_space<hbm>> -> memref<128x32xf32, #tpu.memory_space<hbm>>
          tpu.wait_dma2 semaphore(%arg23 : memref<!tpu.dma_semaphore, #tpu.memory_space<semaphore_mem>>) src(%dma_wait3A_191 : memref<128x32xf32, #tpu.memory_space<hbm>>) dst(%arg13 : memref<128x32xf32, #tpu.memory_space<vmem>>)
          %add3A_192 = arith.constant 4 : i32
          %add3A_193 = arith.addi %mul3A_91, %add3A_192 : i32
          %add3A_194 = arith.constant 1 : i32
          %add3A_195 = arith.addi %add3A_193, %add3A_194 : i32
          %dma_start3A_196 = arith.constant 0 : i32
          %dma_start3A_197 = arith.constant 0 : i32
          %dma_start3A_198 = tpu.memref_slice %arg10[%add3A_195, %dma_start3A_196, %dma_start3A_197] : memref<160x1x128xi32, #tpu.memory_space<vmem>> -> memref<1x1x128xi32, #tpu.memory_space<vmem>>
          %dma_start3A_199 = tpu.memref_squeeze %dma_start3A_198 : memref<1x1x128xi32, #tpu.memory_space<vmem>> -> memref<128xi32, #tpu.memory_space<vmem>>
          %dma_start3A_200 = arith.constant 0 : i32
          %dma_start3A_201 = arith.constant 0 : i32
          %dma_start3A_202 = tpu.memref_slice %arg2[%dma_start3A_200, %dma_start3A_201] : memref<10112x32xf32, #tpu.memory_space<hbm>> -> memref<10112x32xf32, #tpu.memory_space<hbm>>
          tpu.enqueue_indirect_dma source(%dma_start3A_202 : memref<10112x32xf32, #tpu.memory_space<hbm>>) target(%arg13 : memref<128x32xf32, #tpu.memory_space<vmem>>) offsets(%dma_start3A_199 : memref<128xi32, #tpu.memory_space<vmem>>) semaphore(%arg19 : memref<!tpu.dma_semaphore, #tpu.memory_space<semaphore_mem>>)
        } else {
        }
        %add3A_168 = arith.constant 4 : i32
        %add3A_169 = arith.addi %mul3A_91, %add3A_168 : i32
        %add3A_170 = arith.constant 2 : i32
        %add3A_171 = arith.addi %add3A_169, %add3A_170 : i32
        %lt3A_172 = arith.constant 160 : i32
        %lt3A_173 = arith.cmpi slt, %add3A_171, %lt3A_172 : i32
        %convert_element_type3A_174 = arith.extui %lt3A_173 : i1 to i32
        %cond3A_175 = arith.constant 0 : i32
        %cond3A_176 = arith.cmpi ne, %convert_element_type3A_174, %cond3A_175 : i32
        scf.if %cond3A_176 {
          %dma_wait3A_186 = arith.constant 0 : i32
          %dma_wait3A_187 = arith.constant 0 : i32
          %dma_wait3A_188 = tpu.memref_slice %arg2[%dma_wait3A_186, %dma_wait3A_187] : memref<10112x32xf32, #tpu.memory_space<hbm>> -> memref<128x32xf32, #tpu.memory_space<hbm>>
          %dma_wait3A_189 = arith.constant 0 : i32
          %dma_wait3A_190 = arith.constant 0 : i32
          %dma_wait3A_191 = tpu.memref_slice %arg2[%dma_wait3A_189, %dma_wait3A_190] : memref<10112x32xf32, #tpu.memory_space<hbm>> -> memref<128x32xf32, #tpu.memory_space<hbm>>
          tpu.wait_dma2 semaphore(%arg24 : memref<!tpu.dma_semaphore, #tpu.memory_space<semaphore_mem>>) src(%dma_wait3A_191 : memref<128x32xf32, #tpu.memory_space<hbm>>) dst(%arg14 : memref<128x32xf32, #tpu.memory_space<vmem>>)
          %add3A_192 = arith.constant 4 : i32
          %add3A_193 = arith.addi %mul3A_91, %add3A_192 : i32
          %add3A_194 = arith.constant 2 : i32
          %add3A_195 = arith.addi %add3A_193, %add3A_194 : i32
          %dma_start3A_196 = arith.constant 0 : i32
          %dma_start3A_197 = arith.constant 0 : i32
          %dma_start3A_198 = tpu.memref_slice %arg10[%add3A_195, %dma_start3A_196, %dma_start3A_197] : memref<160x1x128xi32, #tpu.memory_space<vmem>> -> memref<1x1x128xi32, #tpu.memory_space<vmem>>
          %dma_start3A_199 = tpu.memref_squeeze %dma_start3A_198 : memref<1x1x128xi32, #tpu.memory_space<vmem>> -> memref<128xi32, #tpu.memory_space<vmem>>
          %dma_start3A_200 = arith.constant 0 : i32
          %dma_start3A_201 = arith.constant 0 : i32
          %dma_start3A_202 = tpu.memref_slice %arg2[%dma_start3A_200, %dma_start3A_201] : memref<10112x32xf32, #tpu.memory_space<hbm>> -> memref<10112x32xf32, #tpu.memory_space<hbm>>
          tpu.enqueue_indirect_dma source(%dma_start3A_202 : memref<10112x32xf32, #tpu.memory_space<hbm>>) target(%arg14 : memref<128x32xf32, #tpu.memory_space<vmem>>) offsets(%dma_start3A_199 : memref<128xi32, #tpu.memory_space<vmem>>) semaphore(%arg20 : memref<!tpu.dma_semaphore, #tpu.memory_space<semaphore_mem>>)
        } else {
        }
        %add3A_177 = arith.constant 4 : i32
        %add3A_178 = arith.addi %mul3A_91, %add3A_177 : i32
        %add3A_179 = arith.constant 3 : i32
        %add3A_180 = arith.addi %add3A_178, %add3A_179 : i32
        %lt3A_181 = arith.constant 160 : i32
        %lt3A_182 = arith.cmpi slt, %add3A_180, %lt3A_181 : i32
        %convert_element_type3A_183 = arith.extui %lt3A_182 : i1 to i32
        %cond3A_184 = arith.constant 0 : i32
        %cond3A_185 = arith.cmpi ne, %convert_element_type3A_183, %cond3A_184 : i32
        scf.if %cond3A_185 {
          %dma_wait3A_186 = arith.constant 0 : i32
          %dma_wait3A_187 = arith.constant 0 : i32
          %dma_wait3A_188 = tpu.memref_slice %arg2[%dma_wait3A_186, %dma_wait3A_187] : memref<10112x32xf32, #tpu.memory_space<hbm>> -> memref<128x32xf32, #tpu.memory_space<hbm>>
          %dma_wait3A_189 = arith.constant 0 : i32
          %dma_wait3A_190 = arith.constant 0 : i32
          %dma_wait3A_191 = tpu.memref_slice %arg2[%dma_wait3A_189, %dma_wait3A_190] : memref<10112x32xf32, #tpu.memory_space<hbm>> -> memref<128x32xf32, #tpu.memory_space<hbm>>
          tpu.wait_dma2 semaphore(%arg25 : memref<!tpu.dma_semaphore, #tpu.memory_space<semaphore_mem>>) src(%dma_wait3A_191 : memref<128x32xf32, #tpu.memory_space<hbm>>) dst(%arg15 : memref<128x32xf32, #tpu.memory_space<vmem>>)
          %add3A_192 = arith.constant 4 : i32
          %add3A_193 = arith.addi %mul3A_91, %add3A_192 : i32
          %add3A_194 = arith.constant 3 : i32
          %add3A_195 = arith.addi %add3A_193, %add3A_194 : i32
          %dma_start3A_196 = arith.constant 0 : i32
          %dma_start3A_197 = arith.constant 0 : i32
          %dma_start3A_198 = tpu.memref_slice %arg10[%add3A_195, %dma_start3A_196, %dma_start3A_197] : memref<160x1x128xi32, #tpu.memory_space<vmem>> -> memref<1x1x128xi32, #tpu.memory_space<vmem>>
          %dma_start3A_199 = tpu.memref_squeeze %dma_start3A_198 : memref<1x1x128xi32, #tpu.memory_space<vmem>> -> memref<128xi32, #tpu.memory_space<vmem>>
          %dma_start3A_200 = arith.constant 0 : i32
          %dma_start3A_201 = arith.constant 0 : i32
          %dma_start3A_202 = tpu.memref_slice %arg2[%dma_start3A_200, %dma_start3A_201] : memref<10112x32xf32, #tpu.memory_space<hbm>> -> memref<10112x32xf32, #tpu.memory_space<hbm>>
          tpu.enqueue_indirect_dma source(%dma_start3A_202 : memref<10112x32xf32, #tpu.memory_space<hbm>>) target(%arg15 : memref<128x32xf32, #tpu.memory_space<vmem>>) offsets(%dma_start3A_199 : memref<128xi32, #tpu.memory_space<vmem>>) semaphore(%arg21 : memref<!tpu.dma_semaphore, #tpu.memory_space<semaphore_mem>>)
        } else {
        }
      }
      %scan3A_59 = arith.constant 40 : i32
      %dma_wait3A = arith.constant 0 : i32
      %dma_wait3A_60 = arith.constant 0 : i32
      %dma_wait3A_61 = tpu.memref_slice %arg2[%dma_wait3A, %dma_wait3A_60] : memref<10112x32xf32, #tpu.memory_space<hbm>> -> memref<128x32xf32, #tpu.memory_space<hbm>>
      %dma_wait3A_62 = arith.constant 0 : i32
      %dma_wait3A_63 = arith.constant 0 : i32
      %dma_wait3A_64 = tpu.memref_slice %arg2[%dma_wait3A_62, %dma_wait3A_63] : memref<10112x32xf32, #tpu.memory_space<hbm>> -> memref<128x32xf32, #tpu.memory_space<hbm>>
      tpu.wait_dma2 semaphore(%arg22 : memref<!tpu.dma_semaphore, #tpu.memory_space<semaphore_mem>>) src(%dma_wait3A_64 : memref<128x32xf32, #tpu.memory_space<hbm>>) dst(%arg12 : memref<128x32xf32, #tpu.memory_space<vmem>>)
      %dma_wait3A_65 = arith.constant 0 : i32
      %dma_wait3A_66 = arith.constant 0 : i32
      %dma_wait3A_67 = tpu.memref_slice %arg2[%dma_wait3A_65, %dma_wait3A_66] : memref<10112x32xf32, #tpu.memory_space<hbm>> -> memref<128x32xf32, #tpu.memory_space<hbm>>
      %dma_wait3A_68 = arith.constant 0 : i32
      %dma_wait3A_69 = arith.constant 0 : i32
      %dma_wait3A_70 = tpu.memref_slice %arg2[%dma_wait3A_68, %dma_wait3A_69] : memref<10112x32xf32, #tpu.memory_space<hbm>> -> memref<128x32xf32, #tpu.memory_space<hbm>>
      tpu.wait_dma2 semaphore(%arg23 : memref<!tpu.dma_semaphore, #tpu.memory_space<semaphore_mem>>) src(%dma_wait3A_70 : memref<128x32xf32, #tpu.memory_space<hbm>>) dst(%arg13 : memref<128x32xf32, #tpu.memory_space<vmem>>)
      %dma_wait3A_71 = arith.constant 0 : i32
      %dma_wait3A_72 = arith.constant 0 : i32
      %dma_wait3A_73 = tpu.memref_slice %arg2[%dma_wait3A_71, %dma_wait3A_72] : memref<10112x32xf32, #tpu.memory_space<hbm>> -> memref<128x32xf32, #tpu.memory_space<hbm>>
      %dma_wait3A_74 = arith.constant 0 : i32
      %dma_wait3A_75 = arith.constant 0 : i32
      %dma_wait3A_76 = tpu.memref_slice %arg2[%dma_wait3A_74, %dma_wait3A_75] : memref<10112x32xf32, #tpu.memory_space<hbm>> -> memref<128x32xf32, #tpu.memory_space<hbm>>
      tpu.wait_dma2 semaphore(%arg24 : memref<!tpu.dma_semaphore, #tpu.memory_space<semaphore_mem>>) src(%dma_wait3A_76 : memref<128x32xf32, #tpu.memory_space<hbm>>) dst(%arg14 : memref<128x32xf32, #tpu.memory_space<vmem>>)
      %dma_wait3A_77 = arith.constant 0 : i32
      %dma_wait3A_78 = arith.constant 0 : i32
      %dma_wait3A_79 = tpu.memref_slice %arg2[%dma_wait3A_77, %dma_wait3A_78] : memref<10112x32xf32, #tpu.memory_space<hbm>> -> memref<128x32xf32, #tpu.memory_space<hbm>>
      %dma_wait3A_80 = arith.constant 0 : i32
      %dma_wait3A_81 = arith.constant 0 : i32
      %dma_wait3A_82 = tpu.memref_slice %arg2[%dma_wait3A_80, %dma_wait3A_81] : memref<10112x32xf32, #tpu.memory_space<hbm>> -> memref<128x32xf32, #tpu.memory_space<hbm>>
      tpu.wait_dma2 semaphore(%arg25 : memref<!tpu.dma_semaphore, #tpu.memory_space<semaphore_mem>>) src(%dma_wait3A_82 : memref<128x32xf32, #tpu.memory_space<hbm>>) dst(%arg15 : memref<128x32xf32, #tpu.memory_space<vmem>>)
      %barrier3A_83 = arith.constant 0 : index
      tpu.barrier barrier_id(%barrier3A_83)
      %mul3A_84 = arith.constant 632 : i32
      %mul3A_85 = arith.muli %arg1, %mul3A_84 : i32
      "tpu.region"() ({
        %run_scoped3A = tpu.sem_alloc : memref<!tpu.dma_semaphore, #tpu.memory_space<semaphore_mem>>
        %dma_start3A_89 = arith.constant 0 : i32
        %dma_start3A_90 = tpu.memref_slice %arg17[%mul3A_85, %dma_start3A_89] : memref<10112x32xf32, #tpu.memory_space<vmem_shared>> -> memref<632x32xf32, #tpu.memory_space<vmem_shared>>
        %dma_start3A_91 = arith.constant 0 : i32
        %dma_start3A_92 = tpu.memref_slice %arg17[%mul3A_85, %dma_start3A_91] : memref<10112x32xf32, #tpu.memory_space<vmem_shared>> -> memref<632x32xf32, #tpu.memory_space<vmem_shared>>
        tpu.enqueue_dma source(%dma_start3A_92 : memref<632x32xf32, #tpu.memory_space<vmem_shared>>) target(%arg16 : memref<632x32xf32, #tpu.memory_space<vmem>>) target_semaphore(%run_scoped3A : memref<!tpu.dma_semaphore, #tpu.memory_space<semaphore_mem>>)
        %dma_wait3A_93 = arith.constant 0 : i32
        %dma_wait3A_94 = tpu.memref_slice %arg17[%mul3A_85, %dma_wait3A_93] : memref<10112x32xf32, #tpu.memory_space<vmem_shared>> -> memref<632x32xf32, #tpu.memory_space<vmem_shared>>
        %dma_wait3A_95 = arith.constant 0 : i32
        %dma_wait3A_96 = tpu.memref_slice %arg17[%mul3A_85, %dma_wait3A_95] : memref<10112x32xf32, #tpu.memory_space<vmem_shared>> -> memref<632x32xf32, #tpu.memory_space<vmem_shared>>
        tpu.wait_dma2 semaphore(%run_scoped3A : memref<!tpu.dma_semaphore, #tpu.memory_space<semaphore_mem>>) src(%dma_wait3A_96 : memref<632x32xf32, #tpu.memory_space<vmem_shared>>) dst(%arg16 : memref<632x32xf32, #tpu.memory_space<vmem>>)
        tpu.yield
      }) : () -> ()
      %mul3A_86 = arith.constant 632 : i32
      %mul3A_87 = arith.muli %arg1, %mul3A_86 : i32
      "tpu.region"() ({
        %run_scoped3A = tpu.sem_alloc : memref<!tpu.dma_semaphore, #tpu.memory_space<semaphore_mem>>
        %dma_start3A_89 = arith.constant 0 : i32
        %dma_start3A_90 = tpu.memref_slice %arg9[%mul3A_87, %dma_start3A_89] : memref<10112x128xf32, #tpu.memory_space<hbm>> -> memref<632x32xf32, #tpu.memory_space<hbm>>
        %dma_start3A_91 = arith.constant 0 : i32
        %dma_start3A_92 = tpu.memref_slice %arg9[%mul3A_87, %dma_start3A_91] : memref<10112x128xf32, #tpu.memory_space<hbm>> -> memref<632x32xf32, #tpu.memory_space<hbm>>
        tpu.enqueue_dma source(%arg16 : memref<632x32xf32, #tpu.memory_space<vmem>>) target(%dma_start3A_92 : memref<632x32xf32, #tpu.memory_space<hbm>>) target_semaphore(%run_scoped3A : memref<!tpu.dma_semaphore, #tpu.memory_space<semaphore_mem>>)
        %dma_wait3A_93 = arith.constant 0 : i32
        %dma_wait3A_94 = tpu.memref_slice %arg9[%mul3A_87, %dma_wait3A_93] : memref<10112x128xf32, #tpu.memory_space<hbm>> -> memref<632x32xf32, #tpu.memory_space<hbm>>
        %dma_wait3A_95 = arith.constant 0 : i32
        %dma_wait3A_96 = tpu.memref_slice %arg9[%mul3A_87, %dma_wait3A_95] : memref<10112x128xf32, #tpu.memory_space<hbm>> -> memref<632x32xf32, #tpu.memory_space<hbm>>
        tpu.wait_dma2 semaphore(%run_scoped3A : memref<!tpu.dma_semaphore, #tpu.memory_space<semaphore_mem>>) src(%arg16 : memref<632x32xf32, #tpu.memory_space<vmem>>) dst(%dma_wait3A_96 : memref<632x32xf32, #tpu.memory_space<hbm>>)
        tpu.yield
      }) : () -> ()
      %barrier3A_88 = arith.constant 0 : index
      tpu.barrier barrier_id(%barrier3A_88)
    } else {
    }
    %eq3A_5 = arith.constant 1 : i32
    %eq3A_6 = arith.cmpi eq, %arg0, %eq3A_5 : i32
    %convert_element_type3A_7 = arith.extui %eq3A_6 : i1 to i32
    %cond3A_8 = arith.constant 0 : i32
    %cond3A_9 = arith.cmpi ne, %convert_element_type3A_7, %cond3A_8 : i32
    scf.if %cond3A_9 {
      %mul3A_20 = arith.constant 632 : i32
      %mul3A_21 = arith.muli %arg1, %mul3A_20 : i32
      "tpu.region"() ({
        %run_scoped3A = tpu.sem_alloc : memref<!tpu.dma_semaphore, #tpu.memory_space<semaphore_mem>>
        %dma_start3A_89 = arith.constant 0 : i32
        %dma_start3A_90 = tpu.memref_slice %arg8[%mul3A_21, %dma_start3A_89] : memref<10112x32xf32, #tpu.memory_space<hbm>> -> memref<632x32xf32, #tpu.memory_space<hbm>>
        %dma_start3A_91 = arith.constant 0 : i32
        %dma_start3A_92 = tpu.memref_slice %arg8[%mul3A_21, %dma_start3A_91] : memref<10112x32xf32, #tpu.memory_space<hbm>> -> memref<632x32xf32, #tpu.memory_space<hbm>>
        tpu.enqueue_dma source(%dma_start3A_92 : memref<632x32xf32, #tpu.memory_space<hbm>>) target(%arg16 : memref<632x32xf32, #tpu.memory_space<vmem>>) target_semaphore(%run_scoped3A : memref<!tpu.dma_semaphore, #tpu.memory_space<semaphore_mem>>)
        %dma_wait3A_93 = arith.constant 0 : i32
        %dma_wait3A_94 = tpu.memref_slice %arg8[%mul3A_21, %dma_wait3A_93] : memref<10112x32xf32, #tpu.memory_space<hbm>> -> memref<632x32xf32, #tpu.memory_space<hbm>>
        %dma_wait3A_95 = arith.constant 0 : i32
        %dma_wait3A_96 = tpu.memref_slice %arg8[%mul3A_21, %dma_wait3A_95] : memref<10112x32xf32, #tpu.memory_space<hbm>> -> memref<632x32xf32, #tpu.memory_space<hbm>>
        tpu.wait_dma2 semaphore(%run_scoped3A : memref<!tpu.dma_semaphore, #tpu.memory_space<semaphore_mem>>) src(%dma_wait3A_96 : memref<632x32xf32, #tpu.memory_space<hbm>>) dst(%arg16 : memref<632x32xf32, #tpu.memory_space<vmem>>)
        tpu.yield
      }) : () -> ()
      %mul3A_22 = arith.constant 632 : i32
      %mul3A_23 = arith.muli %arg1, %mul3A_22 : i32
      "tpu.region"() ({
        %run_scoped3A = tpu.sem_alloc : memref<!tpu.dma_semaphore, #tpu.memory_space<semaphore_mem>>
        %dma_start3A_89 = arith.constant 0 : i32
        %dma_start3A_90 = tpu.memref_slice %arg17[%mul3A_23, %dma_start3A_89] : memref<10112x32xf32, #tpu.memory_space<vmem_shared>> -> memref<632x32xf32, #tpu.memory_space<vmem_shared>>
        %dma_start3A_91 = arith.constant 0 : i32
        %dma_start3A_92 = tpu.memref_slice %arg17[%mul3A_23, %dma_start3A_91] : memref<10112x32xf32, #tpu.memory_space<vmem_shared>> -> memref<632x32xf32, #tpu.memory_space<vmem_shared>>
        tpu.enqueue_dma source(%arg16 : memref<632x32xf32, #tpu.memory_space<vmem>>) target(%dma_start3A_92 : memref<632x32xf32, #tpu.memory_space<vmem_shared>>) target_semaphore(%run_scoped3A : memref<!tpu.dma_semaphore, #tpu.memory_space<semaphore_mem>>)
        %dma_wait3A_93 = arith.constant 0 : i32
        %dma_wait3A_94 = tpu.memref_slice %arg17[%mul3A_23, %dma_wait3A_93] : memref<10112x32xf32, #tpu.memory_space<vmem_shared>> -> memref<632x32xf32, #tpu.memory_space<vmem_shared>>
        %dma_wait3A_95 = arith.constant 0 : i32
        %dma_wait3A_96 = tpu.memref_slice %arg17[%mul3A_23, %dma_wait3A_95] : memref<10112x32xf32, #tpu.memory_space<vmem_shared>> -> memref<632x32xf32, #tpu.memory_space<vmem_shared>>
        tpu.wait_dma2 semaphore(%run_scoped3A : memref<!tpu.dma_semaphore, #tpu.memory_space<semaphore_mem>>) src(%arg16 : memref<632x32xf32, #tpu.memory_space<vmem>>) dst(%dma_wait3A_96 : memref<632x32xf32, #tpu.memory_space<vmem_shared>>)
        tpu.yield
      }) : () -> ()
      %barrier3A = arith.constant 0 : index
      tpu.barrier barrier_id(%barrier3A)
      %dma_start3A = arith.constant 0 : i32
      %dma_start3A_24 = arith.constant 0 : i32
      %dma_start3A_25 = arith.constant 0 : i32
      %dma_start3A_26 = tpu.memref_slice %arg10[%dma_start3A, %dma_start3A_24, %dma_start3A_25] : memref<160x1x128xi32, #tpu.memory_space<vmem>> -> memref<1x1x128xi32, #tpu.memory_space<vmem>>
      %dma_start3A_27 = tpu.memref_squeeze %dma_start3A_26 : memref<1x1x128xi32, #tpu.memory_space<vmem>> -> memref<128xi32, #tpu.memory_space<vmem>>
      %dma_start3A_28 = arith.constant 0 : i32
      %dma_start3A_29 = arith.constant 0 : i32
      %dma_start3A_30 = tpu.memref_slice %arg4[%dma_start3A_28, %dma_start3A_29] : memref<10112x32xf32, #tpu.memory_space<hbm>> -> memref<10112x32xf32, #tpu.memory_space<hbm>>
      tpu.enqueue_indirect_dma source(%dma_start3A_30 : memref<10112x32xf32, #tpu.memory_space<hbm>>) target(%arg12 : memref<128x32xf32, #tpu.memory_space<vmem>>) offsets(%dma_start3A_27 : memref<128xi32, #tpu.memory_space<vmem>>) semaphore(%arg18 : memref<!tpu.dma_semaphore, #tpu.memory_space<semaphore_mem>>)
      %dma_start3A_31 = arith.constant 1 : i32
      %dma_start3A_32 = arith.constant 0 : i32
      %dma_start3A_33 = arith.constant 0 : i32
      %dma_start3A_34 = tpu.memref_slice %arg10[%dma_start3A_31, %dma_start3A_32, %dma_start3A_33] : memref<160x1x128xi32, #tpu.memory_space<vmem>> -> memref<1x1x128xi32, #tpu.memory_space<vmem>>
      %dma_start3A_35 = tpu.memref_squeeze %dma_start3A_34 : memref<1x1x128xi32, #tpu.memory_space<vmem>> -> memref<128xi32, #tpu.memory_space<vmem>>
      %dma_start3A_36 = arith.constant 0 : i32
      %dma_start3A_37 = arith.constant 0 : i32
      %dma_start3A_38 = tpu.memref_slice %arg4[%dma_start3A_36, %dma_start3A_37] : memref<10112x32xf32, #tpu.memory_space<hbm>> -> memref<10112x32xf32, #tpu.memory_space<hbm>>
      tpu.enqueue_indirect_dma source(%dma_start3A_38 : memref<10112x32xf32, #tpu.memory_space<hbm>>) target(%arg13 : memref<128x32xf32, #tpu.memory_space<vmem>>) offsets(%dma_start3A_35 : memref<128xi32, #tpu.memory_space<vmem>>) semaphore(%arg19 : memref<!tpu.dma_semaphore, #tpu.memory_space<semaphore_mem>>)
      %dma_start3A_39 = arith.constant 2 : i32
      %dma_start3A_40 = arith.constant 0 : i32
      %dma_start3A_41 = arith.constant 0 : i32
      %dma_start3A_42 = tpu.memref_slice %arg10[%dma_start3A_39, %dma_start3A_40, %dma_start3A_41] : memref<160x1x128xi32, #tpu.memory_space<vmem>> -> memref<1x1x128xi32, #tpu.memory_space<vmem>>
      %dma_start3A_43 = tpu.memref_squeeze %dma_start3A_42 : memref<1x1x128xi32, #tpu.memory_space<vmem>> -> memref<128xi32, #tpu.memory_space<vmem>>
      %dma_start3A_44 = arith.constant 0 : i32
      %dma_start3A_45 = arith.constant 0 : i32
      %dma_start3A_46 = tpu.memref_slice %arg4[%dma_start3A_44, %dma_start3A_45] : memref<10112x32xf32, #tpu.memory_space<hbm>> -> memref<10112x32xf32, #tpu.memory_space<hbm>>
      tpu.enqueue_indirect_dma source(%dma_start3A_46 : memref<10112x32xf32, #tpu.memory_space<hbm>>) target(%arg14 : memref<128x32xf32, #tpu.memory_space<vmem>>) offsets(%dma_start3A_43 : memref<128xi32, #tpu.memory_space<vmem>>) semaphore(%arg20 : memref<!tpu.dma_semaphore, #tpu.memory_space<semaphore_mem>>)
      %dma_start3A_47 = arith.constant 3 : i32
      %dma_start3A_48 = arith.constant 0 : i32
      %dma_start3A_49 = arith.constant 0 : i32
      %dma_start3A_50 = tpu.memref_slice %arg10[%dma_start3A_47, %dma_start3A_48, %dma_start3A_49] : memref<160x1x128xi32, #tpu.memory_space<vmem>> -> memref<1x1x128xi32, #tpu.memory_space<vmem>>
      %dma_start3A_51 = tpu.memref_squeeze %dma_start3A_50 : memref<1x1x128xi32, #tpu.memory_space<vmem>> -> memref<128xi32, #tpu.memory_space<vmem>>
      %dma_start3A_52 = arith.constant 0 : i32
      %dma_start3A_53 = arith.constant 0 : i32
      %dma_start3A_54 = tpu.memref_slice %arg4[%dma_start3A_52, %dma_start3A_53] : memref<10112x32xf32, #tpu.memory_space<hbm>> -> memref<10112x32xf32, #tpu.memory_space<hbm>>
      tpu.enqueue_indirect_dma source(%dma_start3A_54 : memref<10112x32xf32, #tpu.memory_space<hbm>>) target(%arg15 : memref<128x32xf32, #tpu.memory_space<vmem>>) offsets(%dma_start3A_51 : memref<128xi32, #tpu.memory_space<vmem>>) semaphore(%arg21 : memref<!tpu.dma_semaphore, #tpu.memory_space<semaphore_mem>>)
      %scan3A = arith.constant 0 : i32
      %scan3A_55 = arith.constant 0 : i32
      %scan3A_56 = arith.constant 40 : i32
      %scan3A_57 = arith.addi %scan3A_55, %scan3A_56 : i32
      %scan3A_58 = arith.constant 1 : i32
      scf.for %scan3A_89 = %scan3A_55 to %scan3A_57 step %scan3A_58  : i32 {
        %mul3A_90 = arith.constant 4 : i32
        %mul3A_91 = arith.muli %scan3A_89, %mul3A_90 : i32
        %dma_wait3A_92 = arith.constant 0 : i32
        %dma_wait3A_93 = arith.constant 0 : i32
        %dma_wait3A_94 = tpu.memref_slice %arg4[%dma_wait3A_92, %dma_wait3A_93] : memref<10112x32xf32, #tpu.memory_space<hbm>> -> memref<128x32xf32, #tpu.memory_space<hbm>>
        %dma_wait3A_95 = arith.constant 0 : i32
        %dma_wait3A_96 = arith.constant 0 : i32
        %dma_wait3A_97 = tpu.memref_slice %arg4[%dma_wait3A_95, %dma_wait3A_96] : memref<10112x32xf32, #tpu.memory_space<hbm>> -> memref<128x32xf32, #tpu.memory_space<hbm>>
        tpu.wait_dma2 semaphore(%arg18 : memref<!tpu.dma_semaphore, #tpu.memory_space<semaphore_mem>>) src(%dma_wait3A_97 : memref<128x32xf32, #tpu.memory_space<hbm>>) dst(%arg12 : memref<128x32xf32, #tpu.memory_space<vmem>>)
        %add3A = arith.constant 0 : i32
        %add3A_98 = arith.addi %mul3A_91, %add3A : i32
        %dma_start3A_99 = arith.constant 0 : i32
        %dma_start3A_100 = arith.constant 0 : i32
        %dma_start3A_101 = tpu.memref_slice %arg11[%add3A_98, %dma_start3A_99, %dma_start3A_100] : memref<160x1x128xi32, #tpu.memory_space<vmem>> -> memref<1x1x128xi32, #tpu.memory_space<vmem>>
        %dma_start3A_102 = tpu.memref_squeeze %dma_start3A_101 : memref<1x1x128xi32, #tpu.memory_space<vmem>> -> memref<128xi32, #tpu.memory_space<vmem>>
        %dma_start3A_103 = arith.constant 0 : i32
        %dma_start3A_104 = arith.constant 0 : i32
        %dma_start3A_105 = tpu.memref_slice %arg17[%dma_start3A_103, %dma_start3A_104] : memref<10112x32xf32, #tpu.memory_space<vmem_shared>> -> memref<10112x32xf32, #tpu.memory_space<vmem_shared>>
        tpu.enqueue_indirect_dma source(%arg12 : memref<128x32xf32, #tpu.memory_space<vmem>>) target(%dma_start3A_105 : memref<10112x32xf32, #tpu.memory_space<vmem_shared>>) offsets(%dma_start3A_102 : memref<128xi32, #tpu.memory_space<vmem>>) semaphore(%arg22 : memref<!tpu.dma_semaphore, #tpu.memory_space<semaphore_mem>>) {add = true}
        %dma_wait3A_106 = arith.constant 0 : i32
        %dma_wait3A_107 = arith.constant 0 : i32
        %dma_wait3A_108 = tpu.memref_slice %arg4[%dma_wait3A_106, %dma_wait3A_107] : memref<10112x32xf32, #tpu.memory_space<hbm>> -> memref<128x32xf32, #tpu.memory_space<hbm>>
        %dma_wait3A_109 = arith.constant 0 : i32
        %dma_wait3A_110 = arith.constant 0 : i32
        %dma_wait3A_111 = tpu.memref_slice %arg4[%dma_wait3A_109, %dma_wait3A_110] : memref<10112x32xf32, #tpu.memory_space<hbm>> -> memref<128x32xf32, #tpu.memory_space<hbm>>
        tpu.wait_dma2 semaphore(%arg19 : memref<!tpu.dma_semaphore, #tpu.memory_space<semaphore_mem>>) src(%dma_wait3A_111 : memref<128x32xf32, #tpu.memory_space<hbm>>) dst(%arg13 : memref<128x32xf32, #tpu.memory_space<vmem>>)
        %add3A_112 = arith.constant 1 : i32
        %add3A_113 = arith.addi %mul3A_91, %add3A_112 : i32
        %dma_start3A_114 = arith.constant 0 : i32
        %dma_start3A_115 = arith.constant 0 : i32
        %dma_start3A_116 = tpu.memref_slice %arg11[%add3A_113, %dma_start3A_114, %dma_start3A_115] : memref<160x1x128xi32, #tpu.memory_space<vmem>> -> memref<1x1x128xi32, #tpu.memory_space<vmem>>
        %dma_start3A_117 = tpu.memref_squeeze %dma_start3A_116 : memref<1x1x128xi32, #tpu.memory_space<vmem>> -> memref<128xi32, #tpu.memory_space<vmem>>
        %dma_start3A_118 = arith.constant 0 : i32
        %dma_start3A_119 = arith.constant 0 : i32
        %dma_start3A_120 = tpu.memref_slice %arg17[%dma_start3A_118, %dma_start3A_119] : memref<10112x32xf32, #tpu.memory_space<vmem_shared>> -> memref<10112x32xf32, #tpu.memory_space<vmem_shared>>
        tpu.enqueue_indirect_dma source(%arg13 : memref<128x32xf32, #tpu.memory_space<vmem>>) target(%dma_start3A_120 : memref<10112x32xf32, #tpu.memory_space<vmem_shared>>) offsets(%dma_start3A_117 : memref<128xi32, #tpu.memory_space<vmem>>) semaphore(%arg23 : memref<!tpu.dma_semaphore, #tpu.memory_space<semaphore_mem>>) {add = true}
        %dma_wait3A_121 = arith.constant 0 : i32
        %dma_wait3A_122 = arith.constant 0 : i32
        %dma_wait3A_123 = tpu.memref_slice %arg4[%dma_wait3A_121, %dma_wait3A_122] : memref<10112x32xf32, #tpu.memory_space<hbm>> -> memref<128x32xf32, #tpu.memory_space<hbm>>
        %dma_wait3A_124 = arith.constant 0 : i32
        %dma_wait3A_125 = arith.constant 0 : i32
        %dma_wait3A_126 = tpu.memref_slice %arg4[%dma_wait3A_124, %dma_wait3A_125] : memref<10112x32xf32, #tpu.memory_space<hbm>> -> memref<128x32xf32, #tpu.memory_space<hbm>>
        tpu.wait_dma2 semaphore(%arg20 : memref<!tpu.dma_semaphore, #tpu.memory_space<semaphore_mem>>) src(%dma_wait3A_126 : memref<128x32xf32, #tpu.memory_space<hbm>>) dst(%arg14 : memref<128x32xf32, #tpu.memory_space<vmem>>)
        %add3A_127 = arith.constant 2 : i32
        %add3A_128 = arith.addi %mul3A_91, %add3A_127 : i32
        %dma_start3A_129 = arith.constant 0 : i32
        %dma_start3A_130 = arith.constant 0 : i32
        %dma_start3A_131 = tpu.memref_slice %arg11[%add3A_128, %dma_start3A_129, %dma_start3A_130] : memref<160x1x128xi32, #tpu.memory_space<vmem>> -> memref<1x1x128xi32, #tpu.memory_space<vmem>>
        %dma_start3A_132 = tpu.memref_squeeze %dma_start3A_131 : memref<1x1x128xi32, #tpu.memory_space<vmem>> -> memref<128xi32, #tpu.memory_space<vmem>>
        %dma_start3A_133 = arith.constant 0 : i32
        %dma_start3A_134 = arith.constant 0 : i32
        %dma_start3A_135 = tpu.memref_slice %arg17[%dma_start3A_133, %dma_start3A_134] : memref<10112x32xf32, #tpu.memory_space<vmem_shared>> -> memref<10112x32xf32, #tpu.memory_space<vmem_shared>>
        tpu.enqueue_indirect_dma source(%arg14 : memref<128x32xf32, #tpu.memory_space<vmem>>) target(%dma_start3A_135 : memref<10112x32xf32, #tpu.memory_space<vmem_shared>>) offsets(%dma_start3A_132 : memref<128xi32, #tpu.memory_space<vmem>>) semaphore(%arg24 : memref<!tpu.dma_semaphore, #tpu.memory_space<semaphore_mem>>) {add = true}
        %dma_wait3A_136 = arith.constant 0 : i32
        %dma_wait3A_137 = arith.constant 0 : i32
        %dma_wait3A_138 = tpu.memref_slice %arg4[%dma_wait3A_136, %dma_wait3A_137] : memref<10112x32xf32, #tpu.memory_space<hbm>> -> memref<128x32xf32, #tpu.memory_space<hbm>>
        %dma_wait3A_139 = arith.constant 0 : i32
        %dma_wait3A_140 = arith.constant 0 : i32
        %dma_wait3A_141 = tpu.memref_slice %arg4[%dma_wait3A_139, %dma_wait3A_140] : memref<10112x32xf32, #tpu.memory_space<hbm>> -> memref<128x32xf32, #tpu.memory_space<hbm>>
        tpu.wait_dma2 semaphore(%arg21 : memref<!tpu.dma_semaphore, #tpu.memory_space<semaphore_mem>>) src(%dma_wait3A_141 : memref<128x32xf32, #tpu.memory_space<hbm>>) dst(%arg15 : memref<128x32xf32, #tpu.memory_space<vmem>>)
        %add3A_142 = arith.constant 3 : i32
        %add3A_143 = arith.addi %mul3A_91, %add3A_142 : i32
        %dma_start3A_144 = arith.constant 0 : i32
        %dma_start3A_145 = arith.constant 0 : i32
        %dma_start3A_146 = tpu.memref_slice %arg11[%add3A_143, %dma_start3A_144, %dma_start3A_145] : memref<160x1x128xi32, #tpu.memory_space<vmem>> -> memref<1x1x128xi32, #tpu.memory_space<vmem>>
        %dma_start3A_147 = tpu.memref_squeeze %dma_start3A_146 : memref<1x1x128xi32, #tpu.memory_space<vmem>> -> memref<128xi32, #tpu.memory_space<vmem>>
        %dma_start3A_148 = arith.constant 0 : i32
        %dma_start3A_149 = arith.constant 0 : i32
        %dma_start3A_150 = tpu.memref_slice %arg17[%dma_start3A_148, %dma_start3A_149] : memref<10112x32xf32, #tpu.memory_space<vmem_shared>> -> memref<10112x32xf32, #tpu.memory_space<vmem_shared>>
        tpu.enqueue_indirect_dma source(%arg15 : memref<128x32xf32, #tpu.memory_space<vmem>>) target(%dma_start3A_150 : memref<10112x32xf32, #tpu.memory_space<vmem_shared>>) offsets(%dma_start3A_147 : memref<128xi32, #tpu.memory_space<vmem>>) semaphore(%arg25 : memref<!tpu.dma_semaphore, #tpu.memory_space<semaphore_mem>>) {add = true}
        %add3A_151 = arith.constant 4 : i32
        %add3A_152 = arith.addi %mul3A_91, %add3A_151 : i32
        %add3A_153 = arith.constant 0 : i32
        %add3A_154 = arith.addi %add3A_152, %add3A_153 : i32
        %lt3A = arith.constant 160 : i32
        %lt3A_155 = arith.cmpi slt, %add3A_154, %lt3A : i32
        %convert_element_type3A_156 = arith.extui %lt3A_155 : i1 to i32
        %cond3A_157 = arith.constant 0 : i32
        %cond3A_158 = arith.cmpi ne, %convert_element_type3A_156, %cond3A_157 : i32
        scf.if %cond3A_158 {
          %dma_wait3A_186 = arith.constant 0 : i32
          %dma_wait3A_187 = arith.constant 0 : i32
          %dma_wait3A_188 = tpu.memref_slice %arg4[%dma_wait3A_186, %dma_wait3A_187] : memref<10112x32xf32, #tpu.memory_space<hbm>> -> memref<128x32xf32, #tpu.memory_space<hbm>>
          %dma_wait3A_189 = arith.constant 0 : i32
          %dma_wait3A_190 = arith.constant 0 : i32
          %dma_wait3A_191 = tpu.memref_slice %arg4[%dma_wait3A_189, %dma_wait3A_190] : memref<10112x32xf32, #tpu.memory_space<hbm>> -> memref<128x32xf32, #tpu.memory_space<hbm>>
          tpu.wait_dma2 semaphore(%arg22 : memref<!tpu.dma_semaphore, #tpu.memory_space<semaphore_mem>>) src(%dma_wait3A_191 : memref<128x32xf32, #tpu.memory_space<hbm>>) dst(%arg12 : memref<128x32xf32, #tpu.memory_space<vmem>>)
          %add3A_192 = arith.constant 4 : i32
          %add3A_193 = arith.addi %mul3A_91, %add3A_192 : i32
          %add3A_194 = arith.constant 0 : i32
          %add3A_195 = arith.addi %add3A_193, %add3A_194 : i32
          %dma_start3A_196 = arith.constant 0 : i32
          %dma_start3A_197 = arith.constant 0 : i32
          %dma_start3A_198 = tpu.memref_slice %arg10[%add3A_195, %dma_start3A_196, %dma_start3A_197] : memref<160x1x128xi32, #tpu.memory_space<vmem>> -> memref<1x1x128xi32, #tpu.memory_space<vmem>>
          %dma_start3A_199 = tpu.memref_squeeze %dma_start3A_198 : memref<1x1x128xi32, #tpu.memory_space<vmem>> -> memref<128xi32, #tpu.memory_space<vmem>>
          %dma_start3A_200 = arith.constant 0 : i32
          %dma_start3A_201 = arith.constant 0 : i32
          %dma_start3A_202 = tpu.memref_slice %arg4[%dma_start3A_200, %dma_start3A_201] : memref<10112x32xf32, #tpu.memory_space<hbm>> -> memref<10112x32xf32, #tpu.memory_space<hbm>>
          tpu.enqueue_indirect_dma source(%dma_start3A_202 : memref<10112x32xf32, #tpu.memory_space<hbm>>) target(%arg12 : memref<128x32xf32, #tpu.memory_space<vmem>>) offsets(%dma_start3A_199 : memref<128xi32, #tpu.memory_space<vmem>>) semaphore(%arg18 : memref<!tpu.dma_semaphore, #tpu.memory_space<semaphore_mem>>)
        } else {
        }
        %add3A_159 = arith.constant 4 : i32
        %add3A_160 = arith.addi %mul3A_91, %add3A_159 : i32
        %add3A_161 = arith.constant 1 : i32
        %add3A_162 = arith.addi %add3A_160, %add3A_161 : i32
        %lt3A_163 = arith.constant 160 : i32
        %lt3A_164 = arith.cmpi slt, %add3A_162, %lt3A_163 : i32
        %convert_element_type3A_165 = arith.extui %lt3A_164 : i1 to i32
        %cond3A_166 = arith.constant 0 : i32
        %cond3A_167 = arith.cmpi ne, %convert_element_type3A_165, %cond3A_166 : i32
        scf.if %cond3A_167 {
          %dma_wait3A_186 = arith.constant 0 : i32
          %dma_wait3A_187 = arith.constant 0 : i32
          %dma_wait3A_188 = tpu.memref_slice %arg4[%dma_wait3A_186, %dma_wait3A_187] : memref<10112x32xf32, #tpu.memory_space<hbm>> -> memref<128x32xf32, #tpu.memory_space<hbm>>
          %dma_wait3A_189 = arith.constant 0 : i32
          %dma_wait3A_190 = arith.constant 0 : i32
          %dma_wait3A_191 = tpu.memref_slice %arg4[%dma_wait3A_189, %dma_wait3A_190] : memref<10112x32xf32, #tpu.memory_space<hbm>> -> memref<128x32xf32, #tpu.memory_space<hbm>>
          tpu.wait_dma2 semaphore(%arg23 : memref<!tpu.dma_semaphore, #tpu.memory_space<semaphore_mem>>) src(%dma_wait3A_191 : memref<128x32xf32, #tpu.memory_space<hbm>>) dst(%arg13 : memref<128x32xf32, #tpu.memory_space<vmem>>)
          %add3A_192 = arith.constant 4 : i32
          %add3A_193 = arith.addi %mul3A_91, %add3A_192 : i32
          %add3A_194 = arith.constant 1 : i32
          %add3A_195 = arith.addi %add3A_193, %add3A_194 : i32
          %dma_start3A_196 = arith.constant 0 : i32
          %dma_start3A_197 = arith.constant 0 : i32
          %dma_start3A_198 = tpu.memref_slice %arg10[%add3A_195, %dma_start3A_196, %dma_start3A_197] : memref<160x1x128xi32, #tpu.memory_space<vmem>> -> memref<1x1x128xi32, #tpu.memory_space<vmem>>
          %dma_start3A_199 = tpu.memref_squeeze %dma_start3A_198 : memref<1x1x128xi32, #tpu.memory_space<vmem>> -> memref<128xi32, #tpu.memory_space<vmem>>
          %dma_start3A_200 = arith.constant 0 : i32
          %dma_start3A_201 = arith.constant 0 : i32
          %dma_start3A_202 = tpu.memref_slice %arg4[%dma_start3A_200, %dma_start3A_201] : memref<10112x32xf32, #tpu.memory_space<hbm>> -> memref<10112x32xf32, #tpu.memory_space<hbm>>
          tpu.enqueue_indirect_dma source(%dma_start3A_202 : memref<10112x32xf32, #tpu.memory_space<hbm>>) target(%arg13 : memref<128x32xf32, #tpu.memory_space<vmem>>) offsets(%dma_start3A_199 : memref<128xi32, #tpu.memory_space<vmem>>) semaphore(%arg19 : memref<!tpu.dma_semaphore, #tpu.memory_space<semaphore_mem>>)
        } else {
        }
        %add3A_168 = arith.constant 4 : i32
        %add3A_169 = arith.addi %mul3A_91, %add3A_168 : i32
        %add3A_170 = arith.constant 2 : i32
        %add3A_171 = arith.addi %add3A_169, %add3A_170 : i32
        %lt3A_172 = arith.constant 160 : i32
        %lt3A_173 = arith.cmpi slt, %add3A_171, %lt3A_172 : i32
        %convert_element_type3A_174 = arith.extui %lt3A_173 : i1 to i32
        %cond3A_175 = arith.constant 0 : i32
        %cond3A_176 = arith.cmpi ne, %convert_element_type3A_174, %cond3A_175 : i32
        scf.if %cond3A_176 {
          %dma_wait3A_186 = arith.constant 0 : i32
          %dma_wait3A_187 = arith.constant 0 : i32
          %dma_wait3A_188 = tpu.memref_slice %arg4[%dma_wait3A_186, %dma_wait3A_187] : memref<10112x32xf32, #tpu.memory_space<hbm>> -> memref<128x32xf32, #tpu.memory_space<hbm>>
          %dma_wait3A_189 = arith.constant 0 : i32
          %dma_wait3A_190 = arith.constant 0 : i32
          %dma_wait3A_191 = tpu.memref_slice %arg4[%dma_wait3A_189, %dma_wait3A_190] : memref<10112x32xf32, #tpu.memory_space<hbm>> -> memref<128x32xf32, #tpu.memory_space<hbm>>
          tpu.wait_dma2 semaphore(%arg24 : memref<!tpu.dma_semaphore, #tpu.memory_space<semaphore_mem>>) src(%dma_wait3A_191 : memref<128x32xf32, #tpu.memory_space<hbm>>) dst(%arg14 : memref<128x32xf32, #tpu.memory_space<vmem>>)
          %add3A_192 = arith.constant 4 : i32
          %add3A_193 = arith.addi %mul3A_91, %add3A_192 : i32
          %add3A_194 = arith.constant 2 : i32
          %add3A_195 = arith.addi %add3A_193, %add3A_194 : i32
          %dma_start3A_196 = arith.constant 0 : i32
          %dma_start3A_197 = arith.constant 0 : i32
          %dma_start3A_198 = tpu.memref_slice %arg10[%add3A_195, %dma_start3A_196, %dma_start3A_197] : memref<160x1x128xi32, #tpu.memory_space<vmem>> -> memref<1x1x128xi32, #tpu.memory_space<vmem>>
          %dma_start3A_199 = tpu.memref_squeeze %dma_start3A_198 : memref<1x1x128xi32, #tpu.memory_space<vmem>> -> memref<128xi32, #tpu.memory_space<vmem>>
          %dma_start3A_200 = arith.constant 0 : i32
          %dma_start3A_201 = arith.constant 0 : i32
          %dma_start3A_202 = tpu.memref_slice %arg4[%dma_start3A_200, %dma_start3A_201] : memref<10112x32xf32, #tpu.memory_space<hbm>> -> memref<10112x32xf32, #tpu.memory_space<hbm>>
          tpu.enqueue_indirect_dma source(%dma_start3A_202 : memref<10112x32xf32, #tpu.memory_space<hbm>>) target(%arg14 : memref<128x32xf32, #tpu.memory_space<vmem>>) offsets(%dma_start3A_199 : memref<128xi32, #tpu.memory_space<vmem>>) semaphore(%arg20 : memref<!tpu.dma_semaphore, #tpu.memory_space<semaphore_mem>>)
        } else {
        }
        %add3A_177 = arith.constant 4 : i32
        %add3A_178 = arith.addi %mul3A_91, %add3A_177 : i32
        %add3A_179 = arith.constant 3 : i32
        %add3A_180 = arith.addi %add3A_178, %add3A_179 : i32
        %lt3A_181 = arith.constant 160 : i32
        %lt3A_182 = arith.cmpi slt, %add3A_180, %lt3A_181 : i32
        %convert_element_type3A_183 = arith.extui %lt3A_182 : i1 to i32
        %cond3A_184 = arith.constant 0 : i32
        %cond3A_185 = arith.cmpi ne, %convert_element_type3A_183, %cond3A_184 : i32
        scf.if %cond3A_185 {
          %dma_wait3A_186 = arith.constant 0 : i32
          %dma_wait3A_187 = arith.constant 0 : i32
          %dma_wait3A_188 = tpu.memref_slice %arg4[%dma_wait3A_186, %dma_wait3A_187] : memref<10112x32xf32, #tpu.memory_space<hbm>> -> memref<128x32xf32, #tpu.memory_space<hbm>>
          %dma_wait3A_189 = arith.constant 0 : i32
          %dma_wait3A_190 = arith.constant 0 : i32
          %dma_wait3A_191 = tpu.memref_slice %arg4[%dma_wait3A_189, %dma_wait3A_190] : memref<10112x32xf32, #tpu.memory_space<hbm>> -> memref<128x32xf32, #tpu.memory_space<hbm>>
          tpu.wait_dma2 semaphore(%arg25 : memref<!tpu.dma_semaphore, #tpu.memory_space<semaphore_mem>>) src(%dma_wait3A_191 : memref<128x32xf32, #tpu.memory_space<hbm>>) dst(%arg15 : memref<128x32xf32, #tpu.memory_space<vmem>>)
          %add3A_192 = arith.constant 4 : i32
          %add3A_193 = arith.addi %mul3A_91, %add3A_192 : i32
          %add3A_194 = arith.constant 3 : i32
          %add3A_195 = arith.addi %add3A_193, %add3A_194 : i32
          %dma_start3A_196 = arith.constant 0 : i32
          %dma_start3A_197 = arith.constant 0 : i32
          %dma_start3A_198 = tpu.memref_slice %arg10[%add3A_195, %dma_start3A_196, %dma_start3A_197] : memref<160x1x128xi32, #tpu.memory_space<vmem>> -> memref<1x1x128xi32, #tpu.memory_space<vmem>>
          %dma_start3A_199 = tpu.memref_squeeze %dma_start3A_198 : memref<1x1x128xi32, #tpu.memory_space<vmem>> -> memref<128xi32, #tpu.memory_space<vmem>>
          %dma_start3A_200 = arith.constant 0 : i32
          %dma_start3A_201 = arith.constant 0 : i32
          %dma_start3A_202 = tpu.memref_slice %arg4[%dma_start3A_200, %dma_start3A_201] : memref<10112x32xf32, #tpu.memory_space<hbm>> -> memref<10112x32xf32, #tpu.memory_space<hbm>>
          tpu.enqueue_indirect_dma source(%dma_start3A_202 : memref<10112x32xf32, #tpu.memory_space<hbm>>) target(%arg15 : memref<128x32xf32, #tpu.memory_space<vmem>>) offsets(%dma_start3A_199 : memref<128xi32, #tpu.memory_space<vmem>>) semaphore(%arg21 : memref<!tpu.dma_semaphore, #tpu.memory_space<semaphore_mem>>)
        } else {
        }
      }
      %scan3A_59 = arith.constant 40 : i32
      %dma_wait3A = arith.constant 0 : i32
      %dma_wait3A_60 = arith.constant 0 : i32
      %dma_wait3A_61 = tpu.memref_slice %arg4[%dma_wait3A, %dma_wait3A_60] : memref<10112x32xf32, #tpu.memory_space<hbm>> -> memref<128x32xf32, #tpu.memory_space<hbm>>
      %dma_wait3A_62 = arith.constant 0 : i32
      %dma_wait3A_63 = arith.constant 0 : i32
      %dma_wait3A_64 = tpu.memref_slice %arg4[%dma_wait3A_62, %dma_wait3A_63] : memref<10112x32xf32, #tpu.memory_space<hbm>> -> memref<128x32xf32, #tpu.memory_space<hbm>>
      tpu.wait_dma2 semaphore(%arg22 : memref<!tpu.dma_semaphore, #tpu.memory_space<semaphore_mem>>) src(%dma_wait3A_64 : memref<128x32xf32, #tpu.memory_space<hbm>>) dst(%arg12 : memref<128x32xf32, #tpu.memory_space<vmem>>)
      %dma_wait3A_65 = arith.constant 0 : i32
      %dma_wait3A_66 = arith.constant 0 : i32
      %dma_wait3A_67 = tpu.memref_slice %arg4[%dma_wait3A_65, %dma_wait3A_66] : memref<10112x32xf32, #tpu.memory_space<hbm>> -> memref<128x32xf32, #tpu.memory_space<hbm>>
      %dma_wait3A_68 = arith.constant 0 : i32
      %dma_wait3A_69 = arith.constant 0 : i32
      %dma_wait3A_70 = tpu.memref_slice %arg4[%dma_wait3A_68, %dma_wait3A_69] : memref<10112x32xf32, #tpu.memory_space<hbm>> -> memref<128x32xf32, #tpu.memory_space<hbm>>
      tpu.wait_dma2 semaphore(%arg23 : memref<!tpu.dma_semaphore, #tpu.memory_space<semaphore_mem>>) src(%dma_wait3A_70 : memref<128x32xf32, #tpu.memory_space<hbm>>) dst(%arg13 : memref<128x32xf32, #tpu.memory_space<vmem>>)
      %dma_wait3A_71 = arith.constant 0 : i32
      %dma_wait3A_72 = arith.constant 0 : i32
      %dma_wait3A_73 = tpu.memref_slice %arg4[%dma_wait3A_71, %dma_wait3A_72] : memref<10112x32xf32, #tpu.memory_space<hbm>> -> memref<128x32xf32, #tpu.memory_space<hbm>>
      %dma_wait3A_74 = arith.constant 0 : i32
      %dma_wait3A_75 = arith.constant 0 : i32
      %dma_wait3A_76 = tpu.memref_slice %arg4[%dma_wait3A_74, %dma_wait3A_75] : memref<10112x32xf32, #tpu.memory_space<hbm>> -> memref<128x32xf32, #tpu.memory_space<hbm>>
      tpu.wait_dma2 semaphore(%arg24 : memref<!tpu.dma_semaphore, #tpu.memory_space<semaphore_mem>>) src(%dma_wait3A_76 : memref<128x32xf32, #tpu.memory_space<hbm>>) dst(%arg14 : memref<128x32xf32, #tpu.memory_space<vmem>>)
      %dma_wait3A_77 = arith.constant 0 : i32
      %dma_wait3A_78 = arith.constant 0 : i32
      %dma_wait3A_79 = tpu.memref_slice %arg4[%dma_wait3A_77, %dma_wait3A_78] : memref<10112x32xf32, #tpu.memory_space<hbm>> -> memref<128x32xf32, #tpu.memory_space<hbm>>
      %dma_wait3A_80 = arith.constant 0 : i32
      %dma_wait3A_81 = arith.constant 0 : i32
      %dma_wait3A_82 = tpu.memref_slice %arg4[%dma_wait3A_80, %dma_wait3A_81] : memref<10112x32xf32, #tpu.memory_space<hbm>> -> memref<128x32xf32, #tpu.memory_space<hbm>>
      tpu.wait_dma2 semaphore(%arg25 : memref<!tpu.dma_semaphore, #tpu.memory_space<semaphore_mem>>) src(%dma_wait3A_82 : memref<128x32xf32, #tpu.memory_space<hbm>>) dst(%arg15 : memref<128x32xf32, #tpu.memory_space<vmem>>)
      %barrier3A_83 = arith.constant 0 : index
      tpu.barrier barrier_id(%barrier3A_83)
      %mul3A_84 = arith.constant 632 : i32
      %mul3A_85 = arith.muli %arg1, %mul3A_84 : i32
      "tpu.region"() ({
        %run_scoped3A = tpu.sem_alloc : memref<!tpu.dma_semaphore, #tpu.memory_space<semaphore_mem>>
        %dma_start3A_89 = arith.constant 0 : i32
        %dma_start3A_90 = tpu.memref_slice %arg17[%mul3A_85, %dma_start3A_89] : memref<10112x32xf32, #tpu.memory_space<vmem_shared>> -> memref<632x32xf32, #tpu.memory_space<vmem_shared>>
        %dma_start3A_91 = arith.constant 0 : i32
        %dma_start3A_92 = tpu.memref_slice %arg17[%mul3A_85, %dma_start3A_91] : memref<10112x32xf32, #tpu.memory_space<vmem_shared>> -> memref<632x32xf32, #tpu.memory_space<vmem_shared>>
        tpu.enqueue_dma source(%dma_start3A_92 : memref<632x32xf32, #tpu.memory_space<vmem_shared>>) target(%arg16 : memref<632x32xf32, #tpu.memory_space<vmem>>) target_semaphore(%run_scoped3A : memref<!tpu.dma_semaphore, #tpu.memory_space<semaphore_mem>>)
        %dma_wait3A_93 = arith.constant 0 : i32
        %dma_wait3A_94 = tpu.memref_slice %arg17[%mul3A_85, %dma_wait3A_93] : memref<10112x32xf32, #tpu.memory_space<vmem_shared>> -> memref<632x32xf32, #tpu.memory_space<vmem_shared>>
        %dma_wait3A_95 = arith.constant 0 : i32
        %dma_wait3A_96 = tpu.memref_slice %arg17[%mul3A_85, %dma_wait3A_95] : memref<10112x32xf32, #tpu.memory_space<vmem_shared>> -> memref<632x32xf32, #tpu.memory_space<vmem_shared>>
        tpu.wait_dma2 semaphore(%run_scoped3A : memref<!tpu.dma_semaphore, #tpu.memory_space<semaphore_mem>>) src(%dma_wait3A_96 : memref<632x32xf32, #tpu.memory_space<vmem_shared>>) dst(%arg16 : memref<632x32xf32, #tpu.memory_space<vmem>>)
        tpu.yield
      }) : () -> ()
      %mul3A_86 = arith.constant 632 : i32
      %mul3A_87 = arith.muli %arg1, %mul3A_86 : i32
      "tpu.region"() ({
        %run_scoped3A = tpu.sem_alloc : memref<!tpu.dma_semaphore, #tpu.memory_space<semaphore_mem>>
        %dma_start3A_89 = arith.constant 64 : i32
        %dma_start3A_90 = tpu.memref_slice %arg9[%mul3A_87, %dma_start3A_89] : memref<10112x128xf32, #tpu.memory_space<hbm>> -> memref<632x32xf32, #tpu.memory_space<hbm>>
        %dma_start3A_91 = arith.constant 64 : i32
        %dma_start3A_92 = tpu.memref_slice %arg9[%mul3A_87, %dma_start3A_91] : memref<10112x128xf32, #tpu.memory_space<hbm>> -> memref<632x32xf32, #tpu.memory_space<hbm>>
        tpu.enqueue_dma source(%arg16 : memref<632x32xf32, #tpu.memory_space<vmem>>) target(%dma_start3A_92 : memref<632x32xf32, #tpu.memory_space<hbm>>) target_semaphore(%run_scoped3A : memref<!tpu.dma_semaphore, #tpu.memory_space<semaphore_mem>>)
        %dma_wait3A_93 = arith.constant 64 : i32
        %dma_wait3A_94 = tpu.memref_slice %arg9[%mul3A_87, %dma_wait3A_93] : memref<10112x128xf32, #tpu.memory_space<hbm>> -> memref<632x32xf32, #tpu.memory_space<hbm>>
        %dma_wait3A_95 = arith.constant 64 : i32
        %dma_wait3A_96 = tpu.memref_slice %arg9[%mul3A_87, %dma_wait3A_95] : memref<10112x128xf32, #tpu.memory_space<hbm>> -> memref<632x32xf32, #tpu.memory_space<hbm>>
        tpu.wait_dma2 semaphore(%run_scoped3A : memref<!tpu.dma_semaphore, #tpu.memory_space<semaphore_mem>>) src(%arg16 : memref<632x32xf32, #tpu.memory_space<vmem>>) dst(%dma_wait3A_96 : memref<632x32xf32, #tpu.memory_space<hbm>>)
        tpu.yield
      }) : () -> ()
      %barrier3A_88 = arith.constant 0 : index
      tpu.barrier barrier_id(%barrier3A_88)
    } else {
    }
    %eq3A_10 = arith.constant 0 : i32
    %eq3A_11 = arith.cmpi eq, %arg0, %eq3A_10 : i32
    %convert_element_type3A_12 = arith.extui %eq3A_11 : i1 to i32
    %cond3A_13 = arith.constant 0 : i32
    %cond3A_14 = arith.cmpi ne, %convert_element_type3A_12, %cond3A_13 : i32
    scf.if %cond3A_14 {
      %mul3A_20 = arith.constant 632 : i32
      %mul3A_21 = arith.muli %arg1, %mul3A_20 : i32
      "tpu.region"() ({
        %run_scoped3A = tpu.sem_alloc : memref<!tpu.dma_semaphore, #tpu.memory_space<semaphore_mem>>
        %dma_start3A_89 = arith.constant 0 : i32
        %dma_start3A_90 = tpu.memref_slice %arg8[%mul3A_21, %dma_start3A_89] : memref<10112x32xf32, #tpu.memory_space<hbm>> -> memref<632x32xf32, #tpu.memory_space<hbm>>
        %dma_start3A_91 = arith.constant 0 : i32
        %dma_start3A_92 = tpu.memref_slice %arg8[%mul3A_21, %dma_start3A_91] : memref<10112x32xf32, #tpu.memory_space<hbm>> -> memref<632x32xf32, #tpu.memory_space<hbm>>
        tpu.enqueue_dma source(%dma_start3A_92 : memref<632x32xf32, #tpu.memory_space<hbm>>) target(%arg16 : memref<632x32xf32, #tpu.memory_space<vmem>>) target_semaphore(%run_scoped3A : memref<!tpu.dma_semaphore, #tpu.memory_space<semaphore_mem>>)
        %dma_wait3A_93 = arith.constant 0 : i32
        %dma_wait3A_94 = tpu.memref_slice %arg8[%mul3A_21, %dma_wait3A_93] : memref<10112x32xf32, #tpu.memory_space<hbm>> -> memref<632x32xf32, #tpu.memory_space<hbm>>
        %dma_wait3A_95 = arith.constant 0 : i32
        %dma_wait3A_96 = tpu.memref_slice %arg8[%mul3A_21, %dma_wait3A_95] : memref<10112x32xf32, #tpu.memory_space<hbm>> -> memref<632x32xf32, #tpu.memory_space<hbm>>
        tpu.wait_dma2 semaphore(%run_scoped3A : memref<!tpu.dma_semaphore, #tpu.memory_space<semaphore_mem>>) src(%dma_wait3A_96 : memref<632x32xf32, #tpu.memory_space<hbm>>) dst(%arg16 : memref<632x32xf32, #tpu.memory_space<vmem>>)
        tpu.yield
      }) : () -> ()
      %mul3A_22 = arith.constant 632 : i32
      %mul3A_23 = arith.muli %arg1, %mul3A_22 : i32
      "tpu.region"() ({
        %run_scoped3A = tpu.sem_alloc : memref<!tpu.dma_semaphore, #tpu.memory_space<semaphore_mem>>
        %dma_start3A_89 = arith.constant 0 : i32
        %dma_start3A_90 = tpu.memref_slice %arg17[%mul3A_23, %dma_start3A_89] : memref<10112x32xf32, #tpu.memory_space<vmem_shared>> -> memref<632x32xf32, #tpu.memory_space<vmem_shared>>
        %dma_start3A_91 = arith.constant 0 : i32
        %dma_start3A_92 = tpu.memref_slice %arg17[%mul3A_23, %dma_start3A_91] : memref<10112x32xf32, #tpu.memory_space<vmem_shared>> -> memref<632x32xf32, #tpu.memory_space<vmem_shared>>
        tpu.enqueue_dma source(%arg16 : memref<632x32xf32, #tpu.memory_space<vmem>>) target(%dma_start3A_92 : memref<632x32xf32, #tpu.memory_space<vmem_shared>>) target_semaphore(%run_scoped3A : memref<!tpu.dma_semaphore, #tpu.memory_space<semaphore_mem>>)
        %dma_wait3A_93 = arith.constant 0 : i32
        %dma_wait3A_94 = tpu.memref_slice %arg17[%mul3A_23, %dma_wait3A_93] : memref<10112x32xf32, #tpu.memory_space<vmem_shared>> -> memref<632x32xf32, #tpu.memory_space<vmem_shared>>
        %dma_wait3A_95 = arith.constant 0 : i32
        %dma_wait3A_96 = tpu.memref_slice %arg17[%mul3A_23, %dma_wait3A_95] : memref<10112x32xf32, #tpu.memory_space<vmem_shared>> -> memref<632x32xf32, #tpu.memory_space<vmem_shared>>
        tpu.wait_dma2 semaphore(%run_scoped3A : memref<!tpu.dma_semaphore, #tpu.memory_space<semaphore_mem>>) src(%arg16 : memref<632x32xf32, #tpu.memory_space<vmem>>) dst(%dma_wait3A_96 : memref<632x32xf32, #tpu.memory_space<vmem_shared>>)
        tpu.yield
      }) : () -> ()
      %barrier3A = arith.constant 0 : index
      tpu.barrier barrier_id(%barrier3A)
      %dma_start3A = arith.constant 0 : i32
      %dma_start3A_24 = arith.constant 0 : i32
      %dma_start3A_25 = arith.constant 0 : i32
      %dma_start3A_26 = tpu.memref_slice %arg10[%dma_start3A, %dma_start3A_24, %dma_start3A_25] : memref<160x1x128xi32, #tpu.memory_space<vmem>> -> memref<1x1x128xi32, #tpu.memory_space<vmem>>
      %dma_start3A_27 = tpu.memref_squeeze %dma_start3A_26 : memref<1x1x128xi32, #tpu.memory_space<vmem>> -> memref<128xi32, #tpu.memory_space<vmem>>
      %dma_start3A_28 = arith.constant 0 : i32
      %dma_start3A_29 = arith.constant 0 : i32
      %dma_start3A_30 = tpu.memref_slice %arg3[%dma_start3A_28, %dma_start3A_29] : memref<10112x32xf32, #tpu.memory_space<hbm>> -> memref<10112x32xf32, #tpu.memory_space<hbm>>
      tpu.enqueue_indirect_dma source(%dma_start3A_30 : memref<10112x32xf32, #tpu.memory_space<hbm>>) target(%arg12 : memref<128x32xf32, #tpu.memory_space<vmem>>) offsets(%dma_start3A_27 : memref<128xi32, #tpu.memory_space<vmem>>) semaphore(%arg18 : memref<!tpu.dma_semaphore, #tpu.memory_space<semaphore_mem>>)
      %dma_start3A_31 = arith.constant 1 : i32
      %dma_start3A_32 = arith.constant 0 : i32
      %dma_start3A_33 = arith.constant 0 : i32
      %dma_start3A_34 = tpu.memref_slice %arg10[%dma_start3A_31, %dma_start3A_32, %dma_start3A_33] : memref<160x1x128xi32, #tpu.memory_space<vmem>> -> memref<1x1x128xi32, #tpu.memory_space<vmem>>
      %dma_start3A_35 = tpu.memref_squeeze %dma_start3A_34 : memref<1x1x128xi32, #tpu.memory_space<vmem>> -> memref<128xi32, #tpu.memory_space<vmem>>
      %dma_start3A_36 = arith.constant 0 : i32
      %dma_start3A_37 = arith.constant 0 : i32
      %dma_start3A_38 = tpu.memref_slice %arg3[%dma_start3A_36, %dma_start3A_37] : memref<10112x32xf32, #tpu.memory_space<hbm>> -> memref<10112x32xf32, #tpu.memory_space<hbm>>
      tpu.enqueue_indirect_dma source(%dma_start3A_38 : memref<10112x32xf32, #tpu.memory_space<hbm>>) target(%arg13 : memref<128x32xf32, #tpu.memory_space<vmem>>) offsets(%dma_start3A_35 : memref<128xi32, #tpu.memory_space<vmem>>) semaphore(%arg19 : memref<!tpu.dma_semaphore, #tpu.memory_space<semaphore_mem>>)
      %dma_start3A_39 = arith.constant 2 : i32
      %dma_start3A_40 = arith.constant 0 : i32
      %dma_start3A_41 = arith.constant 0 : i32
      %dma_start3A_42 = tpu.memref_slice %arg10[%dma_start3A_39, %dma_start3A_40, %dma_start3A_41] : memref<160x1x128xi32, #tpu.memory_space<vmem>> -> memref<1x1x128xi32, #tpu.memory_space<vmem>>
      %dma_start3A_43 = tpu.memref_squeeze %dma_start3A_42 : memref<1x1x128xi32, #tpu.memory_space<vmem>> -> memref<128xi32, #tpu.memory_space<vmem>>
      %dma_start3A_44 = arith.constant 0 : i32
      %dma_start3A_45 = arith.constant 0 : i32
      %dma_start3A_46 = tpu.memref_slice %arg3[%dma_start3A_44, %dma_start3A_45] : memref<10112x32xf32, #tpu.memory_space<hbm>> -> memref<10112x32xf32, #tpu.memory_space<hbm>>
      tpu.enqueue_indirect_dma source(%dma_start3A_46 : memref<10112x32xf32, #tpu.memory_space<hbm>>) target(%arg14 : memref<128x32xf32, #tpu.memory_space<vmem>>) offsets(%dma_start3A_43 : memref<128xi32, #tpu.memory_space<vmem>>) semaphore(%arg20 : memref<!tpu.dma_semaphore, #tpu.memory_space<semaphore_mem>>)
      %dma_start3A_47 = arith.constant 3 : i32
      %dma_start3A_48 = arith.constant 0 : i32
      %dma_start3A_49 = arith.constant 0 : i32
      %dma_start3A_50 = tpu.memref_slice %arg10[%dma_start3A_47, %dma_start3A_48, %dma_start3A_49] : memref<160x1x128xi32, #tpu.memory_space<vmem>> -> memref<1x1x128xi32, #tpu.memory_space<vmem>>
      %dma_start3A_51 = tpu.memref_squeeze %dma_start3A_50 : memref<1x1x128xi32, #tpu.memory_space<vmem>> -> memref<128xi32, #tpu.memory_space<vmem>>
      %dma_start3A_52 = arith.constant 0 : i32
      %dma_start3A_53 = arith.constant 0 : i32
      %dma_start3A_54 = tpu.memref_slice %arg3[%dma_start3A_52, %dma_start3A_53] : memref<10112x32xf32, #tpu.memory_space<hbm>> -> memref<10112x32xf32, #tpu.memory_space<hbm>>
      tpu.enqueue_indirect_dma source(%dma_start3A_54 : memref<10112x32xf32, #tpu.memory_space<hbm>>) target(%arg15 : memref<128x32xf32, #tpu.memory_space<vmem>>) offsets(%dma_start3A_51 : memref<128xi32, #tpu.memory_space<vmem>>) semaphore(%arg21 : memref<!tpu.dma_semaphore, #tpu.memory_space<semaphore_mem>>)
      %scan3A = arith.constant 0 : i32
      %scan3A_55 = arith.constant 0 : i32
      %scan3A_56 = arith.constant 40 : i32
      %scan3A_57 = arith.addi %scan3A_55, %scan3A_56 : i32
      %scan3A_58 = arith.constant 1 : i32
      scf.for %scan3A_89 = %scan3A_55 to %scan3A_57 step %scan3A_58  : i32 {
        %mul3A_90 = arith.constant 4 : i32
        %mul3A_91 = arith.muli %scan3A_89, %mul3A_90 : i32
        %dma_wait3A_92 = arith.constant 0 : i32
        %dma_wait3A_93 = arith.constant 0 : i32
        %dma_wait3A_94 = tpu.memref_slice %arg3[%dma_wait3A_92, %dma_wait3A_93] : memref<10112x32xf32, #tpu.memory_space<hbm>> -> memref<128x32xf32, #tpu.memory_space<hbm>>
        %dma_wait3A_95 = arith.constant 0 : i32
        %dma_wait3A_96 = arith.constant 0 : i32
        %dma_wait3A_97 = tpu.memref_slice %arg3[%dma_wait3A_95, %dma_wait3A_96] : memref<10112x32xf32, #tpu.memory_space<hbm>> -> memref<128x32xf32, #tpu.memory_space<hbm>>
        tpu.wait_dma2 semaphore(%arg18 : memref<!tpu.dma_semaphore, #tpu.memory_space<semaphore_mem>>) src(%dma_wait3A_97 : memref<128x32xf32, #tpu.memory_space<hbm>>) dst(%arg12 : memref<128x32xf32, #tpu.memory_space<vmem>>)
        %add3A = arith.constant 0 : i32
        %add3A_98 = arith.addi %mul3A_91, %add3A : i32
        %dma_start3A_99 = arith.constant 0 : i32
        %dma_start3A_100 = arith.constant 0 : i32
        %dma_start3A_101 = tpu.memref_slice %arg11[%add3A_98, %dma_start3A_99, %dma_start3A_100] : memref<160x1x128xi32, #tpu.memory_space<vmem>> -> memref<1x1x128xi32, #tpu.memory_space<vmem>>
        %dma_start3A_102 = tpu.memref_squeeze %dma_start3A_101 : memref<1x1x128xi32, #tpu.memory_space<vmem>> -> memref<128xi32, #tpu.memory_space<vmem>>
        %dma_start3A_103 = arith.constant 0 : i32
        %dma_start3A_104 = arith.constant 0 : i32
        %dma_start3A_105 = tpu.memref_slice %arg17[%dma_start3A_103, %dma_start3A_104] : memref<10112x32xf32, #tpu.memory_space<vmem_shared>> -> memref<10112x32xf32, #tpu.memory_space<vmem_shared>>
        tpu.enqueue_indirect_dma source(%arg12 : memref<128x32xf32, #tpu.memory_space<vmem>>) target(%dma_start3A_105 : memref<10112x32xf32, #tpu.memory_space<vmem_shared>>) offsets(%dma_start3A_102 : memref<128xi32, #tpu.memory_space<vmem>>) semaphore(%arg22 : memref<!tpu.dma_semaphore, #tpu.memory_space<semaphore_mem>>) {add = true}
        %dma_wait3A_106 = arith.constant 0 : i32
        %dma_wait3A_107 = arith.constant 0 : i32
        %dma_wait3A_108 = tpu.memref_slice %arg3[%dma_wait3A_106, %dma_wait3A_107] : memref<10112x32xf32, #tpu.memory_space<hbm>> -> memref<128x32xf32, #tpu.memory_space<hbm>>
        %dma_wait3A_109 = arith.constant 0 : i32
        %dma_wait3A_110 = arith.constant 0 : i32
        %dma_wait3A_111 = tpu.memref_slice %arg3[%dma_wait3A_109, %dma_wait3A_110] : memref<10112x32xf32, #tpu.memory_space<hbm>> -> memref<128x32xf32, #tpu.memory_space<hbm>>
        tpu.wait_dma2 semaphore(%arg19 : memref<!tpu.dma_semaphore, #tpu.memory_space<semaphore_mem>>) src(%dma_wait3A_111 : memref<128x32xf32, #tpu.memory_space<hbm>>) dst(%arg13 : memref<128x32xf32, #tpu.memory_space<vmem>>)
        %add3A_112 = arith.constant 1 : i32
        %add3A_113 = arith.addi %mul3A_91, %add3A_112 : i32
        %dma_start3A_114 = arith.constant 0 : i32
        %dma_start3A_115 = arith.constant 0 : i32
        %dma_start3A_116 = tpu.memref_slice %arg11[%add3A_113, %dma_start3A_114, %dma_start3A_115] : memref<160x1x128xi32, #tpu.memory_space<vmem>> -> memref<1x1x128xi32, #tpu.memory_space<vmem>>
        %dma_start3A_117 = tpu.memref_squeeze %dma_start3A_116 : memref<1x1x128xi32, #tpu.memory_space<vmem>> -> memref<128xi32, #tpu.memory_space<vmem>>
        %dma_start3A_118 = arith.constant 0 : i32
        %dma_start3A_119 = arith.constant 0 : i32
        %dma_start3A_120 = tpu.memref_slice %arg17[%dma_start3A_118, %dma_start3A_119] : memref<10112x32xf32, #tpu.memory_space<vmem_shared>> -> memref<10112x32xf32, #tpu.memory_space<vmem_shared>>
        tpu.enqueue_indirect_dma source(%arg13 : memref<128x32xf32, #tpu.memory_space<vmem>>) target(%dma_start3A_120 : memref<10112x32xf32, #tpu.memory_space<vmem_shared>>) offsets(%dma_start3A_117 : memref<128xi32, #tpu.memory_space<vmem>>) semaphore(%arg23 : memref<!tpu.dma_semaphore, #tpu.memory_space<semaphore_mem>>) {add = true}
        %dma_wait3A_121 = arith.constant 0 : i32
        %dma_wait3A_122 = arith.constant 0 : i32
        %dma_wait3A_123 = tpu.memref_slice %arg3[%dma_wait3A_121, %dma_wait3A_122] : memref<10112x32xf32, #tpu.memory_space<hbm>> -> memref<128x32xf32, #tpu.memory_space<hbm>>
        %dma_wait3A_124 = arith.constant 0 : i32
        %dma_wait3A_125 = arith.constant 0 : i32
        %dma_wait3A_126 = tpu.memref_slice %arg3[%dma_wait3A_124, %dma_wait3A_125] : memref<10112x32xf32, #tpu.memory_space<hbm>> -> memref<128x32xf32, #tpu.memory_space<hbm>>
        tpu.wait_dma2 semaphore(%arg20 : memref<!tpu.dma_semaphore, #tpu.memory_space<semaphore_mem>>) src(%dma_wait3A_126 : memref<128x32xf32, #tpu.memory_space<hbm>>) dst(%arg14 : memref<128x32xf32, #tpu.memory_space<vmem>>)
        %add3A_127 = arith.constant 2 : i32
        %add3A_128 = arith.addi %mul3A_91, %add3A_127 : i32
        %dma_start3A_129 = arith.constant 0 : i32
        %dma_start3A_130 = arith.constant 0 : i32
        %dma_start3A_131 = tpu.memref_slice %arg11[%add3A_128, %dma_start3A_129, %dma_start3A_130] : memref<160x1x128xi32, #tpu.memory_space<vmem>> -> memref<1x1x128xi32, #tpu.memory_space<vmem>>
        %dma_start3A_132 = tpu.memref_squeeze %dma_start3A_131 : memref<1x1x128xi32, #tpu.memory_space<vmem>> -> memref<128xi32, #tpu.memory_space<vmem>>
        %dma_start3A_133 = arith.constant 0 : i32
        %dma_start3A_134 = arith.constant 0 : i32
        %dma_start3A_135 = tpu.memref_slice %arg17[%dma_start3A_133, %dma_start3A_134] : memref<10112x32xf32, #tpu.memory_space<vmem_shared>> -> memref<10112x32xf32, #tpu.memory_space<vmem_shared>>
        tpu.enqueue_indirect_dma source(%arg14 : memref<128x32xf32, #tpu.memory_space<vmem>>) target(%dma_start3A_135 : memref<10112x32xf32, #tpu.memory_space<vmem_shared>>) offsets(%dma_start3A_132 : memref<128xi32, #tpu.memory_space<vmem>>) semaphore(%arg24 : memref<!tpu.dma_semaphore, #tpu.memory_space<semaphore_mem>>) {add = true}
        %dma_wait3A_136 = arith.constant 0 : i32
        %dma_wait3A_137 = arith.constant 0 : i32
        %dma_wait3A_138 = tpu.memref_slice %arg3[%dma_wait3A_136, %dma_wait3A_137] : memref<10112x32xf32, #tpu.memory_space<hbm>> -> memref<128x32xf32, #tpu.memory_space<hbm>>
        %dma_wait3A_139 = arith.constant 0 : i32
        %dma_wait3A_140 = arith.constant 0 : i32
        %dma_wait3A_141 = tpu.memref_slice %arg3[%dma_wait3A_139, %dma_wait3A_140] : memref<10112x32xf32, #tpu.memory_space<hbm>> -> memref<128x32xf32, #tpu.memory_space<hbm>>
        tpu.wait_dma2 semaphore(%arg21 : memref<!tpu.dma_semaphore, #tpu.memory_space<semaphore_mem>>) src(%dma_wait3A_141 : memref<128x32xf32, #tpu.memory_space<hbm>>) dst(%arg15 : memref<128x32xf32, #tpu.memory_space<vmem>>)
        %add3A_142 = arith.constant 3 : i32
        %add3A_143 = arith.addi %mul3A_91, %add3A_142 : i32
        %dma_start3A_144 = arith.constant 0 : i32
        %dma_start3A_145 = arith.constant 0 : i32
        %dma_start3A_146 = tpu.memref_slice %arg11[%add3A_143, %dma_start3A_144, %dma_start3A_145] : memref<160x1x128xi32, #tpu.memory_space<vmem>> -> memref<1x1x128xi32, #tpu.memory_space<vmem>>
        %dma_start3A_147 = tpu.memref_squeeze %dma_start3A_146 : memref<1x1x128xi32, #tpu.memory_space<vmem>> -> memref<128xi32, #tpu.memory_space<vmem>>
        %dma_start3A_148 = arith.constant 0 : i32
        %dma_start3A_149 = arith.constant 0 : i32
        %dma_start3A_150 = tpu.memref_slice %arg17[%dma_start3A_148, %dma_start3A_149] : memref<10112x32xf32, #tpu.memory_space<vmem_shared>> -> memref<10112x32xf32, #tpu.memory_space<vmem_shared>>
        tpu.enqueue_indirect_dma source(%arg15 : memref<128x32xf32, #tpu.memory_space<vmem>>) target(%dma_start3A_150 : memref<10112x32xf32, #tpu.memory_space<vmem_shared>>) offsets(%dma_start3A_147 : memref<128xi32, #tpu.memory_space<vmem>>) semaphore(%arg25 : memref<!tpu.dma_semaphore, #tpu.memory_space<semaphore_mem>>) {add = true}
        %add3A_151 = arith.constant 4 : i32
        %add3A_152 = arith.addi %mul3A_91, %add3A_151 : i32
        %add3A_153 = arith.constant 0 : i32
        %add3A_154 = arith.addi %add3A_152, %add3A_153 : i32
        %lt3A = arith.constant 160 : i32
        %lt3A_155 = arith.cmpi slt, %add3A_154, %lt3A : i32
        %convert_element_type3A_156 = arith.extui %lt3A_155 : i1 to i32
        %cond3A_157 = arith.constant 0 : i32
        %cond3A_158 = arith.cmpi ne, %convert_element_type3A_156, %cond3A_157 : i32
        scf.if %cond3A_158 {
          %dma_wait3A_186 = arith.constant 0 : i32
          %dma_wait3A_187 = arith.constant 0 : i32
          %dma_wait3A_188 = tpu.memref_slice %arg3[%dma_wait3A_186, %dma_wait3A_187] : memref<10112x32xf32, #tpu.memory_space<hbm>> -> memref<128x32xf32, #tpu.memory_space<hbm>>
          %dma_wait3A_189 = arith.constant 0 : i32
          %dma_wait3A_190 = arith.constant 0 : i32
          %dma_wait3A_191 = tpu.memref_slice %arg3[%dma_wait3A_189, %dma_wait3A_190] : memref<10112x32xf32, #tpu.memory_space<hbm>> -> memref<128x32xf32, #tpu.memory_space<hbm>>
          tpu.wait_dma2 semaphore(%arg22 : memref<!tpu.dma_semaphore, #tpu.memory_space<semaphore_mem>>) src(%dma_wait3A_191 : memref<128x32xf32, #tpu.memory_space<hbm>>) dst(%arg12 : memref<128x32xf32, #tpu.memory_space<vmem>>)
          %add3A_192 = arith.constant 4 : i32
          %add3A_193 = arith.addi %mul3A_91, %add3A_192 : i32
          %add3A_194 = arith.constant 0 : i32
          %add3A_195 = arith.addi %add3A_193, %add3A_194 : i32
          %dma_start3A_196 = arith.constant 0 : i32
          %dma_start3A_197 = arith.constant 0 : i32
          %dma_start3A_198 = tpu.memref_slice %arg10[%add3A_195, %dma_start3A_196, %dma_start3A_197] : memref<160x1x128xi32, #tpu.memory_space<vmem>> -> memref<1x1x128xi32, #tpu.memory_space<vmem>>
          %dma_start3A_199 = tpu.memref_squeeze %dma_start3A_198 : memref<1x1x128xi32, #tpu.memory_space<vmem>> -> memref<128xi32, #tpu.memory_space<vmem>>
          %dma_start3A_200 = arith.constant 0 : i32
          %dma_start3A_201 = arith.constant 0 : i32
          %dma_start3A_202 = tpu.memref_slice %arg3[%dma_start3A_200, %dma_start3A_201] : memref<10112x32xf32, #tpu.memory_space<hbm>> -> memref<10112x32xf32, #tpu.memory_space<hbm>>
          tpu.enqueue_indirect_dma source(%dma_start3A_202 : memref<10112x32xf32, #tpu.memory_space<hbm>>) target(%arg12 : memref<128x32xf32, #tpu.memory_space<vmem>>) offsets(%dma_start3A_199 : memref<128xi32, #tpu.memory_space<vmem>>) semaphore(%arg18 : memref<!tpu.dma_semaphore, #tpu.memory_space<semaphore_mem>>)
        } else {
        }
        %add3A_159 = arith.constant 4 : i32
        %add3A_160 = arith.addi %mul3A_91, %add3A_159 : i32
        %add3A_161 = arith.constant 1 : i32
        %add3A_162 = arith.addi %add3A_160, %add3A_161 : i32
        %lt3A_163 = arith.constant 160 : i32
        %lt3A_164 = arith.cmpi slt, %add3A_162, %lt3A_163 : i32
        %convert_element_type3A_165 = arith.extui %lt3A_164 : i1 to i32
        %cond3A_166 = arith.constant 0 : i32
        %cond3A_167 = arith.cmpi ne, %convert_element_type3A_165, %cond3A_166 : i32
        scf.if %cond3A_167 {
          %dma_wait3A_186 = arith.constant 0 : i32
          %dma_wait3A_187 = arith.constant 0 : i32
          %dma_wait3A_188 = tpu.memref_slice %arg3[%dma_wait3A_186, %dma_wait3A_187] : memref<10112x32xf32, #tpu.memory_space<hbm>> -> memref<128x32xf32, #tpu.memory_space<hbm>>
          %dma_wait3A_189 = arith.constant 0 : i32
          %dma_wait3A_190 = arith.constant 0 : i32
          %dma_wait3A_191 = tpu.memref_slice %arg3[%dma_wait3A_189, %dma_wait3A_190] : memref<10112x32xf32, #tpu.memory_space<hbm>> -> memref<128x32xf32, #tpu.memory_space<hbm>>
          tpu.wait_dma2 semaphore(%arg23 : memref<!tpu.dma_semaphore, #tpu.memory_space<semaphore_mem>>) src(%dma_wait3A_191 : memref<128x32xf32, #tpu.memory_space<hbm>>) dst(%arg13 : memref<128x32xf32, #tpu.memory_space<vmem>>)
          %add3A_192 = arith.constant 4 : i32
          %add3A_193 = arith.addi %mul3A_91, %add3A_192 : i32
          %add3A_194 = arith.constant 1 : i32
          %add3A_195 = arith.addi %add3A_193, %add3A_194 : i32
          %dma_start3A_196 = arith.constant 0 : i32
          %dma_start3A_197 = arith.constant 0 : i32
          %dma_start3A_198 = tpu.memref_slice %arg10[%add3A_195, %dma_start3A_196, %dma_start3A_197] : memref<160x1x128xi32, #tpu.memory_space<vmem>> -> memref<1x1x128xi32, #tpu.memory_space<vmem>>
          %dma_start3A_199 = tpu.memref_squeeze %dma_start3A_198 : memref<1x1x128xi32, #tpu.memory_space<vmem>> -> memref<128xi32, #tpu.memory_space<vmem>>
          %dma_start3A_200 = arith.constant 0 : i32
          %dma_start3A_201 = arith.constant 0 : i32
          %dma_start3A_202 = tpu.memref_slice %arg3[%dma_start3A_200, %dma_start3A_201] : memref<10112x32xf32, #tpu.memory_space<hbm>> -> memref<10112x32xf32, #tpu.memory_space<hbm>>
          tpu.enqueue_indirect_dma source(%dma_start3A_202 : memref<10112x32xf32, #tpu.memory_space<hbm>>) target(%arg13 : memref<128x32xf32, #tpu.memory_space<vmem>>) offsets(%dma_start3A_199 : memref<128xi32, #tpu.memory_space<vmem>>) semaphore(%arg19 : memref<!tpu.dma_semaphore, #tpu.memory_space<semaphore_mem>>)
        } else {
        }
        %add3A_168 = arith.constant 4 : i32
        %add3A_169 = arith.addi %mul3A_91, %add3A_168 : i32
        %add3A_170 = arith.constant 2 : i32
        %add3A_171 = arith.addi %add3A_169, %add3A_170 : i32
        %lt3A_172 = arith.constant 160 : i32
        %lt3A_173 = arith.cmpi slt, %add3A_171, %lt3A_172 : i32
        %convert_element_type3A_174 = arith.extui %lt3A_173 : i1 to i32
        %cond3A_175 = arith.constant 0 : i32
        %cond3A_176 = arith.cmpi ne, %convert_element_type3A_174, %cond3A_175 : i32
        scf.if %cond3A_176 {
          %dma_wait3A_186 = arith.constant 0 : i32
          %dma_wait3A_187 = arith.constant 0 : i32
          %dma_wait3A_188 = tpu.memref_slice %arg3[%dma_wait3A_186, %dma_wait3A_187] : memref<10112x32xf32, #tpu.memory_space<hbm>> -> memref<128x32xf32, #tpu.memory_space<hbm>>
          %dma_wait3A_189 = arith.constant 0 : i32
          %dma_wait3A_190 = arith.constant 0 : i32
          %dma_wait3A_191 = tpu.memref_slice %arg3[%dma_wait3A_189, %dma_wait3A_190] : memref<10112x32xf32, #tpu.memory_space<hbm>> -> memref<128x32xf32, #tpu.memory_space<hbm>>
          tpu.wait_dma2 semaphore(%arg24 : memref<!tpu.dma_semaphore, #tpu.memory_space<semaphore_mem>>) src(%dma_wait3A_191 : memref<128x32xf32, #tpu.memory_space<hbm>>) dst(%arg14 : memref<128x32xf32, #tpu.memory_space<vmem>>)
          %add3A_192 = arith.constant 4 : i32
          %add3A_193 = arith.addi %mul3A_91, %add3A_192 : i32
          %add3A_194 = arith.constant 2 : i32
          %add3A_195 = arith.addi %add3A_193, %add3A_194 : i32
          %dma_start3A_196 = arith.constant 0 : i32
          %dma_start3A_197 = arith.constant 0 : i32
          %dma_start3A_198 = tpu.memref_slice %arg10[%add3A_195, %dma_start3A_196, %dma_start3A_197] : memref<160x1x128xi32, #tpu.memory_space<vmem>> -> memref<1x1x128xi32, #tpu.memory_space<vmem>>
          %dma_start3A_199 = tpu.memref_squeeze %dma_start3A_198 : memref<1x1x128xi32, #tpu.memory_space<vmem>> -> memref<128xi32, #tpu.memory_space<vmem>>
          %dma_start3A_200 = arith.constant 0 : i32
          %dma_start3A_201 = arith.constant 0 : i32
          %dma_start3A_202 = tpu.memref_slice %arg3[%dma_start3A_200, %dma_start3A_201] : memref<10112x32xf32, #tpu.memory_space<hbm>> -> memref<10112x32xf32, #tpu.memory_space<hbm>>
          tpu.enqueue_indirect_dma source(%dma_start3A_202 : memref<10112x32xf32, #tpu.memory_space<hbm>>) target(%arg14 : memref<128x32xf32, #tpu.memory_space<vmem>>) offsets(%dma_start3A_199 : memref<128xi32, #tpu.memory_space<vmem>>) semaphore(%arg20 : memref<!tpu.dma_semaphore, #tpu.memory_space<semaphore_mem>>)
        } else {
        }
        %add3A_177 = arith.constant 4 : i32
        %add3A_178 = arith.addi %mul3A_91, %add3A_177 : i32
        %add3A_179 = arith.constant 3 : i32
        %add3A_180 = arith.addi %add3A_178, %add3A_179 : i32
        %lt3A_181 = arith.constant 160 : i32
        %lt3A_182 = arith.cmpi slt, %add3A_180, %lt3A_181 : i32
        %convert_element_type3A_183 = arith.extui %lt3A_182 : i1 to i32
        %cond3A_184 = arith.constant 0 : i32
        %cond3A_185 = arith.cmpi ne, %convert_element_type3A_183, %cond3A_184 : i32
        scf.if %cond3A_185 {
          %dma_wait3A_186 = arith.constant 0 : i32
          %dma_wait3A_187 = arith.constant 0 : i32
          %dma_wait3A_188 = tpu.memref_slice %arg3[%dma_wait3A_186, %dma_wait3A_187] : memref<10112x32xf32, #tpu.memory_space<hbm>> -> memref<128x32xf32, #tpu.memory_space<hbm>>
          %dma_wait3A_189 = arith.constant 0 : i32
          %dma_wait3A_190 = arith.constant 0 : i32
          %dma_wait3A_191 = tpu.memref_slice %arg3[%dma_wait3A_189, %dma_wait3A_190] : memref<10112x32xf32, #tpu.memory_space<hbm>> -> memref<128x32xf32, #tpu.memory_space<hbm>>
          tpu.wait_dma2 semaphore(%arg25 : memref<!tpu.dma_semaphore, #tpu.memory_space<semaphore_mem>>) src(%dma_wait3A_191 : memref<128x32xf32, #tpu.memory_space<hbm>>) dst(%arg15 : memref<128x32xf32, #tpu.memory_space<vmem>>)
          %add3A_192 = arith.constant 4 : i32
          %add3A_193 = arith.addi %mul3A_91, %add3A_192 : i32
          %add3A_194 = arith.constant 3 : i32
          %add3A_195 = arith.addi %add3A_193, %add3A_194 : i32
          %dma_start3A_196 = arith.constant 0 : i32
          %dma_start3A_197 = arith.constant 0 : i32
          %dma_start3A_198 = tpu.memref_slice %arg10[%add3A_195, %dma_start3A_196, %dma_start3A_197] : memref<160x1x128xi32, #tpu.memory_space<vmem>> -> memref<1x1x128xi32, #tpu.memory_space<vmem>>
          %dma_start3A_199 = tpu.memref_squeeze %dma_start3A_198 : memref<1x1x128xi32, #tpu.memory_space<vmem>> -> memref<128xi32, #tpu.memory_space<vmem>>
          %dma_start3A_200 = arith.constant 0 : i32
          %dma_start3A_201 = arith.constant 0 : i32
          %dma_start3A_202 = tpu.memref_slice %arg3[%dma_start3A_200, %dma_start3A_201] : memref<10112x32xf32, #tpu.memory_space<hbm>> -> memref<10112x32xf32, #tpu.memory_space<hbm>>
          tpu.enqueue_indirect_dma source(%dma_start3A_202 : memref<10112x32xf32, #tpu.memory_space<hbm>>) target(%arg15 : memref<128x32xf32, #tpu.memory_space<vmem>>) offsets(%dma_start3A_199 : memref<128xi32, #tpu.memory_space<vmem>>) semaphore(%arg21 : memref<!tpu.dma_semaphore, #tpu.memory_space<semaphore_mem>>)
        } else {
        }
      }
      %scan3A_59 = arith.constant 40 : i32
      %dma_wait3A = arith.constant 0 : i32
      %dma_wait3A_60 = arith.constant 0 : i32
      %dma_wait3A_61 = tpu.memref_slice %arg3[%dma_wait3A, %dma_wait3A_60] : memref<10112x32xf32, #tpu.memory_space<hbm>> -> memref<128x32xf32, #tpu.memory_space<hbm>>
      %dma_wait3A_62 = arith.constant 0 : i32
      %dma_wait3A_63 = arith.constant 0 : i32
      %dma_wait3A_64 = tpu.memref_slice %arg3[%dma_wait3A_62, %dma_wait3A_63] : memref<10112x32xf32, #tpu.memory_space<hbm>> -> memref<128x32xf32, #tpu.memory_space<hbm>>
      tpu.wait_dma2 semaphore(%arg22 : memref<!tpu.dma_semaphore, #tpu.memory_space<semaphore_mem>>) src(%dma_wait3A_64 : memref<128x32xf32, #tpu.memory_space<hbm>>) dst(%arg12 : memref<128x32xf32, #tpu.memory_space<vmem>>)
      %dma_wait3A_65 = arith.constant 0 : i32
      %dma_wait3A_66 = arith.constant 0 : i32
      %dma_wait3A_67 = tpu.memref_slice %arg3[%dma_wait3A_65, %dma_wait3A_66] : memref<10112x32xf32, #tpu.memory_space<hbm>> -> memref<128x32xf32, #tpu.memory_space<hbm>>
      %dma_wait3A_68 = arith.constant 0 : i32
      %dma_wait3A_69 = arith.constant 0 : i32
      %dma_wait3A_70 = tpu.memref_slice %arg3[%dma_wait3A_68, %dma_wait3A_69] : memref<10112x32xf32, #tpu.memory_space<hbm>> -> memref<128x32xf32, #tpu.memory_space<hbm>>
      tpu.wait_dma2 semaphore(%arg23 : memref<!tpu.dma_semaphore, #tpu.memory_space<semaphore_mem>>) src(%dma_wait3A_70 : memref<128x32xf32, #tpu.memory_space<hbm>>) dst(%arg13 : memref<128x32xf32, #tpu.memory_space<vmem>>)
      %dma_wait3A_71 = arith.constant 0 : i32
      %dma_wait3A_72 = arith.constant 0 : i32
      %dma_wait3A_73 = tpu.memref_slice %arg3[%dma_wait3A_71, %dma_wait3A_72] : memref<10112x32xf32, #tpu.memory_space<hbm>> -> memref<128x32xf32, #tpu.memory_space<hbm>>
      %dma_wait3A_74 = arith.constant 0 : i32
      %dma_wait3A_75 = arith.constant 0 : i32
      %dma_wait3A_76 = tpu.memref_slice %arg3[%dma_wait3A_74, %dma_wait3A_75] : memref<10112x32xf32, #tpu.memory_space<hbm>> -> memref<128x32xf32, #tpu.memory_space<hbm>>
      tpu.wait_dma2 semaphore(%arg24 : memref<!tpu.dma_semaphore, #tpu.memory_space<semaphore_mem>>) src(%dma_wait3A_76 : memref<128x32xf32, #tpu.memory_space<hbm>>) dst(%arg14 : memref<128x32xf32, #tpu.memory_space<vmem>>)
      %dma_wait3A_77 = arith.constant 0 : i32
      %dma_wait3A_78 = arith.constant 0 : i32
      %dma_wait3A_79 = tpu.memref_slice %arg3[%dma_wait3A_77, %dma_wait3A_78] : memref<10112x32xf32, #tpu.memory_space<hbm>> -> memref<128x32xf32, #tpu.memory_space<hbm>>
      %dma_wait3A_80 = arith.constant 0 : i32
      %dma_wait3A_81 = arith.constant 0 : i32
      %dma_wait3A_82 = tpu.memref_slice %arg3[%dma_wait3A_80, %dma_wait3A_81] : memref<10112x32xf32, #tpu.memory_space<hbm>> -> memref<128x32xf32, #tpu.memory_space<hbm>>
      tpu.wait_dma2 semaphore(%arg25 : memref<!tpu.dma_semaphore, #tpu.memory_space<semaphore_mem>>) src(%dma_wait3A_82 : memref<128x32xf32, #tpu.memory_space<hbm>>) dst(%arg15 : memref<128x32xf32, #tpu.memory_space<vmem>>)
      %barrier3A_83 = arith.constant 0 : index
      tpu.barrier barrier_id(%barrier3A_83)
      %mul3A_84 = arith.constant 632 : i32
      %mul3A_85 = arith.muli %arg1, %mul3A_84 : i32
      "tpu.region"() ({
        %run_scoped3A = tpu.sem_alloc : memref<!tpu.dma_semaphore, #tpu.memory_space<semaphore_mem>>
        %dma_start3A_89 = arith.constant 0 : i32
        %dma_start3A_90 = tpu.memref_slice %arg17[%mul3A_85, %dma_start3A_89] : memref<10112x32xf32, #tpu.memory_space<vmem_shared>> -> memref<632x32xf32, #tpu.memory_space<vmem_shared>>
        %dma_start3A_91 = arith.constant 0 : i32
        %dma_start3A_92 = tpu.memref_slice %arg17[%mul3A_85, %dma_start3A_91] : memref<10112x32xf32, #tpu.memory_space<vmem_shared>> -> memref<632x32xf32, #tpu.memory_space<vmem_shared>>
        tpu.enqueue_dma source(%dma_start3A_92 : memref<632x32xf32, #tpu.memory_space<vmem_shared>>) target(%arg16 : memref<632x32xf32, #tpu.memory_space<vmem>>) target_semaphore(%run_scoped3A : memref<!tpu.dma_semaphore, #tpu.memory_space<semaphore_mem>>)
        %dma_wait3A_93 = arith.constant 0 : i32
        %dma_wait3A_94 = tpu.memref_slice %arg17[%mul3A_85, %dma_wait3A_93] : memref<10112x32xf32, #tpu.memory_space<vmem_shared>> -> memref<632x32xf32, #tpu.memory_space<vmem_shared>>
        %dma_wait3A_95 = arith.constant 0 : i32
        %dma_wait3A_96 = tpu.memref_slice %arg17[%mul3A_85, %dma_wait3A_95] : memref<10112x32xf32, #tpu.memory_space<vmem_shared>> -> memref<632x32xf32, #tpu.memory_space<vmem_shared>>
        tpu.wait_dma2 semaphore(%run_scoped3A : memref<!tpu.dma_semaphore, #tpu.memory_space<semaphore_mem>>) src(%dma_wait3A_96 : memref<632x32xf32, #tpu.memory_space<vmem_shared>>) dst(%arg16 : memref<632x32xf32, #tpu.memory_space<vmem>>)
        tpu.yield
      }) : () -> ()
      %mul3A_86 = arith.constant 632 : i32
      %mul3A_87 = arith.muli %arg1, %mul3A_86 : i32
      "tpu.region"() ({
        %run_scoped3A = tpu.sem_alloc : memref<!tpu.dma_semaphore, #tpu.memory_space<semaphore_mem>>
        %dma_start3A_89 = arith.constant 32 : i32
        %dma_start3A_90 = tpu.memref_slice %arg9[%mul3A_87, %dma_start3A_89] : memref<10112x128xf32, #tpu.memory_space<hbm>> -> memref<632x32xf32, #tpu.memory_space<hbm>>
        %dma_start3A_91 = arith.constant 32 : i32
        %dma_start3A_92 = tpu.memref_slice %arg9[%mul3A_87, %dma_start3A_91] : memref<10112x128xf32, #tpu.memory_space<hbm>> -> memref<632x32xf32, #tpu.memory_space<hbm>>
        tpu.enqueue_dma source(%arg16 : memref<632x32xf32, #tpu.memory_space<vmem>>) target(%dma_start3A_92 : memref<632x32xf32, #tpu.memory_space<hbm>>) target_semaphore(%run_scoped3A : memref<!tpu.dma_semaphore, #tpu.memory_space<semaphore_mem>>)
        %dma_wait3A_93 = arith.constant 32 : i32
        %dma_wait3A_94 = tpu.memref_slice %arg9[%mul3A_87, %dma_wait3A_93] : memref<10112x128xf32, #tpu.memory_space<hbm>> -> memref<632x32xf32, #tpu.memory_space<hbm>>
        %dma_wait3A_95 = arith.constant 32 : i32
        %dma_wait3A_96 = tpu.memref_slice %arg9[%mul3A_87, %dma_wait3A_95] : memref<10112x128xf32, #tpu.memory_space<hbm>> -> memref<632x32xf32, #tpu.memory_space<hbm>>
        tpu.wait_dma2 semaphore(%run_scoped3A : memref<!tpu.dma_semaphore, #tpu.memory_space<semaphore_mem>>) src(%arg16 : memref<632x32xf32, #tpu.memory_space<vmem>>) dst(%dma_wait3A_96 : memref<632x32xf32, #tpu.memory_space<hbm>>)
        tpu.yield
      }) : () -> ()
      %barrier3A_88 = arith.constant 0 : index
      tpu.barrier barrier_id(%barrier3A_88)
    } else {
    }
    %eq3A_15 = arith.constant 1 : i32
    %eq3A_16 = arith.cmpi eq, %arg0, %eq3A_15 : i32
    %convert_element_type3A_17 = arith.extui %eq3A_16 : i1 to i32
    %cond3A_18 = arith.constant 0 : i32
    %cond3A_19 = arith.cmpi ne, %convert_element_type3A_17, %cond3A_18 : i32
    scf.if %cond3A_19 {
      %mul3A_20 = arith.constant 632 : i32
      %mul3A_21 = arith.muli %arg1, %mul3A_20 : i32
      "tpu.region"() ({
        %run_scoped3A = tpu.sem_alloc : memref<!tpu.dma_semaphore, #tpu.memory_space<semaphore_mem>>
        %dma_start3A_89 = arith.constant 0 : i32
        %dma_start3A_90 = tpu.memref_slice %arg8[%mul3A_21, %dma_start3A_89] : memref<10112x32xf32, #tpu.memory_space<hbm>> -> memref<632x32xf32, #tpu.memory_space<hbm>>
        %dma_start3A_91 = arith.constant 0 : i32
        %dma_start3A_92 = tpu.memref_slice %arg8[%mul3A_21, %dma_start3A_91] : memref<10112x32xf32, #tpu.memory_space<hbm>> -> memref<632x32xf32, #tpu.memory_space<hbm>>
        tpu.enqueue_dma source(%dma_start3A_92 : memref<632x32xf32, #tpu.memory_space<hbm>>) target(%arg16 : memref<632x32xf32, #tpu.memory_space<vmem>>) target_semaphore(%run_scoped3A : memref<!tpu.dma_semaphore, #tpu.memory_space<semaphore_mem>>)
        %dma_wait3A_93 = arith.constant 0 : i32
        %dma_wait3A_94 = tpu.memref_slice %arg8[%mul3A_21, %dma_wait3A_93] : memref<10112x32xf32, #tpu.memory_space<hbm>> -> memref<632x32xf32, #tpu.memory_space<hbm>>
        %dma_wait3A_95 = arith.constant 0 : i32
        %dma_wait3A_96 = tpu.memref_slice %arg8[%mul3A_21, %dma_wait3A_95] : memref<10112x32xf32, #tpu.memory_space<hbm>> -> memref<632x32xf32, #tpu.memory_space<hbm>>
        tpu.wait_dma2 semaphore(%run_scoped3A : memref<!tpu.dma_semaphore, #tpu.memory_space<semaphore_mem>>) src(%dma_wait3A_96 : memref<632x32xf32, #tpu.memory_space<hbm>>) dst(%arg16 : memref<632x32xf32, #tpu.memory_space<vmem>>)
        tpu.yield
      }) : () -> ()
      %mul3A_22 = arith.constant 632 : i32
      %mul3A_23 = arith.muli %arg1, %mul3A_22 : i32
      "tpu.region"() ({
        %run_scoped3A = tpu.sem_alloc : memref<!tpu.dma_semaphore, #tpu.memory_space<semaphore_mem>>
        %dma_start3A_89 = arith.constant 0 : i32
        %dma_start3A_90 = tpu.memref_slice %arg17[%mul3A_23, %dma_start3A_89] : memref<10112x32xf32, #tpu.memory_space<vmem_shared>> -> memref<632x32xf32, #tpu.memory_space<vmem_shared>>
        %dma_start3A_91 = arith.constant 0 : i32
        %dma_start3A_92 = tpu.memref_slice %arg17[%mul3A_23, %dma_start3A_91] : memref<10112x32xf32, #tpu.memory_space<vmem_shared>> -> memref<632x32xf32, #tpu.memory_space<vmem_shared>>
        tpu.enqueue_dma source(%arg16 : memref<632x32xf32, #tpu.memory_space<vmem>>) target(%dma_start3A_92 : memref<632x32xf32, #tpu.memory_space<vmem_shared>>) target_semaphore(%run_scoped3A : memref<!tpu.dma_semaphore, #tpu.memory_space<semaphore_mem>>)
        %dma_wait3A_93 = arith.constant 0 : i32
        %dma_wait3A_94 = tpu.memref_slice %arg17[%mul3A_23, %dma_wait3A_93] : memref<10112x32xf32, #tpu.memory_space<vmem_shared>> -> memref<632x32xf32, #tpu.memory_space<vmem_shared>>
        %dma_wait3A_95 = arith.constant 0 : i32
        %dma_wait3A_96 = tpu.memref_slice %arg17[%mul3A_23, %dma_wait3A_95] : memref<10112x32xf32, #tpu.memory_space<vmem_shared>> -> memref<632x32xf32, #tpu.memory_space<vmem_shared>>
        tpu.wait_dma2 semaphore(%run_scoped3A : memref<!tpu.dma_semaphore, #tpu.memory_space<semaphore_mem>>) src(%arg16 : memref<632x32xf32, #tpu.memory_space<vmem>>) dst(%dma_wait3A_96 : memref<632x32xf32, #tpu.memory_space<vmem_shared>>)
        tpu.yield
      }) : () -> ()
      %barrier3A = arith.constant 0 : index
      tpu.barrier barrier_id(%barrier3A)
      %dma_start3A = arith.constant 0 : i32
      %dma_start3A_24 = arith.constant 0 : i32
      %dma_start3A_25 = arith.constant 0 : i32
      %dma_start3A_26 = tpu.memref_slice %arg10[%dma_start3A, %dma_start3A_24, %dma_start3A_25] : memref<160x1x128xi32, #tpu.memory_space<vmem>> -> memref<1x1x128xi32, #tpu.memory_space<vmem>>
      %dma_start3A_27 = tpu.memref_squeeze %dma_start3A_26 : memref<1x1x128xi32, #tpu.memory_space<vmem>> -> memref<128xi32, #tpu.memory_space<vmem>>
      %dma_start3A_28 = arith.constant 0 : i32
      %dma_start3A_29 = arith.constant 0 : i32
      %dma_start3A_30 = tpu.memref_slice %arg5[%dma_start3A_28, %dma_start3A_29] : memref<10112x32xf32, #tpu.memory_space<hbm>> -> memref<10112x32xf32, #tpu.memory_space<hbm>>
      tpu.enqueue_indirect_dma source(%dma_start3A_30 : memref<10112x32xf32, #tpu.memory_space<hbm>>) target(%arg12 : memref<128x32xf32, #tpu.memory_space<vmem>>) offsets(%dma_start3A_27 : memref<128xi32, #tpu.memory_space<vmem>>) semaphore(%arg18 : memref<!tpu.dma_semaphore, #tpu.memory_space<semaphore_mem>>)
      %dma_start3A_31 = arith.constant 1 : i32
      %dma_start3A_32 = arith.constant 0 : i32
      %dma_start3A_33 = arith.constant 0 : i32
      %dma_start3A_34 = tpu.memref_slice %arg10[%dma_start3A_31, %dma_start3A_32, %dma_start3A_33] : memref<160x1x128xi32, #tpu.memory_space<vmem>> -> memref<1x1x128xi32, #tpu.memory_space<vmem>>
      %dma_start3A_35 = tpu.memref_squeeze %dma_start3A_34 : memref<1x1x128xi32, #tpu.memory_space<vmem>> -> memref<128xi32, #tpu.memory_space<vmem>>
      %dma_start3A_36 = arith.constant 0 : i32
      %dma_start3A_37 = arith.constant 0 : i32
      %dma_start3A_38 = tpu.memref_slice %arg5[%dma_start3A_36, %dma_start3A_37] : memref<10112x32xf32, #tpu.memory_space<hbm>> -> memref<10112x32xf32, #tpu.memory_space<hbm>>
      tpu.enqueue_indirect_dma source(%dma_start3A_38 : memref<10112x32xf32, #tpu.memory_space<hbm>>) target(%arg13 : memref<128x32xf32, #tpu.memory_space<vmem>>) offsets(%dma_start3A_35 : memref<128xi32, #tpu.memory_space<vmem>>) semaphore(%arg19 : memref<!tpu.dma_semaphore, #tpu.memory_space<semaphore_mem>>)
      %dma_start3A_39 = arith.constant 2 : i32
      %dma_start3A_40 = arith.constant 0 : i32
      %dma_start3A_41 = arith.constant 0 : i32
      %dma_start3A_42 = tpu.memref_slice %arg10[%dma_start3A_39, %dma_start3A_40, %dma_start3A_41] : memref<160x1x128xi32, #tpu.memory_space<vmem>> -> memref<1x1x128xi32, #tpu.memory_space<vmem>>
      %dma_start3A_43 = tpu.memref_squeeze %dma_start3A_42 : memref<1x1x128xi32, #tpu.memory_space<vmem>> -> memref<128xi32, #tpu.memory_space<vmem>>
      %dma_start3A_44 = arith.constant 0 : i32
      %dma_start3A_45 = arith.constant 0 : i32
      %dma_start3A_46 = tpu.memref_slice %arg5[%dma_start3A_44, %dma_start3A_45] : memref<10112x32xf32, #tpu.memory_space<hbm>> -> memref<10112x32xf32, #tpu.memory_space<hbm>>
      tpu.enqueue_indirect_dma source(%dma_start3A_46 : memref<10112x32xf32, #tpu.memory_space<hbm>>) target(%arg14 : memref<128x32xf32, #tpu.memory_space<vmem>>) offsets(%dma_start3A_43 : memref<128xi32, #tpu.memory_space<vmem>>) semaphore(%arg20 : memref<!tpu.dma_semaphore, #tpu.memory_space<semaphore_mem>>)
      %dma_start3A_47 = arith.constant 3 : i32
      %dma_start3A_48 = arith.constant 0 : i32
      %dma_start3A_49 = arith.constant 0 : i32
      %dma_start3A_50 = tpu.memref_slice %arg10[%dma_start3A_47, %dma_start3A_48, %dma_start3A_49] : memref<160x1x128xi32, #tpu.memory_space<vmem>> -> memref<1x1x128xi32, #tpu.memory_space<vmem>>
      %dma_start3A_51 = tpu.memref_squeeze %dma_start3A_50 : memref<1x1x128xi32, #tpu.memory_space<vmem>> -> memref<128xi32, #tpu.memory_space<vmem>>
      %dma_start3A_52 = arith.constant 0 : i32
      %dma_start3A_53 = arith.constant 0 : i32
      %dma_start3A_54 = tpu.memref_slice %arg5[%dma_start3A_52, %dma_start3A_53] : memref<10112x32xf32, #tpu.memory_space<hbm>> -> memref<10112x32xf32, #tpu.memory_space<hbm>>
      tpu.enqueue_indirect_dma source(%dma_start3A_54 : memref<10112x32xf32, #tpu.memory_space<hbm>>) target(%arg15 : memref<128x32xf32, #tpu.memory_space<vmem>>) offsets(%dma_start3A_51 : memref<128xi32, #tpu.memory_space<vmem>>) semaphore(%arg21 : memref<!tpu.dma_semaphore, #tpu.memory_space<semaphore_mem>>)
      %scan3A = arith.constant 0 : i32
      %scan3A_55 = arith.constant 0 : i32
      %scan3A_56 = arith.constant 40 : i32
      %scan3A_57 = arith.addi %scan3A_55, %scan3A_56 : i32
      %scan3A_58 = arith.constant 1 : i32
      scf.for %scan3A_89 = %scan3A_55 to %scan3A_57 step %scan3A_58  : i32 {
        %mul3A_90 = arith.constant 4 : i32
        %mul3A_91 = arith.muli %scan3A_89, %mul3A_90 : i32
        %dma_wait3A_92 = arith.constant 0 : i32
        %dma_wait3A_93 = arith.constant 0 : i32
        %dma_wait3A_94 = tpu.memref_slice %arg5[%dma_wait3A_92, %dma_wait3A_93] : memref<10112x32xf32, #tpu.memory_space<hbm>> -> memref<128x32xf32, #tpu.memory_space<hbm>>
        %dma_wait3A_95 = arith.constant 0 : i32
        %dma_wait3A_96 = arith.constant 0 : i32
        %dma_wait3A_97 = tpu.memref_slice %arg5[%dma_wait3A_95, %dma_wait3A_96] : memref<10112x32xf32, #tpu.memory_space<hbm>> -> memref<128x32xf32, #tpu.memory_space<hbm>>
        tpu.wait_dma2 semaphore(%arg18 : memref<!tpu.dma_semaphore, #tpu.memory_space<semaphore_mem>>) src(%dma_wait3A_97 : memref<128x32xf32, #tpu.memory_space<hbm>>) dst(%arg12 : memref<128x32xf32, #tpu.memory_space<vmem>>)
        %add3A = arith.constant 0 : i32
        %add3A_98 = arith.addi %mul3A_91, %add3A : i32
        %dma_start3A_99 = arith.constant 0 : i32
        %dma_start3A_100 = arith.constant 0 : i32
        %dma_start3A_101 = tpu.memref_slice %arg11[%add3A_98, %dma_start3A_99, %dma_start3A_100] : memref<160x1x128xi32, #tpu.memory_space<vmem>> -> memref<1x1x128xi32, #tpu.memory_space<vmem>>
        %dma_start3A_102 = tpu.memref_squeeze %dma_start3A_101 : memref<1x1x128xi32, #tpu.memory_space<vmem>> -> memref<128xi32, #tpu.memory_space<vmem>>
        %dma_start3A_103 = arith.constant 0 : i32
        %dma_start3A_104 = arith.constant 0 : i32
        %dma_start3A_105 = tpu.memref_slice %arg17[%dma_start3A_103, %dma_start3A_104] : memref<10112x32xf32, #tpu.memory_space<vmem_shared>> -> memref<10112x32xf32, #tpu.memory_space<vmem_shared>>
        tpu.enqueue_indirect_dma source(%arg12 : memref<128x32xf32, #tpu.memory_space<vmem>>) target(%dma_start3A_105 : memref<10112x32xf32, #tpu.memory_space<vmem_shared>>) offsets(%dma_start3A_102 : memref<128xi32, #tpu.memory_space<vmem>>) semaphore(%arg22 : memref<!tpu.dma_semaphore, #tpu.memory_space<semaphore_mem>>) {add = true}
        %dma_wait3A_106 = arith.constant 0 : i32
        %dma_wait3A_107 = arith.constant 0 : i32
        %dma_wait3A_108 = tpu.memref_slice %arg5[%dma_wait3A_106, %dma_wait3A_107] : memref<10112x32xf32, #tpu.memory_space<hbm>> -> memref<128x32xf32, #tpu.memory_space<hbm>>
        %dma_wait3A_109 = arith.constant 0 : i32
        %dma_wait3A_110 = arith.constant 0 : i32
        %dma_wait3A_111 = tpu.memref_slice %arg5[%dma_wait3A_109, %dma_wait3A_110] : memref<10112x32xf32, #tpu.memory_space<hbm>> -> memref<128x32xf32, #tpu.memory_space<hbm>>
        tpu.wait_dma2 semaphore(%arg19 : memref<!tpu.dma_semaphore, #tpu.memory_space<semaphore_mem>>) src(%dma_wait3A_111 : memref<128x32xf32, #tpu.memory_space<hbm>>) dst(%arg13 : memref<128x32xf32, #tpu.memory_space<vmem>>)
        %add3A_112 = arith.constant 1 : i32
        %add3A_113 = arith.addi %mul3A_91, %add3A_112 : i32
        %dma_start3A_114 = arith.constant 0 : i32
        %dma_start3A_115 = arith.constant 0 : i32
        %dma_start3A_116 = tpu.memref_slice %arg11[%add3A_113, %dma_start3A_114, %dma_start3A_115] : memref<160x1x128xi32, #tpu.memory_space<vmem>> -> memref<1x1x128xi32, #tpu.memory_space<vmem>>
        %dma_start3A_117 = tpu.memref_squeeze %dma_start3A_116 : memref<1x1x128xi32, #tpu.memory_space<vmem>> -> memref<128xi32, #tpu.memory_space<vmem>>
        %dma_start3A_118 = arith.constant 0 : i32
        %dma_start3A_119 = arith.constant 0 : i32
        %dma_start3A_120 = tpu.memref_slice %arg17[%dma_start3A_118, %dma_start3A_119] : memref<10112x32xf32, #tpu.memory_space<vmem_shared>> -> memref<10112x32xf32, #tpu.memory_space<vmem_shared>>
        tpu.enqueue_indirect_dma source(%arg13 : memref<128x32xf32, #tpu.memory_space<vmem>>) target(%dma_start3A_120 : memref<10112x32xf32, #tpu.memory_space<vmem_shared>>) offsets(%dma_start3A_117 : memref<128xi32, #tpu.memory_space<vmem>>) semaphore(%arg23 : memref<!tpu.dma_semaphore, #tpu.memory_space<semaphore_mem>>) {add = true}
        %dma_wait3A_121 = arith.constant 0 : i32
        %dma_wait3A_122 = arith.constant 0 : i32
        %dma_wait3A_123 = tpu.memref_slice %arg5[%dma_wait3A_121, %dma_wait3A_122] : memref<10112x32xf32, #tpu.memory_space<hbm>> -> memref<128x32xf32, #tpu.memory_space<hbm>>
        %dma_wait3A_124 = arith.constant 0 : i32
        %dma_wait3A_125 = arith.constant 0 : i32
        %dma_wait3A_126 = tpu.memref_slice %arg5[%dma_wait3A_124, %dma_wait3A_125] : memref<10112x32xf32, #tpu.memory_space<hbm>> -> memref<128x32xf32, #tpu.memory_space<hbm>>
        tpu.wait_dma2 semaphore(%arg20 : memref<!tpu.dma_semaphore, #tpu.memory_space<semaphore_mem>>) src(%dma_wait3A_126 : memref<128x32xf32, #tpu.memory_space<hbm>>) dst(%arg14 : memref<128x32xf32, #tpu.memory_space<vmem>>)
        %add3A_127 = arith.constant 2 : i32
        %add3A_128 = arith.addi %mul3A_91, %add3A_127 : i32
        %dma_start3A_129 = arith.constant 0 : i32
        %dma_start3A_130 = arith.constant 0 : i32
        %dma_start3A_131 = tpu.memref_slice %arg11[%add3A_128, %dma_start3A_129, %dma_start3A_130] : memref<160x1x128xi32, #tpu.memory_space<vmem>> -> memref<1x1x128xi32, #tpu.memory_space<vmem>>
        %dma_start3A_132 = tpu.memref_squeeze %dma_start3A_131 : memref<1x1x128xi32, #tpu.memory_space<vmem>> -> memref<128xi32, #tpu.memory_space<vmem>>
        %dma_start3A_133 = arith.constant 0 : i32
        %dma_start3A_134 = arith.constant 0 : i32
        %dma_start3A_135 = tpu.memref_slice %arg17[%dma_start3A_133, %dma_start3A_134] : memref<10112x32xf32, #tpu.memory_space<vmem_shared>> -> memref<10112x32xf32, #tpu.memory_space<vmem_shared>>
        tpu.enqueue_indirect_dma source(%arg14 : memref<128x32xf32, #tpu.memory_space<vmem>>) target(%dma_start3A_135 : memref<10112x32xf32, #tpu.memory_space<vmem_shared>>) offsets(%dma_start3A_132 : memref<128xi32, #tpu.memory_space<vmem>>) semaphore(%arg24 : memref<!tpu.dma_semaphore, #tpu.memory_space<semaphore_mem>>) {add = true}
        %dma_wait3A_136 = arith.constant 0 : i32
        %dma_wait3A_137 = arith.constant 0 : i32
        %dma_wait3A_138 = tpu.memref_slice %arg5[%dma_wait3A_136, %dma_wait3A_137] : memref<10112x32xf32, #tpu.memory_space<hbm>> -> memref<128x32xf32, #tpu.memory_space<hbm>>
        %dma_wait3A_139 = arith.constant 0 : i32
        %dma_wait3A_140 = arith.constant 0 : i32
        %dma_wait3A_141 = tpu.memref_slice %arg5[%dma_wait3A_139, %dma_wait3A_140] : memref<10112x32xf32, #tpu.memory_space<hbm>> -> memref<128x32xf32, #tpu.memory_space<hbm>>
        tpu.wait_dma2 semaphore(%arg21 : memref<!tpu.dma_semaphore, #tpu.memory_space<semaphore_mem>>) src(%dma_wait3A_141 : memref<128x32xf32, #tpu.memory_space<hbm>>) dst(%arg15 : memref<128x32xf32, #tpu.memory_space<vmem>>)
        %add3A_142 = arith.constant 3 : i32
        %add3A_143 = arith.addi %mul3A_91, %add3A_142 : i32
        %dma_start3A_144 = arith.constant 0 : i32
        %dma_start3A_145 = arith.constant 0 : i32
        %dma_start3A_146 = tpu.memref_slice %arg11[%add3A_143, %dma_start3A_144, %dma_start3A_145] : memref<160x1x128xi32, #tpu.memory_space<vmem>> -> memref<1x1x128xi32, #tpu.memory_space<vmem>>
        %dma_start3A_147 = tpu.memref_squeeze %dma_start3A_146 : memref<1x1x128xi32, #tpu.memory_space<vmem>> -> memref<128xi32, #tpu.memory_space<vmem>>
        %dma_start3A_148 = arith.constant 0 : i32
        %dma_start3A_149 = arith.constant 0 : i32
        %dma_start3A_150 = tpu.memref_slice %arg17[%dma_start3A_148, %dma_start3A_149] : memref<10112x32xf32, #tpu.memory_space<vmem_shared>> -> memref<10112x32xf32, #tpu.memory_space<vmem_shared>>
        tpu.enqueue_indirect_dma source(%arg15 : memref<128x32xf32, #tpu.memory_space<vmem>>) target(%dma_start3A_150 : memref<10112x32xf32, #tpu.memory_space<vmem_shared>>) offsets(%dma_start3A_147 : memref<128xi32, #tpu.memory_space<vmem>>) semaphore(%arg25 : memref<!tpu.dma_semaphore, #tpu.memory_space<semaphore_mem>>) {add = true}
        %add3A_151 = arith.constant 4 : i32
        %add3A_152 = arith.addi %mul3A_91, %add3A_151 : i32
        %add3A_153 = arith.constant 0 : i32
        %add3A_154 = arith.addi %add3A_152, %add3A_153 : i32
        %lt3A = arith.constant 160 : i32
        %lt3A_155 = arith.cmpi slt, %add3A_154, %lt3A : i32
        %convert_element_type3A_156 = arith.extui %lt3A_155 : i1 to i32
        %cond3A_157 = arith.constant 0 : i32
        %cond3A_158 = arith.cmpi ne, %convert_element_type3A_156, %cond3A_157 : i32
        scf.if %cond3A_158 {
          %dma_wait3A_186 = arith.constant 0 : i32
          %dma_wait3A_187 = arith.constant 0 : i32
          %dma_wait3A_188 = tpu.memref_slice %arg5[%dma_wait3A_186, %dma_wait3A_187] : memref<10112x32xf32, #tpu.memory_space<hbm>> -> memref<128x32xf32, #tpu.memory_space<hbm>>
          %dma_wait3A_189 = arith.constant 0 : i32
          %dma_wait3A_190 = arith.constant 0 : i32
          %dma_wait3A_191 = tpu.memref_slice %arg5[%dma_wait3A_189, %dma_wait3A_190] : memref<10112x32xf32, #tpu.memory_space<hbm>> -> memref<128x32xf32, #tpu.memory_space<hbm>>
          tpu.wait_dma2 semaphore(%arg22 : memref<!tpu.dma_semaphore, #tpu.memory_space<semaphore_mem>>) src(%dma_wait3A_191 : memref<128x32xf32, #tpu.memory_space<hbm>>) dst(%arg12 : memref<128x32xf32, #tpu.memory_space<vmem>>)
          %add3A_192 = arith.constant 4 : i32
          %add3A_193 = arith.addi %mul3A_91, %add3A_192 : i32
          %add3A_194 = arith.constant 0 : i32
          %add3A_195 = arith.addi %add3A_193, %add3A_194 : i32
          %dma_start3A_196 = arith.constant 0 : i32
          %dma_start3A_197 = arith.constant 0 : i32
          %dma_start3A_198 = tpu.memref_slice %arg10[%add3A_195, %dma_start3A_196, %dma_start3A_197] : memref<160x1x128xi32, #tpu.memory_space<vmem>> -> memref<1x1x128xi32, #tpu.memory_space<vmem>>
          %dma_start3A_199 = tpu.memref_squeeze %dma_start3A_198 : memref<1x1x128xi32, #tpu.memory_space<vmem>> -> memref<128xi32, #tpu.memory_space<vmem>>
          %dma_start3A_200 = arith.constant 0 : i32
          %dma_start3A_201 = arith.constant 0 : i32
          %dma_start3A_202 = tpu.memref_slice %arg5[%dma_start3A_200, %dma_start3A_201] : memref<10112x32xf32, #tpu.memory_space<hbm>> -> memref<10112x32xf32, #tpu.memory_space<hbm>>
          tpu.enqueue_indirect_dma source(%dma_start3A_202 : memref<10112x32xf32, #tpu.memory_space<hbm>>) target(%arg12 : memref<128x32xf32, #tpu.memory_space<vmem>>) offsets(%dma_start3A_199 : memref<128xi32, #tpu.memory_space<vmem>>) semaphore(%arg18 : memref<!tpu.dma_semaphore, #tpu.memory_space<semaphore_mem>>)
        } else {
        }
        %add3A_159 = arith.constant 4 : i32
        %add3A_160 = arith.addi %mul3A_91, %add3A_159 : i32
        %add3A_161 = arith.constant 1 : i32
        %add3A_162 = arith.addi %add3A_160, %add3A_161 : i32
        %lt3A_163 = arith.constant 160 : i32
        %lt3A_164 = arith.cmpi slt, %add3A_162, %lt3A_163 : i32
        %convert_element_type3A_165 = arith.extui %lt3A_164 : i1 to i32
        %cond3A_166 = arith.constant 0 : i32
        %cond3A_167 = arith.cmpi ne, %convert_element_type3A_165, %cond3A_166 : i32
        scf.if %cond3A_167 {
          %dma_wait3A_186 = arith.constant 0 : i32
          %dma_wait3A_187 = arith.constant 0 : i32
          %dma_wait3A_188 = tpu.memref_slice %arg5[%dma_wait3A_186, %dma_wait3A_187] : memref<10112x32xf32, #tpu.memory_space<hbm>> -> memref<128x32xf32, #tpu.memory_space<hbm>>
          %dma_wait3A_189 = arith.constant 0 : i32
          %dma_wait3A_190 = arith.constant 0 : i32
          %dma_wait3A_191 = tpu.memref_slice %arg5[%dma_wait3A_189, %dma_wait3A_190] : memref<10112x32xf32, #tpu.memory_space<hbm>> -> memref<128x32xf32, #tpu.memory_space<hbm>>
          tpu.wait_dma2 semaphore(%arg23 : memref<!tpu.dma_semaphore, #tpu.memory_space<semaphore_mem>>) src(%dma_wait3A_191 : memref<128x32xf32, #tpu.memory_space<hbm>>) dst(%arg13 : memref<128x32xf32, #tpu.memory_space<vmem>>)
          %add3A_192 = arith.constant 4 : i32
          %add3A_193 = arith.addi %mul3A_91, %add3A_192 : i32
          %add3A_194 = arith.constant 1 : i32
          %add3A_195 = arith.addi %add3A_193, %add3A_194 : i32
          %dma_start3A_196 = arith.constant 0 : i32
          %dma_start3A_197 = arith.constant 0 : i32
          %dma_start3A_198 = tpu.memref_slice %arg10[%add3A_195, %dma_start3A_196, %dma_start3A_197] : memref<160x1x128xi32, #tpu.memory_space<vmem>> -> memref<1x1x128xi32, #tpu.memory_space<vmem>>
          %dma_start3A_199 = tpu.memref_squeeze %dma_start3A_198 : memref<1x1x128xi32, #tpu.memory_space<vmem>> -> memref<128xi32, #tpu.memory_space<vmem>>
          %dma_start3A_200 = arith.constant 0 : i32
          %dma_start3A_201 = arith.constant 0 : i32
          %dma_start3A_202 = tpu.memref_slice %arg5[%dma_start3A_200, %dma_start3A_201] : memref<10112x32xf32, #tpu.memory_space<hbm>> -> memref<10112x32xf32, #tpu.memory_space<hbm>>
          tpu.enqueue_indirect_dma source(%dma_start3A_202 : memref<10112x32xf32, #tpu.memory_space<hbm>>) target(%arg13 : memref<128x32xf32, #tpu.memory_space<vmem>>) offsets(%dma_start3A_199 : memref<128xi32, #tpu.memory_space<vmem>>) semaphore(%arg19 : memref<!tpu.dma_semaphore, #tpu.memory_space<semaphore_mem>>)
        } else {
        }
        %add3A_168 = arith.constant 4 : i32
        %add3A_169 = arith.addi %mul3A_91, %add3A_168 : i32
        %add3A_170 = arith.constant 2 : i32
        %add3A_171 = arith.addi %add3A_169, %add3A_170 : i32
        %lt3A_172 = arith.constant 160 : i32
        %lt3A_173 = arith.cmpi slt, %add3A_171, %lt3A_172 : i32
        %convert_element_type3A_174 = arith.extui %lt3A_173 : i1 to i32
        %cond3A_175 = arith.constant 0 : i32
        %cond3A_176 = arith.cmpi ne, %convert_element_type3A_174, %cond3A_175 : i32
        scf.if %cond3A_176 {
          %dma_wait3A_186 = arith.constant 0 : i32
          %dma_wait3A_187 = arith.constant 0 : i32
          %dma_wait3A_188 = tpu.memref_slice %arg5[%dma_wait3A_186, %dma_wait3A_187] : memref<10112x32xf32, #tpu.memory_space<hbm>> -> memref<128x32xf32, #tpu.memory_space<hbm>>
          %dma_wait3A_189 = arith.constant 0 : i32
          %dma_wait3A_190 = arith.constant 0 : i32
          %dma_wait3A_191 = tpu.memref_slice %arg5[%dma_wait3A_189, %dma_wait3A_190] : memref<10112x32xf32, #tpu.memory_space<hbm>> -> memref<128x32xf32, #tpu.memory_space<hbm>>
          tpu.wait_dma2 semaphore(%arg24 : memref<!tpu.dma_semaphore, #tpu.memory_space<semaphore_mem>>) src(%dma_wait3A_191 : memref<128x32xf32, #tpu.memory_space<hbm>>) dst(%arg14 : memref<128x32xf32, #tpu.memory_space<vmem>>)
          %add3A_192 = arith.constant 4 : i32
          %add3A_193 = arith.addi %mul3A_91, %add3A_192 : i32
          %add3A_194 = arith.constant 2 : i32
          %add3A_195 = arith.addi %add3A_193, %add3A_194 : i32
          %dma_start3A_196 = arith.constant 0 : i32
          %dma_start3A_197 = arith.constant 0 : i32
          %dma_start3A_198 = tpu.memref_slice %arg10[%add3A_195, %dma_start3A_196, %dma_start3A_197] : memref<160x1x128xi32, #tpu.memory_space<vmem>> -> memref<1x1x128xi32, #tpu.memory_space<vmem>>
          %dma_start3A_199 = tpu.memref_squeeze %dma_start3A_198 : memref<1x1x128xi32, #tpu.memory_space<vmem>> -> memref<128xi32, #tpu.memory_space<vmem>>
          %dma_start3A_200 = arith.constant 0 : i32
          %dma_start3A_201 = arith.constant 0 : i32
          %dma_start3A_202 = tpu.memref_slice %arg5[%dma_start3A_200, %dma_start3A_201] : memref<10112x32xf32, #tpu.memory_space<hbm>> -> memref<10112x32xf32, #tpu.memory_space<hbm>>
          tpu.enqueue_indirect_dma source(%dma_start3A_202 : memref<10112x32xf32, #tpu.memory_space<hbm>>) target(%arg14 : memref<128x32xf32, #tpu.memory_space<vmem>>) offsets(%dma_start3A_199 : memref<128xi32, #tpu.memory_space<vmem>>) semaphore(%arg20 : memref<!tpu.dma_semaphore, #tpu.memory_space<semaphore_mem>>)
        } else {
        }
        %add3A_177 = arith.constant 4 : i32
        %add3A_178 = arith.addi %mul3A_91, %add3A_177 : i32
        %add3A_179 = arith.constant 3 : i32
        %add3A_180 = arith.addi %add3A_178, %add3A_179 : i32
        %lt3A_181 = arith.constant 160 : i32
        %lt3A_182 = arith.cmpi slt, %add3A_180, %lt3A_181 : i32
        %convert_element_type3A_183 = arith.extui %lt3A_182 : i1 to i32
        %cond3A_184 = arith.constant 0 : i32
        %cond3A_185 = arith.cmpi ne, %convert_element_type3A_183, %cond3A_184 : i32
        scf.if %cond3A_185 {
          %dma_wait3A_186 = arith.constant 0 : i32
          %dma_wait3A_187 = arith.constant 0 : i32
          %dma_wait3A_188 = tpu.memref_slice %arg5[%dma_wait3A_186, %dma_wait3A_187] : memref<10112x32xf32, #tpu.memory_space<hbm>> -> memref<128x32xf32, #tpu.memory_space<hbm>>
          %dma_wait3A_189 = arith.constant 0 : i32
          %dma_wait3A_190 = arith.constant 0 : i32
          %dma_wait3A_191 = tpu.memref_slice %arg5[%dma_wait3A_189, %dma_wait3A_190] : memref<10112x32xf32, #tpu.memory_space<hbm>> -> memref<128x32xf32, #tpu.memory_space<hbm>>
          tpu.wait_dma2 semaphore(%arg25 : memref<!tpu.dma_semaphore, #tpu.memory_space<semaphore_mem>>) src(%dma_wait3A_191 : memref<128x32xf32, #tpu.memory_space<hbm>>) dst(%arg15 : memref<128x32xf32, #tpu.memory_space<vmem>>)
          %add3A_192 = arith.constant 4 : i32
          %add3A_193 = arith.addi %mul3A_91, %add3A_192 : i32
          %add3A_194 = arith.constant 3 : i32
          %add3A_195 = arith.addi %add3A_193, %add3A_194 : i32
          %dma_start3A_196 = arith.constant 0 : i32
          %dma_start3A_197 = arith.constant 0 : i32
          %dma_start3A_198 = tpu.memref_slice %arg10[%add3A_195, %dma_start3A_196, %dma_start3A_197] : memref<160x1x128xi32, #tpu.memory_space<vmem>> -> memref<1x1x128xi32, #tpu.memory_space<vmem>>
          %dma_start3A_199 = tpu.memref_squeeze %dma_start3A_198 : memref<1x1x128xi32, #tpu.memory_space<vmem>> -> memref<128xi32, #tpu.memory_space<vmem>>
          %dma_start3A_200 = arith.constant 0 : i32
          %dma_start3A_201 = arith.constant 0 : i32
          %dma_start3A_202 = tpu.memref_slice %arg5[%dma_start3A_200, %dma_start3A_201] : memref<10112x32xf32, #tpu.memory_space<hbm>> -> memref<10112x32xf32, #tpu.memory_space<hbm>>
          tpu.enqueue_indirect_dma source(%dma_start3A_202 : memref<10112x32xf32, #tpu.memory_space<hbm>>) target(%arg15 : memref<128x32xf32, #tpu.memory_space<vmem>>) offsets(%dma_start3A_199 : memref<128xi32, #tpu.memory_space<vmem>>) semaphore(%arg21 : memref<!tpu.dma_semaphore, #tpu.memory_space<semaphore_mem>>)
        } else {
        }
      }
      %scan3A_59 = arith.constant 40 : i32
      %dma_wait3A = arith.constant 0 : i32
      %dma_wait3A_60 = arith.constant 0 : i32
      %dma_wait3A_61 = tpu.memref_slice %arg5[%dma_wait3A, %dma_wait3A_60] : memref<10112x32xf32, #tpu.memory_space<hbm>> -> memref<128x32xf32, #tpu.memory_space<hbm>>
      %dma_wait3A_62 = arith.constant 0 : i32
      %dma_wait3A_63 = arith.constant 0 : i32
      %dma_wait3A_64 = tpu.memref_slice %arg5[%dma_wait3A_62, %dma_wait3A_63] : memref<10112x32xf32, #tpu.memory_space<hbm>> -> memref<128x32xf32, #tpu.memory_space<hbm>>
      tpu.wait_dma2 semaphore(%arg22 : memref<!tpu.dma_semaphore, #tpu.memory_space<semaphore_mem>>) src(%dma_wait3A_64 : memref<128x32xf32, #tpu.memory_space<hbm>>) dst(%arg12 : memref<128x32xf32, #tpu.memory_space<vmem>>)
      %dma_wait3A_65 = arith.constant 0 : i32
      %dma_wait3A_66 = arith.constant 0 : i32
      %dma_wait3A_67 = tpu.memref_slice %arg5[%dma_wait3A_65, %dma_wait3A_66] : memref<10112x32xf32, #tpu.memory_space<hbm>> -> memref<128x32xf32, #tpu.memory_space<hbm>>
      %dma_wait3A_68 = arith.constant 0 : i32
      %dma_wait3A_69 = arith.constant 0 : i32
      %dma_wait3A_70 = tpu.memref_slice %arg5[%dma_wait3A_68, %dma_wait3A_69] : memref<10112x32xf32, #tpu.memory_space<hbm>> -> memref<128x32xf32, #tpu.memory_space<hbm>>
      tpu.wait_dma2 semaphore(%arg23 : memref<!tpu.dma_semaphore, #tpu.memory_space<semaphore_mem>>) src(%dma_wait3A_70 : memref<128x32xf32, #tpu.memory_space<hbm>>) dst(%arg13 : memref<128x32xf32, #tpu.memory_space<vmem>>)
      %dma_wait3A_71 = arith.constant 0 : i32
      %dma_wait3A_72 = arith.constant 0 : i32
      %dma_wait3A_73 = tpu.memref_slice %arg5[%dma_wait3A_71, %dma_wait3A_72] : memref<10112x32xf32, #tpu.memory_space<hbm>> -> memref<128x32xf32, #tpu.memory_space<hbm>>
      %dma_wait3A_74 = arith.constant 0 : i32
      %dma_wait3A_75 = arith.constant 0 : i32
      %dma_wait3A_76 = tpu.memref_slice %arg5[%dma_wait3A_74, %dma_wait3A_75] : memref<10112x32xf32, #tpu.memory_space<hbm>> -> memref<128x32xf32, #tpu.memory_space<hbm>>
      tpu.wait_dma2 semaphore(%arg24 : memref<!tpu.dma_semaphore, #tpu.memory_space<semaphore_mem>>) src(%dma_wait3A_76 : memref<128x32xf32, #tpu.memory_space<hbm>>) dst(%arg14 : memref<128x32xf32, #tpu.memory_space<vmem>>)
      %dma_wait3A_77 = arith.constant 0 : i32
      %dma_wait3A_78 = arith.constant 0 : i32
      %dma_wait3A_79 = tpu.memref_slice %arg5[%dma_wait3A_77, %dma_wait3A_78] : memref<10112x32xf32, #tpu.memory_space<hbm>> -> memref<128x32xf32, #tpu.memory_space<hbm>>
      %dma_wait3A_80 = arith.constant 0 : i32
      %dma_wait3A_81 = arith.constant 0 : i32
      %dma_wait3A_82 = tpu.memref_slice %arg5[%dma_wait3A_80, %dma_wait3A_81] : memref<10112x32xf32, #tpu.memory_space<hbm>> -> memref<128x32xf32, #tpu.memory_space<hbm>>
      tpu.wait_dma2 semaphore(%arg25 : memref<!tpu.dma_semaphore, #tpu.memory_space<semaphore_mem>>) src(%dma_wait3A_82 : memref<128x32xf32, #tpu.memory_space<hbm>>) dst(%arg15 : memref<128x32xf32, #tpu.memory_space<vmem>>)
      %barrier3A_83 = arith.constant 0 : index
      tpu.barrier barrier_id(%barrier3A_83)
      %mul3A_84 = arith.constant 632 : i32
      %mul3A_85 = arith.muli %arg1, %mul3A_84 : i32
      "tpu.region"() ({
        %run_scoped3A = tpu.sem_alloc : memref<!tpu.dma_semaphore, #tpu.memory_space<semaphore_mem>>
        %dma_start3A_89 = arith.constant 0 : i32
        %dma_start3A_90 = tpu.memref_slice %arg17[%mul3A_85, %dma_start3A_89] : memref<10112x32xf32, #tpu.memory_space<vmem_shared>> -> memref<632x32xf32, #tpu.memory_space<vmem_shared>>
        %dma_start3A_91 = arith.constant 0 : i32
        %dma_start3A_92 = tpu.memref_slice %arg17[%mul3A_85, %dma_start3A_91] : memref<10112x32xf32, #tpu.memory_space<vmem_shared>> -> memref<632x32xf32, #tpu.memory_space<vmem_shared>>
        tpu.enqueue_dma source(%dma_start3A_92 : memref<632x32xf32, #tpu.memory_space<vmem_shared>>) target(%arg16 : memref<632x32xf32, #tpu.memory_space<vmem>>) target_semaphore(%run_scoped3A : memref<!tpu.dma_semaphore, #tpu.memory_space<semaphore_mem>>)
        %dma_wait3A_93 = arith.constant 0 : i32
        %dma_wait3A_94 = tpu.memref_slice %arg17[%mul3A_85, %dma_wait3A_93] : memref<10112x32xf32, #tpu.memory_space<vmem_shared>> -> memref<632x32xf32, #tpu.memory_space<vmem_shared>>
        %dma_wait3A_95 = arith.constant 0 : i32
        %dma_wait3A_96 = tpu.memref_slice %arg17[%mul3A_85, %dma_wait3A_95] : memref<10112x32xf32, #tpu.memory_space<vmem_shared>> -> memref<632x32xf32, #tpu.memory_space<vmem_shared>>
        tpu.wait_dma2 semaphore(%run_scoped3A : memref<!tpu.dma_semaphore, #tpu.memory_space<semaphore_mem>>) src(%dma_wait3A_96 : memref<632x32xf32, #tpu.memory_space<vmem_shared>>) dst(%arg16 : memref<632x32xf32, #tpu.memory_space<vmem>>)
        tpu.yield
      }) : () -> ()
      %mul3A_86 = arith.constant 632 : i32
      %mul3A_87 = arith.muli %arg1, %mul3A_86 : i32
      "tpu.region"() ({
        %run_scoped3A = tpu.sem_alloc : memref<!tpu.dma_semaphore, #tpu.memory_space<semaphore_mem>>
        %dma_start3A_89 = arith.constant 96 : i32
        %dma_start3A_90 = tpu.memref_slice %arg9[%mul3A_87, %dma_start3A_89] : memref<10112x128xf32, #tpu.memory_space<hbm>> -> memref<632x32xf32, #tpu.memory_space<hbm>>
        %dma_start3A_91 = arith.constant 96 : i32
        %dma_start3A_92 = tpu.memref_slice %arg9[%mul3A_87, %dma_start3A_91] : memref<10112x128xf32, #tpu.memory_space<hbm>> -> memref<632x32xf32, #tpu.memory_space<hbm>>
        tpu.enqueue_dma source(%arg16 : memref<632x32xf32, #tpu.memory_space<vmem>>) target(%dma_start3A_92 : memref<632x32xf32, #tpu.memory_space<hbm>>) target_semaphore(%run_scoped3A : memref<!tpu.dma_semaphore, #tpu.memory_space<semaphore_mem>>)
        %dma_wait3A_93 = arith.constant 96 : i32
        %dma_wait3A_94 = tpu.memref_slice %arg9[%mul3A_87, %dma_wait3A_93] : memref<10112x128xf32, #tpu.memory_space<hbm>> -> memref<632x32xf32, #tpu.memory_space<hbm>>
        %dma_wait3A_95 = arith.constant 96 : i32
        %dma_wait3A_96 = tpu.memref_slice %arg9[%mul3A_87, %dma_wait3A_95] : memref<10112x128xf32, #tpu.memory_space<hbm>> -> memref<632x32xf32, #tpu.memory_space<hbm>>
        tpu.wait_dma2 semaphore(%run_scoped3A : memref<!tpu.dma_semaphore, #tpu.memory_space<semaphore_mem>>) src(%arg16 : memref<632x32xf32, #tpu.memory_space<vmem>>) dst(%dma_wait3A_96 : memref<632x32xf32, #tpu.memory_space<hbm>>)
        tpu.yield
      }) : () -> ()
      %barrier3A_88 = arith.constant 0 : index
      tpu.barrier barrier_id(%barrier3A_88)
    } else {
    }
    return
  }
}

module attributes {stable_mosaic.version = 14 : i64} {
  func.func @_mm0a_body(%arg0: i32, %arg1: memref<632x128xf32, #tpu.memory_space<vmem>>, %arg2: memref<128x128xf32, #tpu.memory_space<vmem>>, %arg3: memref<632x128xf32, #tpu.memory_space<vmem>>) attributes {dimension_semantics = [#tpu.dimension_semantics<arbitrary>], iteration_bounds = array<i64: 16>, scalar_prefetch = 0 : i64, scratch_operands = 0 : i64, tpu.core_type = #tpu.core_type<tc>, window_params = [{transform_indices = @transform_0, window_bounds = array<i64: 632, 128>}, {pipeline_mode = #tpu.pipeline_mode<synchronous>, transform_indices = @transform_1, window_bounds = array<i64: 128, 128>}, {transform_indices = @transform_2, window_bounds = array<i64: 632, 128>}]} {
    %get3A = arith.constant 0 : index
    %get3A_0 = arith.constant 0 : index
    %get3A_1 = vector.load %arg1[%get3A, %get3A_0] : memref<632x128xf32, #tpu.memory_space<vmem>>, vector<632x128xf32>
    %get3A_2 = arith.constant 0 : index
    %get3A_3 = arith.constant 0 : index
    %get3A_4 = vector.load %arg2[%get3A_2, %get3A_3] : memref<128x128xf32, #tpu.memory_space<vmem>>, vector<128x128xf32>
    %dot_general3A = arith.constant dense<0.000000e+00> : vector<632x128xf32>
    %dot_general3A_5 = tpu.matmul %get3A_1, %get3A_4, %dot_general3A {dimension_numbers = #tpu.dot_dimension_numbers<[1], [0], [0], [1], [0, 0, 1, 1], [], []>, precision = #tpu.contract_precision<fp32>, transpose_lhs_hint = false} : vector<632x128xf32>, vector<128x128xf32>, vector<632x128xf32> -> vector<632x128xf32>
    %swap3A = arith.constant 0 : index
    %swap3A_6 = arith.constant 0 : index
    %swap3A_7 = vector.load %arg3[%swap3A, %swap3A_6] : memref<632x128xf32, #tpu.memory_space<vmem>>, vector<632x128xf32>
    tpu.vector_store %arg3[%swap3A, %swap3A_6], %dot_general3A_5 {strides = array<i32>} : memref<632x128xf32, #tpu.memory_space<vmem>>, vector<632x128xf32>,
    return
  }
  func.func @transform_0(%arg0: i32) -> (i32, i32) {
    %c0_i32 = arith.constant 0 : i32
    %c0_i32_0 = arith.constant 0 : i32
    return %arg0, %c0_i32 : i32, i32
  }
  func.func @transform_1(%arg0: i32) -> (i32, i32) {
    %c0_i32 = arith.constant 0 : i32
    %c0_i32_0 = arith.constant 0 : i32
    %c0_i32_1 = arith.constant 0 : i32
    return %c0_i32, %c0_i32_0 : i32, i32
  }
  func.func @transform_2(%arg0: i32) -> (i32, i32) {
    %c0_i32 = arith.constant 0 : i32
    %c0_i32_0 = arith.constant 0 : i32
    return %arg0, %c0_i32 : i32, i32
  }
}

module attributes {stable_mosaic.version = 14 : i64} {
  func.func @_mm0b_body(%arg0: i32, %arg1: memref<632x128xf32, #tpu.memory_space<vmem>>, %arg2: memref<632x1xf32, #tpu.memory_space<vmem>>, %arg3: memref<632x1xf32, #tpu.memory_space<vmem>>, %arg4: memref<632x32xf32, #tpu.memory_space<vmem>>, %arg5: memref<632x32xf32, #tpu.memory_space<vmem>>, %arg6: memref<632x32xf32, #tpu.memory_space<vmem>>, %arg7: memref<632x32xf32, #tpu.memory_space<vmem>>, %arg8: memref<632x1xf32, #tpu.memory_space<vmem>>, %arg9: memref<632x1xf32, #tpu.memory_space<vmem>>) attributes {dimension_semantics = [#tpu.dimension_semantics<arbitrary>], iteration_bounds = array<i64: 16>, scalar_prefetch = 0 : i64, scratch_operands = 0 : i64, tpu.core_type = #tpu.core_type<tc>, window_params = [{transform_indices = @transform_0, window_bounds = array<i64: 632, 128>}, {transform_indices = @transform_1, window_bounds = array<i64: 632, 1>}, {transform_indices = @transform_2, window_bounds = array<i64: 632, 1>}, {transform_indices = @transform_3, window_bounds = array<i64: 632, 32>}, {transform_indices = @transform_4, window_bounds = array<i64: 632, 32>}, {transform_indices = @transform_5, window_bounds = array<i64: 632, 32>}, {transform_indices = @transform_6, window_bounds = array<i64: 632, 32>}, {transform_indices = @transform_7, window_bounds = array<i64: 632, 1>}, {transform_indices = @transform_8, window_bounds = array<i64: 632, 1>}]} {
    %get3A = arith.constant 0 : index
    %get3A_0 = arith.constant 0 : index
    %get3A_1 = vector.load %arg2[%get3A, %get3A_0] : memref<632x1xf32, #tpu.memory_space<vmem>>, vector<632x1xf32>
    %max3A = arith.constant 1.000000e+00 : f32
    %max3A_2 = vector.broadcast %max3A : f32 to vector<632x1xf32>
    %max3A_3 = arith.maximumf %get3A_1, %max3A_2 : vector<632x1xf32>
    %rsqrt3A = math.rsqrt %max3A_3 : vector<632x1xf32>
    %get3A_4 = arith.constant 0 : index
    %get3A_5 = arith.constant 0 : index
    %get3A_6 = vector.load %arg3[%get3A_4, %get3A_5] : memref<632x1xf32, #tpu.memory_space<vmem>>, vector<632x1xf32>
    %max3A_7 = arith.constant 1.000000e+00 : f32
    %max3A_8 = vector.broadcast %max3A_7 : f32 to vector<632x1xf32>
    %max3A_9 = arith.maximumf %get3A_6, %max3A_8 : vector<632x1xf32>
    %rsqrt3A_10 = math.rsqrt %max3A_9 : vector<632x1xf32>
    %swap3A = arith.constant 0 : index
    %swap3A_11 = arith.constant 0 : index
    %swap3A_12 = vector.load %arg8[%swap3A, %swap3A_11] : memref<632x1xf32, #tpu.memory_space<vmem>>, vector<632x1xf32>
    tpu.vector_store %arg8[%swap3A, %swap3A_11], %rsqrt3A {strides = array<i32>} : memref<632x1xf32, #tpu.memory_space<vmem>>, vector<632x1xf32>,
    %swap3A_13 = arith.constant 0 : index
    %swap3A_14 = arith.constant 0 : index
    %swap3A_15 = vector.load %arg9[%swap3A_13, %swap3A_14] : memref<632x1xf32, #tpu.memory_space<vmem>>, vector<632x1xf32>
    tpu.vector_store %arg9[%swap3A_13, %swap3A_14], %rsqrt3A_10 {strides = array<i32>} : memref<632x1xf32, #tpu.memory_space<vmem>>, vector<632x1xf32>,
    %get3A_16 = arith.constant 0 : index
    %get3A_17 = arith.constant 0 : index
    %get3A_18 = vector.load %arg1[%get3A_16, %get3A_17] : memref<632x128xf32, #tpu.memory_space<vmem>>, vector<632x128xf32>
    %mul3A = vector.broadcast %rsqrt3A : vector<632x1xf32> to vector<632x128xf32>
    %mul3A_19 = arith.mulf %get3A_18, %mul3A : vector<632x128xf32>
    %slice3A = vector.extract_strided_slice %mul3A_19 {offsets = [0, 0], sizes = [632, 32], strides = [1, 1]} : vector<632x128xf32> to vector<632x32xf32>
    %swap3A_20 = arith.constant 0 : index
    %swap3A_21 = arith.constant 0 : index
    %swap3A_22 = vector.load %arg4[%swap3A_20, %swap3A_21] : memref<632x32xf32, #tpu.memory_space<vmem>>, vector<632x32xf32>
    tpu.vector_store %arg4[%swap3A_20, %swap3A_21], %slice3A {strides = array<i32>} : memref<632x32xf32, #tpu.memory_space<vmem>>, vector<632x32xf32>,
    %slice3A_23 = vector.extract_strided_slice %mul3A_19 {offsets = [0, 32], sizes = [632, 32], strides = [1, 1]} : vector<632x128xf32> to vector<632x32xf32>
    %swap3A_24 = arith.constant 0 : index
    %swap3A_25 = arith.constant 0 : index
    %swap3A_26 = vector.load %arg5[%swap3A_24, %swap3A_25] : memref<632x32xf32, #tpu.memory_space<vmem>>, vector<632x32xf32>
    tpu.vector_store %arg5[%swap3A_24, %swap3A_25], %slice3A_23 {strides = array<i32>} : memref<632x32xf32, #tpu.memory_space<vmem>>, vector<632x32xf32>,
    %slice3A_27 = vector.extract_strided_slice %mul3A_19 {offsets = [0, 64], sizes = [632, 32], strides = [1, 1]} : vector<632x128xf32> to vector<632x32xf32>
    %swap3A_28 = arith.constant 0 : index
    %swap3A_29 = arith.constant 0 : index
    %swap3A_30 = vector.load %arg6[%swap3A_28, %swap3A_29] : memref<632x32xf32, #tpu.memory_space<vmem>>, vector<632x32xf32>
    tpu.vector_store %arg6[%swap3A_28, %swap3A_29], %slice3A_27 {strides = array<i32>} : memref<632x32xf32, #tpu.memory_space<vmem>>, vector<632x32xf32>,
    %slice3A_31 = vector.extract_strided_slice %mul3A_19 {offsets = [0, 96], sizes = [632, 32], strides = [1, 1]} : vector<632x128xf32> to vector<632x32xf32>
    %swap3A_32 = arith.constant 0 : index
    %swap3A_33 = arith.constant 0 : index
    %swap3A_34 = vector.load %arg7[%swap3A_32, %swap3A_33] : memref<632x32xf32, #tpu.memory_space<vmem>>, vector<632x32xf32>
    tpu.vector_store %arg7[%swap3A_32, %swap3A_33], %slice3A_31 {strides = array<i32>} : memref<632x32xf32, #tpu.memory_space<vmem>>, vector<632x32xf32>,
    return
  }
  func.func @transform_0(%arg0: i32) -> (i32, i32) {
    %c0_i32 = arith.constant 0 : i32
    %c0_i32_0 = arith.constant 0 : i32
    return %arg0, %c0_i32 : i32, i32
  }
  func.func @transform_1(%arg0: i32) -> (i32, i32) {
    %c0_i32 = arith.constant 0 : i32
    %c0_i32_0 = arith.constant 0 : i32
    return %arg0, %c0_i32 : i32, i32
  }
  func.func @transform_2(%arg0: i32) -> (i32, i32) {
    %c0_i32 = arith.constant 0 : i32
    %c0_i32_0 = arith.constant 0 : i32
    return %arg0, %c0_i32 : i32, i32
  }
  func.func @transform_3(%arg0: i32) -> (i32, i32) {
    %c0_i32 = arith.constant 0 : i32
    %c0_i32_0 = arith.constant 0 : i32
    return %arg0, %c0_i32 : i32, i32
  }
  func.func @transform_4(%arg0: i32) -> (i32, i32) {
    %c0_i32 = arith.constant 0 : i32
    %c0_i32_0 = arith.constant 0 : i32
    return %arg0, %c0_i32 : i32, i32
  }
  func.func @transform_5(%arg0: i32) -> (i32, i32) {
    %c0_i32 = arith.constant 0 : i32
    %c0_i32_0 = arith.constant 0 : i32
    return %arg0, %c0_i32 : i32, i32
  }
  func.func @transform_6(%arg0: i32) -> (i32, i32) {
    %c0_i32 = arith.constant 0 : i32
    %c0_i32_0 = arith.constant 0 : i32
    return %arg0, %c0_i32 : i32, i32
  }
  func.func @transform_7(%arg0: i32) -> (i32, i32) {
    %c0_i32 = arith.constant 0 : i32
    %c0_i32_0 = arith.constant 0 : i32
    return %arg0, %c0_i32 : i32, i32
  }
  func.func @transform_8(%arg0: i32) -> (i32, i32) {
    %c0_i32 = arith.constant 0 : i32
    %c0_i32_0 = arith.constant 0 : i32
    return %arg0, %c0_i32 : i32, i32
  }
}

module attributes {stable_mosaic.version = 14 : i64} {
  func.func @_mm1_body(%arg0: i32, %arg1: memref<632x128xf32, #tpu.memory_space<vmem>>, %arg2: memref<632x1xf32, #tpu.memory_space<vmem>>, %arg3: memref<632x1xf32, #tpu.memory_space<vmem>>, %arg4: memref<1x128xf32, #tpu.memory_space<vmem>>, %arg5: memref<128x48xf32, #tpu.memory_space<vmem>>, %arg6: memref<632x48xf32, #tpu.memory_space<vmem>>) attributes {dimension_semantics = [#tpu.dimension_semantics<arbitrary>], iteration_bounds = array<i64: 16>, scalar_prefetch = 0 : i64, scratch_operands = 0 : i64, tpu.core_type = #tpu.core_type<tc>, window_params = [{transform_indices = @transform_0, window_bounds = array<i64: 632, 128>}, {transform_indices = @transform_1, window_bounds = array<i64: 632, 1>}, {transform_indices = @transform_2, window_bounds = array<i64: 632, 1>}, {pipeline_mode = #tpu.pipeline_mode<synchronous>, transform_indices = @transform_3, window_bounds = array<i64: 1, 128>}, {pipeline_mode = #tpu.pipeline_mode<synchronous>, transform_indices = @transform_4, window_bounds = array<i64: 128, 48>}, {transform_indices = @transform_5, window_bounds = array<i64: 632, 48>}]} {
    %get3A = arith.constant 0 : index
    %get3A_0 = arith.constant 0 : index
    %get3A_1 = vector.load %arg1[%get3A, %get3A_0] : memref<632x128xf32, #tpu.memory_space<vmem>>, vector<632x128xf32>
    %get3A_2 = arith.constant 0 : index
    %get3A_3 = arith.constant 0 : index
    %get3A_4 = vector.load %arg2[%get3A_2, %get3A_3] : memref<632x1xf32, #tpu.memory_space<vmem>>, vector<632x1xf32>
    %mul3A = vector.broadcast %get3A_4 : vector<632x1xf32> to vector<632x128xf32>
    %mul3A_5 = arith.mulf %get3A_1, %mul3A : vector<632x128xf32>
    %get3A_6 = arith.constant 0 : index
    %get3A_7 = arith.constant 0 : index
    %get3A_8 = vector.load %arg4[%get3A_6, %get3A_7] : memref<1x128xf32, #tpu.memory_space<vmem>>, vector<1x128xf32>
    %add3A = vector.broadcast %get3A_8 : vector<1x128xf32> to vector<632x128xf32>
    %add3A_9 = arith.addf %mul3A_5, %add3A : vector<632x128xf32>
    %max3A = arith.constant 0.000000e+00 : f32
    %max3A_10 = vector.broadcast %max3A : f32 to vector<632x128xf32>
    %max3A_11 = arith.maximumf %add3A_9, %max3A_10 : vector<632x128xf32>
    %get3A_12 = arith.constant 0 : index
    %get3A_13 = arith.constant 0 : index
    %get3A_14 = vector.load %arg3[%get3A_12, %get3A_13] : memref<632x1xf32, #tpu.memory_space<vmem>>, vector<632x1xf32>
    %mul3A_15 = vector.broadcast %get3A_14 : vector<632x1xf32> to vector<632x128xf32>
    %mul3A_16 = arith.mulf %max3A_11, %mul3A_15 : vector<632x128xf32>
    %get3A_17 = arith.constant 0 : index
    %get3A_18 = arith.constant 0 : index
    %get3A_19 = vector.load %arg5[%get3A_17, %get3A_18] : memref<128x48xf32, #tpu.memory_space<vmem>>, vector<128x48xf32>
    %dot_general3A = arith.constant dense<0.000000e+00> : vector<632x48xf32>
    %dot_general3A_20 = tpu.matmul %mul3A_16, %get3A_19, %dot_general3A {dimension_numbers = #tpu.dot_dimension_numbers<[1], [0], [0], [1], [0, 0, 1, 1], [], []>, precision = #tpu.contract_precision<fp32>, transpose_lhs_hint = false} : vector<632x128xf32>, vector<128x48xf32>, vector<632x48xf32> -> vector<632x48xf32>
    %swap3A = arith.constant 0 : index
    %swap3A_21 = arith.constant 0 : index
    %swap3A_22 = vector.load %arg6[%swap3A, %swap3A_21] : memref<632x48xf32, #tpu.memory_space<vmem>>, vector<632x48xf32>
    tpu.vector_store %arg6[%swap3A, %swap3A_21], %dot_general3A_20 {strides = array<i32>} : memref<632x48xf32, #tpu.memory_space<vmem>>, vector<632x48xf32>,
    return
  }
  func.func @transform_0(%arg0: i32) -> (i32, i32) {
    %c0_i32 = arith.constant 0 : i32
    %c0_i32_0 = arith.constant 0 : i32
    return %arg0, %c0_i32 : i32, i32
  }
  func.func @transform_1(%arg0: i32) -> (i32, i32) {
    %c0_i32 = arith.constant 0 : i32
    %c0_i32_0 = arith.constant 0 : i32
    return %arg0, %c0_i32 : i32, i32
  }
  func.func @transform_2(%arg0: i32) -> (i32, i32) {
    %c0_i32 = arith.constant 0 : i32
    %c0_i32_0 = arith.constant 0 : i32
    return %arg0, %c0_i32 : i32, i32
  }
  func.func @transform_3(%arg0: i32) -> (i32, i32) {
    %c0_i32 = arith.constant 0 : i32
    %c0_i32_0 = arith.constant 0 : i32
    %c0_i32_1 = arith.constant 0 : i32
    return %c0_i32, %c0_i32_0 : i32, i32
  }
  func.func @transform_4(%arg0: i32) -> (i32, i32) {
    %c0_i32 = arith.constant 0 : i32
    %c0_i32_0 = arith.constant 0 : i32
    %c0_i32_1 = arith.constant 0 : i32
    return %c0_i32, %c0_i32_0 : i32, i32
  }
  func.func @transform_5(%arg0: i32) -> (i32, i32) {
    %c0_i32 = arith.constant 0 : i32
    %c0_i32_0 = arith.constant 0 : i32
    return %arg0, %c0_i32 : i32, i32
  }
}

module attributes {stable_mosaic.version = 14 : i64} {
  func.func @_fin_body(%arg0: i32, %arg1: memref<632x48xf32, #tpu.memory_space<vmem>>, %arg2: memref<632x48xf32, #tpu.memory_space<vmem>>, %arg3: memref<632x1xf32, #tpu.memory_space<vmem>>, %arg4: memref<1x40xf32, #tpu.memory_space<vmem>>, %arg5: memref<632x40xf32, #tpu.memory_space<vmem>>) attributes {dimension_semantics = [#tpu.dimension_semantics<arbitrary>], iteration_bounds = array<i64: 16>, scalar_prefetch = 0 : i64, scratch_operands = 0 : i64, tpu.core_type = #tpu.core_type<tc>, window_params = [{transform_indices = @transform_0, window_bounds = array<i64: 632, 48>}, {transform_indices = @transform_1, window_bounds = array<i64: 632, 48>}, {transform_indices = @transform_2, window_bounds = array<i64: 632, 1>}, {pipeline_mode = #tpu.pipeline_mode<synchronous>, transform_indices = @transform_3, window_bounds = array<i64: 1, 40>}, {transform_indices = @transform_4, window_bounds = array<i64: 632, 40>}]} {
    %get3A = arith.constant 0 : index
    %get3A_0 = arith.constant 0 : index
    %get3A_1 = vector.load %arg1[%get3A, %get3A_0] : memref<632x48xf32, #tpu.memory_space<vmem>>, vector<632x48xf32>
    %get3A_2 = arith.constant 0 : index
    %get3A_3 = arith.constant 0 : index
    %get3A_4 = vector.load %arg2[%get3A_2, %get3A_3] : memref<632x48xf32, #tpu.memory_space<vmem>>, vector<632x48xf32>
    %add3A = arith.addf %get3A_1, %get3A_4 : vector<632x48xf32>
    %slice3A = vector.extract_strided_slice %add3A {offsets = [0, 0], sizes = [632, 40], strides = [1, 1]} : vector<632x48xf32> to vector<632x40xf32>
    %get3A_5 = arith.constant 0 : index
    %get3A_6 = arith.constant 0 : index
    %get3A_7 = vector.load %arg3[%get3A_5, %get3A_6] : memref<632x1xf32, #tpu.memory_space<vmem>>, vector<632x1xf32>
    %mul3A = vector.broadcast %get3A_7 : vector<632x1xf32> to vector<632x40xf32>
    %mul3A_8 = arith.mulf %slice3A, %mul3A : vector<632x40xf32>
    %get3A_9 = arith.constant 0 : index
    %get3A_10 = arith.constant 0 : index
    %get3A_11 = vector.load %arg4[%get3A_9, %get3A_10] : memref<1x40xf32, #tpu.memory_space<vmem>>, vector<1x40xf32>
    %add3A_12 = vector.broadcast %get3A_11 : vector<1x40xf32> to vector<632x40xf32>
    %add3A_13 = arith.addf %mul3A_8, %add3A_12 : vector<632x40xf32>
    %swap3A = arith.constant 0 : index
    %swap3A_14 = arith.constant 0 : index
    %swap3A_15 = vector.load %arg5[%swap3A, %swap3A_14] : memref<632x40xf32, #tpu.memory_space<vmem>>, vector<632x40xf32>
    tpu.vector_store %arg5[%swap3A, %swap3A_14], %add3A_13 {strides = array<i32>} : memref<632x40xf32, #tpu.memory_space<vmem>>, vector<632x40xf32>,
    return
  }
  func.func @transform_0(%arg0: i32) -> (i32, i32) {
    %c0_i32 = arith.constant 0 : i32
    %c0_i32_0 = arith.constant 0 : i32
    return %arg0, %c0_i32 : i32, i32
  }
  func.func @transform_1(%arg0: i32) -> (i32, i32) {
    %c0_i32 = arith.constant 0 : i32
    %c0_i32_0 = arith.constant 0 : i32
    return %arg0, %c0_i32 : i32, i32
  }
  func.func @transform_2(%arg0: i32) -> (i32, i32) {
    %c0_i32 = arith.constant 0 : i32
    %c0_i32_0 = arith.constant 0 : i32
    return %arg0, %c0_i32 : i32, i32
  }
  func.func @transform_3(%arg0: i32) -> (i32, i32) {
    %c0_i32 = arith.constant 0 : i32
    %c0_i32_0 = arith.constant 0 : i32
    %c0_i32_1 = arith.constant 0 : i32
    return %c0_i32, %c0_i32_0 : i32, i32
  }
  func.func @transform_4(%arg0: i32) -> (i32, i32) {
    %c0_i32 = arith.constant 0 : i32
    %c0_i32_0 = arith.constant 0 : i32
    return %arg0, %c0_i32 : i32, i32
  }
}

</mosaic_0001>

<sc_bundles>
// kernel: kernel.12.cloned.1.call-start
scs
__scs_entry_jumppad:
0x0: {  	(pc) =	sbr.rel $0x88, $3  }
0x1: {  	(tag) =	ssettag $0x0;
	lr =	simm.s32 $0x1  }
0x2: {  	[smem:$0x3F9B] =	sst lr;
	_ =	strace $0xD0000000  }
0x3: {  	_ = 	snop  }
0x4: {  	_ = 	snop  }
0x5: {  	_ = 	snop  }
0x6: {  	_ = 	snop  }
0x7: {  	_ = 	snop  }
__scs_overlays_trampoline_lowered:
0x8: {  	[smem:$0x3FAA] =	sst s0  }
0x9: {  	[smem:$0x3FAB] =	sst s1  }
0xa: {  	[smem:$0x3FAC] =	sst s2  }
0xb: {  	[smem:$0x3FAD] =	sst s3  }
0xc: {  	[smem:$0x3FAE] =	sst s4  }
0xd: {  	[smem:$0x3FAF] =	sst s5  }
0xe: {  	[smem:$0x3FB0] =	sst s6  }
0xf: {  	[smem:$0x3FB1] =	sst s7  }
0x10: {  	[smem:$0x3FB2] =	sst s8  }
0x11: {  	[smem:$0x3FB3] =	sst s9;
	s0 =	simm.s32 @!p0 $0x0  }
0x12: {  	s1 =	sld [smem:$0x3F99];
	s0 =	simm.s32 @p0 $0x1  }
0x13: {  	[smem:$0x3FB4] =	sst s0;
	s0 =	simm.s32 @!p1 $0x0  }
0x14: {  	s2 =	sld [smem:$0x3F98];
	s0 =	simm.s32 @p1 $0x1  }
0x15: {  	[smem:$0x3FB5] =	sst s0;
	s0 =	simm.s32 @!p2 $0x0  }
0x16: {  	s3 =	sld [smem:$0x3FDB];
	s0 =	simm.s32 @p2 $0x1  }
0x17: {  	s4 =	simm.s32 $0x1BF5;
	[smem:$0x3FB7] =	sst s0  }
0x18: {  	s0 =	sld [smem:$0x3F9A];
	_ =	swait.ge [sflag:s4], $0x0  }
0x19: {  	s7 =	sld [smem:$0x3F9B]  }
0x1a: {  	s8 =	sadd.s32 $0xFFFFE003, lr  }
0x1b: {  	s9 =	sadd.s32 $0xFFFFFEF7, lr;
	s5 =	simm.s32 $0xFFFFFFFF;
	p2 =	slt.u32 s8, $0xFFFFF086  }
0x1c: {  	p1 =	slt.u32 s9, $0xF7A;
	s5 =	simm.s32 @!p2 $0x0  }
0x1d: {  	s5 =	simm.s32 @p1 $0x1;
	p0 =	seq.s32 s7, s2  }
0x1e: {  	s7 =	smul.u32 @!p0 $0xF7A, s2;
	p2 =	seq.s32 @!p0 s5, $0x0  }
0x1f: {  	s9 =	smul.u32 $0xF7A, s1;
	s8 =	simm.s32 @!p0 $0x1BF5;
	p2 =	por !p2, p0  }
0x20: {  	[sflag:s8] =	ssyncset.s32 @!p0 $0xFFFFF086;
	s6 =	sadd.s32 @!p0 s3, s7;
	s7 =	simm.s32 @!p0 $0x108  }
0x21: {  	s3 =	sadd.s32 s3, s9;
	s6 =	sadd.s32 @!p0 $0x88, s6;
	s7 =	simm.s32 @p2 $0x1082  }
0x22: {  	[simem:s7], [sflag:s8] =	dma.local @!p0 [hbm:s6], $0xF7A  }
0x23: {  	s9 =	sor.u32 $0xD0000000, s2;
	s6 =	simm.s32 $0x108;
	_ =	swait.ge @!p0 [sflag:s8], $0x0  }
0x24: {  	s3 =	sadd.s32 $0x88, s3;
	s6 =	simm.s32 @!p1 $0x1082;
	[sflag:s4] =	ssyncset.s32 $0xFFFFF086  }
0x25: {  	[simem:s6], [sflag:s4] =	dma.local [hbm:s3], $0xF7A  }
0x26: {  	[smem:$0x3F9B] =	sst s1;
	(tag) =	ssettag s2;
	_ =	strace s9  }
0x27: {  	s1 =	sld [smem:$0x3FAB]  }
0x28: {  	s2 =	sld [smem:$0x3FAC]  }
0x29: {  	s4 =	sld [smem:$0x3FAE]  }
0x2a: {  	p0 =	seq.s32 s5, $0x0;
	s5 =	sld [smem:$0x3FAF]  }
0x2b: {  	s6 =	sld [smem:$0x3FB0]  }
0x2c: {  	s7 =	sld [smem:$0x3FB1]  }
0x2d: {  	s3 =	simm.s32 $0x108;
	s8 =	sld [smem:$0x3FB2]  }
0x2e: {  	s3 =	simm.s32 @!p0 $0x1082;
	s9 =	sld [smem:$0x3FB3]  }
0x2f: {  	lr =	sadd.s32 s0, s3;
	s0 =	sld [smem:$0x3FAA]  }
0x30: {  	s3 =	sld [smem:$0x3FAD]  }
0x31: {  	[smem:$0x3FB6] =	sst s10  }
0x32: {  	s10 =	sld [smem:$0x3FB4];
	_ =	sdelay $0x3  }
0x33: {  	p0 =	seq.s32 s10, $0x1;
	s10 =	sld [smem:$0x3FB6];
	_ =	sdelay $0x3  }
0x34: {  	[smem:$0x3FB6] =	sst s10  }
0x35: {  	s10 =	sld [smem:$0x3FB5];
	_ =	sdelay $0x3  }
0x36: {  	p1 =	seq.s32 s10, $0x1;
	s10 =	sld [smem:$0x3FB6];
	_ =	sdelay $0x3  }
0x37: {  	[smem:$0x3FB6] =	sst s10  }
0x38: {  	s10 =	sld [smem:$0x3FB7]  }
0x39: {  	_ = 	snop;
	(pc) =	sbr.ind lr, $3  }
0x3a: {  	_ = 	snop  }
0x3b: {  	_ = 	snop  }
0x3c: {  	p2 =	seq.s32 s10, $0x1;
	s10 =	sld [smem:$0x3FB6]  }
0x3d: {  	_ =	shalt  }
0x3e: {  	_ =	shalt  }
0x3f: {  	_ =	shalt  }
0x40: {  	_ =	shalt  }
0x41: {  	_ =	shalt  }
0x42: {  	_ =	shalt  }
0x43: {  	_ =	shalt  }
0x44: {  	_ =	shalt  }
0x45: {  	_ =	shalt  }
0x46: {  	_ =	shalt  }
0x47: {  	_ =	shalt  }
0x48: {  	_ =	shalt  }
0x49: {  	_ =	shalt  }
0x4a: {  	_ =	shalt  }
0x4b: {  	_ =	shalt  }
0x4c: {  	_ =	shalt  }
0x4d: {  	_ =	shalt  }
0x4e: {  	_ =	shalt  }
0x4f: {  	_ =	shalt  }
0x50: {  	_ =	shalt  }
0x51: {  	_ =	shalt  }
0x52: {  	_ =	shalt  }
0x53: {  	_ =	shalt  }
0x54: {  	_ =	shalt  }
0x55: {  	_ =	shalt  }
0x56: {  	_ =	shalt  }
0x57: {  	_ =	shalt  }
0x58: {  	_ =	shalt  }
0x59: {  	_ =	shalt  }
0x5a: {  	_ =	shalt  }
0x5b: {  	_ =	shalt  }
0x5c: {  	_ =	shalt  }
0x5d: {  	_ =	shalt  }
0x5e: {  	_ =	shalt  }
0x5f: {  	_ =	shalt  }
0x60: {  	_ =	shalt  }
0x61: {  	_ =	shalt  }
0x62: {  	_ =	shalt  }
0x63: {  	_ =	shalt  }
0x64: {  	_ =	shalt  }
0x65: {  	_ =	shalt  }
0x66: {  	_ =	shalt  }
0x67: {  	_ =	shalt  }
0x68: {  	_ =	shalt  }
0x69: {  	_ =	shalt  }
0x6a: {  	_ =	shalt  }
0x6b: {  	_ =	shalt  }
0x6c: {  	_ =	shalt  }
0x6d: {  	_ =	shalt  }
0x6e: {  	_ =	shalt  }
0x6f: {  	_ =	shalt  }
0x70: {  	_ =	shalt  }
0x71: {  	_ =	shalt  }
0x72: {  	_ =	shalt  }
0x73: {  	_ =	shalt  }
0x74: {  	_ =	shalt  }
0x75: {  	_ =	shalt  }
0x76: {  	_ =	shalt  }
0x77: {  	_ =	shalt  }
0x78: {  	_ =	shalt  }
0x79: {  	_ =	shalt  }
0x7a: {  	_ =	shalt  }
0x7b: {  	_ =	shalt  }
0x7c: {  	_ =	shalt  }
0x7d: {  	_ =	shalt  }
0x7e: {  	_ =	shalt  }
0x7f: {  	_ =	shalt  }
0x80: {  	_ =	shalt  }
0x81: {  	_ =	shalt  }
0x82: {  	_ =	shalt  }
0x83: {  	_ =	shalt  }
0x84: {  	_ =	shalt  }
0x85: {  	_ =	shalt  }
0x86: {  	_ =	shalt  }
0x87: {  	_ =	shalt  }
.Lfunc_end0:
.L_simem_size_0:
called_computation.1_lowered:
.L_overlay_start_0:
0x88: {  	s2 =	sld [smem:$0x3FD9]  }
0x89: {  	s3 =	sld [smem:$0x3FFE];
	_ =	sdelay $0x1  }
0x8a: {  	s1 =	srdreg.scid  }
0x8b: {  	s0 =	sand.u32 $0x1, s1  }
0x8c: {  	s17 =	sshll.u32 s0, $0xA;
	s2 =	sadd.s32 s3, s2  }
0x8d: {  	s2 =	sadd.s32 s2, s17  }
0x8e: {  	[smem:$0x3FC2] =	sst s2  }
0x8f: {  	_ = 	snop  }
0x90: {  	s2 =	sld [smem:$0x3FD0];
	(tm) =	ssettm $0x1  }
0x91: {  	s18 =	sld [smem:$0x3FFB];
	_ =	sdelay $0x3  }
0x92: {  	_ =	strace s18  }
0x93: {  	s3 =	sld [smem:$0x3FFC];
	_ =	sdelay $0x3  }
0x94: {  	_ =	strace s3  }
0x95: {  	s3 =	sld [smem:$0x3FFD];
	_ =	sdelay $0x3  }
0x96: {  	_ =	strace s3  }
0x97: {  	_ =	strace $0x8FFFFFFF  }
0x98: {  	s19 =	sld [smem:$0x3FDB];
	_ =	sdelay $0x1  }
0x99: {  	s4 =	simm.s32 $_scs_section_size  }
0x9a: {  	s5 =	simm.s32 $_size__tile_overlayer_lowered;
	s6 =	simm.s32 $_tile_overlayer_lowered  }
0x9b: {  	s22 =	simm.s32 $0x1BFF;
	s21 =	sshll.u32 s6, $0x1;
	s3 =	sadd.s32 s4, s19  }
0x9c: {  	s7 =	simm.s32 $0x0;
	s20 =	sshll.u32 s5, $0x1;
	s5 =	sadd.s32 s21, s3  }
0x9d: {  	[timem:s7], [sflag:s22] =	dma.local [hbm:s5], s20  }
0x9e: {  	_ =	swait.ge [sflag:s22], s20  }
0x9f: {  	s4 =	ssub.s32 $0x0, s20;
	[sflag:s22] =	ssyncset.done $0x0  }
0xa0: {  	[sflag:s22] =	ssyncadd.s32 s4;
	_ =	sdelay $0x1  }
0xa1: {  	s23 =	simm.s32 $0x1B8B  }
0xa2: {  	_ =	swait.ge [sflag:s23], $0x1  }
0xa3: {  	[sflag:s23] =	ssyncset.done $0x0  }
0xa4: {  	s25 =	simm.s32 $0x1B8E;
	s24 =	sld [smem:$0x3FFE];
	[sflag:s23] =	ssyncadd.s32 $0xFFFFFFFF  }
0xa5: {  	s26 =	simm.s32 $execute0_lowered;
	[smem:$0x3FD2] =	sst s25  }
0xa6: {  	s5 =	sshll.u32 s26, $0x1;
	_ =	strace $0x80000049;
	[dreg:$0x1] =	wrdreg $0xFFFFFFFF  }
0xa7: {  	s28 =	simm.s32 $_size_execute0_lowered;
	s3 =	sadd.s32 s3, s5;
	[dreg:$0x0] =	wrdreg $0x0  }
0xa8: {  	s5 =	sshll.u32 s28, $0x1;
	[dreg:$0x2] =	wrdreg s3  }
0xa9: {  	[dreg:$0x3] =	wrdreg s5  }
0xaa: {  	[dreg:$0x4] =	wrdreg $0xC0  }
0xab: {  	_ =	task [dreg:s7], $0x5FFFF  }
0xac: {  	[dreg:$0x1] =	wrdreg $0xFFFFFFFF  }
0xad: {  	[dreg:$0x0] =	wrdreg $0x60  }
0xae: {  	[dreg:$0x2] =	wrdreg s24  }
0xaf: {  	[dreg:$0x3] =	wrdreg s2  }
0xb0: {  	[dreg:$0x4] =	wrdreg $0x12F000  }
0xb1: {  	[dreg:$0x5] =	wrdreg $0x9  }
0xb2: {  	_ =	task.clear_ibuf [dreg:s7], $0x6FFFF;
	_ =	strace $0x90000049  }
0xb3: {  	s29 =	simm.s32 $0x9;
	_ =	strace $0x8000004B  }
0xb4: {  	_ =	swait.ge [sflag:s29], $0x1  }
0xb5: {  	[sflag:s29] =	ssyncadd.s32 $0xFFFFFFFF  }
0xb6: {  	_ =	strace $0x9000004B  }
0xb7: {  	_ =	sfence  }
0xb8: {  	s30 =	sld [smem:$0x0];
	_ =	sdelay $0x2  }
0xb9: {  	s31 =	sshll.u32 s1, $0xD;
	s1 =	sshrl.u32 s1, $0x2  }
0xba: {  	s3 =	sand.u32 $0x4000, s31;
	s1 =	sadd.s32 s1, s30  }
0xbb: {  	s0 =	sor.u32 s3, s0;
	s1 =	sshll.u32 s1, $0x11  }
0xbc: {  	s0 =	sor.u32 s1, s0  }
0xbd: {  	s0 =	sadd.s32 $0x8F2B, s0  }
0xbe: {  	[sflag:s0] =	ssyncadd.remote.s32 $0x1  }
0xbf: {  	_ =	sfence.sel $0xFFFF  }
0xc0: {  	[dreg:$0x0] =	wrdreg $0xFFFFFFFF;
	(pc) =	sbr.abs _section_cstart, $3  }
0xc1: {  	[dreg:$0x1] =	wrdreg $0xFFFFFFFF  }
0xc2: {  	_ =	task.clear_ibuf [dreg:s7], $0x2FFFF;
	_ =	strace $0x9FFFFFFF  }
0xc3: {  	(tm) =	ssettm $0x7FFFFFFF  }
tec
execute0_lowered:
.L_overlay_start_1:
0x0: {  	(tag) =	ssettag $0x1  }
0x1: {  	s0 =	rddreg [dreg:$0x0]  }
0x2: {  	s3 =	rddreg [dreg:$0x1]  }
0x3: {  	s1 =	rddreg [dreg:$0x2];
	s2 =	simm.s32 $0x0;
	s12 =	stileid.u32  }
0x4: {  	s9 =	srdreg.scid;
	s18 =	simm.s32 $0x9;
	s20 =	simm.s32 $0xE000  }
0x5: {  	s28 =	simm.s32 $0xD000;
	s29 =	simm.s32 $0x1;
	s30 =	simm.s32 $0x2  }
0x6: {  	s31 =	simm.s32 $0x3;
	s19 =	simm.s32 $0x6;
	s16 =	simm.s32 $0x9E80  }
0x7: {  	[smem:$0x7FF] =	sst s2;
	s4 =	sadd.s32 $0x2AC00, s0;
	s8 =	smul.u32 $0x4F00, s12  }
0x8: {  	s5 =	sadd.s32 $0x20E00, s0;
	s6 =	sadd.s32 $0x17000, s0;
	s10 =	smul.u32 $0xA00, s12  }
0x9: {  	s7 =	sadd.s32 $0xD200, s0;
	s9 =	sand.u32 $0x1, s9;
	s15 =	smul.u32 $0x2780, s12  }
0xa: {  	s25 =	sadd.s32 $0x3E804, s0;
	_ =	strace $0x8000004A;
	s21 =	ssub.s32 $0x2, s9  }
0xb: {  	[dreg:$0x9] =	wrdreg s25;
	p0 =	sne.s32 s9, $0x0;
	s25 =	simm.s32 $0xC000  }
0xc: {  	s9 =	simm.s32 $0x9F00;
	s11 =	sshrl.u32 s8, $0x3;
	s13 =	sadd.s32 s10, s0  }
0xd: {  	s14 =	sshrl.u32 s21, $0x1;
	[dreg:$0x4] =	wrdreg s15;
	s15 =	sadd.s32 s15, s0  }
0xe: {  	s3 =	sadd.s32 s3, s10;
	s12 =	sadd.s32 s8, s1;
	s10 =	simm.s32 $0x9F80  }
0xf: {  	s11 =	sadd.s32 s11, s0;
	s14 =	ssub.s32 s21, s14;
	s22 =	sadd.s32 $0x3200, s13  }
0x10: {  	[dreg:$0x6] =	wrdreg s3;
	s23 =	sadd.s32 $0x3E808, s15;
	s24 =	sadd.s32 $0x3E800, s15  }
0x11: {  	s0 =	sadd.s32 $0x3E80C, s0;
	s21 =	simm.s32 $0x80;
	[dreg:$0x5] =	wrdreg s22  }
.Ltmp0:
0x12: {  	s3 =	simm.s32 $0x5;
	[dreg:$0x7] =	wrdreg s23;
	(pc) =	sbr.rel .LBB2_1-.Ltmp0, $4  }
0x13: {  	s13 =	simm.s32 $0x7;
	s11 =	sadd.s32 $0x34A00, s11;
	[dreg:$0x8] =	wrdreg s24  }
0x14: {  	[dreg:$0xa] =	wrdreg s0;
	s26 =	smax.u32 s14, $0x1;
	s22 =	simm.s32 $0xA000  }
0x15: {  	s23 =	simm.s32 $0xB000;
	s0 =	simm.s32 $0x4;
	s14 =	simm.s32 $0x8  }
0x16: {  	s24 =	simm.s32 $0x20;
	[dreg:$0xb] =	wrdreg s26;
	s26 =	simm.s32 $0x0  }
.LBB2_11:
0x17: {  	[tilespmem:s28], [sflag:$0x4] =	stream.indirect.gather [hbm4b:s7+s21], $0x20, s8, s21, $0xb8;
	[tilespmem:$0x17E00] =	vst v63  }
0x18: {  	s8 =	rddreg [dreg:$0xa]  }
.LBB2_12:
0x19: {  	_ =	swait.ge [sflag:s29], $0x1000  }
0x1a: {  	[sflag:s29] =	ssyncset.done $0x0  }
0x1b: {  	s15 =	simm.s32 $0x9E00;
	[sflag:s29] =	ssyncadd.s32 $0xFFFFF000  }
0x1c: {  	[spmem:s1] =	stream.indirect.scatter.add.f32 [tilespmem:s22], [sflag:$0x5], $0x20, s15, s21, $0xb8;
	[tilespmem:$0x17E00] =	vst v63  }
0x1d: {  	_ =	swait.ge [sflag:s30], $0x1000  }
0x1e: {  	[sflag:s30] =	ssyncset.done $0x0  }
0x1f: {  	[sflag:s30] =	ssyncadd.s32 $0xFFFFF000  }
0x20: {  	[spmem:s1] =	stream.indirect.scatter.add.f32 [tilespmem:s23], [sflag:$0x6], $0x20, s16, s21, $0xb8;
	[tilespmem:$0x17E00] =	vst v63  }
0x21: {  	_ =	swait.ge [sflag:s31], $0x1000  }
0x22: {  	[sflag:s31] =	ssyncset.done $0x0  }
0x23: {  	[sflag:s31] =	ssyncadd.s32 $0xFFFFF000  }
0x24: {  	[spmem:s1] =	stream.indirect.scatter.add.f32 [tilespmem:s25], [sflag:$0x7], $0x20, s9, s21, $0xb8;
	[tilespmem:$0x17E00] =	vst v63  }
0x25: {  	_ =	swait.ge [sflag:s0], $0x1000  }
0x26: {  	[sflag:s0] =	ssyncset.done $0x0  }
0x27: {  	[sflag:s0] =	ssyncadd.s32 $0xFFFFF000  }
0x28: {  	[spmem:s1] =	stream.indirect.scatter.add.f32 [tilespmem:s28], [sflag:$0x8], $0x20, s10, s21, $0xb8;
	[tilespmem:$0x17E00] =	vst v63  }
0x29: {  	_ =	swait.ge [sflag:s3], $0x1000  }
0x2a: {  	[sflag:s3] =	ssyncset.done $0x0  }
0x2b: {  	[sflag:s3] =	ssyncadd.s32 $0xFFFFF000  }
0x2c: {  	_ =	swait.ge [sflag:s19], $0x1000  }
0x2d: {  	[sflag:s19] =	ssyncset.done $0x0  }
0x2e: {  	[sflag:s19] =	ssyncadd.s32 $0xFFFFF000  }
0x2f: {  	_ =	swait.ge [sflag:s13], $0x1000  }
0x30: {  	[sflag:s13] =	ssyncset.done $0x0  }
0x31: {  	[sflag:s13] =	ssyncadd.s32 $0xFFFFF000  }
0x32: {  	_ =	swait.ge [sflag:s14], $0x1000  }
0x33: {  	[sflag:s14] =	ssyncset.done $0x0  }
0x34: {  	[sflag:s14] =	ssyncadd.s32 $0xFFFFF000  }
0x35: {  	[bflag:$0x0] =	sbarrier.arrive $0xFFFF  }
0x36: {  	[tilespmem:s20], [sflag:$0x9] =	stream.linear.gather [spmem:s12], $0x4F00, $0x38;
	[tilespmem:$0x17E00] =	vst v63  }
0x37: {  	_ =	swait.ge [sflag:s18], $0x4F00  }
0x38: {  	[sflag:s18] =	ssyncset.done $0x0;
	s17 =	rddreg [dreg:$0x4]  }
0x39: {  	s8 =	sadd.s32 s17, s8;
	[sflag:s18] =	ssyncadd.s32 $0xFFFFB100  }
0x3a: {  	[hbm4b:s8+s24] =	stream.strided.scatter [tilespmem:s20], [sflag:$0x9], $0x4F00, s21, s24, $0x38;
	[tilespmem:$0x17E00] =	vst v63  }
0x3b: {  	_ =	swait.ge [sflag:s18], $0x4F00  }
0x3c: {  	s26 =	sadd.s32 $0x1, s26;
	s17 =	rddreg [dreg:$0xb]  }
0x3d: {  	p1 =	sne.s32 s26, s17  }
.Ltmp1:
0x3e: {  	_ = 	snop;
	(pc) =	sbr.rel @!p1 .LBB2_13-.Ltmp1, $3  }
0x3f: {  	[sflag:s18] =	ssyncset.done $0x0  }
0x40: {  	[sflag:s18] =	ssyncadd.s32 $0xFFFFB100  }
0x41: {  	[bflag:$0x0] =	sbarrier.arrive $0xFFFF;
	_ =	sdelay $0x1  }
.LBB2_1:
0x42: {  	s8 =	rddreg [dreg:$0x5]  }
0x43: {  	[tilespmem:s2], [sflag:$0x9] =	stream.linear.gather [hbm4b:s8+s2], $0x5000, $0x38;
	[tilespmem:$0x17E00] =	vst v63  }
0x44: {  	_ =	swait.ge [sflag:s18], $0x5000  }
0x45: {  	[sflag:s18] =	ssyncset.done $0x0  }
0x46: {  	s15 =	simm.s32 $0x5000;
	s17 =	rddreg [dreg:$0x6];
	[sflag:s18] =	ssyncadd.s32 $0xFFFFB000  }
0x47: {  	[tilespmem:s15], [sflag:$0x9] =	stream.linear.gather [hbm4b:s17+s2], $0x5000, $0x38;
	[tilespmem:$0x17E00] =	vst v63  }
0x48: {  	_ =	swait.ge [sflag:s18], $0x5000  }
0x49: {  	[sflag:s18] =	ssyncset.done $0x0  }
0x4a: {  	[sflag:s18] =	ssyncadd.s32 $0xFFFFB000  }
0x4b: {  	[tilespmem:s20], [sflag:$0x9] =	stream.linear.gather [hbm4b:s11+s2], $0x4F00, $0x38;
	[tilespmem:$0x17E00] =	vst v63  }
0x4c: {  	_ =	swait.ge [sflag:s18], $0x4F00  }
0x4d: {  	[sflag:s18] =	ssyncset.done $0x0  }
0x4e: {  	[sflag:s18] =	ssyncadd.s32 $0xFFFFB100  }
0x4f: {  	[spmem:s12] =	stream.linear.scatter [tilespmem:s20], [sflag:$0x9], $0x4F00, $0x38;
	[tilespmem:$0x17E00] =	vst v63  }
.Ltmp2:
0x50: {  	_ =	swait.ge [sflag:s18], $0x4F00;
	(pc) =	sbr.rel @p0 .LBB2_7-.Ltmp2, $4  }
0x51: {  	[sflag:s18] =	ssyncset.done $0x0  }
0x52: {  	[sflag:s18] =	ssyncadd.s32 $0xFFFFB100  }
0x53: {  	[bflag:$0x0] =	sbarrier.arrive $0xFFFF  }
0x54: {  	s8 =	simm.s32 $0x0  }
0x55: {  	[tilespmem:s22], [sflag:$0x1] =	stream.indirect.gather [hbm4b:s4+s21], $0x20, s8, s21, $0xb8;
	[tilespmem:$0x17E00] =	vst v63  }
0x56: {  	_ = 	snop  }
0x57: {  	[tilespmem:s23], [sflag:$0x2] =	stream.indirect.gather [hbm4b:s4+s21], $0x20, s21, s21, $0xb8;
	[tilespmem:$0x17E00] =	vst v63  }
0x58: {  	s17 =	simm.s32 $0x100  }
0x59: {  	[tilespmem:s25], [sflag:$0x3] =	stream.indirect.gather [hbm4b:s4+s21], $0x20, s17, s21, $0xb8;
	[tilespmem:$0x17E00] =	vst v63  }
0x5a: {  	s15 =	simm.s32 $0x180  }
0x5b: {  	[tilespmem:s28], [sflag:$0x4] =	stream.indirect.gather [hbm4b:s4+s21], $0x20, s15, s21, $0xb8;
	[tilespmem:$0x17E00] =	vst v63  }
0x5c: {  	_ =	swait.ge [sflag:s29], $0x1000  }
0x5d: {  	[sflag:s29] =	ssyncset.done $0x0  }
0x5e: {  	s17 =	simm.s32 $0x5000;
	[sflag:s29] =	ssyncadd.s32 $0xFFFFF000  }
0x5f: {  	[spmem:s1] =	stream.indirect.scatter.add.f32 [tilespmem:s22], [sflag:$0x5], $0x20, s17, s21, $0xb8;
	[tilespmem:$0x17E00] =	vst v63  }
0x60: {  	_ =	swait.ge [sflag:s30], $0x1000  }
0x61: {  	[sflag:s30] =	ssyncset.done $0x0  }
0x62: {  	s15 =	simm.s32 $0x5080;
	[sflag:s30] =	ssyncadd.s32 $0xFFFFF000  }
0x63: {  	[spmem:s1] =	stream.indirect.scatter.add.f32 [tilespmem:s23], [sflag:$0x6], $0x20, s15, s21, $0xb8;
	[tilespmem:$0x17E00] =	vst v63  }
0x64: {  	_ =	swait.ge [sflag:s31], $0x1000  }
0x65: {  	[sflag:s31] =	ssyncset.done $0x0  }
0x66: {  	s17 =	simm.s32 $0x5100;
	[sflag:s31] =	ssyncadd.s32 $0xFFFFF000  }
0x67: {  	[spmem:s1] =	stream.indirect.scatter.add.f32 [tilespmem:s25], [sflag:$0x7], $0x20, s17, s21, $0xb8;
	[tilespmem:$0x17E00] =	vst v63  }
0x68: {  	_ =	swait.ge [sflag:s0], $0x1000  }
0x69: {  	[sflag:s0] =	ssyncset.done $0x0  }
0x6a: {  	s15 =	simm.s32 $0x5180;
	[sflag:s0] =	ssyncadd.s32 $0xFFFFF000  }
0x6b: {  	[spmem:s1] =	stream.indirect.scatter.add.f32 [tilespmem:s28], [sflag:$0x8], $0x20, s15, s21, $0xb8;
	[tilespmem:$0x17E00] =	vst v63  }
0x6c: {  	_ =	swait.ge [sflag:s3], $0x1000  }
0x6d: {  	[sflag:s3] =	ssyncset.done $0x0  }
0x6e: {  	s17 =	simm.s32 $0x200;
	[sflag:s3] =	ssyncadd.s32 $0xFFFFF000  }
0x6f: {  	[tilespmem:s22], [sflag:$0x1] =	stream.indirect.gather [hbm4b:s4+s21], $0x20, s17, s21, $0xb8;
	[tilespmem:$0x17E00] =	vst v63  }
0x70: {  	_ =	swait.ge [sflag:s19], $0x1000  }
0x71: {  	[sflag:s19] =	ssyncset.done $0x0  }
0x72: {  	s15 =	simm.s32 $0x280;
	[sflag:s19] =	ssyncadd.s32 $0xFFFFF000  }
0x73: {  	[tilespmem:s23], [sflag:$0x2] =	stream.indirect.gather [hbm4b:s4+s21], $0x20, s15, s21, $0xb8;
	[tilespmem:$0x17E00] =	vst v63  }
0x74: {  	_ =	swait.ge [sflag:s13], $0x1000  }
0x75: {  	[sflag:s13] =	ssyncset.done $0x0  }
0x76: {  	s17 =	simm.s32 $0x300;
	[sflag:s13] =	ssyncadd.s32 $0xFFFFF000  }
0x77: {  	[tilespmem:s25], [sflag:$0x3] =	stream.indirect.gather [hbm4b:s4+s21], $0x20, s17, s21, $0xb8;
	[tilespmem:$0x17E00] =	vst v63  }
0x78: {  	_ =	swait.ge [sflag:s14], $0x1000  }
0x79: {  	[sflag:s14] =	ssyncset.done $0x0  }
0x7a: {  	s8 =	simm.s32 $0x380;
	s17 =	simm.s32 $0x800;
	[sflag:s14] =	ssyncadd.s32 $0xFFFFF000  }
.LBB2_3:
0x7b: {  	[tilespmem:s28], [sflag:$0x4] =	stream.indirect.gather [hbm4b:s4+s21], $0x20, s8, s21, $0xb8;
	[tilespmem:$0x17E00] =	vst v63  }
0x7c: {  	s8 =	smov.u32 s17  }
0x7d: {  	p1 =	sne.s32 s17, $0x13000;
	s17 =	sadd.s32 $0x800, s17;
	_ =	swait.ge [sflag:s29], $0x1000  }
0x7e: {  	s8 =	sshra.s32 s8, $0x2;
	[sflag:s29] =	ssyncset.done $0x0  }
0x7f: {  	s15 =	sadd.s32 $0x5000, s8;
	[sflag:s29] =	ssyncadd.s32 $0xFFFFF000  }
0x80: {  	[spmem:s1] =	stream.indirect.scatter.add.f32 [tilespmem:s22], [sflag:$0x5], $0x20, s15, s21, $0xb8;
	[tilespmem:$0x17E00] =	vst v63  }
0x81: {  	_ =	swait.ge [sflag:s30], $0x1000  }
0x82: {  	[sflag:s30] =	ssyncset.done $0x0  }
0x83: {  	s15 =	sadd.s32 $0x5080, s8;
	[sflag:s30] =	ssyncadd.s32 $0xFFFFF000  }
0x84: {  	[spmem:s1] =	stream.indirect.scatter.add.f32 [tilespmem:s23], [sflag:$0x6], $0x20, s15, s21, $0xb8;
	[tilespmem:$0x17E00] =	vst v63  }
0x85: {  	_ =	swait.ge [sflag:s31], $0x1000  }
0x86: {  	[sflag:s31] =	ssyncset.done $0x0  }
0x87: {  	s15 =	sadd.s32 $0x5100, s8;
	[sflag:s31] =	ssyncadd.s32 $0xFFFFF000  }
0x88: {  	[spmem:s1] =	stream.indirect.scatter.add.f32 [tilespmem:s25], [sflag:$0x7], $0x20, s15, s21, $0xb8;
	[tilespmem:$0x17E00] =	vst v63  }
0x89: {  	_ =	swait.ge [sflag:s0], $0x1000  }
0x8a: {  	[sflag:s0] =	ssyncset.done $0x0  }
0x8b: {  	s15 =	sadd.s32 $0x5180, s8;
	[sflag:s0] =	ssyncadd.s32 $0xFFFFF000  }
0x8c: {  	[spmem:s1] =	stream.indirect.scatter.add.f32 [tilespmem:s28], [sflag:$0x8], $0x20, s15, s21, $0xb8;
	[tilespmem:$0x17E00] =	vst v63  }
0x8d: {  	_ =	swait.ge [sflag:s3], $0x1000  }
0x8e: {  	[sflag:s3] =	ssyncset.done $0x0  }
0x8f: {  	s15 =	sadd.s32 $0x200, s8;
	[sflag:s3] =	ssyncadd.s32 $0xFFFFF000  }
0x90: {  	[tilespmem:s22], [sflag:$0x1] =	stream.indirect.gather [hbm4b:s4+s21], $0x20, s15, s21, $0xb8;
	[tilespmem:$0x17E00] =	vst v63  }
0x91: {  	_ =	swait.ge [sflag:s19], $0x1000  }
0x92: {  	[sflag:s19] =	ssyncset.done $0x0  }
0x93: {  	s15 =	sadd.s32 $0x280, s8;
	[sflag:s19] =	ssyncadd.s32 $0xFFFFF000  }
0x94: {  	[tilespmem:s23], [sflag:$0x2] =	stream.indirect.gather [hbm4b:s4+s21], $0x20, s15, s21, $0xb8;
	[tilespmem:$0x17E00] =	vst v63  }
0x95: {  	_ =	swait.ge [sflag:s13], $0x1000  }
0x96: {  	[sflag:s13] =	ssyncset.done $0x0  }
.Ltmp3:
0x97: {  	s15 =	sadd.s32 $0x300, s8;
	[sflag:s13] =	ssyncadd.s32 $0xFFFFF000;
	(pc) =	sbr.rel @p1 .LBB2_3-.Ltmp3, $4  }
0x98: {  	[tilespmem:s25], [sflag:$0x3] =	stream.indirect.gather [hbm4b:s4+s21], $0x20, s15, s21, $0xb8;
	[tilespmem:$0x17E00] =	vst v63  }
0x99: {  	_ =	swait.ge [sflag:s14], $0x1000  }
0x9a: {  	[sflag:s14] =	ssyncset.done $0x0  }
0x9b: {  	s8 =	sadd.s32 $0x380, s8;
	[sflag:s14] =	ssyncadd.s32 $0xFFFFF000  }
0x9c: {  	[tilespmem:s28], [sflag:$0x4] =	stream.indirect.gather [hbm4b:s4+s21], $0x20, s8, s21, $0xb8;
	[tilespmem:$0x17E00] =	vst v63  }
0x9d: {  	_ =	swait.ge [sflag:s29], $0x1000  }
0x9e: {  	[sflag:s29] =	ssyncset.done $0x0  }
0x9f: {  	s15 =	simm.s32 $0x9E00;
	[sflag:s29] =	ssyncadd.s32 $0xFFFFF000  }
0xa0: {  	[spmem:s1] =	stream.indirect.scatter.add.f32 [tilespmem:s22], [sflag:$0x5], $0x20, s15, s21, $0xb8;
	[tilespmem:$0x17E00] =	vst v63  }
0xa1: {  	_ =	swait.ge [sflag:s30], $0x1000  }
0xa2: {  	[sflag:s30] =	ssyncset.done $0x0  }
0xa3: {  	[sflag:s30] =	ssyncadd.s32 $0xFFFFF000  }
0xa4: {  	[spmem:s1] =	stream.indirect.scatter.add.f32 [tilespmem:s23], [sflag:$0x6], $0x20, s16, s21, $0xb8;
	[tilespmem:$0x17E00] =	vst v63  }
0xa5: {  	_ =	swait.ge [sflag:s31], $0x1000  }
0xa6: {  	[sflag:s31] =	ssyncset.done $0x0  }
0xa7: {  	[sflag:s31] =	ssyncadd.s32 $0xFFFFF000  }
0xa8: {  	[spmem:s1] =	stream.indirect.scatter.add.f32 [tilespmem:s25], [sflag:$0x7], $0x20, s9, s21, $0xb8;
	[tilespmem:$0x17E00] =	vst v63  }
0xa9: {  	_ =	swait.ge [sflag:s0], $0x1000  }
0xaa: {  	[sflag:s0] =	ssyncset.done $0x0  }
0xab: {  	[sflag:s0] =	ssyncadd.s32 $0xFFFFF000  }
0xac: {  	[spmem:s1] =	stream.indirect.scatter.add.f32 [tilespmem:s28], [sflag:$0x8], $0x20, s10, s21, $0xb8;
	[tilespmem:$0x17E00] =	vst v63  }
0xad: {  	_ =	swait.ge [sflag:s3], $0x1000  }
0xae: {  	[sflag:s3] =	ssyncset.done $0x0  }
0xaf: {  	[sflag:s3] =	ssyncadd.s32 $0xFFFFF000  }
0xb0: {  	_ =	swait.ge [sflag:s19], $0x1000  }
0xb1: {  	[sflag:s19] =	ssyncset.done $0x0  }
0xb2: {  	[sflag:s19] =	ssyncadd.s32 $0xFFFFF000  }
0xb3: {  	_ =	swait.ge [sflag:s13], $0x1000  }
0xb4: {  	[sflag:s13] =	ssyncset.done $0x0  }
0xb5: {  	[sflag:s13] =	ssyncadd.s32 $0xFFFFF000  }
0xb6: {  	_ =	swait.ge [sflag:s14], $0x1000  }
0xb7: {  	[sflag:s14] =	ssyncset.done $0x0  }
0xb8: {  	[sflag:s14] =	ssyncadd.s32 $0xFFFFF000  }
0xb9: {  	[bflag:$0x0] =	sbarrier.arrive $0xFFFF  }
0xba: {  	[tilespmem:s20], [sflag:$0x9] =	stream.linear.gather [spmem:s12], $0x4F00, $0x38;
	[tilespmem:$0x17E00] =	vst v63  }
0xbb: {  	_ =	swait.ge [sflag:s18], $0x4F00  }
0xbc: {  	[sflag:s18] =	ssyncset.done $0x0  }
0xbd: {  	s17 =	rddreg [dreg:$0x8];
	[sflag:s18] =	ssyncadd.s32 $0xFFFFB100  }
0xbe: {  	[hbm4b:s17+s24] =	stream.strided.scatter [tilespmem:s20], [sflag:$0x9], $0x4F00, s21, s24, $0x38;
	[tilespmem:$0x17E00] =	vst v63  }
0xbf: {  	_ =	swait.ge [sflag:s18], $0x4F00  }
0xc0: {  	[sflag:s18] =	ssyncset.done $0x0  }
0xc1: {  	[sflag:s18] =	ssyncadd.s32 $0xFFFFB100  }
0xc2: {  	s15 =	simm.s32 $0x0;
	[bflag:$0x0] =	sbarrier.arrive $0xFFFF  }
0xc3: {  	[tilespmem:s20], [sflag:$0x9] =	stream.linear.gather [hbm4b:s11+s15], $0x4F00, $0x38;
	[tilespmem:$0x17E00] =	vst v63  }
0xc4: {  	_ =	swait.ge [sflag:s18], $0x4F00  }
0xc5: {  	[sflag:s18] =	ssyncset.done $0x0  }
0xc6: {  	[sflag:s18] =	ssyncadd.s32 $0xFFFFB100  }
0xc7: {  	[spmem:s12] =	stream.linear.scatter [tilespmem:s20], [sflag:$0x9], $0x4F00, $0x38;
	[tilespmem:$0x17E00] =	vst v63  }
0xc8: {  	_ =	swait.ge [sflag:s18], $0x4F00  }
0xc9: {  	[sflag:s18] =	ssyncset.done $0x0  }
0xca: {  	[sflag:s18] =	ssyncadd.s32 $0xFFFFB100  }
0xcb: {  	[bflag:$0x0] =	sbarrier.arrive $0xFFFF  }
0xcc: {  	[tilespmem:s22], [sflag:$0x1] =	stream.indirect.gather [hbm4b:s5+s21], $0x20, s15, s21, $0xb8;
	[tilespmem:$0x17E00] =	vst v63  }
0xcd: {  	_ = 	snop  }
0xce: {  	[tilespmem:s23], [sflag:$0x2] =	stream.indirect.gather [hbm4b:s5+s21], $0x20, s21, s21, $0xb8;
	[tilespmem:$0x17E00] =	vst v63  }
0xcf: {  	s17 =	simm.s32 $0x100  }
0xd0: {  	[tilespmem:s25], [sflag:$0x3] =	stream.indirect.gather [hbm4b:s5+s21], $0x20, s17, s21, $0xb8;
	[tilespmem:$0x17E00] =	vst v63  }
0xd1: {  	s15 =	simm.s32 $0x180  }
0xd2: {  	[tilespmem:s28], [sflag:$0x4] =	stream.indirect.gather [hbm4b:s5+s21], $0x20, s15, s21, $0xb8;
	[tilespmem:$0x17E00] =	vst v63  }
0xd3: {  	_ =	swait.ge [sflag:s29], $0x1000  }
0xd4: {  	[sflag:s29] =	ssyncset.done $0x0  }
0xd5: {  	s17 =	simm.s32 $0x5000;
	[sflag:s29] =	ssyncadd.s32 $0xFFFFF000  }
0xd6: {  	[spmem:s1] =	stream.indirect.scatter.add.f32 [tilespmem:s22], [sflag:$0x5], $0x20, s17, s21, $0xb8;
	[tilespmem:$0x17E00] =	vst v63  }
0xd7: {  	_ =	swait.ge [sflag:s30], $0x1000  }
0xd8: {  	[sflag:s30] =	ssyncset.done $0x0  }
0xd9: {  	s15 =	simm.s32 $0x5080;
	[sflag:s30] =	ssyncadd.s32 $0xFFFFF000  }
0xda: {  	[spmem:s1] =	stream.indirect.scatter.add.f32 [tilespmem:s23], [sflag:$0x6], $0x20, s15, s21, $0xb8;
	[tilespmem:$0x17E00] =	vst v63  }
0xdb: {  	_ =	swait.ge [sflag:s31], $0x1000  }
0xdc: {  	[sflag:s31] =	ssyncset.done $0x0  }
0xdd: {  	s17 =	simm.s32 $0x5100;
	[sflag:s31] =	ssyncadd.s32 $0xFFFFF000  }
0xde: {  	[spmem:s1] =	stream.indirect.scatter.add.f32 [tilespmem:s25], [sflag:$0x7], $0x20, s17, s21, $0xb8;
	[tilespmem:$0x17E00] =	vst v63  }
0xdf: {  	_ =	swait.ge [sflag:s0], $0x1000  }
0xe0: {  	[sflag:s0] =	ssyncset.done $0x0  }
0xe1: {  	s15 =	simm.s32 $0x5180;
	[sflag:s0] =	ssyncadd.s32 $0xFFFFF000  }
0xe2: {  	[spmem:s1] =	stream.indirect.scatter.add.f32 [tilespmem:s28], [sflag:$0x8], $0x20, s15, s21, $0xb8;
	[tilespmem:$0x17E00] =	vst v63  }
0xe3: {  	_ =	swait.ge [sflag:s3], $0x1000  }
0xe4: {  	[sflag:s3] =	ssyncset.done $0x0  }
0xe5: {  	s17 =	simm.s32 $0x200;
	[sflag:s3] =	ssyncadd.s32 $0xFFFFF000  }
0xe6: {  	[tilespmem:s22], [sflag:$0x1] =	stream.indirect.gather [hbm4b:s5+s21], $0x20, s17, s21, $0xb8;
	[tilespmem:$0x17E00] =	vst v63  }
0xe7: {  	_ =	swait.ge [sflag:s19], $0x1000  }
0xe8: {  	[sflag:s19] =	ssyncset.done $0x0  }
0xe9: {  	s15 =	simm.s32 $0x280;
	[sflag:s19] =	ssyncadd.s32 $0xFFFFF000  }
0xea: {  	[tilespmem:s23], [sflag:$0x2] =	stream.indirect.gather [hbm4b:s5+s21], $0x20, s15, s21, $0xb8;
	[tilespmem:$0x17E00] =	vst v63  }
0xeb: {  	_ =	swait.ge [sflag:s13], $0x1000  }
0xec: {  	[sflag:s13] =	ssyncset.done $0x0  }
0xed: {  	s17 =	simm.s32 $0x300;
	[sflag:s13] =	ssyncadd.s32 $0xFFFFF000  }
0xee: {  	[tilespmem:s25], [sflag:$0x3] =	stream.indirect.gather [hbm4b:s5+s21], $0x20, s17, s21, $0xb8;
	[tilespmem:$0x17E00] =	vst v63  }
0xef: {  	_ =	swait.ge [sflag:s14], $0x1000  }
0xf0: {  	[sflag:s14] =	ssyncset.done $0x0  }
0xf1: {  	s8 =	simm.s32 $0x380;
	s17 =	simm.s32 $0x800;
	[sflag:s14] =	ssyncadd.s32 $0xFFFFF000  }
.LBB2_5:
0xf2: {  	[tilespmem:s28], [sflag:$0x4] =	stream.indirect.gather [hbm4b:s5+s21], $0x20, s8, s21, $0xb8;
	[tilespmem:$0x17E00] =	vst v63  }
0xf3: {  	s8 =	smov.u32 s17  }
0xf4: {  	p1 =	seq.s32 s17, $0x13000;
	s17 =	sadd.s32 $0x800, s17;
	_ =	swait.ge [sflag:s29], $0x1000  }
0xf5: {  	s8 =	sshra.s32 s8, $0x2;
	[sflag:s29] =	ssyncset.done $0x0  }
0xf6: {  	s15 =	sadd.s32 $0x5000, s8;
	[sflag:s29] =	ssyncadd.s32 $0xFFFFF000  }
0xf7: {  	[spmem:s1] =	stream.indirect.scatter.add.f32 [tilespmem:s22], [sflag:$0x5], $0x20, s15, s21, $0xb8;
	[tilespmem:$0x17E00] =	vst v63  }
0xf8: {  	_ =	swait.ge [sflag:s30], $0x1000  }
0xf9: {  	[sflag:s30] =	ssyncset.done $0x0  }
0xfa: {  	s15 =	sadd.s32 $0x5080, s8;
	[sflag:s30] =	ssyncadd.s32 $0xFFFFF000  }
0xfb: {  	[spmem:s1] =	stream.indirect.scatter.add.f32 [tilespmem:s23], [sflag:$0x6], $0x20, s15, s21, $0xb8;
	[tilespmem:$0x17E00] =	vst v63  }
0xfc: {  	_ =	swait.ge [sflag:s31], $0x1000  }
0xfd: {  	[sflag:s31] =	ssyncset.done $0x0  }
0xfe: {  	s15 =	sadd.s32 $0x5100, s8;
	[sflag:s31] =	ssyncadd.s32 $0xFFFFF000  }
0xff: {  	[spmem:s1] =	stream.indirect.scatter.add.f32 [tilespmem:s25], [sflag:$0x7], $0x20, s15, s21, $0xb8;
	[tilespmem:$0x17E00] =	vst v63  }
0x100: {  	_ =	swait.ge [sflag:s0], $0x1000  }
0x101: {  	[sflag:s0] =	ssyncset.done $0x0  }
0x102: {  	s15 =	sadd.s32 $0x5180, s8;
	[sflag:s0] =	ssyncadd.s32 $0xFFFFF000  }
0x103: {  	[spmem:s1] =	stream.indirect.scatter.add.f32 [tilespmem:s28], [sflag:$0x8], $0x20, s15, s21, $0xb8;
	[tilespmem:$0x17E00] =	vst v63  }
0x104: {  	_ =	swait.ge [sflag:s3], $0x1000  }
0x105: {  	[sflag:s3] =	ssyncset.done $0x0  }
0x106: {  	s15 =	sadd.s32 $0x200, s8;
	[sflag:s3] =	ssyncadd.s32 $0xFFFFF000  }
0x107: {  	[tilespmem:s22], [sflag:$0x1] =	stream.indirect.gather [hbm4b:s5+s21], $0x20, s15, s21, $0xb8;
	[tilespmem:$0x17E00] =	vst v63  }
0x108: {  	_ =	swait.ge [sflag:s19], $0x1000  }
0x109: {  	[sflag:s19] =	ssyncset.done $0x0  }
0x10a: {  	s15 =	sadd.s32 $0x280, s8;
	[sflag:s19] =	ssyncadd.s32 $0xFFFFF000  }
0x10b: {  	[tilespmem:s23], [sflag:$0x2] =	stream.indirect.gather [hbm4b:s5+s21], $0x20, s15, s21, $0xb8;
	[tilespmem:$0x17E00] =	vst v63  }
0x10c: {  	_ =	swait.ge [sflag:s13], $0x1000  }
0x10d: {  	[sflag:s13] =	ssyncset.done $0x0  }
.Ltmp4:
0x10e: {  	s15 =	sadd.s32 $0x300, s8;
	[sflag:s13] =	ssyncadd.s32 $0xFFFFF000;
	(pc) =	sbr.rel @!p1 .LBB2_5-.Ltmp4, $4  }
0x10f: {  	[tilespmem:s25], [sflag:$0x3] =	stream.indirect.gather [hbm4b:s5+s21], $0x20, s15, s21, $0xb8;
	[tilespmem:$0x17E00] =	vst v63  }
0x110: {  	_ =	swait.ge [sflag:s14], $0x1000  }
0x111: {  	[sflag:s14] =	ssyncset.done $0x0  }
0x112: {  	s8 =	sadd.s32 $0x380, s8;
	[sflag:s14] =	ssyncadd.s32 $0xFFFFF000  }
.Ltmp5:
0x113: {  	(pc) =	sbr.rel .LBB2_12-.Ltmp5, $3  }
0x114: {  	_ =	sdelay $0x1  }
0x115: {  	[tilespmem:s28], [sflag:$0x4] =	stream.indirect.gather [hbm4b:s5+s21], $0x20, s8, s21, $0xb8;
	[tilespmem:$0x17E00] =	vst v63  }
0x116: {  	s8 =	rddreg [dreg:$0x9]  }
.LBB2_7:
0x117: {  	[tilespmem:s22], [sflag:$0x1] =	stream.indirect.gather [hbm4b:s6+s21], $0x20, s8, s21, $0xb8;
	[tilespmem:$0x17E00] =	vst v63  }
0x118: {  	_ = 	snop  }
0x119: {  	[tilespmem:s23], [sflag:$0x2] =	stream.indirect.gather [hbm4b:s6+s21], $0x20, s21, s21, $0xb8;
	[tilespmem:$0x17E00] =	vst v63  }
0x11a: {  	s17 =	simm.s32 $0x100  }
0x11b: {  	[tilespmem:s25], [sflag:$0x3] =	stream.indirect.gather [hbm4b:s6+s21], $0x20, s17, s21, $0xb8;
	[tilespmem:$0x17E00] =	vst v63  }
0x11c: {  	s15 =	simm.s32 $0x180  }
0x11d: {  	[tilespmem:s28], [sflag:$0x4] =	stream.indirect.gather [hbm4b:s6+s21], $0x20, s15, s21, $0xb8;
	[tilespmem:$0x17E00] =	vst v63  }
0x11e: {  	_ =	swait.ge [sflag:s29], $0x1000  }
0x11f: {  	[sflag:s29] =	ssyncset.done $0x0  }
0x120: {  	s17 =	simm.s32 $0x5000;
	[sflag:s29] =	ssyncadd.s32 $0xFFFFF000  }
0x121: {  	[spmem:s1] =	stream.indirect.scatter.add.f32 [tilespmem:s22], [sflag:$0x5], $0x20, s17, s21, $0xb8;
	[tilespmem:$0x17E00] =	vst v63  }
0x122: {  	_ =	swait.ge [sflag:s30], $0x1000  }
0x123: {  	[sflag:s30] =	ssyncset.done $0x0  }
0x124: {  	s15 =	simm.s32 $0x5080;
	[sflag:s30] =	ssyncadd.s32 $0xFFFFF000  }
0x125: {  	[spmem:s1] =	stream.indirect.scatter.add.f32 [tilespmem:s23], [sflag:$0x6], $0x20, s15, s21, $0xb8;
	[tilespmem:$0x17E00] =	vst v63  }
0x126: {  	_ =	swait.ge [sflag:s31], $0x1000  }
0x127: {  	[sflag:s31] =	ssyncset.done $0x0  }
0x128: {  	s17 =	simm.s32 $0x5100;
	[sflag:s31] =	ssyncadd.s32 $0xFFFFF000  }
0x129: {  	[spmem:s1] =	stream.indirect.scatter.add.f32 [tilespmem:s25], [sflag:$0x7], $0x20, s17, s21, $0xb8;
	[tilespmem:$0x17E00] =	vst v63  }
0x12a: {  	_ =	swait.ge [sflag:s0], $0x1000  }
0x12b: {  	[sflag:s0] =	ssyncset.done $0x0  }
0x12c: {  	s15 =	simm.s32 $0x5180;
	[sflag:s0] =	ssyncadd.s32 $0xFFFFF000  }
0x12d: {  	[spmem:s1] =	stream.indirect.scatter.add.f32 [tilespmem:s28], [sflag:$0x8], $0x20, s15, s21, $0xb8;
	[tilespmem:$0x17E00] =	vst v63  }
0x12e: {  	_ =	swait.ge [sflag:s3], $0x1000  }
0x12f: {  	[sflag:s3] =	ssyncset.done $0x0  }
0x130: {  	s17 =	simm.s32 $0x200;
	[sflag:s3] =	ssyncadd.s32 $0xFFFFF000  }
0x131: {  	[tilespmem:s22], [sflag:$0x1] =	stream.indirect.gather [hbm4b:s6+s21], $0x20, s17, s21, $0xb8;
	[tilespmem:$0x17E00] =	vst v63  }
0x132: {  	_ =	swait.ge [sflag:s19], $0x1000  }
0x133: {  	[sflag:s19] =	ssyncset.done $0x0  }
0x134: {  	s15 =	simm.s32 $0x280;
	[sflag:s19] =	ssyncadd.s32 $0xFFFFF000  }
0x135: {  	[tilespmem:s23], [sflag:$0x2] =	stream.indirect.gather [hbm4b:s6+s21], $0x20, s15, s21, $0xb8;
	[tilespmem:$0x17E00] =	vst v63  }
0x136: {  	_ =	swait.ge [sflag:s13], $0x1000  }
0x137: {  	[sflag:s13] =	ssyncset.done $0x0  }
0x138: {  	s17 =	simm.s32 $0x300;
	[sflag:s13] =	ssyncadd.s32 $0xFFFFF000  }
0x139: {  	[tilespmem:s25], [sflag:$0x3] =	stream.indirect.gather [hbm4b:s6+s21], $0x20, s17, s21, $0xb8;
	[tilespmem:$0x17E00] =	vst v63  }
0x13a: {  	_ =	swait.ge [sflag:s14], $0x1000  }
0x13b: {  	[sflag:s14] =	ssyncset.done $0x0  }
0x13c: {  	s8 =	simm.s32 $0x380;
	s17 =	simm.s32 $0x800;
	[sflag:s14] =	ssyncadd.s32 $0xFFFFF000  }
.LBB2_8:
0x13d: {  	[tilespmem:s28], [sflag:$0x4] =	stream.indirect.gather [hbm4b:s6+s21], $0x20, s8, s21, $0xb8;
	[tilespmem:$0x17E00] =	vst v63  }
0x13e: {  	s8 =	smov.u32 s17  }
0x13f: {  	p1 =	seq.s32 s17, $0x13000;
	s17 =	sadd.s32 $0x800, s17;
	_ =	swait.ge [sflag:s29], $0x1000  }
0x140: {  	s8 =	sshra.s32 s8, $0x2;
	[sflag:s29] =	ssyncset.done $0x0  }
0x141: {  	s15 =	sadd.s32 $0x5000, s8;
	[sflag:s29] =	ssyncadd.s32 $0xFFFFF000  }
0x142: {  	[spmem:s1] =	stream.indirect.scatter.add.f32 [tilespmem:s22], [sflag:$0x5], $0x20, s15, s21, $0xb8;
	[tilespmem:$0x17E00] =	vst v63  }
0x143: {  	_ =	swait.ge [sflag:s30], $0x1000  }
0x144: {  	[sflag:s30] =	ssyncset.done $0x0  }
0x145: {  	s15 =	sadd.s32 $0x5080, s8;
	[sflag:s30] =	ssyncadd.s32 $0xFFFFF000  }
0x146: {  	[spmem:s1] =	stream.indirect.scatter.add.f32 [tilespmem:s23], [sflag:$0x6], $0x20, s15, s21, $0xb8;
	[tilespmem:$0x17E00] =	vst v63  }
0x147: {  	_ =	swait.ge [sflag:s31], $0x1000  }
0x148: {  	[sflag:s31] =	ssyncset.done $0x0  }
0x149: {  	s15 =	sadd.s32 $0x5100, s8;
	[sflag:s31] =	ssyncadd.s32 $0xFFFFF000  }
0x14a: {  	[spmem:s1] =	stream.indirect.scatter.add.f32 [tilespmem:s25], [sflag:$0x7], $0x20, s15, s21, $0xb8;
	[tilespmem:$0x17E00] =	vst v63  }
0x14b: {  	_ =	swait.ge [sflag:s0], $0x1000  }
0x14c: {  	[sflag:s0] =	ssyncset.done $0x0  }
0x14d: {  	s15 =	sadd.s32 $0x5180, s8;
	[sflag:s0] =	ssyncadd.s32 $0xFFFFF000  }
0x14e: {  	[spmem:s1] =	stream.indirect.scatter.add.f32 [tilespmem:s28], [sflag:$0x8], $0x20, s15, s21, $0xb8;
	[tilespmem:$0x17E00] =	vst v63  }
0x14f: {  	_ =	swait.ge [sflag:s3], $0x1000  }
0x150: {  	[sflag:s3] =	ssyncset.done $0x0  }
0x151: {  	s15 =	sadd.s32 $0x200, s8;
	[sflag:s3] =	ssyncadd.s32 $0xFFFFF000  }
0x152: {  	[tilespmem:s22], [sflag:$0x1] =	stream.indirect.gather [hbm4b:s6+s21], $0x20, s15, s21, $0xb8;
	[tilespmem:$0x17E00] =	vst v63  }
0x153: {  	_ =	swait.ge [sflag:s19], $0x1000  }
0x154: {  	[sflag:s19] =	ssyncset.done $0x0  }
0x155: {  	s15 =	sadd.s32 $0x280, s8;
	[sflag:s19] =	ssyncadd.s32 $0xFFFFF000  }
0x156: {  	[tilespmem:s23], [sflag:$0x2] =	stream.indirect.gather [hbm4b:s6+s21], $0x20, s15, s21, $0xb8;
	[tilespmem:$0x17E00] =	vst v63  }
0x157: {  	_ =	swait.ge [sflag:s13], $0x1000  }
0x158: {  	[sflag:s13] =	ssyncset.done $0x0  }
.Ltmp6:
0x159: {  	s15 =	sadd.s32 $0x300, s8;
	[sflag:s13] =	ssyncadd.s32 $0xFFFFF000;
	(pc) =	sbr.rel @!p1 .LBB2_8-.Ltmp6, $4  }
0x15a: {  	[tilespmem:s25], [sflag:$0x3] =	stream.indirect.gather [hbm4b:s6+s21], $0x20, s15, s21, $0xb8;
	[tilespmem:$0x17E00] =	vst v63  }
0x15b: {  	_ =	swait.ge [sflag:s14], $0x1000  }
0x15c: {  	[sflag:s14] =	ssyncset.done $0x0  }
0x15d: {  	s8 =	sadd.s32 $0x380, s8;
	[sflag:s14] =	ssyncadd.s32 $0xFFFFF000  }
0x15e: {  	[tilespmem:s28], [sflag:$0x4] =	stream.indirect.gather [hbm4b:s6+s21], $0x20, s8, s21, $0xb8;
	[tilespmem:$0x17E00] =	vst v63  }
0x15f: {  	_ =	swait.ge [sflag:s29], $0x1000  }
0x160: {  	[sflag:s29] =	ssyncset.done $0x0  }
0x161: {  	s15 =	simm.s32 $0x9E00;
	[sflag:s29] =	ssyncadd.s32 $0xFFFFF000  }
0x162: {  	[spmem:s1] =	stream.indirect.scatter.add.f32 [tilespmem:s22], [sflag:$0x5], $0x20, s15, s21, $0xb8;
	[tilespmem:$0x17E00] =	vst v63  }
0x163: {  	_ =	swait.ge [sflag:s30], $0x1000  }
0x164: {  	[sflag:s30] =	ssyncset.done $0x0  }
0x165: {  	[sflag:s30] =	ssyncadd.s32 $0xFFFFF000  }
0x166: {  	[spmem:s1] =	stream.indirect.scatter.add.f32 [tilespmem:s23], [sflag:$0x6], $0x20, s16, s21, $0xb8;
	[tilespmem:$0x17E00] =	vst v63  }
0x167: {  	_ =	swait.ge [sflag:s31], $0x1000  }
0x168: {  	[sflag:s31] =	ssyncset.done $0x0  }
0x169: {  	[sflag:s31] =	ssyncadd.s32 $0xFFFFF000  }
0x16a: {  	[spmem:s1] =	stream.indirect.scatter.add.f32 [tilespmem:s25], [sflag:$0x7], $0x20, s9, s21, $0xb8;
	[tilespmem:$0x17E00] =	vst v63  }
0x16b: {  	_ =	swait.ge [sflag:s0], $0x1000  }
0x16c: {  	[sflag:s0] =	ssyncset.done $0x0  }
0x16d: {  	[sflag:s0] =	ssyncadd.s32 $0xFFFFF000  }
0x16e: {  	[spmem:s1] =	stream.indirect.scatter.add.f32 [tilespmem:s28], [sflag:$0x8], $0x20, s10, s21, $0xb8;
	[tilespmem:$0x17E00] =	vst v63  }
0x16f: {  	_ =	swait.ge [sflag:s3], $0x1000  }
0x170: {  	[sflag:s3] =	ssyncset.done $0x0  }
0x171: {  	[sflag:s3] =	ssyncadd.s32 $0xFFFFF000  }
0x172: {  	_ =	swait.ge [sflag:s19], $0x1000  }
0x173: {  	[sflag:s19] =	ssyncset.done $0x0  }
0x174: {  	[sflag:s19] =	ssyncadd.s32 $0xFFFFF000  }
0x175: {  	_ =	swait.ge [sflag:s13], $0x1000  }
0x176: {  	[sflag:s13] =	ssyncset.done $0x0  }
0x177: {  	[sflag:s13] =	ssyncadd.s32 $0xFFFFF000  }
0x178: {  	_ =	swait.ge [sflag:s14], $0x1000  }
0x179: {  	[sflag:s14] =	ssyncset.done $0x0  }
0x17a: {  	[sflag:s14] =	ssyncadd.s32 $0xFFFFF000  }
0x17b: {  	[bflag:$0x0] =	sbarrier.arrive $0xFFFF  }
0x17c: {  	[tilespmem:s20], [sflag:$0x9] =	stream.linear.gather [spmem:s12], $0x4F00, $0x38;
	[tilespmem:$0x17E00] =	vst v63  }
0x17d: {  	_ =	swait.ge [sflag:s18], $0x4F00  }
0x17e: {  	[sflag:s18] =	ssyncset.done $0x0  }
0x17f: {  	s17 =	rddreg [dreg:$0x7];
	[sflag:s18] =	ssyncadd.s32 $0xFFFFB100  }
0x180: {  	[hbm4b:s17+s24] =	stream.strided.scatter [tilespmem:s20], [sflag:$0x9], $0x4F00, s21, s24, $0x38;
	[tilespmem:$0x17E00] =	vst v63  }
0x181: {  	_ =	swait.ge [sflag:s18], $0x4F00  }
0x182: {  	[sflag:s18] =	ssyncset.done $0x0  }
0x183: {  	[sflag:s18] =	ssyncadd.s32 $0xFFFFB100  }
0x184: {  	s15 =	simm.s32 $0x0;
	[bflag:$0x0] =	sbarrier.arrive $0xFFFF  }
0x185: {  	[tilespmem:s20], [sflag:$0x9] =	stream.linear.gather [hbm4b:s11+s15], $0x4F00, $0x38;
	[tilespmem:$0x17E00] =	vst v63  }
0x186: {  	_ =	swait.ge [sflag:s18], $0x4F00  }
0x187: {  	[sflag:s18] =	ssyncset.done $0x0  }
0x188: {  	[sflag:s18] =	ssyncadd.s32 $0xFFFFB100  }
0x189: {  	[spmem:s12] =	stream.linear.scatter [tilespmem:s20], [sflag:$0x9], $0x4F00, $0x38;
	[tilespmem:$0x17E00] =	vst v63  }
0x18a: {  	_ =	swait.ge [sflag:s18], $0x4F00  }
0x18b: {  	[sflag:s18] =	ssyncset.done $0x0  }
0x18c: {  	[sflag:s18] =	ssyncadd.s32 $0xFFFFB100  }
0x18d: {  	[bflag:$0x0] =	sbarrier.arrive $0xFFFF  }
0x18e: {  	[tilespmem:s22], [sflag:$0x1] =	stream.indirect.gather [hbm4b:s7+s21], $0x20, s15, s21, $0xb8;
	[tilespmem:$0x17E00] =	vst v63  }
0x18f: {  	_ = 	snop  }
0x190: {  	[tilespmem:s23], [sflag:$0x2] =	stream.indirect.gather [hbm4b:s7+s21], $0x20, s21, s21, $0xb8;
	[tilespmem:$0x17E00] =	vst v63  }
0x191: {  	s17 =	simm.s32 $0x100  }
0x192: {  	[tilespmem:s25], [sflag:$0x3] =	stream.indirect.gather [hbm4b:s7+s21], $0x20, s17, s21, $0xb8;
	[tilespmem:$0x17E00] =	vst v63  }
0x193: {  	s15 =	simm.s32 $0x180  }
0x194: {  	[tilespmem:s28], [sflag:$0x4] =	stream.indirect.gather [hbm4b:s7+s21], $0x20, s15, s21, $0xb8;
	[tilespmem:$0x17E00] =	vst v63  }
0x195: {  	_ =	swait.ge [sflag:s29], $0x1000  }
0x196: {  	[sflag:s29] =	ssyncset.done $0x0  }
0x197: {  	s17 =	simm.s32 $0x5000;
	[sflag:s29] =	ssyncadd.s32 $0xFFFFF000  }
0x198: {  	[spmem:s1] =	stream.indirect.scatter.add.f32 [tilespmem:s22], [sflag:$0x5], $0x20, s17, s21, $0xb8;
	[tilespmem:$0x17E00] =	vst v63  }
0x199: {  	_ =	swait.ge [sflag:s30], $0x1000  }
0x19a: {  	[sflag:s30] =	ssyncset.done $0x0  }
0x19b: {  	s15 =	simm.s32 $0x5080;
	[sflag:s30] =	ssyncadd.s32 $0xFFFFF000  }
0x19c: {  	[spmem:s1] =	stream.indirect.scatter.add.f32 [tilespmem:s23], [sflag:$0x6], $0x20, s15, s21, $0xb8;
	[tilespmem:$0x17E00] =	vst v63  }
0x19d: {  	_ =	swait.ge [sflag:s31], $0x1000  }
0x19e: {  	[sflag:s31] =	ssyncset.done $0x0  }
0x19f: {  	s17 =	simm.s32 $0x5100;
	[sflag:s31] =	ssyncadd.s32 $0xFFFFF000  }
0x1a0: {  	[spmem:s1] =	stream.indirect.scatter.add.f32 [tilespmem:s25], [sflag:$0x7], $0x20, s17, s21, $0xb8;
	[tilespmem:$0x17E00] =	vst v63  }
0x1a1: {  	_ =	swait.ge [sflag:s0], $0x1000  }
0x1a2: {  	[sflag:s0] =	ssyncset.done $0x0  }
0x1a3: {  	s15 =	simm.s32 $0x5180;
	[sflag:s0] =	ssyncadd.s32 $0xFFFFF000  }
0x1a4: {  	[spmem:s1] =	stream.indirect.scatter.add.f32 [tilespmem:s28], [sflag:$0x8], $0x20, s15, s21, $0xb8;
	[tilespmem:$0x17E00] =	vst v63  }
0x1a5: {  	_ =	swait.ge [sflag:s3], $0x1000  }
0x1a6: {  	[sflag:s3] =	ssyncset.done $0x0  }
0x1a7: {  	s17 =	simm.s32 $0x200;
	[sflag:s3] =	ssyncadd.s32 $0xFFFFF000  }
0x1a8: {  	[tilespmem:s22], [sflag:$0x1] =	stream.indirect.gather [hbm4b:s7+s21], $0x20, s17, s21, $0xb8;
	[tilespmem:$0x17E00] =	vst v63  }
0x1a9: {  	_ =	swait.ge [sflag:s19], $0x1000  }
0x1aa: {  	[sflag:s19] =	ssyncset.done $0x0  }
0x1ab: {  	s15 =	simm.s32 $0x280;
	[sflag:s19] =	ssyncadd.s32 $0xFFFFF000  }
0x1ac: {  	[tilespmem:s23], [sflag:$0x2] =	stream.indirect.gather [hbm4b:s7+s21], $0x20, s15, s21, $0xb8;
	[tilespmem:$0x17E00] =	vst v63  }
0x1ad: {  	_ =	swait.ge [sflag:s13], $0x1000  }
0x1ae: {  	[sflag:s13] =	ssyncset.done $0x0  }
0x1af: {  	s17 =	simm.s32 $0x300;
	[sflag:s13] =	ssyncadd.s32 $0xFFFFF000  }
0x1b0: {  	[tilespmem:s25], [sflag:$0x3] =	stream.indirect.gather [hbm4b:s7+s21], $0x20, s17, s21, $0xb8;
	[tilespmem:$0x17E00] =	vst v63  }
0x1b1: {  	_ =	swait.ge [sflag:s14], $0x1000  }
0x1b2: {  	[sflag:s14] =	ssyncset.done $0x0  }
0x1b3: {  	s8 =	simm.s32 $0x380;
	s17 =	simm.s32 $0x800;
	[sflag:s14] =	ssyncadd.s32 $0xFFFFF000  }
.LBB2_10:
0x1b4: {  	[tilespmem:s28], [sflag:$0x4] =	stream.indirect.gather [hbm4b:s7+s21], $0x20, s8, s21, $0xb8;
	[tilespmem:$0x17E00] =	vst v63  }
0x1b5: {  	s8 =	smov.u32 s17  }
0x1b6: {  	p1 =	sne.s32 s17, $0x13000;
	s17 =	sadd.s32 $0x800, s17;
	_ =	swait.ge [sflag:s29], $0x1000  }
0x1b7: {  	s8 =	sshra.s32 s8, $0x2;
	[sflag:s29] =	ssyncset.done $0x0  }
0x1b8: {  	s15 =	sadd.s32 $0x5000, s8;
	[sflag:s29] =	ssyncadd.s32 $0xFFFFF000  }
0x1b9: {  	[spmem:s1] =	stream.indirect.scatter.add.f32 [tilespmem:s22], [sflag:$0x5], $0x20, s15, s21, $0xb8;
	[tilespmem:$0x17E00] =	vst v63  }
0x1ba: {  	_ =	swait.ge [sflag:s30], $0x1000  }
0x1bb: {  	[sflag:s30] =	ssyncset.done $0x0  }
0x1bc: {  	s15 =	sadd.s32 $0x5080, s8;
	[sflag:s30] =	ssyncadd.s32 $0xFFFFF000  }
0x1bd: {  	[spmem:s1] =	stream.indirect.scatter.add.f32 [tilespmem:s23], [sflag:$0x6], $0x20, s15, s21, $0xb8;
	[tilespmem:$0x17E00] =	vst v63  }
0x1be: {  	_ =	swait.ge [sflag:s31], $0x1000  }
0x1bf: {  	[sflag:s31] =	ssyncset.done $0x0  }
0x1c0: {  	s15 =	sadd.s32 $0x5100, s8;
	[sflag:s31] =	ssyncadd.s32 $0xFFFFF000  }
0x1c1: {  	[spmem:s1] =	stream.indirect.scatter.add.f32 [tilespmem:s25], [sflag:$0x7], $0x20, s15, s21, $0xb8;
	[tilespmem:$0x17E00] =	vst v63  }
0x1c2: {  	_ =	swait.ge [sflag:s0], $0x1000  }
0x1c3: {  	[sflag:s0] =	ssyncset.done $0x0  }
0x1c4: {  	s15 =	sadd.s32 $0x5180, s8;
	[sflag:s0] =	ssyncadd.s32 $0xFFFFF000  }
0x1c5: {  	[spmem:s1] =	stream.indirect.scatter.add.f32 [tilespmem:s28], [sflag:$0x8], $0x20, s15, s21, $0xb8;
	[tilespmem:$0x17E00] =	vst v63  }
0x1c6: {  	_ =	swait.ge [sflag:s3], $0x1000  }
0x1c7: {  	[sflag:s3] =	ssyncset.done $0x0  }
0x1c8: {  	s15 =	sadd.s32 $0x200, s8;
	[sflag:s3] =	ssyncadd.s32 $0xFFFFF000  }
0x1c9: {  	[tilespmem:s22], [sflag:$0x1] =	stream.indirect.gather [hbm4b:s7+s21], $0x20, s15, s21, $0xb8;
	[tilespmem:$0x17E00] =	vst v63  }
0x1ca: {  	_ =	swait.ge [sflag:s19], $0x1000  }
0x1cb: {  	[sflag:s19] =	ssyncset.done $0x0  }
0x1cc: {  	s15 =	sadd.s32 $0x280, s8;
	[sflag:s19] =	ssyncadd.s32 $0xFFFFF000  }
0x1cd: {  	[tilespmem:s23], [sflag:$0x2] =	stream.indirect.gather [hbm4b:s7+s21], $0x20, s15, s21, $0xb8;
	[tilespmem:$0x17E00] =	vst v63  }
0x1ce: {  	_ =	swait.ge [sflag:s13], $0x1000  }
0x1cf: {  	[sflag:s13] =	ssyncset.done $0x0  }
.Ltmp7:
0x1d0: {  	s15 =	sadd.s32 $0x300, s8;
	[sflag:s13] =	ssyncadd.s32 $0xFFFFF000;
	(pc) =	sbr.rel @p1 .LBB2_10-.Ltmp7, $4  }
0x1d1: {  	[tilespmem:s25], [sflag:$0x3] =	stream.indirect.gather [hbm4b:s7+s21], $0x20, s15, s21, $0xb8;
	[tilespmem:$0x17E00] =	vst v63  }
0x1d2: {  	_ =	swait.ge [sflag:s14], $0x1000  }
0x1d3: {  	[sflag:s14] =	ssyncset.done $0x0  }
0x1d4: {  	s8 =	sadd.s32 $0x380, s8;
	[sflag:s14] =	ssyncadd.s32 $0xFFFFF000  }
.Ltmp8:
0x1d5: {  	_ = 	snop;
	(pc) =	sbr.rel .LBB2_11-.Ltmp8, $1  }
0x1d6: {  	_ =	sdelay $0x3  }
.LBB2_13:
0x1d7: {  	_ =	sfence.sel $0x180000  }
0x1d8: {  	[bflag:$0x0] =	sbarrier.arrive $0xFFFF  }
0x1d9: {  	_ =	strace $0x9000004A  }
0x1da: {  	s0 =	stileid.u32;
	[bflag:$0x2] =	sbarrier.arrive $0xFFFF  }
0x1db: {  	p0 =	sne.s32 s0, $0x0;
	s0 =	rddreg [dreg:$0x3]  }
0x1dc: {  	s0 =	sadd.s32 @!p0 $0x100000, s0  }
0x1dd: {  	[sflag:s0] =	ssyncadd.tile.s32 @!p0 $0x1;
	_ =	shalt  }
.Lfunc_end2:
_tile_overlayer_lowered:
.L_overlay_start_2:
0x1de: {  	(tag) =	ssettag $0x2  }
0x1df: {  	s0 =	rddreg [dreg:$0x0];
	s2 =	stileid.u32  }
0x1e0: {  	s1 =	rddreg [dreg:$0x1];
	p0 =	sne.s32 s2, $0x0  }
0x1e1: {  	s3 =	rddreg [dreg:$0x2];
	[bflag:$0x3] =	sbarrier.arrive $0xFFFF;
	s2 =	simm.s32 @!p0 $0x1C09  }
0x1e2: {  	[timem:s3], [sflag:s2] =	dma.local @!p0 [hbm:s0], s1  }
0x1e3: {  	s0 =	simm.s32 @!p0 $0x9  }
0x1e4: {  	_ =	swait.ge @!p0 [sflag:s0], s1  }
0x1e5: {  	s1 =	ssub.s32 @!p0 $0x0, s1;
	[sflag:s0] =	ssyncset.done @!p0 $0x0  }
0x1e6: {  	[sflag:s0] =	ssyncadd.s32 @!p0 s1  }
0x1e7: {  	[bflag:$0x3] =	sbarrier.arrive $0xFFFF  }
0x1e8: {  	_ =	shalt  }

// kernel: kernel.15.cloned.1.call-start
scs
__scs_entry_jumppad:
0x0: {  	(pc) =	sbr.rel $0x88, $3  }
0x1: {  	(tag) =	ssettag $0x0;
	lr =	simm.s32 $0x1  }
0x2: {  	[smem:$0x3F9B] =	sst lr;
	_ =	strace $0xD0000000  }
0x3: {  	_ = 	snop  }
0x4: {  	_ = 	snop  }
0x5: {  	_ = 	snop  }
0x6: {  	_ = 	snop  }
0x7: {  	_ = 	snop  }
__scs_overlays_trampoline_lowered:
0x8: {  	[smem:$0x3FAA] =	sst s0  }
0x9: {  	[smem:$0x3FAB] =	sst s1  }
0xa: {  	[smem:$0x3FAC] =	sst s2  }
0xb: {  	[smem:$0x3FAD] =	sst s3  }
0xc: {  	[smem:$0x3FAE] =	sst s4  }
0xd: {  	[smem:$0x3FAF] =	sst s5  }
0xe: {  	[smem:$0x3FB0] =	sst s6  }
0xf: {  	[smem:$0x3FB1] =	sst s7  }
0x10: {  	[smem:$0x3FB2] =	sst s8  }
0x11: {  	[smem:$0x3FB3] =	sst s9;
	s0 =	simm.s32 @!p0 $0x0  }
0x12: {  	s1 =	sld [smem:$0x3F99];
	s0 =	simm.s32 @p0 $0x1  }
0x13: {  	[smem:$0x3FB4] =	sst s0;
	s0 =	simm.s32 @!p1 $0x0  }
0x14: {  	s2 =	sld [smem:$0x3F98];
	s0 =	simm.s32 @p1 $0x1  }
0x15: {  	[smem:$0x3FB5] =	sst s0;
	s0 =	simm.s32 @!p2 $0x0  }
0x16: {  	s3 =	sld [smem:$0x3FDB];
	s0 =	simm.s32 @p2 $0x1  }
0x17: {  	s4 =	simm.s32 $0x1BF5;
	[smem:$0x3FB7] =	sst s0  }
0x18: {  	s0 =	sld [smem:$0x3F9A];
	_ =	swait.ge [sflag:s4], $0x0  }
0x19: {  	s7 =	sld [smem:$0x3F9B]  }
0x1a: {  	s8 =	sadd.s32 $0xFFFFE003, lr  }
0x1b: {  	s9 =	sadd.s32 $0xFFFFFEF7, lr;
	s5 =	simm.s32 $0xFFFFFFFF;
	p2 =	slt.u32 s8, $0xFFFFF086  }
0x1c: {  	p1 =	slt.u32 s9, $0xF7A;
	s5 =	simm.s32 @!p2 $0x0  }
0x1d: {  	s5 =	simm.s32 @p1 $0x1;
	p0 =	seq.s32 s7, s2  }
0x1e: {  	s7 =	smul.u32 @!p0 $0xF7A, s2;
	p2 =	seq.s32 @!p0 s5, $0x0  }
0x1f: {  	s9 =	smul.u32 $0xF7A, s1;
	s8 =	simm.s32 @!p0 $0x1BF5;
	p2 =	por !p2, p0  }
0x20: {  	[sflag:s8] =	ssyncset.s32 @!p0 $0xFFFFF086;
	s6 =	sadd.s32 @!p0 s3, s7;
	s7 =	simm.s32 @!p0 $0x108  }
0x21: {  	s3 =	sadd.s32 s3, s9;
	s6 =	sadd.s32 @!p0 $0x88, s6;
	s7 =	simm.s32 @p2 $0x1082  }
0x22: {  	[simem:s7], [sflag:s8] =	dma.local @!p0 [hbm:s6], $0xF7A  }
0x23: {  	s9 =	sor.u32 $0xD0000000, s2;
	s6 =	simm.s32 $0x108;
	_ =	swait.ge @!p0 [sflag:s8], $0x0  }
0x24: {  	s3 =	sadd.s32 $0x88, s3;
	s6 =	simm.s32 @!p1 $0x1082;
	[sflag:s4] =	ssyncset.s32 $0xFFFFF086  }
0x25: {  	[simem:s6], [sflag:s4] =	dma.local [hbm:s3], $0xF7A  }
0x26: {  	[smem:$0x3F9B] =	sst s1;
	(tag) =	ssettag s2;
	_ =	strace s9  }
0x27: {  	s1 =	sld [smem:$0x3FAB]  }
0x28: {  	s2 =	sld [smem:$0x3FAC]  }
0x29: {  	s4 =	sld [smem:$0x3FAE]  }
0x2a: {  	p0 =	seq.s32 s5, $0x0;
	s5 =	sld [smem:$0x3FAF]  }
0x2b: {  	s6 =	sld [smem:$0x3FB0]  }
0x2c: {  	s7 =	sld [smem:$0x3FB1]  }
0x2d: {  	s3 =	simm.s32 $0x108;
	s8 =	sld [smem:$0x3FB2]  }
0x2e: {  	s3 =	simm.s32 @!p0 $0x1082;
	s9 =	sld [smem:$0x3FB3]  }
0x2f: {  	lr =	sadd.s32 s0, s3;
	s0 =	sld [smem:$0x3FAA]  }
0x30: {  	s3 =	sld [smem:$0x3FAD]  }
0x31: {  	[smem:$0x3FB6] =	sst s10  }
0x32: {  	s10 =	sld [smem:$0x3FB4];
	_ =	sdelay $0x3  }
0x33: {  	p0 =	seq.s32 s10, $0x1;
	s10 =	sld [smem:$0x3FB6];
	_ =	sdelay $0x3  }
0x34: {  	[smem:$0x3FB6] =	sst s10  }
0x35: {  	s10 =	sld [smem:$0x3FB5];
	_ =	sdelay $0x3  }
0x36: {  	p1 =	seq.s32 s10, $0x1;
	s10 =	sld [smem:$0x3FB6];
	_ =	sdelay $0x3  }
0x37: {  	[smem:$0x3FB6] =	sst s10  }
0x38: {  	s10 =	sld [smem:$0x3FB7]  }
0x39: {  	_ = 	snop;
	(pc) =	sbr.ind lr, $3  }
0x3a: {  	_ = 	snop  }
0x3b: {  	_ = 	snop  }
0x3c: {  	p2 =	seq.s32 s10, $0x1;
	s10 =	sld [smem:$0x3FB6]  }
0x3d: {  	_ =	shalt  }
0x3e: {  	_ =	shalt  }
0x3f: {  	_ =	shalt  }
0x40: {  	_ =	shalt  }
0x41: {  	_ =	shalt  }
0x42: {  	_ =	shalt  }
0x43: {  	_ =	shalt  }
0x44: {  	_ =	shalt  }
0x45: {  	_ =	shalt  }
0x46: {  	_ =	shalt  }
0x47: {  	_ =	shalt  }
0x48: {  	_ =	shalt  }
0x49: {  	_ =	shalt  }
0x4a: {  	_ =	shalt  }
0x4b: {  	_ =	shalt  }
0x4c: {  	_ =	shalt  }
0x4d: {  	_ =	shalt  }
0x4e: {  	_ =	shalt  }
0x4f: {  	_ =	shalt  }
0x50: {  	_ =	shalt  }
0x51: {  	_ =	shalt  }
0x52: {  	_ =	shalt  }
0x53: {  	_ =	shalt  }
0x54: {  	_ =	shalt  }
0x55: {  	_ =	shalt  }
0x56: {  	_ =	shalt  }
0x57: {  	_ =	shalt  }
0x58: {  	_ =	shalt  }
0x59: {  	_ =	shalt  }
0x5a: {  	_ =	shalt  }
0x5b: {  	_ =	shalt  }
0x5c: {  	_ =	shalt  }
0x5d: {  	_ =	shalt  }
0x5e: {  	_ =	shalt  }
0x5f: {  	_ =	shalt  }
0x60: {  	_ =	shalt  }
0x61: {  	_ =	shalt  }
0x62: {  	_ =	shalt  }
0x63: {  	_ =	shalt  }
0x64: {  	_ =	shalt  }
0x65: {  	_ =	shalt  }
0x66: {  	_ =	shalt  }
0x67: {  	_ =	shalt  }
0x68: {  	_ =	shalt  }
0x69: {  	_ =	shalt  }
0x6a: {  	_ =	shalt  }
0x6b: {  	_ =	shalt  }
0x6c: {  	_ =	shalt  }
0x6d: {  	_ =	shalt  }
0x6e: {  	_ =	shalt  }
0x6f: {  	_ =	shalt  }
0x70: {  	_ =	shalt  }
0x71: {  	_ =	shalt  }
0x72: {  	_ =	shalt  }
0x73: {  	_ =	shalt  }
0x74: {  	_ =	shalt  }
0x75: {  	_ =	shalt  }
0x76: {  	_ =	shalt  }
0x77: {  	_ =	shalt  }
0x78: {  	_ =	shalt  }
0x79: {  	_ =	shalt  }
0x7a: {  	_ =	shalt  }
0x7b: {  	_ =	shalt  }
0x7c: {  	_ =	shalt  }
0x7d: {  	_ =	shalt  }
0x7e: {  	_ =	shalt  }
0x7f: {  	_ =	shalt  }
0x80: {  	_ =	shalt  }
0x81: {  	_ =	shalt  }
0x82: {  	_ =	shalt  }
0x83: {  	_ =	shalt  }
0x84: {  	_ =	shalt  }
0x85: {  	_ =	shalt  }
0x86: {  	_ =	shalt  }
0x87: {  	_ =	shalt  }
.Lfunc_end0:
.L_simem_size_0:
called_computation.2_lowered:
.L_overlay_start_0:
0x88: {  	s2 =	sld [smem:$0x3FD9]  }
0x89: {  	s3 =	sld [smem:$0x3FFE];
	_ =	sdelay $0x1  }
0x8a: {  	s1 =	srdreg.scid  }
0x8b: {  	s0 =	sand.u32 $0x1, s1  }
0x8c: {  	s17 =	sshll.u32 s0, $0xA;
	s2 =	sadd.s32 s3, s2  }
0x8d: {  	s2 =	sadd.s32 s2, s17  }
0x8e: {  	[smem:$0x3FC2] =	sst s2  }
0x8f: {  	_ = 	snop  }
0x90: {  	s2 =	sld [smem:$0x3FD0];
	(tm) =	ssettm $0x1  }
0x91: {  	s18 =	sld [smem:$0x3FFB];
	_ =	sdelay $0x3  }
0x92: {  	_ =	strace s18  }
0x93: {  	s3 =	sld [smem:$0x3FFC];
	_ =	sdelay $0x3  }
0x94: {  	_ =	strace s3  }
0x95: {  	s3 =	sld [smem:$0x3FFD];
	_ =	sdelay $0x3  }
0x96: {  	_ =	strace s3  }
0x97: {  	_ =	strace $0x8FFFFFFF  }
0x98: {  	s19 =	sld [smem:$0x3FDB];
	_ =	sdelay $0x1  }
0x99: {  	s4 =	simm.s32 $_scs_section_size  }
0x9a: {  	s5 =	simm.s32 $_size__tile_overlayer_lowered;
	s6 =	simm.s32 $_tile_overlayer_lowered  }
0x9b: {  	s22 =	simm.s32 $0x1BFF;
	s21 =	sshll.u32 s6, $0x1;
	s3 =	sadd.s32 s4, s19  }
0x9c: {  	s7 =	simm.s32 $0x0;
	s20 =	sshll.u32 s5, $0x1;
	s5 =	sadd.s32 s21, s3  }
0x9d: {  	[timem:s7], [sflag:s22] =	dma.local [hbm:s5], s20  }
0x9e: {  	_ =	swait.ge [sflag:s22], s20  }
0x9f: {  	s4 =	ssub.s32 $0x0, s20;
	[sflag:s22] =	ssyncset.done $0x0  }
0xa0: {  	[sflag:s22] =	ssyncadd.s32 s4;
	_ =	sdelay $0x1  }
0xa1: {  	s23 =	simm.s32 $0x1B8B  }
0xa2: {  	_ =	swait.ge [sflag:s23], $0x1  }
0xa3: {  	[sflag:s23] =	ssyncset.done $0x0  }
0xa4: {  	s25 =	simm.s32 $0x1B8E;
	s24 =	sld [smem:$0x3FFE];
	[sflag:s23] =	ssyncadd.s32 $0xFFFFFFFF  }
0xa5: {  	s26 =	simm.s32 $execute0_lowered;
	[smem:$0x3FD2] =	sst s25  }
0xa6: {  	s5 =	sshll.u32 s26, $0x1;
	_ =	strace $0x8000004C;
	[dreg:$0x1] =	wrdreg $0xFFFFFFFF  }
0xa7: {  	s28 =	simm.s32 $_size_execute0_lowered;
	s3 =	sadd.s32 s3, s5;
	[dreg:$0x0] =	wrdreg $0x0  }
0xa8: {  	s5 =	sshll.u32 s28, $0x1;
	[dreg:$0x2] =	wrdreg s3  }
0xa9: {  	[dreg:$0x3] =	wrdreg s5  }
0xaa: {  	[dreg:$0x4] =	wrdreg $0xC0  }
0xab: {  	_ =	task [dreg:s7], $0x5FFFF  }
0xac: {  	[dreg:$0x1] =	wrdreg $0xFFFFFFFF  }
0xad: {  	[dreg:$0x0] =	wrdreg $0x60  }
0xae: {  	[dreg:$0x2] =	wrdreg s24  }
0xaf: {  	[dreg:$0x3] =	wrdreg s2  }
0xb0: {  	[dreg:$0x4] =	wrdreg $0x126800  }
0xb1: {  	[dreg:$0x5] =	wrdreg $0x9  }
0xb2: {  	_ =	task.clear_ibuf [dreg:s7], $0x6FFFF;
	_ =	strace $0x9000004C  }
0xb3: {  	s29 =	simm.s32 $0x9;
	_ =	strace $0x8000004E  }
0xb4: {  	_ =	swait.ge [sflag:s29], $0x1  }
0xb5: {  	[sflag:s29] =	ssyncadd.s32 $0xFFFFFFFF  }
0xb6: {  	_ =	strace $0x9000004E  }
0xb7: {  	_ =	sfence  }
0xb8: {  	s30 =	sld [smem:$0x0];
	_ =	sdelay $0x2  }
0xb9: {  	s31 =	sshll.u32 s1, $0xD;
	s1 =	sshrl.u32 s1, $0x2  }
0xba: {  	s3 =	sand.u32 $0x4000, s31;
	s1 =	sadd.s32 s1, s30  }
0xbb: {  	s0 =	sor.u32 s3, s0;
	s1 =	sshll.u32 s1, $0x11  }
0xbc: {  	s0 =	sor.u32 s1, s0  }
0xbd: {  	s0 =	sadd.s32 $0x8F2B, s0  }
0xbe: {  	[sflag:s0] =	ssyncadd.remote.s32 $0x1  }
0xbf: {  	_ =	sfence.sel $0xFFFF  }
0xc0: {  	[dreg:$0x0] =	wrdreg $0xFFFFFFFF;
	(pc) =	sbr.abs _section_cstart, $3  }
0xc1: {  	[dreg:$0x1] =	wrdreg $0xFFFFFFFF  }
0xc2: {  	_ =	task.clear_ibuf [dreg:s7], $0x2FFFF;
	_ =	strace $0x9FFFFFFF  }
0xc3: {  	(tm) =	ssettm $0x7FFFFFFF  }
tec
execute0_lowered:
.L_overlay_start_1:
0x0: {  	(tag) =	ssettag $0x1  }
0x1: {  	s0 =	rddreg [dreg:$0x0]  }
0x2: {  	s2 =	rddreg [dreg:$0x1]  }
0x3: {  	s1 =	rddreg [dreg:$0x2]  }
0x4: {  	s3 =	srdreg.scid;
	s5 =	stileid.u32;
	s13 =	simm.s32 $0xB000  }
0x5: {  	s14 =	simm.s32 $0x80;
	s15 =	simm.s32 $0x5000;
	s16 =	simm.s32 $0x6800  }
0x6: {  	s18 =	simm.s32 $0x8000;
	s20 =	simm.s32 $0x9800;
	s21 =	simm.s32 $0x1  }
0x7: {  	s22 =	simm.s32 $0x2;
	s23 =	simm.s32 $0x3;
	s24 =	simm.s32 $0x4  }
0x8: {  	s25 =	simm.s32 $0x5;
	s26 =	simm.s32 $0x6;
	s28 =	simm.s32 $0x7  }
0x9: {  	s29 =	simm.s32 $0x8;
	s31 =	simm.s32 $0x4E80;
	s12 =	simm.s32 $0x0  }
0xa: {  	s8 =	sand.u32 $0x1, s3;
	s3 =	simm.s32 $0x0;
	s9 =	smul.u32 $0x7680, s5  }
0xb: {  	s4 =	sshll.u32 s8, $0x4;
	[smem:$0x7FF] =	sst s3;
	s7 =	ssub.s32 $0x2, s8  }
0xc: {  	p0 =	seq.s32 s8, $0x1;
	s4 =	sor.u32 s5, s4;
	_ =	strace $0x8000004D  }
0xd: {  	s5 =	sshrl.u32 s9, $0x3;
	s30 =	sshrl.u32 s7, $0x1;
	s6 =	smul.u32 $0x500, s4  }
0xe: {  	s8 =	sadd.s32 s9, s1;
	s4 =	sadd.s32 $0xD200, s0;
	s11 =	ssub.s32 s7, s30  }
0xf: {  	s9 =	smax.u32 s11, $0x1;
	s11 =	simm.s32 $0x9;
	s10 =	sadd.s32 s6, s0  }
0x10: {  	s0 =	sadd.s32 s5, s0;
	s6 =	sadd.s32 s2, s6;
	s2 =	simm.s32 $0x2AE00  }
0x11: {  	s5 =	sadd.s32 $0x3200, s10;
	s7 =	sadd.s32 $0x1C000, s0;
	s2 =	simm.s32 @!p0 $0x39C00  }
0x12: {  	s10 =	sadd.s32 s2, s0;
	s0 =	simm.s32 $0x4F00;
	s2 =	simm.s32 $0x4F80  }
.LBB2_1:
0x13: {  	[tilespmem:s3], [sflag:$0x9] =	stream.linear.gather [hbm4b:s5+s3], $0x2800, $0x38;
	[tilespmem:$0x19D00] =	vst v63  }
0x14: {  	_ =	swait.ge [sflag:s11], $0x2800  }
0x15: {  	[sflag:s11] =	ssyncset.done $0x0  }
0x16: {  	s17 =	simm.s32 $0x2800;
	[sflag:s11] =	ssyncadd.s32 $0xFFFFD800  }
0x17: {  	[tilespmem:s17], [sflag:$0x9] =	stream.linear.gather [hbm4b:s6+s3], $0x2800, $0x38;
	[tilespmem:$0x19D00] =	vst v63  }
0x18: {  	_ =	swait.ge [sflag:s11], $0x2800  }
0x19: {  	[sflag:s11] =	ssyncset.done $0x0  }
0x1a: {  	[sflag:s11] =	ssyncadd.s32 $0xFFFFD800  }
0x1b: {  	[tilespmem:s13], [sflag:$0x9] =	stream.linear.gather [hbm4b:s7+s3], $0x7680, $0x38;
	[tilespmem:$0x19D00] =	vst v63  }
0x1c: {  	_ =	swait.ge [sflag:s11], $0x7680  }
0x1d: {  	[sflag:s11] =	ssyncset.done $0x0  }
0x1e: {  	[sflag:s11] =	ssyncadd.s32 $0xFFFF8980  }
0x1f: {  	[spmem:s8] =	stream.linear.scatter [tilespmem:s13], [sflag:$0x9], $0x7680, $0x38;
	[tilespmem:$0x19D00] =	vst v63  }
0x20: {  	_ =	swait.ge [sflag:s11], $0x7680  }
0x21: {  	[sflag:s11] =	ssyncset.done $0x0  }
0x22: {  	[sflag:s11] =	ssyncadd.s32 $0xFFFF8980  }
0x23: {  	[bflag:$0x0] =	sbarrier.arrive $0xFFFF  }
0x24: {  	[tilespmem:s15], [sflag:$0x1] =	stream.indirect.gather [hbm4b:s4+s14], $0x30, s3, s14, $0xb8;
	[tilespmem:$0x19D00] =	vst v63  }
0x25: {  	_ = 	snop  }
0x26: {  	[tilespmem:s16], [sflag:$0x2] =	stream.indirect.gather [hbm4b:s4+s14], $0x30, s14, s14, $0xb8;
	[tilespmem:$0x19D00] =	vst v63  }
0x27: {  	s30 =	simm.s32 $0x100  }
0x28: {  	[tilespmem:s18], [sflag:$0x3] =	stream.indirect.gather [hbm4b:s4+s14], $0x30, s30, s14, $0xb8;
	[tilespmem:$0x19D00] =	vst v63  }
0x29: {  	s19 =	simm.s32 $0x180  }
0x2a: {  	[tilespmem:s20], [sflag:$0x4] =	stream.indirect.gather [hbm4b:s4+s14], $0x30, s19, s14, $0xb8;
	[tilespmem:$0x19D00] =	vst v63  }
0x2b: {  	_ =	swait.ge [sflag:s21], $0x1800  }
0x2c: {  	[sflag:s21] =	ssyncset.done $0x0  }
0x2d: {  	s30 =	simm.s32 $0x2800;
	[sflag:s21] =	ssyncadd.s32 $0xFFFFE800  }
0x2e: {  	[spmem:s1] =	stream.indirect.scatter.add.f32 [tilespmem:s15], [sflag:$0x5], $0x30, s30, s14, $0xb8;
	[tilespmem:$0x19D00] =	vst v63  }
0x2f: {  	_ =	swait.ge [sflag:s22], $0x1800  }
0x30: {  	[sflag:s22] =	ssyncset.done $0x0  }
0x31: {  	s19 =	simm.s32 $0x2880;
	[sflag:s22] =	ssyncadd.s32 $0xFFFFE800  }
0x32: {  	[spmem:s1] =	stream.indirect.scatter.add.f32 [tilespmem:s16], [sflag:$0x6], $0x30, s19, s14, $0xb8;
	[tilespmem:$0x19D00] =	vst v63  }
0x33: {  	_ =	swait.ge [sflag:s23], $0x1800  }
0x34: {  	[sflag:s23] =	ssyncset.done $0x0  }
0x35: {  	s30 =	simm.s32 $0x2900;
	[sflag:s23] =	ssyncadd.s32 $0xFFFFE800  }
0x36: {  	[spmem:s1] =	stream.indirect.scatter.add.f32 [tilespmem:s18], [sflag:$0x7], $0x30, s30, s14, $0xb8;
	[tilespmem:$0x19D00] =	vst v63  }
0x37: {  	_ =	swait.ge [sflag:s24], $0x1800  }
0x38: {  	[sflag:s24] =	ssyncset.done $0x0  }
0x39: {  	s19 =	simm.s32 $0x2980;
	[sflag:s24] =	ssyncadd.s32 $0xFFFFE800  }
0x3a: {  	[spmem:s1] =	stream.indirect.scatter.add.f32 [tilespmem:s20], [sflag:$0x8], $0x30, s19, s14, $0xb8;
	[tilespmem:$0x19D00] =	vst v63  }
0x3b: {  	_ =	swait.ge [sflag:s25], $0x1800  }
0x3c: {  	[sflag:s25] =	ssyncset.done $0x0  }
0x3d: {  	s30 =	simm.s32 $0x200;
	[sflag:s25] =	ssyncadd.s32 $0xFFFFE800  }
0x3e: {  	[tilespmem:s15], [sflag:$0x1] =	stream.indirect.gather [hbm4b:s4+s14], $0x30, s30, s14, $0xb8;
	[tilespmem:$0x19D00] =	vst v63  }
0x3f: {  	_ =	swait.ge [sflag:s26], $0x1800  }
0x40: {  	[sflag:s26] =	ssyncset.done $0x0  }
0x41: {  	s19 =	simm.s32 $0x280;
	[sflag:s26] =	ssyncadd.s32 $0xFFFFE800  }
0x42: {  	[tilespmem:s16], [sflag:$0x2] =	stream.indirect.gather [hbm4b:s4+s14], $0x30, s19, s14, $0xb8;
	[tilespmem:$0x19D00] =	vst v63  }
0x43: {  	_ =	swait.ge [sflag:s28], $0x1800  }
0x44: {  	[sflag:s28] =	ssyncset.done $0x0  }
0x45: {  	s30 =	simm.s32 $0x300;
	[sflag:s28] =	ssyncadd.s32 $0xFFFFE800  }
0x46: {  	[tilespmem:s18], [sflag:$0x3] =	stream.indirect.gather [hbm4b:s4+s14], $0x30, s30, s14, $0xb8;
	[tilespmem:$0x19D00] =	vst v63  }
0x47: {  	_ =	swait.ge [sflag:s29], $0x1800  }
0x48: {  	[sflag:s29] =	ssyncset.done $0x0  }
0x49: {  	s17 =	simm.s32 $0x800;
	s19 =	simm.s32 $0x380;
	[sflag:s29] =	ssyncadd.s32 $0xFFFFE800  }
.LBB2_2:
0x4a: {  	[tilespmem:s20], [sflag:$0x4] =	stream.indirect.gather [hbm4b:s4+s14], $0x30, s19, s14, $0xb8;
	[tilespmem:$0x19D00] =	vst v63  }
0x4b: {  	s19 =	smov.u32 s17  }
0x4c: {  	p0 =	sne.s32 s17, $0x9000;
	s17 =	sadd.s32 $0x800, s17;
	_ =	swait.ge [sflag:s21], $0x1800  }
0x4d: {  	s19 =	sshra.s32 s19, $0x2;
	[sflag:s21] =	ssyncset.done $0x0  }
0x4e: {  	s30 =	sadd.s32 $0x2800, s19;
	[sflag:s21] =	ssyncadd.s32 $0xFFFFE800  }
0x4f: {  	[spmem:s1] =	stream.indirect.scatter.add.f32 [tilespmem:s15], [sflag:$0x5], $0x30, s30, s14, $0xb8;
	[tilespmem:$0x19D00] =	vst v63  }
0x50: {  	_ =	swait.ge [sflag:s22], $0x1800  }
0x51: {  	[sflag:s22] =	ssyncset.done $0x0  }
0x52: {  	s30 =	sadd.s32 $0x2880, s19;
	[sflag:s22] =	ssyncadd.s32 $0xFFFFE800  }
0x53: {  	[spmem:s1] =	stream.indirect.scatter.add.f32 [tilespmem:s16], [sflag:$0x6], $0x30, s30, s14, $0xb8;
	[tilespmem:$0x19D00] =	vst v63  }
0x54: {  	_ =	swait.ge [sflag:s23], $0x1800  }
0x55: {  	[sflag:s23] =	ssyncset.done $0x0  }
0x56: {  	s30 =	sadd.s32 $0x2900, s19;
	[sflag:s23] =	ssyncadd.s32 $0xFFFFE800  }
0x57: {  	[spmem:s1] =	stream.indirect.scatter.add.f32 [tilespmem:s18], [sflag:$0x7], $0x30, s30, s14, $0xb8;
	[tilespmem:$0x19D00] =	vst v63  }
0x58: {  	_ =	swait.ge [sflag:s24], $0x1800  }
0x59: {  	[sflag:s24] =	ssyncset.done $0x0  }
0x5a: {  	s30 =	sadd.s32 $0x2980, s19;
	[sflag:s24] =	ssyncadd.s32 $0xFFFFE800  }
0x5b: {  	[spmem:s1] =	stream.indirect.scatter.add.f32 [tilespmem:s20], [sflag:$0x8], $0x30, s30, s14, $0xb8;
	[tilespmem:$0x19D00] =	vst v63  }
0x5c: {  	_ =	swait.ge [sflag:s25], $0x1800  }
0x5d: {  	[sflag:s25] =	ssyncset.done $0x0  }
0x5e: {  	s30 =	sadd.s32 $0x200, s19;
	[sflag:s25] =	ssyncadd.s32 $0xFFFFE800  }
0x5f: {  	[tilespmem:s15], [sflag:$0x1] =	stream.indirect.gather [hbm4b:s4+s14], $0x30, s30, s14, $0xb8;
	[tilespmem:$0x19D00] =	vst v63  }
0x60: {  	_ =	swait.ge [sflag:s26], $0x1800  }
0x61: {  	[sflag:s26] =	ssyncset.done $0x0  }
0x62: {  	s30 =	sadd.s32 $0x280, s19;
	[sflag:s26] =	ssyncadd.s32 $0xFFFFE800  }
0x63: {  	[tilespmem:s16], [sflag:$0x2] =	stream.indirect.gather [hbm4b:s4+s14], $0x30, s30, s14, $0xb8;
	[tilespmem:$0x19D00] =	vst v63  }
0x64: {  	_ =	swait.ge [sflag:s28], $0x1800  }
0x65: {  	[sflag:s28] =	ssyncset.done $0x0  }
.Ltmp0:
0x66: {  	s30 =	sadd.s32 $0x300, s19;
	[sflag:s28] =	ssyncadd.s32 $0xFFFFE800;
	(pc) =	sbr.rel @p0 .LBB2_2-.Ltmp0, $4  }
0x67: {  	[tilespmem:s18], [sflag:$0x3] =	stream.indirect.gather [hbm4b:s4+s14], $0x30, s30, s14, $0xb8;
	[tilespmem:$0x19D00] =	vst v63  }
0x68: {  	_ =	swait.ge [sflag:s29], $0x1800  }
0x69: {  	[sflag:s29] =	ssyncset.done $0x0  }
0x6a: {  	s19 =	sadd.s32 $0x380, s19;
	[sflag:s29] =	ssyncadd.s32 $0xFFFFE800  }
0x6b: {  	[tilespmem:s20], [sflag:$0x4] =	stream.indirect.gather [hbm4b:s4+s14], $0x30, s19, s14, $0xb8;
	[tilespmem:$0x19D00] =	vst v63  }
0x6c: {  	_ =	swait.ge [sflag:s21], $0x1800  }
0x6d: {  	[sflag:s21] =	ssyncset.done $0x0  }
0x6e: {  	s17 =	simm.s32 $0x4E00;
	[sflag:s21] =	ssyncadd.s32 $0xFFFFE800  }
0x6f: {  	[spmem:s1] =	stream.indirect.scatter.add.f32 [tilespmem:s15], [sflag:$0x5], $0x30, s17, s14, $0xb8;
	[tilespmem:$0x19D00] =	vst v63  }
0x70: {  	_ =	swait.ge [sflag:s22], $0x1800  }
0x71: {  	[sflag:s22] =	ssyncset.done $0x0  }
0x72: {  	[sflag:s22] =	ssyncadd.s32 $0xFFFFE800  }
0x73: {  	[spmem:s1] =	stream.indirect.scatter.add.f32 [tilespmem:s16], [sflag:$0x6], $0x30, s31, s14, $0xb8;
	[tilespmem:$0x19D00] =	vst v63  }
0x74: {  	_ =	swait.ge [sflag:s23], $0x1800  }
0x75: {  	[sflag:s23] =	ssyncset.done $0x0  }
0x76: {  	[sflag:s23] =	ssyncadd.s32 $0xFFFFE800  }
0x77: {  	[spmem:s1] =	stream.indirect.scatter.add.f32 [tilespmem:s18], [sflag:$0x7], $0x30, s0, s14, $0xb8;
	[tilespmem:$0x19D00] =	vst v63  }
0x78: {  	_ =	swait.ge [sflag:s24], $0x1800  }
0x79: {  	[sflag:s24] =	ssyncset.done $0x0  }
0x7a: {  	[sflag:s24] =	ssyncadd.s32 $0xFFFFE800  }
0x7b: {  	[spmem:s1] =	stream.indirect.scatter.add.f32 [tilespmem:s20], [sflag:$0x8], $0x30, s2, s14, $0xb8;
	[tilespmem:$0x19D00] =	vst v63  }
0x7c: {  	_ =	swait.ge [sflag:s25], $0x1800  }
0x7d: {  	[sflag:s25] =	ssyncset.done $0x0  }
0x7e: {  	[sflag:s25] =	ssyncadd.s32 $0xFFFFE800  }
0x7f: {  	_ =	swait.ge [sflag:s26], $0x1800  }
0x80: {  	[sflag:s26] =	ssyncset.done $0x0  }
0x81: {  	[sflag:s26] =	ssyncadd.s32 $0xFFFFE800  }
0x82: {  	_ =	swait.ge [sflag:s28], $0x1800  }
0x83: {  	[sflag:s28] =	ssyncset.done $0x0  }
0x84: {  	[sflag:s28] =	ssyncadd.s32 $0xFFFFE800  }
0x85: {  	_ =	swait.ge [sflag:s29], $0x1800  }
0x86: {  	[sflag:s29] =	ssyncset.done $0x0  }
0x87: {  	[sflag:s29] =	ssyncadd.s32 $0xFFFFE800  }
0x88: {  	[bflag:$0x0] =	sbarrier.arrive $0xFFFF  }
0x89: {  	[tilespmem:s13], [sflag:$0x9] =	stream.linear.gather [spmem:s8], $0x7680, $0x38;
	[tilespmem:$0x19D00] =	vst v63  }
0x8a: {  	s12 =	sadd.s32 $0x1, s12;
	_ =	swait.ge [sflag:s11], $0x7680  }
0x8b: {  	p0 =	sne.s32 s12, s9;
	[sflag:s11] =	ssyncset.done $0x0  }
.Ltmp1:
0x8c: {  	[sflag:s11] =	ssyncadd.s32 $0xFFFF8980;
	(pc) =	sbr.rel @p0 .LBB2_1-.Ltmp1, $4  }
0x8d: {  	[hbm4b:s10+s3] =	stream.linear.scatter [tilespmem:s13], [sflag:$0x9], $0x7680, $0x38;
	[tilespmem:$0x19D00] =	vst v63  }
0x8e: {  	_ =	swait.ge [sflag:s11], $0x7680  }
0x8f: {  	[sflag:s11] =	ssyncset.done $0x0  }
0x90: {  	[sflag:s11] =	ssyncadd.s32 $0xFFFF8980  }
0x91: {  	_ =	sfence.sel $0x180000  }
0x92: {  	[bflag:$0x0] =	sbarrier.arrive $0xFFFF  }
0x93: {  	_ =	strace $0x9000004D  }
0x94: {  	s0 =	stileid.u32;
	[bflag:$0x2] =	sbarrier.arrive $0xFFFF  }
0x95: {  	p0 =	sne.s32 s0, $0x0;
	s0 =	rddreg [dreg:$0x3]  }
0x96: {  	s0 =	sadd.s32 @!p0 $0x100000, s0  }
0x97: {  	[sflag:s0] =	ssyncadd.tile.s32 @!p0 $0x1;
	_ =	shalt  }
.Lfunc_end2:
_tile_overlayer_lowered:
.L_overlay_start_2:
0x98: {  	(tag) =	ssettag $0x2  }
0x99: {  	s0 =	rddreg [dreg:$0x0];
	s2 =	stileid.u32  }
0x9a: {  	s1 =	rddreg [dreg:$0x1];
	p0 =	sne.s32 s2, $0x0  }
0x9b: {  	s3 =	rddreg [dreg:$0x2];
	[bflag:$0x3] =	sbarrier.arrive $0xFFFF;
	s2 =	simm.s32 @!p0 $0x1C09  }
0x9c: {  	[timem:s3], [sflag:s2] =	dma.local @!p0 [hbm:s0], s1  }
0x9d: {  	s0 =	simm.s32 @!p0 $0x9  }
0x9e: {  	_ =	swait.ge @!p0 [sflag:s0], s1  }
0x9f: {  	s1 =	ssub.s32 @!p0 $0x0, s1;
	[sflag:s0] =	ssyncset.done @!p0 $0x0  }
0xa0: {  	[sflag:s0] =	ssyncadd.s32 @!p0 s1  }
0xa1: {  	[bflag:$0x3] =	sbarrier.arrive $0xFFFF  }
0xa2: {  	_ =	shalt  }

// kernel: kernel.9.cloned.1.call-start
scs
__scs_entry_jumppad:
0x0: {  	(pc) =	sbr.rel $0x88, $3  }
0x1: {  	(tag) =	ssettag $0x0;
	lr =	simm.s32 $0x1  }
0x2: {  	[smem:$0x3F9B] =	sst lr;
	_ =	strace $0xD0000000  }
0x3: {  	_ = 	snop  }
0x4: {  	_ = 	snop  }
0x5: {  	_ = 	snop  }
0x6: {  	_ = 	snop  }
0x7: {  	_ = 	snop  }
__scs_overlays_trampoline_lowered:
0x8: {  	[smem:$0x3FAA] =	sst s0  }
0x9: {  	[smem:$0x3FAB] =	sst s1  }
0xa: {  	[smem:$0x3FAC] =	sst s2  }
0xb: {  	[smem:$0x3FAD] =	sst s3  }
0xc: {  	[smem:$0x3FAE] =	sst s4  }
0xd: {  	[smem:$0x3FAF] =	sst s5  }
0xe: {  	[smem:$0x3FB0] =	sst s6  }
0xf: {  	[smem:$0x3FB1] =	sst s7  }
0x10: {  	[smem:$0x3FB2] =	sst s8  }
0x11: {  	[smem:$0x3FB3] =	sst s9;
	s0 =	simm.s32 @!p0 $0x0  }
0x12: {  	s1 =	sld [smem:$0x3F99];
	s0 =	simm.s32 @p0 $0x1  }
0x13: {  	[smem:$0x3FB4] =	sst s0;
	s0 =	simm.s32 @!p1 $0x0  }
0x14: {  	s2 =	sld [smem:$0x3F98];
	s0 =	simm.s32 @p1 $0x1  }
0x15: {  	[smem:$0x3FB5] =	sst s0;
	s0 =	simm.s32 @!p2 $0x0  }
0x16: {  	s3 =	sld [smem:$0x3FDB];
	s0 =	simm.s32 @p2 $0x1  }
0x17: {  	s4 =	simm.s32 $0x1BF5;
	[smem:$0x3FB7] =	sst s0  }
0x18: {  	s0 =	sld [smem:$0x3F9A];
	_ =	swait.ge [sflag:s4], $0x0  }
0x19: {  	s7 =	sld [smem:$0x3F9B]  }
0x1a: {  	s8 =	sadd.s32 $0xFFFFE003, lr  }
0x1b: {  	s9 =	sadd.s32 $0xFFFFFEF7, lr;
	s5 =	simm.s32 $0xFFFFFFFF;
	p2 =	slt.u32 s8, $0xFFFFF086  }
0x1c: {  	p1 =	slt.u32 s9, $0xF7A;
	s5 =	simm.s32 @!p2 $0x0  }
0x1d: {  	s5 =	simm.s32 @p1 $0x1;
	p0 =	seq.s32 s7, s2  }
0x1e: {  	s7 =	smul.u32 @!p0 $0xF7A, s2;
	p2 =	seq.s32 @!p0 s5, $0x0  }
0x1f: {  	s9 =	smul.u32 $0xF7A, s1;
	s8 =	simm.s32 @!p0 $0x1BF5;
	p2 =	por !p2, p0  }
0x20: {  	[sflag:s8] =	ssyncset.s32 @!p0 $0xFFFFF086;
	s6 =	sadd.s32 @!p0 s3, s7;
	s7 =	simm.s32 @!p0 $0x108  }
0x21: {  	s3 =	sadd.s32 s3, s9;
	s6 =	sadd.s32 @!p0 $0x88, s6;
	s7 =	simm.s32 @p2 $0x1082  }
0x22: {  	[simem:s7], [sflag:s8] =	dma.local @!p0 [hbm:s6], $0xF7A  }
0x23: {  	s9 =	sor.u32 $0xD0000000, s2;
	s6 =	simm.s32 $0x108;
	_ =	swait.ge @!p0 [sflag:s8], $0x0  }
0x24: {  	s3 =	sadd.s32 $0x88, s3;
	s6 =	simm.s32 @!p1 $0x1082;
	[sflag:s4] =	ssyncset.s32 $0xFFFFF086  }
0x25: {  	[simem:s6], [sflag:s4] =	dma.local [hbm:s3], $0xF7A  }
0x26: {  	[smem:$0x3F9B] =	sst s1;
	(tag) =	ssettag s2;
	_ =	strace s9  }
0x27: {  	s1 =	sld [smem:$0x3FAB]  }
0x28: {  	s2 =	sld [smem:$0x3FAC]  }
0x29: {  	s4 =	sld [smem:$0x3FAE]  }
0x2a: {  	p0 =	seq.s32 s5, $0x0;
	s5 =	sld [smem:$0x3FAF]  }
0x2b: {  	s6 =	sld [smem:$0x3FB0]  }
0x2c: {  	s7 =	sld [smem:$0x3FB1]  }
0x2d: {  	s3 =	simm.s32 $0x108;
	s8 =	sld [smem:$0x3FB2]  }
0x2e: {  	s3 =	simm.s32 @!p0 $0x1082;
	s9 =	sld [smem:$0x3FB3]  }
0x2f: {  	lr =	sadd.s32 s0, s3;
	s0 =	sld [smem:$0x3FAA]  }
0x30: {  	s3 =	sld [smem:$0x3FAD]  }
0x31: {  	[smem:$0x3FB6] =	sst s10  }
0x32: {  	s10 =	sld [smem:$0x3FB4];
	_ =	sdelay $0x3  }
0x33: {  	p0 =	seq.s32 s10, $0x1;
	s10 =	sld [smem:$0x3FB6];
	_ =	sdelay $0x3  }
0x34: {  	[smem:$0x3FB6] =	sst s10  }
0x35: {  	s10 =	sld [smem:$0x3FB5];
	_ =	sdelay $0x3  }
0x36: {  	p1 =	seq.s32 s10, $0x1;
	s10 =	sld [smem:$0x3FB6];
	_ =	sdelay $0x3  }
0x37: {  	[smem:$0x3FB6] =	sst s10  }
0x38: {  	s10 =	sld [smem:$0x3FB7]  }
0x39: {  	_ = 	snop;
	(pc) =	sbr.ind lr, $3  }
0x3a: {  	_ = 	snop  }
0x3b: {  	_ = 	snop  }
0x3c: {  	p2 =	seq.s32 s10, $0x1;
	s10 =	sld [smem:$0x3FB6]  }
0x3d: {  	_ =	shalt  }
0x3e: {  	_ =	shalt  }
0x3f: {  	_ =	shalt  }
0x40: {  	_ =	shalt  }
0x41: {  	_ =	shalt  }
0x42: {  	_ =	shalt  }
0x43: {  	_ =	shalt  }
0x44: {  	_ =	shalt  }
0x45: {  	_ =	shalt  }
0x46: {  	_ =	shalt  }
0x47: {  	_ =	shalt  }
0x48: {  	_ =	shalt  }
0x49: {  	_ =	shalt  }
0x4a: {  	_ =	shalt  }
0x4b: {  	_ =	shalt  }
0x4c: {  	_ =	shalt  }
0x4d: {  	_ =	shalt  }
0x4e: {  	_ =	shalt  }
0x4f: {  	_ =	shalt  }
0x50: {  	_ =	shalt  }
0x51: {  	_ =	shalt  }
0x52: {  	_ =	shalt  }
0x53: {  	_ =	shalt  }
0x54: {  	_ =	shalt  }
0x55: {  	_ =	shalt  }
0x56: {  	_ =	shalt  }
0x57: {  	_ =	shalt  }
0x58: {  	_ =	shalt  }
0x59: {  	_ =	shalt  }
0x5a: {  	_ =	shalt  }
0x5b: {  	_ =	shalt  }
0x5c: {  	_ =	shalt  }
0x5d: {  	_ =	shalt  }
0x5e: {  	_ =	shalt  }
0x5f: {  	_ =	shalt  }
0x60: {  	_ =	shalt  }
0x61: {  	_ =	shalt  }
0x62: {  	_ =	shalt  }
0x63: {  	_ =	shalt  }
0x64: {  	_ =	shalt  }
0x65: {  	_ =	shalt  }
0x66: {  	_ =	shalt  }
0x67: {  	_ =	shalt  }
0x68: {  	_ =	shalt  }
0x69: {  	_ =	shalt  }
0x6a: {  	_ =	shalt  }
0x6b: {  	_ =	shalt  }
0x6c: {  	_ =	shalt  }
0x6d: {  	_ =	shalt  }
0x6e: {  	_ =	shalt  }
0x6f: {  	_ =	shalt  }
0x70: {  	_ =	shalt  }
0x71: {  	_ =	shalt  }
0x72: {  	_ =	shalt  }
0x73: {  	_ =	shalt  }
0x74: {  	_ =	shalt  }
0x75: {  	_ =	shalt  }
0x76: {  	_ =	shalt  }
0x77: {  	_ =	shalt  }
0x78: {  	_ =	shalt  }
0x79: {  	_ =	shalt  }
0x7a: {  	_ =	shalt  }
0x7b: {  	_ =	shalt  }
0x7c: {  	_ =	shalt  }
0x7d: {  	_ =	shalt  }
0x7e: {  	_ =	shalt  }
0x7f: {  	_ =	shalt  }
0x80: {  	_ =	shalt  }
0x81: {  	_ =	shalt  }
0x82: {  	_ =	shalt  }
0x83: {  	_ =	shalt  }
0x84: {  	_ =	shalt  }
0x85: {  	_ =	shalt  }
0x86: {  	_ =	shalt  }
0x87: {  	_ =	shalt  }
.Lfunc_end0:
.L_simem_size_0:
called_computation_lowered:
.L_overlay_start_0:
0x88: {  	s2 =	sld [smem:$0x3FD9]  }
0x89: {  	s3 =	sld [smem:$0x3FFE];
	_ =	sdelay $0x1  }
0x8a: {  	s1 =	srdreg.scid  }
0x8b: {  	s0 =	sand.u32 $0x1, s1  }
0x8c: {  	s17 =	sshll.u32 s0, $0xA;
	s2 =	sadd.s32 s3, s2  }
0x8d: {  	s2 =	sadd.s32 s2, s17  }
0x8e: {  	[smem:$0x3FC2] =	sst s2  }
0x8f: {  	_ = 	snop  }
0x90: {  	s2 =	sld [smem:$0x3FD0];
	(tm) =	ssettm $0x1  }
0x91: {  	s18 =	sld [smem:$0x3FFB];
	_ =	sdelay $0x3  }
0x92: {  	_ =	strace s18  }
0x93: {  	s3 =	sld [smem:$0x3FFC];
	_ =	sdelay $0x3  }
0x94: {  	_ =	strace s3  }
0x95: {  	s3 =	sld [smem:$0x3FFD];
	_ =	sdelay $0x3  }
0x96: {  	_ =	strace s3  }
0x97: {  	_ =	strace $0x8FFFFFFF  }
0x98: {  	s19 =	sld [smem:$0x3FDB];
	_ =	sdelay $0x1  }
0x99: {  	s4 =	simm.s32 $_scs_section_size  }
0x9a: {  	s5 =	simm.s32 $_size__tile_overlayer_lowered;
	s6 =	simm.s32 $_tile_overlayer_lowered  }
0x9b: {  	s22 =	simm.s32 $0x1BFF;
	s21 =	sshll.u32 s6, $0x1;
	s3 =	sadd.s32 s4, s19  }
0x9c: {  	s7 =	simm.s32 $0x0;
	s20 =	sshll.u32 s5, $0x1;
	s5 =	sadd.s32 s21, s3  }
0x9d: {  	[timem:s7], [sflag:s22] =	dma.local [hbm:s5], s20  }
0x9e: {  	_ =	swait.ge [sflag:s22], s20  }
0x9f: {  	s4 =	ssub.s32 $0x0, s20;
	[sflag:s22] =	ssyncset.done $0x0  }
0xa0: {  	[sflag:s22] =	ssyncadd.s32 s4;
	_ =	sdelay $0x1  }
0xa1: {  	s23 =	simm.s32 $0x1B8B  }
0xa2: {  	_ =	swait.ge [sflag:s23], $0x1  }
0xa3: {  	[sflag:s23] =	ssyncset.done $0x0  }
0xa4: {  	s25 =	simm.s32 $0x1B8E;
	s24 =	sld [smem:$0x3FFE];
	[sflag:s23] =	ssyncadd.s32 $0xFFFFFFFF  }
0xa5: {  	s26 =	simm.s32 $execute0_lowered;
	[smem:$0x3FD2] =	sst s25  }
0xa6: {  	s5 =	sshll.u32 s26, $0x1;
	_ =	strace $0x80000046;
	[dreg:$0x1] =	wrdreg $0xFFFFFFFF  }
0xa7: {  	s28 =	simm.s32 $_size_execute0_lowered;
	s3 =	sadd.s32 s3, s5;
	[dreg:$0x0] =	wrdreg $0x0  }
0xa8: {  	s5 =	sshll.u32 s28, $0x1;
	[dreg:$0x2] =	wrdreg s3  }
0xa9: {  	[dreg:$0x3] =	wrdreg s5  }
0xaa: {  	[dreg:$0x4] =	wrdreg $0xC0  }
0xab: {  	_ =	task [dreg:s7], $0x5FFFF  }
0xac: {  	[dreg:$0x1] =	wrdreg $0xFFFFFFFF  }
0xad: {  	[dreg:$0x0] =	wrdreg $0x60  }
0xae: {  	[dreg:$0x2] =	wrdreg s24  }
0xaf: {  	[dreg:$0x3] =	wrdreg s2  }
0xb0: {  	[dreg:$0x4] =	wrdreg $0x52F80  }
0xb1: {  	[dreg:$0x5] =	wrdreg $0x9  }
0xb2: {  	_ =	task.clear_ibuf [dreg:s7], $0x6FFFF;
	_ =	strace $0x90000046  }
0xb3: {  	s29 =	simm.s32 $0x9;
	_ =	strace $0x80000048  }
0xb4: {  	_ =	swait.ge [sflag:s29], $0x1  }
0xb5: {  	[sflag:s29] =	ssyncadd.s32 $0xFFFFFFFF  }
0xb6: {  	_ =	strace $0x90000048  }
0xb7: {  	_ =	sfence  }
0xb8: {  	s30 =	sld [smem:$0x0];
	_ =	sdelay $0x2  }
0xb9: {  	s31 =	sshll.u32 s1, $0xD;
	s1 =	sshrl.u32 s1, $0x2  }
0xba: {  	s3 =	sand.u32 $0x4000, s31;
	s1 =	sadd.s32 s1, s30  }
0xbb: {  	s0 =	sor.u32 s3, s0;
	s1 =	sshll.u32 s1, $0x11  }
0xbc: {  	s0 =	sor.u32 s1, s0  }
0xbd: {  	s0 =	sadd.s32 $0x8F2B, s0  }
0xbe: {  	[sflag:s0] =	ssyncadd.remote.s32 $0x1  }
0xbf: {  	_ =	sfence.sel $0xFFFF  }
0xc0: {  	[dreg:$0x0] =	wrdreg $0xFFFFFFFF;
	(pc) =	sbr.abs _section_cstart, $3  }
0xc1: {  	[dreg:$0x1] =	wrdreg $0xFFFFFFFF  }
0xc2: {  	_ =	task.clear_ibuf [dreg:s7], $0x2FFFF;
	_ =	strace $0x9FFFFFFF  }
0xc3: {  	(tm) =	ssettm $0x7FFFFFFF  }
tec
execute0_lowered:
.L_overlay_start_1:
0x0: {  	(tag) =	ssettag $0x1  }
0x1: {  	s4 =	rddreg [dreg:$0x0]  }
0x2: {  	s7 =	rddreg [dreg:$0x1]  }
0x3: {  	s2 =	rddreg [dreg:$0x2]  }
0x4: {  	s0 =	rddreg [dreg:$0x3]  }
0x5: {  	s1 =	stileid.u32;
	s3 =	simm.s32 $0x0;
	s6 =	srdreg.scid  }
0x6: {  	s5 =	smul.u32 $0x278, s1;
	[smem:$0x7FF] =	sst s3;
	s6 =	sand.u32 $0x1, s6  }
0x7: {  	s10 =	sadd.s32 $0x3200, s4;
	s13 =	sadd.s32 $0xD800, s4;
	s14 =	sadd.s32 $0xDE00, s4  }
0x8: {  	s31 =	smul.u32 $0xA00, s1;
	_ =	strace $0x80000047;
	s9 =	ssub.s32 $0x2, s6  }
0x9: {  	p0 =	seq.s32 s6, $0x0;
	s8 =	sshrl.u32 s5, $0x3;
	s12 =	sshrl.u32 s9, $0x1  }
0xa: {  	s5 =	sadd.s32 s5, s2;
	s7 =	smov.u32 @p0 s10;
	s14 =	smov.u32 @p0 s13  }
0xb: {  	s10 =	simm.s32 $0x5080;
	s13 =	simm.s32 $0x1;
	s11 =	sadd.s32 s8, s4  }
0xc: {  	s9 =	ssub.s32 s9, s12;
	s7 =	sadd.s32 s7, s31;
	s8 =	sadd.s32 s14, s8  }
0xd: {  	s12 =	simm.s32 $0x5000;
	s14 =	simm.s32 $0x0;
	s4 =	sadd.s32 $0xD200, s11  }
0xe: {  	v0 =	vimm.f32 $1.000000000e+00;
	s6 =	smax.u32 s9, $0x1;
	s9 =	simm.s32 $0x2;
	s11 =	simm.s32 $0x80  }
.LBB2_1:
0xf: {  	[tilespmem:$0x5000] =	vst v0  }
0x10: {  	[tilespmem:$0x5010] =	vst v0  }
0x11: {  	[tilespmem:$0x5020] =	vst v0  }
0x12: {  	[tilespmem:$0x5030] =	vst v0  }
0x13: {  	[tilespmem:$0x5040] =	vst v0  }
0x14: {  	[tilespmem:$0x5050] =	vst v0  }
0x15: {  	[tilespmem:$0x5060] =	vst v0  }
0x16: {  	[tilespmem:$0x5070] =	vst v0  }
0x17: {  	[tilespmem:s3], [sflag:$0x2] =	stream.linear.gather [hbm4b:s7+s3], $0x5000, $0x38;
	[tilespmem:$0x5570] =	vst v63  }
0x18: {  	_ =	swait.ge [sflag:s9], $0x5000  }
0x19: {  	[sflag:s9] =	ssyncset.done $0x0  }
0x1a: {  	[sflag:s9] =	ssyncadd.s32 $0xFFFFB000  }
0x1b: {  	[tilespmem:s10], [sflag:$0x2] =	stream.linear.gather [hbm4b:s4+s3], $0x278, $0x38;
	[tilespmem:$0x5570] =	vst v63  }
0x1c: {  	_ =	swait.ge [sflag:s9], $0x278  }
0x1d: {  	[sflag:s9] =	ssyncset.done $0x0  }
0x1e: {  	[sflag:s9] =	ssyncadd.s32 $0xFFFFFD88  }
0x1f: {  	[spmem:s5] =	stream.linear.scatter [tilespmem:s10], [sflag:$0x2], $0x278, $0x38;
	[tilespmem:$0x5570] =	vst v63  }
0x20: {  	_ =	swait.ge [sflag:s9], $0x278  }
0x21: {  	[sflag:s9] =	ssyncset.done $0x0  }
0x22: {  	[sflag:s9] =	ssyncadd.s32 $0xFFFFFD88  }
0x23: {  	s15 =	simm.s32 $0x0;
	[bflag:$0x0] =	sbarrier.arrive $0xFFFF  }
.LBB2_2:
0x24: {  	p0 =	sne.s32 s15, $0x13E00  }
.Ltmp0:
0x25: {  	_ = 	snop;
	(pc) =	sbr.rel @p0 .LBB2_2-.Ltmp0, $3  }
0x26: {  	_ =	sdelay $0x1  }
0x27: {  	s16 =	sshra.s32 s15, $0x2;
	s15 =	sadd.s32 $0x200, s15  }
0x28: {  	[spmem:s2] =	stream.indirect.scatter.add.f32 [tilespmem:s12], [sflag:$0x1], $0x1, s16, s11, $0xb8;
	[tilespmem:$0x5570] =	vst v63  }
0x29: {  	_ =	swait.ge [sflag:s13], $0x80  }
0x2a: {  	s15 =	simm.s32 $0x9F;
	[sflag:s13] =	ssyncset.done $0x0  }
.LBB2_4:
0x2b: {  	p0 =	sne.s32 s15, $0x1;
	s15 =	sadd.s32 $0xFFFFFFFF, s15;
	[sflag:s13] =	ssyncadd.s32 $0xFFFFFF80  }
.Ltmp1:
0x2c: {  	(pc) =	sbr.rel @p0 .LBB2_4-.Ltmp1, $3  }
0x2d: {  	_ =	sdelay $0x1  }
0x2e: {  	_ =	swait.ge [sflag:s13], $0x80  }
0x2f: {  	[sflag:s13] =	ssyncset.done $0x0  }
0x30: {  	[sflag:s13] =	ssyncadd.s32 $0xFFFFFF80  }
0x31: {  	[bflag:$0x0] =	sbarrier.arrive $0xFFFF  }
0x32: {  	[tilespmem:s10], [sflag:$0x2] =	stream.linear.gather [spmem:s5], $0x278, $0x38;
	[tilespmem:$0x5570] =	vst v63  }
0x33: {  	s14 =	sadd.s32 $0x1, s14;
	_ =	swait.ge [sflag:s9], $0x278  }
0x34: {  	p0 =	sne.s32 s14, s6;
	[sflag:s9] =	ssyncset.done $0x0  }
.Ltmp2:
0x35: {  	[sflag:s9] =	ssyncadd.s32 $0xFFFFFD88;
	(pc) =	sbr.rel @p0 .LBB2_1-.Ltmp2, $4  }
0x36: {  	[hbm4b:s8+s3] =	stream.linear.scatter [tilespmem:s10], [sflag:$0x2], $0x278, $0x38;
	[tilespmem:$0x5570] =	vst v63  }
0x37: {  	_ =	swait.ge [sflag:s9], $0x278  }
0x38: {  	[sflag:s9] =	ssyncset.done $0x0  }
0x39: {  	[sflag:s9] =	ssyncadd.s32 $0xFFFFFD88  }
0x3a: {  	_ =	sfence.sel $0x180000  }
0x3b: {  	[bflag:$0x0] =	sbarrier.arrive $0xFFFF  }
0x3c: {  	p0 =	sne.s32 s1, $0x0;
	_ =	strace $0x90000047  }
0x3d: {  	s0 =	sadd.s32 @!p0 $0x100000, s0;
	[bflag:$0x2] =	sbarrier.arrive $0xFFFF  }
0x3e: {  	[sflag:s0] =	ssyncadd.tile.s32 @!p0 $0x1;
	_ =	shalt  }
.Lfunc_end2:
_tile_overlayer_lowered:
.L_overlay_start_2:
0x3f: {  	(tag) =	ssettag $0x2  }
0x40: {  	s0 =	rddreg [dreg:$0x0];
	s2 =	stileid.u32  }
0x41: {  	s1 =	rddreg [dreg:$0x1];
	p0 =	sne.s32 s2, $0x0  }
0x42: {  	s3 =	rddreg [dreg:$0x2];
	[bflag:$0x3] =	sbarrier.arrive $0xFFFF;
	s2 =	simm.s32 @!p0 $0x1C02  }
0x43: {  	[timem:s3], [sflag:s2] =	dma.local @!p0 [hbm:s0], s1  }
0x44: {  	s0 =	simm.s32 @!p0 $0x2  }
0x45: {  	_ =	swait.ge @!p0 [sflag:s0], s1  }
0x46: {  	s1 =	ssub.s32 @!p0 $0x0, s1;
	[sflag:s0] =	ssyncset.done @!p0 $0x0  }
0x47: {  	[sflag:s0] =	ssyncadd.s32 @!p0 s1  }
0x48: {  	[bflag:$0x3] =	sbarrier.arrive $0xFFFF  }
0x49: {  	_ =	shalt  }

</sc_bundles>
